<compile_context>
chip_gen: v7x
topology: tpu7x:2x2x1
jax: 0.10.2.dev20260603
libtpu: 0.0.44.dev20260713+nightly
codegen_flags: <defaults>
</compile_context>

<pallas_src>
import functools
import jax
import jax.numpy as jnp
from jax import lax
from jax.experimental import pallas as pl
from jax.experimental.pallas import tpu as pltpu
from jax.experimental.pallas import tpu_sc as plsc

N = 10000
E = 320000
D = 128
DA = 8
NC = 2
NS = 16
NW = NC * NS
EPW = E // NW
CH = 80
NCH = EPW // CH
NZT = 10
RPT = N // NZT
BN = 400
GRID = N // BN


def _sc_scatter_body(table_hbm, src_hbm, dst_hbm, zeros_hbm, out_hbm,
                     sidx0, sidx1, sidx2, sidx3,
                     didx0, didx1, didx2, didx3,
                     rows0, rows1, rows2, rows3,
                     semS, semD, semG, semW, acc_sh):
    c = lax.axis_index("c")
    s = lax.axis_index("s")
    wid = c * NS + s
    @pl.when(s < NZT)
    def _():
        pltpu.sync_copy(zeros_hbm.at[pl.ds(s * RPT, RPT)],
                        acc_sh.at[pl.ds(s * RPT, RPT)])
    plsc.subcore_barrier()
    base = wid * EPW
    sidx = [sidx0, sidx1, sidx2, sidx3]
    didx = [didx0, didx1, didx2, didx3]
    rows = [rows0, rows1, rows2, rows3]

    def issue_idx(p, j):
        off = pl.multiple_of(base + j * CH, 8)
        pltpu.async_copy(src_hbm.at[pl.ds(off, CH)], sidx[p], semS.at[p])
        pltpu.async_copy(dst_hbm.at[pl.ds(off, CH)], didx[p], semD.at[p])

    def wait_s(p):
        pltpu.make_async_copy(src_hbm.at[pl.ds(0, CH)], sidx[p],
                              semS.at[p]).wait()

    def wait_d(p):
        pltpu.make_async_copy(dst_hbm.at[pl.ds(0, CH)], didx[p],
                              semD.at[p]).wait()

    def issue_gather(p):
        pltpu.async_copy(table_hbm.at[sidx[p]], rows[p], semG.at[p])

    def wait_gather(p):
        pltpu.make_async_copy(table_hbm.at[pl.ds(0, CH)], rows[p],
                              semG.at[p]).wait()

    def issue_scatter(p):
        pltpu.async_copy(rows[p], acc_sh.at[didx[p]], semW.at[p], add=True)

    def wait_scatter(p):
        pltpu.make_async_copy(table_hbm.at[pl.ds(0, CH)], rows[p],
                              semW.at[p]).wait()

    issue_idx(0, 0)
    issue_idx(1, 1)
    issue_idx(2, 2)
    issue_idx(3, 3)
    wait_s(0)
    issue_gather(0)
    NIT = NCH // 4

    def body(i, carry):
        c0 = 4 * i

        @pl.when(i > 0)
        def _():
            wait_scatter(3)
            issue_idx(3, c0 + 3)
        wait_s(1)
        issue_gather(1)
        wait_gather(0)
        wait_d(0)
        issue_scatter(0)
        wait_s(2)
        issue_gather(2)
        wait_gather(1)
        wait_d(1)
        issue_scatter(1)
        wait_s(3)
        issue_gather(3)
        wait_gather(2)
        wait_d(2)
        issue_scatter(2)
        wait_scatter(0)
        issue_idx(0, c0 + 4)
        wait_gather(3)
        wait_d(3)
        issue_scatter(3)

        @pl.when(i < NIT - 1)
        def _():
            wait_scatter(1)
            issue_idx(1, c0 + 5)
            wait_scatter(2)
            issue_idx(2, c0 + 6)
            wait_s(0)
            issue_gather(0)
        return carry

    lax.fori_loop(0, NIT, body, 0)
    wait_scatter(1)
    wait_scatter(2)
    wait_s(0)
    issue_gather(0)
    wait_gather(0)
    wait_d(0)
    issue_scatter(0)
    wait_scatter(0)
    wait_scatter(3)
    plsc.subcore_barrier()

    @pl.when(s < NZT)
    def _():
        pltpu.sync_copy(acc_sh.at[pl.ds(s * RPT, RPT)],
                        out_hbm.at[c, pl.ds(s * RPT, RPT)])





FLN = N * DA
CHE = 2000
NECH = EPW // CHE
NGRP = CHE // 16
DF = 6


def _sc_pre_body(ef_hbm, dst_hbm, zeros_hbm, out_hbm,
                 dat_v, dsti_v, accp_v):
    c = lax.axis_index("c")
    s = lax.axis_index("s")
    wid = c * NS + s
    pltpu.sync_copy(zeros_hbm, accp_v)
    lane = lax.iota(jnp.int32, 16)
    in_b = jnp.logical_or(jnp.logical_and(lane >= DF, lane < 2 * DF),
                          lane == 13)
    off_c = jnp.where(lane < DF, lane,
                      jnp.where(lane < 2 * DF, lane - DF, DF))
    mask = lane < 14
    is_cnt = lane >= 2 * DF
    base6 = wid * EPW * DF
    based = wid * EPW

    def chunk(i, carry):
        off6 = pl.multiple_of(base6 + i * (CHE * DF), 8)
        offd = pl.multiple_of(based + i * CHE, 8)
        pltpu.sync_copy(ef_hbm.at[pl.ds(off6, CHE * DF)],
                        dat_v.at[pl.ds(0, CHE * DF)])
        pltpu.sync_copy(dst_hbm.at[pl.ds(offd, CHE)],
                        dsti_v.at[pl.ds(0, CHE)])

        def group(g, carry2):
            dvec = dsti_v[pl.ds(g * 16, 16)]
            for k in range(8):
                d0 = dvec[2 * k]
                d1 = dvec[2 * k + 1]
                dv = dat_v[pl.ds((g * 16 + 2 * k) * DF, 16)]
                dv = jnp.where(is_cnt, 1.0, dv)
                iv = jnp.where(in_b, d1, d0) * DA + off_c
                plsc.addupdate_scatter(accp_v, [iv], dv, mask=mask)
            return carry2

        lax.fori_loop(0, NGRP, group, 0)
        return carry

    lax.fori_loop(0, NECH, chunk, 0)
    obase = pl.multiple_of(wid * FLN, 8)
    pltpu.sync_copy(accp_v, out_hbm.at[pl.ds(obase, FLN)])


@functools.cache
def _sc_kernels():
    mesh = plsc.VectorSubcoreMesh(core_axis_name="c", subcore_axis_name="s",
                                  num_cores=NC, num_subcores=NS)
    sc_scatter = pl.kernel(
        _sc_scatter_body,
        out_type=jax.ShapeDtypeStruct((NC, N, D), jnp.float32),
        mesh=mesh,
        scratch_types=[
            pltpu.VMEM((CH,), jnp.int32),
            pltpu.VMEM((CH,), jnp.int32),
            pltpu.VMEM((CH,), jnp.int32),
            pltpu.VMEM((CH,), jnp.int32),
            pltpu.VMEM((CH,), jnp.int32),
            pltpu.VMEM((CH,), jnp.int32),
            pltpu.VMEM((CH,), jnp.int32),
            pltpu.VMEM((CH,), jnp.int32),
            pltpu.VMEM((CH, D), jnp.float32),
            pltpu.VMEM((CH, D), jnp.float32),
            pltpu.VMEM((CH, D), jnp.float32),
            pltpu.VMEM((CH, D), jnp.float32),
            pltpu.SemaphoreType.DMA((4,)),
            pltpu.SemaphoreType.DMA((4,)),
            pltpu.SemaphoreType.DMA((4,)),
            pltpu.SemaphoreType.DMA((4,)),
            pltpu.VMEM_SHARED((N, D), jnp.float32),
        ],
    )
    sc_pre = pl.kernel(
        _sc_pre_body,
        out_type=jax.ShapeDtypeStruct((NW * FLN,), jnp.float32),
        mesh=mesh,
        compiler_params=pltpu.CompilerParams(needs_layout_passes=False),
        scratch_types=[
            pltpu.VMEM((CHE * DF + 16,), jnp.float32),
            pltpu.VMEM((CHE + 16,), jnp.int32),
            pltpu.VMEM((FLN,), jnp.float32),
        ],
    )
    return sc_scatter, sc_pre



SEGB = BN * DA


def _segsum_body(p_ref, o_ref):
    o_ref[...] = jnp.sum(p_ref[...], axis=0, keepdims=True)


_segsum = pl.pallas_call(
    _segsum_body,
    grid=(GRID,),
    in_specs=[pl.BlockSpec((NW, SEGB), lambda i: (0, i))],
    out_specs=pl.BlockSpec((1, SEGB), lambda i: (0, i)),
    out_shape=jax.ShapeDtypeStruct((1, FLN), jnp.float32),
)


def _mm0_body(x_ref, w_ref, b_ref, o_ref):
    o_ref[...] = lax.dot_general(
        x_ref[...], w_ref[...], (((1,), (1,)), ((), ())),
        preferred_element_type=jnp.float32) + b_ref[...]


_mm0 = pl.pallas_call(
    _mm0_body,
    grid=(GRID,),
    in_specs=[
        pl.BlockSpec((BN, D), lambda i: (i, 0)),
        pl.BlockSpec((D, D), lambda i: (0, 0)),
        pl.BlockSpec((1, D), lambda i: (0, 0)),
    ],
    out_specs=pl.BlockSpec((BN, D), lambda i: (i, 0)),
    out_shape=jax.ShapeDtypeStruct((N, D), jnp.float32),
)


def _fused_body(a0_ref, a1_ref, s_ref, we_ref, sc_ref, sh_ref,
                w_ref, b_ref, o_ref):
    edge_term = lax.dot_general(
        s_ref[...], we_ref[...], (((1,), (1,)), ((), ())),
        preferred_element_type=jnp.float32)
    agg = a0_ref[...] + a1_ref[...] + edge_term
    x = jnp.maximum(agg, 0.0) * sc_ref[...] + sh_ref[...]
    o_ref[...] = lax.dot_general(
        x, w_ref[...], (((1,), (1,)), ((), ())),
        preferred_element_type=jnp.float32) + b_ref[...]


_fused = pl.pallas_call(
    _fused_body,
    grid=(GRID,),
    in_specs=[
        pl.BlockSpec((BN, D), lambda i: (i, 0)),
        pl.BlockSpec((BN, D), lambda i: (i, 0)),
        pl.BlockSpec((BN, DA), lambda i: (i, 0)),
        pl.BlockSpec((D, DA), lambda i: (0, 0)),
        pl.BlockSpec((1, D), lambda i: (0, 0)),
        pl.BlockSpec((1, D), lambda i: (0, 0)),
        pl.BlockSpec((D, D), lambda i: (0, 0)),
        pl.BlockSpec((1, D), lambda i: (0, 0)),
    ],
    out_specs=pl.BlockSpec((BN, D), lambda i: (i, 0)),
    out_shape=jax.ShapeDtypeStruct((N, D), jnp.float32),
)


def _final_body(a0_ref, a1_ref, s_ref, we_ref, sc_ref, sh_ref,
                o_ref, acc_ref):
    i = pl.program_id(0)

    @pl.when(i == 0)
    def _():
        acc_ref[...] = jnp.zeros_like(acc_ref)

    edge_term = lax.dot_general(
        s_ref[...], we_ref[...], (((1,), (1,)), ((), ())),
        preferred_element_type=jnp.float32)
    agg = a0_ref[...] + a1_ref[...] + edge_term
    x = jnp.maximum(agg, 0.0) * sc_ref[...] + sh_ref[...]
    acc_ref[...] += jnp.sum(x, axis=0, keepdims=True)

    @pl.when(i == pl.num_programs(0) - 1)
    def _():
        o_ref[...] = acc_ref[...] * (1.0 / N)


_final = pl.pallas_call(
    _final_body,
    grid=(GRID,),
    in_specs=[
        pl.BlockSpec((BN, D), lambda i: (i, 0)),
        pl.BlockSpec((BN, D), lambda i: (i, 0)),
        pl.BlockSpec((BN, DA), lambda i: (i, 0)),
        pl.BlockSpec((D, DA), lambda i: (0, 0)),
        pl.BlockSpec((1, D), lambda i: (0, 0)),
        pl.BlockSpec((1, D), lambda i: (0, 0)),
    ],
    out_specs=pl.BlockSpec((1, D), lambda i: (0, 0)),
    out_shape=jax.ShapeDtypeStruct((1, D), jnp.float32),
    scratch_shapes=[pltpu.VMEM((1, D), jnp.float32)],
)



@jax.jit
def _run(nodeFeatures, edgeIndex, edgeFeatures, W, b, We, be, gamma, beta,
         running_mean, running_var):
    src = edgeIndex[:, 0]
    dst = edgeIndex[:, 1]
    ef_flat = edgeFeatures.reshape(E * DF)
    we_aug = jnp.concatenate(
        [We, be[:, :, None], jnp.zeros((3, D, 1), jnp.float32)], axis=2)
    scale = gamma * lax.rsqrt(running_var + 1e-5)
    shift = beta - running_mean * scale
    zeros_nd = jnp.zeros((N, D), jnp.float32)
    zeros_fl = jnp.zeros((FLN,), jnp.float32)

    sc_scatter, sc_pre = _sc_kernels()
    parts = sc_pre(ef_flat, dst, zeros_fl).reshape(NW, FLN)
    seg = _segsum(parts).reshape(N, DA)
    table = _mm0(nodeFeatures, W[0], b[0][None])
    for i in range(3):
        acc = sc_scatter(table, src, dst, zeros_nd)
        if i < 2:
            table = _fused(acc[0], acc[1], seg, we_aug[i],
                           scale[i][None], shift[i][None],
                           W[i + 1], b[i + 1][None])
    out = _final(acc[0], acc[1], seg, we_aug[2],
                 scale[2][None], shift[2][None])
    return out[0]


def kernel(nodeFeatures, edgeIndex, edgeFeatures, W, b, We, be, gamma, beta,
           running_mean, running_var):
    return _run(nodeFeatures, edgeIndex, edgeFeatures, W, b, We, be,
                gamma, beta, running_mean, running_var)

# --- scband reference (transcript-rebuilt; emitter-appended) ---
"""Pipeline reference for scband-gnnencoder-46067819217044 (READ-ONLY COPY).

The authoritative reference and input builder live on the scoring server;
editing this copy changes nothing except your own understanding.
"""

import jax, jax.numpy as jnp
import numpy as np

N_NODES = 10000
N_EDGES = 320000
D = 128
D_EDGE = 6
N_LAYERS = 3


def setup_inputs(seed: int = 0) -> dict:
    key = jax.random.key(seed)
    ks = jax.random.split(key, 8)
    nodeFeatures = jax.random.normal(ks[0], (N_NODES, D), dtype=jnp.float32)
    edgeIndex = jax.random.randint(ks[1], (N_EDGES, 2), 0, N_NODES, dtype=jnp.int32)
    edgeFeatures = jax.random.normal(ks[2], (N_EDGES, D_EDGE), dtype=jnp.float32)
    # stacked per-layer parameters (all layers are D -> D)
    W = jax.random.normal(ks[3], (N_LAYERS, D, D), dtype=jnp.float32) * 0.05
    b = jnp.zeros((N_LAYERS, D), dtype=jnp.float32)
    We = jax.random.normal(ks[4], (N_LAYERS, D, D_EDGE), dtype=jnp.float32) * 0.05
    be = jnp.zeros((N_LAYERS, D), dtype=jnp.float32)
    gamma = jnp.ones((N_LAYERS, D), dtype=jnp.float32)
    beta = jnp.zeros((N_LAYERS, D), dtype=jnp.float32)
    running_mean = jnp.zeros((N_LAYERS, D), dtype=jnp.float32)
    running_var = jnp.ones((N_LAYERS, D), dtype=jnp.float32)
    return {
        "nodeFeatures": nodeFeatures,
        "edgeIndex": edgeIndex,
        "edgeFeatures": edgeFeatures,
        "W": W,
        "b": b,
        "We": We,
        "be": be,
        "gamma": gamma,
        "beta": beta,
        "running_mean": running_mean,
        "running_var": running_var,
    }


def reference(nodeFeatures, edgeIndex, edgeFeatures, W, b, We, be, gamma, beta, running_mean, running_var):
    # Faithful (vectorized) translation of GNNEncoder.forward in eval mode:
    # per layer: transformed = Linear(x); per-edge message = transformed[src] + edgeLinear(edgeFeatures)
    # scatter-add messages into dst nodes, relu, then BatchNorm1d (eval / running stats).
    # Dropout is identity in eval mode. Final graph embedding = mean over nodes.
    N = nodeFeatures.shape[0]
    src = edgeIndex[:, 0]
    dst = edgeIndex[:, 1]
    eps = 1e-5
    x = nodeFeatures
    for i in range(N_LAYERS):
        transformed = x @ W[i].T + b[i]
        edge_msg = edgeFeatures @ We[i].T + be[i]
        messages = jnp.take(transformed, src, axis=0) + edge_msg
        aggregated = jax.ops.segment_sum(messages, dst, num_segments=N)
        x = jax.nn.relu(aggregated)
        x = (x - running_mean[i]) / jnp.sqrt(running_var[i] + eps) * gamma[i] + beta[i]
    graphEmbedding = jnp.mean(x, axis=0)
    return graphEmbedding

if __name__ == "__main__":
    import jax
    _d = setup_inputs()
    print(jax.jit(kernel)(*tuple(_d.values())))

</pallas_src>

<mosaic_0001>
#map = affine_map<(d0, d1) -> (0, 0)>
#map1 = affine_map<(d0, d1) -> (0)>
#map2 = affine_map<(d0, d1) -> (0, 0, 0)>
module attributes {stable_mosaic.version = 14 : i64} {
  func.func @_sc_scatter_body(%arg0: i32, %arg1: i32, %arg2: memref<10000x128xf32, #tpu.memory_space<hbm>>, %arg3: memref<320000xi32, #tpu.memory_space<hbm>>, %arg4: memref<320000xi32, #tpu.memory_space<hbm>>, %arg5: memref<10000x128xf32, #tpu.memory_space<hbm>>, %arg6: memref<2x10000x128xf32, #tpu.memory_space<hbm>>, %arg7: memref<80xi32, #tpu.memory_space<vmem>>, %arg8: memref<80xi32, #tpu.memory_space<vmem>>, %arg9: memref<80xi32, #tpu.memory_space<vmem>>, %arg10: memref<80xi32, #tpu.memory_space<vmem>>, %arg11: memref<80xi32, #tpu.memory_space<vmem>>, %arg12: memref<80xi32, #tpu.memory_space<vmem>>, %arg13: memref<80xi32, #tpu.memory_space<vmem>>, %arg14: memref<80xi32, #tpu.memory_space<vmem>>, %arg15: memref<80x128xf32, #tpu.memory_space<vmem>>, %arg16: memref<80x128xf32, #tpu.memory_space<vmem>>, %arg17: memref<80x128xf32, #tpu.memory_space<vmem>>, %arg18: memref<80x128xf32, #tpu.memory_space<vmem>>, %arg19: memref<4x!tpu.dma_semaphore, #tpu.memory_space<semaphore_mem>>, %arg20: memref<4x!tpu.dma_semaphore, #tpu.memory_space<semaphore_mem>>, %arg21: memref<4x!tpu.dma_semaphore, #tpu.memory_space<semaphore_mem>>, %arg22: memref<4x!tpu.dma_semaphore, #tpu.memory_space<semaphore_mem>>, %arg23: memref<10000x128xf32, #tpu.memory_space<vmem_shared>>) attributes {dimension_semantics = [#tpu.dimension_semantics<core_parallel>, #tpu.dimension_semantics<subcore_parallel>], iteration_bounds = array<i64: 2, 16>, scalar_prefetch = 0 : i64, scratch_operands = 17 : i64, tpu.core_type = #tpu.core_type<sc_vector_subcore>, window_params = [{transform_indices = #map}, {transform_indices = #map1}, {transform_indices = #map1}, {transform_indices = #map}, {transform_indices = #map2}]} {
    %mul3A = arith.constant 16 : i32
    %mul3A_0 = arith.muli %arg0, %mul3A : i32
    %add3A = arith.addi %mul3A_0, %arg1 : i32
    %lt3A = arith.constant 10 : i32
    %lt3A_1 = arith.cmpi slt, %arg1, %lt3A : i32
    %convert_element_type3A = arith.extui %lt3A_1 : i1 to i32
    %cond3A = arith.constant 0 : i32
    %cond3A_2 = arith.cmpi ne, %convert_element_type3A, %cond3A : i32
    scf.if %cond3A_2 {
      %mul3A_149 = arith.constant 1000 : i32
      %mul3A_150 = arith.muli %arg1, %mul3A_149 : i32
      %mul3A_151 = arith.constant 1000 : i32
      %mul3A_152 = arith.muli %arg1, %mul3A_151 : i32
      "tpu.region"() ({
        %run_scoped3A = tpu.sem_alloc : memref<!tpu.dma_semaphore, #tpu.memory_space<semaphore_mem>>
        %dma_start3A_153 = arith.constant 0 : i32
        %dma_start3A_154 = tpu.memref_slice %arg23[%mul3A_152, %dma_start3A_153] : memref<10000x128xf32, #tpu.memory_space<vmem_shared>> -> memref<1000x128xf32, #tpu.memory_space<vmem_shared>>
        %dma_start3A_155 = arith.constant 0 : i32
        %dma_start3A_156 = tpu.memref_slice %arg5[%mul3A_150, %dma_start3A_155] : memref<10000x128xf32, #tpu.memory_space<hbm>> -> memref<1000x128xf32, #tpu.memory_space<hbm>>
        tpu.enqueue_dma source(%dma_start3A_156 : memref<1000x128xf32, #tpu.memory_space<hbm>>) target(%dma_start3A_154 : memref<1000x128xf32, #tpu.memory_space<vmem_shared>>) target_semaphore(%run_scoped3A : memref<!tpu.dma_semaphore, #tpu.memory_space<semaphore_mem>>)
        %dma_wait3A_157 = arith.constant 0 : i32
        %dma_wait3A_158 = tpu.memref_slice %arg23[%mul3A_152, %dma_wait3A_157] : memref<10000x128xf32, #tpu.memory_space<vmem_shared>> -> memref<1000x128xf32, #tpu.memory_space<vmem_shared>>
        %dma_wait3A_159 = arith.constant 0 : i32
        %dma_wait3A_160 = tpu.memref_slice %arg5[%mul3A_150, %dma_wait3A_159] : memref<10000x128xf32, #tpu.memory_space<hbm>> -> memref<1000x128xf32, #tpu.memory_space<hbm>>
        tpu.wait_dma2 semaphore(%run_scoped3A : memref<!tpu.dma_semaphore, #tpu.memory_space<semaphore_mem>>) src(%dma_wait3A_160 : memref<1000x128xf32, #tpu.memory_space<hbm>>) dst(%dma_wait3A_158 : memref<1000x128xf32, #tpu.memory_space<vmem_shared>>)
        tpu.yield
      }) : () -> ()
    } else {
    }
    %barrier3A = arith.constant 0 : index
    tpu.barrier barrier_id(%barrier3A)
    %mul3A_3 = arith.constant 10000 : i32
    %mul3A_4 = arith.muli %add3A, %mul3A_3 : i32
    %add3A_5 = arith.constant 0 : i32
    %add3A_6 = arith.addi %mul3A_4, %add3A_5 : i32
    %multiple_of3A = tpu.assume_multiple %add3A_6, 8 : i32
    %dma_start3A = arith.constant 0 : i32
    %dma_start3A_7 = tpu.memref_slice %arg3[%multiple_of3A] : memref<320000xi32, #tpu.memory_space<hbm>> -> memref<80xi32, #tpu.memory_space<hbm>>
    %dma_start3A_8 = tpu.memref_slice %arg19[%dma_start3A] : memref<4x!tpu.dma_semaphore, #tpu.memory_space<semaphore_mem>> -> memref<1x!tpu.dma_semaphore, #tpu.memory_space<semaphore_mem>>
    %dma_start3A_9 = tpu.memref_squeeze %dma_start3A_8 : memref<1x!tpu.dma_semaphore, #tpu.memory_space<semaphore_mem>> -> memref<!tpu.dma_semaphore, #tpu.memory_space<semaphore_mem>>
    %dma_start3A_10 = tpu.memref_slice %arg3[%multiple_of3A] : memref<320000xi32, #tpu.memory_space<hbm>> -> memref<80xi32, #tpu.memory_space<hbm>>
    tpu.enqueue_dma source(%dma_start3A_10 : memref<80xi32, #tpu.memory_space<hbm>>) target(%arg7 : memref<80xi32, #tpu.memory_space<vmem>>) target_semaphore(%dma_start3A_9 : memref<!tpu.dma_semaphore, #tpu.memory_space<semaphore_mem>>)
    %dma_start3A_11 = arith.constant 0 : i32
    %dma_start3A_12 = tpu.memref_slice %arg4[%multiple_of3A] : memref<320000xi32, #tpu.memory_space<hbm>> -> memref<80xi32, #tpu.memory_space<hbm>>
    %dma_start3A_13 = tpu.memref_slice %arg20[%dma_start3A_11] : memref<4x!tpu.dma_semaphore, #tpu.memory_space<semaphore_mem>> -> memref<1x!tpu.dma_semaphore, #tpu.memory_space<semaphore_mem>>
    %dma_start3A_14 = tpu.memref_squeeze %dma_start3A_13 : memref<1x!tpu.dma_semaphore, #tpu.memory_space<semaphore_mem>> -> memref<!tpu.dma_semaphore, #tpu.memory_space<semaphore_mem>>
    %dma_start3A_15 = tpu.memref_slice %arg4[%multiple_of3A] : memref<320000xi32, #tpu.memory_space<hbm>> -> memref<80xi32, #tpu.memory_space<hbm>>
    tpu.enqueue_dma source(%dma_start3A_15 : memref<80xi32, #tpu.memory_space<hbm>>) target(%arg11 : memref<80xi32, #tpu.memory_space<vmem>>) target_semaphore(%dma_start3A_14 : memref<!tpu.dma_semaphore, #tpu.memory_space<semaphore_mem>>)
    %add3A_16 = arith.constant 80 : i32
    %add3A_17 = arith.addi %mul3A_4, %add3A_16 : i32
    %multiple_of3A_18 = tpu.assume_multiple %add3A_17, 8 : i32
    %dma_start3A_19 = arith.constant 1 : i32
    %dma_start3A_20 = tpu.memref_slice %arg3[%multiple_of3A_18] : memref<320000xi32, #tpu.memory_space<hbm>> -> memref<80xi32, #tpu.memory_space<hbm>>
    %dma_start3A_21 = tpu.memref_slice %arg19[%dma_start3A_19] : memref<4x!tpu.dma_semaphore, #tpu.memory_space<semaphore_mem>> -> memref<1x!tpu.dma_semaphore, #tpu.memory_space<semaphore_mem>>
    %dma_start3A_22 = tpu.memref_squeeze %dma_start3A_21 : memref<1x!tpu.dma_semaphore, #tpu.memory_space<semaphore_mem>> -> memref<!tpu.dma_semaphore, #tpu.memory_space<semaphore_mem>>
    %dma_start3A_23 = tpu.memref_slice %arg3[%multiple_of3A_18] : memref<320000xi32, #tpu.memory_space<hbm>> -> memref<80xi32, #tpu.memory_space<hbm>>
    tpu.enqueue_dma source(%dma_start3A_23 : memref<80xi32, #tpu.memory_space<hbm>>) target(%arg8 : memref<80xi32, #tpu.memory_space<vmem>>) target_semaphore(%dma_start3A_22 : memref<!tpu.dma_semaphore, #tpu.memory_space<semaphore_mem>>)
    %dma_start3A_24 = arith.constant 1 : i32
    %dma_start3A_25 = tpu.memref_slice %arg4[%multiple_of3A_18] : memref<320000xi32, #tpu.memory_space<hbm>> -> memref<80xi32, #tpu.memory_space<hbm>>
    %dma_start3A_26 = tpu.memref_slice %arg20[%dma_start3A_24] : memref<4x!tpu.dma_semaphore, #tpu.memory_space<semaphore_mem>> -> memref<1x!tpu.dma_semaphore, #tpu.memory_space<semaphore_mem>>
    %dma_start3A_27 = tpu.memref_squeeze %dma_start3A_26 : memref<1x!tpu.dma_semaphore, #tpu.memory_space<semaphore_mem>> -> memref<!tpu.dma_semaphore, #tpu.memory_space<semaphore_mem>>
    %dma_start3A_28 = tpu.memref_slice %arg4[%multiple_of3A_18] : memref<320000xi32, #tpu.memory_space<hbm>> -> memref<80xi32, #tpu.memory_space<hbm>>
    tpu.enqueue_dma source(%dma_start3A_28 : memref<80xi32, #tpu.memory_space<hbm>>) target(%arg12 : memref<80xi32, #tpu.memory_space<vmem>>) target_semaphore(%dma_start3A_27 : memref<!tpu.dma_semaphore, #tpu.memory_space<semaphore_mem>>)
    %add3A_29 = arith.constant 160 : i32
    %add3A_30 = arith.addi %mul3A_4, %add3A_29 : i32
    %multiple_of3A_31 = tpu.assume_multiple %add3A_30, 8 : i32
    %dma_start3A_32 = arith.constant 2 : i32
    %dma_start3A_33 = tpu.memref_slice %arg3[%multiple_of3A_31] : memref<320000xi32, #tpu.memory_space<hbm>> -> memref<80xi32, #tpu.memory_space<hbm>>
    %dma_start3A_34 = tpu.memref_slice %arg19[%dma_start3A_32] : memref<4x!tpu.dma_semaphore, #tpu.memory_space<semaphore_mem>> -> memref<1x!tpu.dma_semaphore, #tpu.memory_space<semaphore_mem>>
    %dma_start3A_35 = tpu.memref_squeeze %dma_start3A_34 : memref<1x!tpu.dma_semaphore, #tpu.memory_space<semaphore_mem>> -> memref<!tpu.dma_semaphore, #tpu.memory_space<semaphore_mem>>
    %dma_start3A_36 = tpu.memref_slice %arg3[%multiple_of3A_31] : memref<320000xi32, #tpu.memory_space<hbm>> -> memref<80xi32, #tpu.memory_space<hbm>>
    tpu.enqueue_dma source(%dma_start3A_36 : memref<80xi32, #tpu.memory_space<hbm>>) target(%arg9 : memref<80xi32, #tpu.memory_space<vmem>>) target_semaphore(%dma_start3A_35 : memref<!tpu.dma_semaphore, #tpu.memory_space<semaphore_mem>>)
    %dma_start3A_37 = arith.constant 2 : i32
    %dma_start3A_38 = tpu.memref_slice %arg4[%multiple_of3A_31] : memref<320000xi32, #tpu.memory_space<hbm>> -> memref<80xi32, #tpu.memory_space<hbm>>
    %dma_start3A_39 = tpu.memref_slice %arg20[%dma_start3A_37] : memref<4x!tpu.dma_semaphore, #tpu.memory_space<semaphore_mem>> -> memref<1x!tpu.dma_semaphore, #tpu.memory_space<semaphore_mem>>
    %dma_start3A_40 = tpu.memref_squeeze %dma_start3A_39 : memref<1x!tpu.dma_semaphore, #tpu.memory_space<semaphore_mem>> -> memref<!tpu.dma_semaphore, #tpu.memory_space<semaphore_mem>>
    %dma_start3A_41 = tpu.memref_slice %arg4[%multiple_of3A_31] : memref<320000xi32, #tpu.memory_space<hbm>> -> memref<80xi32, #tpu.memory_space<hbm>>
    tpu.enqueue_dma source(%dma_start3A_41 : memref<80xi32, #tpu.memory_space<hbm>>) target(%arg13 : memref<80xi32, #tpu.memory_space<vmem>>) target_semaphore(%dma_start3A_40 : memref<!tpu.dma_semaphore, #tpu.memory_space<semaphore_mem>>)
    %add3A_42 = arith.constant 240 : i32
    %add3A_43 = arith.addi %mul3A_4, %add3A_42 : i32
    %multiple_of3A_44 = tpu.assume_multiple %add3A_43, 8 : i32
    %dma_start3A_45 = arith.constant 3 : i32
    %dma_start3A_46 = tpu.memref_slice %arg3[%multiple_of3A_44] : memref<320000xi32, #tpu.memory_space<hbm>> -> memref<80xi32, #tpu.memory_space<hbm>>
    %dma_start3A_47 = tpu.memref_slice %arg19[%dma_start3A_45] : memref<4x!tpu.dma_semaphore, #tpu.memory_space<semaphore_mem>> -> memref<1x!tpu.dma_semaphore, #tpu.memory_space<semaphore_mem>>
    %dma_start3A_48 = tpu.memref_squeeze %dma_start3A_47 : memref<1x!tpu.dma_semaphore, #tpu.memory_space<semaphore_mem>> -> memref<!tpu.dma_semaphore, #tpu.memory_space<semaphore_mem>>
    %dma_start3A_49 = tpu.memref_slice %arg3[%multiple_of3A_44] : memref<320000xi32, #tpu.memory_space<hbm>> -> memref<80xi32, #tpu.memory_space<hbm>>
    tpu.enqueue_dma source(%dma_start3A_49 : memref<80xi32, #tpu.memory_space<hbm>>) target(%arg10 : memref<80xi32, #tpu.memory_space<vmem>>) target_semaphore(%dma_start3A_48 : memref<!tpu.dma_semaphore, #tpu.memory_space<semaphore_mem>>)
    %dma_start3A_50 = arith.constant 3 : i32
    %dma_start3A_51 = tpu.memref_slice %arg4[%multiple_of3A_44] : memref<320000xi32, #tpu.memory_space<hbm>> -> memref<80xi32, #tpu.memory_space<hbm>>
    %dma_start3A_52 = tpu.memref_slice %arg20[%dma_start3A_50] : memref<4x!tpu.dma_semaphore, #tpu.memory_space<semaphore_mem>> -> memref<1x!tpu.dma_semaphore, #tpu.memory_space<semaphore_mem>>
    %dma_start3A_53 = tpu.memref_squeeze %dma_start3A_52 : memref<1x!tpu.dma_semaphore, #tpu.memory_space<semaphore_mem>> -> memref<!tpu.dma_semaphore, #tpu.memory_space<semaphore_mem>>
    %dma_start3A_54 = tpu.memref_slice %arg4[%multiple_of3A_44] : memref<320000xi32, #tpu.memory_space<hbm>> -> memref<80xi32, #tpu.memory_space<hbm>>
    tpu.enqueue_dma source(%dma_start3A_54 : memref<80xi32, #tpu.memory_space<hbm>>) target(%arg14 : memref<80xi32, #tpu.memory_space<vmem>>) target_semaphore(%dma_start3A_53 : memref<!tpu.dma_semaphore, #tpu.memory_space<semaphore_mem>>)
    %dma_wait3A = arith.constant 0 : i32
    %dma_wait3A_55 = arith.constant 0 : i32
    %dma_wait3A_56 = tpu.memref_slice %arg3[%dma_wait3A_55] : memref<320000xi32, #tpu.memory_space<hbm>> -> memref<80xi32, #tpu.memory_space<hbm>>
    %dma_wait3A_57 = tpu.memref_slice %arg19[%dma_wait3A] : memref<4x!tpu.dma_semaphore, #tpu.memory_space<semaphore_mem>> -> memref<1x!tpu.dma_semaphore, #tpu.memory_space<semaphore_mem>>
    %dma_wait3A_58 = tpu.memref_squeeze %dma_wait3A_57 : memref<1x!tpu.dma_semaphore, #tpu.memory_space<semaphore_mem>> -> memref<!tpu.dma_semaphore, #tpu.memory_space<semaphore_mem>>
    %dma_wait3A_59 = arith.constant 0 : i32
    %dma_wait3A_60 = tpu.memref_slice %arg3[%dma_wait3A_59] : memref<320000xi32, #tpu.memory_space<hbm>> -> memref<80xi32, #tpu.memory_space<hbm>>
    tpu.wait_dma2 semaphore(%dma_wait3A_58 : memref<!tpu.dma_semaphore, #tpu.memory_space<semaphore_mem>>) src(%dma_wait3A_60 : memref<80xi32, #tpu.memory_space<hbm>>) dst(%arg7 : memref<80xi32, #tpu.memory_space<vmem>>)
    %dma_start3A_61 = arith.constant 0 : i32
    %dma_start3A_62 = arith.constant 0 : i32
    %dma_start3A_63 = arith.constant 0 : i32
    %dma_start3A_64 = tpu.memref_slice %arg2[%dma_start3A_62, %dma_start3A_63] : memref<10000x128xf32, #tpu.memory_space<hbm>> -> memref<10000x128xf32, #tpu.memory_space<hbm>>
    %dma_start3A_65 = tpu.memref_slice %arg21[%dma_start3A_61] : memref<4x!tpu.dma_semaphore, #tpu.memory_space<semaphore_mem>> -> memref<1x!tpu.dma_semaphore, #tpu.memory_space<semaphore_mem>>
    %dma_start3A_66 = tpu.memref_squeeze %dma_start3A_65 : memref<1x!tpu.dma_semaphore, #tpu.memory_space<semaphore_mem>> -> memref<!tpu.dma_semaphore, #tpu.memory_space<semaphore_mem>>
    tpu.enqueue_indirect_dma source(%dma_start3A_64 : memref<10000x128xf32, #tpu.memory_space<hbm>>) target(%arg15 : memref<80x128xf32, #tpu.memory_space<vmem>>) offsets(%arg7 : memref<80xi32, #tpu.memory_space<vmem>>) semaphore(%dma_start3A_66 : memref<!tpu.dma_semaphore, #tpu.memory_space<semaphore_mem>>)
    %scan3A = arith.constant 0 : i32
    %scan3A_67 = arith.constant 0 : i32
    %scan3A_68 = arith.constant 31 : i32
    %scan3A_69 = arith.addi %scan3A_67, %scan3A_68 : i32
    %scan3A_70 = arith.constant 1 : i32
    scf.for %scan3A_149 = %scan3A_67 to %scan3A_69 step %scan3A_70  : i32 {
      %mul3A_150 = arith.constant 4 : i32
      %mul3A_151 = arith.muli %mul3A_150, %scan3A_149 : i32
      %gt3A = arith.constant 0 : i32
      %gt3A_152 = arith.cmpi sgt, %scan3A_149, %gt3A : i32
      %convert_element_type3A_153 = arith.extui %gt3A_152 : i1 to i32
      %cond3A_154 = arith.constant 0 : i32
      %cond3A_155 = arith.cmpi ne, %convert_element_type3A_153, %cond3A_154 : i32
      scf.if %cond3A_155 {
        %dma_wait3A_313 = arith.constant 3 : i32
        %dma_wait3A_314 = arith.constant 0 : i32
        %dma_wait3A_315 = arith.constant 0 : i32
        %dma_wait3A_316 = tpu.memref_slice %arg2[%dma_wait3A_314, %dma_wait3A_315] : memref<10000x128xf32, #tpu.memory_space<hbm>> -> memref<80x128xf32, #tpu.memory_space<hbm>>
        %dma_wait3A_317 = tpu.memref_slice %arg22[%dma_wait3A_313] : memref<4x!tpu.dma_semaphore, #tpu.memory_space<semaphore_mem>> -> memref<1x!tpu.dma_semaphore, #tpu.memory_space<semaphore_mem>>
        %dma_wait3A_318 = tpu.memref_squeeze %dma_wait3A_317 : memref<1x!tpu.dma_semaphore, #tpu.memory_space<semaphore_mem>> -> memref<!tpu.dma_semaphore, #tpu.memory_space<semaphore_mem>>
        %dma_wait3A_319 = arith.constant 0 : i32
        %dma_wait3A_320 = arith.constant 0 : i32
        %dma_wait3A_321 = tpu.memref_slice %arg2[%dma_wait3A_319, %dma_wait3A_320] : memref<10000x128xf32, #tpu.memory_space<hbm>> -> memref<80x128xf32, #tpu.memory_space<hbm>>
        tpu.wait_dma2 semaphore(%dma_wait3A_318 : memref<!tpu.dma_semaphore, #tpu.memory_space<semaphore_mem>>) src(%dma_wait3A_321 : memref<80x128xf32, #tpu.memory_space<hbm>>) dst(%arg18 : memref<80x128xf32, #tpu.memory_space<vmem>>)
        %add3A_322 = arith.constant 3 : i32
        %add3A_323 = arith.addi %mul3A_151, %add3A_322 : i32
        %mul3A_324 = arith.constant 80 : i32
        %mul3A_325 = arith.muli %add3A_323, %mul3A_324 : i32
        %add3A_326 = arith.addi %mul3A_4, %mul3A_325 : i32
        %multiple_of3A_327 = tpu.assume_multiple %add3A_326, 8 : i32
        %dma_start3A_328 = arith.constant 3 : i32
        %dma_start3A_329 = tpu.memref_slice %arg3[%multiple_of3A_327] : memref<320000xi32, #tpu.memory_space<hbm>> -> memref<80xi32, #tpu.memory_space<hbm>>
        %dma_start3A_330 = tpu.memref_slice %arg19[%dma_start3A_328] : memref<4x!tpu.dma_semaphore, #tpu.memory_space<semaphore_mem>> -> memref<1x!tpu.dma_semaphore, #tpu.memory_space<semaphore_mem>>
        %dma_start3A_331 = tpu.memref_squeeze %dma_start3A_330 : memref<1x!tpu.dma_semaphore, #tpu.memory_space<semaphore_mem>> -> memref<!tpu.dma_semaphore, #tpu.memory_space<semaphore_mem>>
        %dma_start3A_332 = tpu.memref_slice %arg3[%multiple_of3A_327] : memref<320000xi32, #tpu.memory_space<hbm>> -> memref<80xi32, #tpu.memory_space<hbm>>
        tpu.enqueue_dma source(%dma_start3A_332 : memref<80xi32, #tpu.memory_space<hbm>>) target(%arg10 : memref<80xi32, #tpu.memory_space<vmem>>) target_semaphore(%dma_start3A_331 : memref<!tpu.dma_semaphore, #tpu.memory_space<semaphore_mem>>)
        %dma_start3A_333 = arith.constant 3 : i32
        %dma_start3A_334 = tpu.memref_slice %arg4[%multiple_of3A_327] : memref<320000xi32, #tpu.memory_space<hbm>> -> memref<80xi32, #tpu.memory_space<hbm>>
        %dma_start3A_335 = tpu.memref_slice %arg20[%dma_start3A_333] : memref<4x!tpu.dma_semaphore, #tpu.memory_space<semaphore_mem>> -> memref<1x!tpu.dma_semaphore, #tpu.memory_space<semaphore_mem>>
        %dma_start3A_336 = tpu.memref_squeeze %dma_start3A_335 : memref<1x!tpu.dma_semaphore, #tpu.memory_space<semaphore_mem>> -> memref<!tpu.dma_semaphore, #tpu.memory_space<semaphore_mem>>
        %dma_start3A_337 = tpu.memref_slice %arg4[%multiple_of3A_327] : memref<320000xi32, #tpu.memory_space<hbm>> -> memref<80xi32, #tpu.memory_space<hbm>>
        tpu.enqueue_dma source(%dma_start3A_337 : memref<80xi32, #tpu.memory_space<hbm>>) target(%arg14 : memref<80xi32, #tpu.memory_space<vmem>>) target_semaphore(%dma_start3A_336 : memref<!tpu.dma_semaphore, #tpu.memory_space<semaphore_mem>>)
      } else {
      }
      %dma_wait3A_156 = arith.constant 1 : i32
      %dma_wait3A_157 = arith.constant 0 : i32
      %dma_wait3A_158 = tpu.memref_slice %arg3[%dma_wait3A_157] : memref<320000xi32, #tpu.memory_space<hbm>> -> memref<80xi32, #tpu.memory_space<hbm>>
      %dma_wait3A_159 = tpu.memref_slice %arg19[%dma_wait3A_156] : memref<4x!tpu.dma_semaphore, #tpu.memory_space<semaphore_mem>> -> memref<1x!tpu.dma_semaphore, #tpu.memory_space<semaphore_mem>>
      %dma_wait3A_160 = tpu.memref_squeeze %dma_wait3A_159 : memref<1x!tpu.dma_semaphore, #tpu.memory_space<semaphore_mem>> -> memref<!tpu.dma_semaphore, #tpu.memory_space<semaphore_mem>>
      %dma_wait3A_161 = arith.constant 0 : i32
      %dma_wait3A_162 = tpu.memref_slice %arg3[%dma_wait3A_161] : memref<320000xi32, #tpu.memory_space<hbm>> -> memref<80xi32, #tpu.memory_space<hbm>>
      tpu.wait_dma2 semaphore(%dma_wait3A_160 : memref<!tpu.dma_semaphore, #tpu.memory_space<semaphore_mem>>) src(%dma_wait3A_162 : memref<80xi32, #tpu.memory_space<hbm>>) dst(%arg8 : memref<80xi32, #tpu.memory_space<vmem>>)
      %dma_start3A_163 = arith.constant 1 : i32
      %dma_start3A_164 = arith.constant 0 : i32
      %dma_start3A_165 = arith.constant 0 : i32
      %dma_start3A_166 = tpu.memref_slice %arg2[%dma_start3A_164, %dma_start3A_165] : memref<10000x128xf32, #tpu.memory_space<hbm>> -> memref<10000x128xf32, #tpu.memory_space<hbm>>
      %dma_start3A_167 = tpu.memref_slice %arg21[%dma_start3A_163] : memref<4x!tpu.dma_semaphore, #tpu.memory_space<semaphore_mem>> -> memref<1x!tpu.dma_semaphore, #tpu.memory_space<semaphore_mem>>
      %dma_start3A_168 = tpu.memref_squeeze %dma_start3A_167 : memref<1x!tpu.dma_semaphore, #tpu.memory_space<semaphore_mem>> -> memref<!tpu.dma_semaphore, #tpu.memory_space<semaphore_mem>>
      tpu.enqueue_indirect_dma source(%dma_start3A_166 : memref<10000x128xf32, #tpu.memory_space<hbm>>) target(%arg16 : memref<80x128xf32, #tpu.memory_space<vmem>>) offsets(%arg8 : memref<80xi32, #tpu.memory_space<vmem>>) semaphore(%dma_start3A_168 : memref<!tpu.dma_semaphore, #tpu.memory_space<semaphore_mem>>)
      %dma_wait3A_169 = arith.constant 0 : i32
      %dma_wait3A_170 = arith.constant 0 : i32
      %dma_wait3A_171 = arith.constant 0 : i32
      %dma_wait3A_172 = tpu.memref_slice %arg2[%dma_wait3A_170, %dma_wait3A_171] : memref<10000x128xf32, #tpu.memory_space<hbm>> -> memref<80x128xf32, #tpu.memory_space<hbm>>
      %dma_wait3A_173 = tpu.memref_slice %arg21[%dma_wait3A_169] : memref<4x!tpu.dma_semaphore, #tpu.memory_space<semaphore_mem>> -> memref<1x!tpu.dma_semaphore, #tpu.memory_space<semaphore_mem>>
      %dma_wait3A_174 = tpu.memref_squeeze %dma_wait3A_173 : memref<1x!tpu.dma_semaphore, #tpu.memory_space<semaphore_mem>> -> memref<!tpu.dma_semaphore, #tpu.memory_space<semaphore_mem>>
      %dma_wait3A_175 = arith.constant 0 : i32
      %dma_wait3A_176 = arith.constant 0 : i32
      %dma_wait3A_177 = tpu.memref_slice %arg2[%dma_wait3A_175, %dma_wait3A_176] : memref<10000x128xf32, #tpu.memory_space<hbm>> -> memref<80x128xf32, #tpu.memory_space<hbm>>
      tpu.wait_dma2 semaphore(%dma_wait3A_174 : memref<!tpu.dma_semaphore, #tpu.memory_space<semaphore_mem>>) src(%dma_wait3A_177 : memref<80x128xf32, #tpu.memory_space<hbm>>) dst(%arg15 : memref<80x128xf32, #tpu.memory_space<vmem>>)
      %dma_wait3A_178 = arith.constant 0 : i32
      %dma_wait3A_179 = arith.constant 0 : i32
      %dma_wait3A_180 = tpu.memref_slice %arg4[%dma_wait3A_179] : memref<320000xi32, #tpu.memory_space<hbm>> -> memref<80xi32, #tpu.memory_space<hbm>>
      %dma_wait3A_181 = tpu.memref_slice %arg20[%dma_wait3A_178] : memref<4x!tpu.dma_semaphore, #tpu.memory_space<semaphore_mem>> -> memref<1x!tpu.dma_semaphore, #tpu.memory_space<semaphore_mem>>
      %dma_wait3A_182 = tpu.memref_squeeze %dma_wait3A_181 : memref<1x!tpu.dma_semaphore, #tpu.memory_space<semaphore_mem>> -> memref<!tpu.dma_semaphore, #tpu.memory_space<semaphore_mem>>
      %dma_wait3A_183 = arith.constant 0 : i32
      %dma_wait3A_184 = tpu.memref_slice %arg4[%dma_wait3A_183] : memref<320000xi32, #tpu.memory_space<hbm>> -> memref<80xi32, #tpu.memory_space<hbm>>
      tpu.wait_dma2 semaphore(%dma_wait3A_182 : memref<!tpu.dma_semaphore, #tpu.memory_space<semaphore_mem>>) src(%dma_wait3A_184 : memref<80xi32, #tpu.memory_space<hbm>>) dst(%arg11 : memref<80xi32, #tpu.memory_space<vmem>>)
      %dma_start3A_185 = arith.constant 0 : i32
      %dma_start3A_186 = arith.constant 0 : i32
      %dma_start3A_187 = arith.constant 0 : i32
      %dma_start3A_188 = tpu.memref_slice %arg23[%dma_start3A_186, %dma_start3A_187] : memref<10000x128xf32, #tpu.memory_space<vmem_shared>> -> memref<10000x128xf32, #tpu.memory_space<vmem_shared>>
      %dma_start3A_189 = tpu.memref_slice %arg22[%dma_start3A_185] : memref<4x!tpu.dma_semaphore, #tpu.memory_space<semaphore_mem>> -> memref<1x!tpu.dma_semaphore, #tpu.memory_space<semaphore_mem>>
      %dma_start3A_190 = tpu.memref_squeeze %dma_start3A_189 : memref<1x!tpu.dma_semaphore, #tpu.memory_space<semaphore_mem>> -> memref<!tpu.dma_semaphore, #tpu.memory_space<semaphore_mem>>
      tpu.enqueue_indirect_dma source(%arg15 : memref<80x128xf32, #tpu.memory_space<vmem>>) target(%dma_start3A_188 : memref<10000x128xf32, #tpu.memory_space<vmem_shared>>) offsets(%arg11 : memref<80xi32, #tpu.memory_space<vmem>>) semaphore(%dma_start3A_190 : memref<!tpu.dma_semaphore, #tpu.memory_space<semaphore_mem>>) {add = true}
      %dma_wait3A_191 = arith.constant 2 : i32
      %dma_wait3A_192 = arith.constant 0 : i32
      %dma_wait3A_193 = tpu.memref_slice %arg3[%dma_wait3A_192] : memref<320000xi32, #tpu.memory_space<hbm>> -> memref<80xi32, #tpu.memory_space<hbm>>
      %dma_wait3A_194 = tpu.memref_slice %arg19[%dma_wait3A_191] : memref<4x!tpu.dma_semaphore, #tpu.memory_space<semaphore_mem>> -> memref<1x!tpu.dma_semaphore, #tpu.memory_space<semaphore_mem>>
      %dma_wait3A_195 = tpu.memref_squeeze %dma_wait3A_194 : memref<1x!tpu.dma_semaphore, #tpu.memory_space<semaphore_mem>> -> memref<!tpu.dma_semaphore, #tpu.memory_space<semaphore_mem>>
      %dma_wait3A_196 = arith.constant 0 : i32
      %dma_wait3A_197 = tpu.memref_slice %arg3[%dma_wait3A_196] : memref<320000xi32, #tpu.memory_space<hbm>> -> memref<80xi32, #tpu.memory_space<hbm>>
      tpu.wait_dma2 semaphore(%dma_wait3A_195 : memref<!tpu.dma_semaphore, #tpu.memory_space<semaphore_mem>>) src(%dma_wait3A_197 : memref<80xi32, #tpu.memory_space<hbm>>) dst(%arg9 : memref<80xi32, #tpu.memory_space<vmem>>)
      %dma_start3A_198 = arith.constant 2 : i32
      %dma_start3A_199 = arith.constant 0 : i32
      %dma_start3A_200 = arith.constant 0 : i32
      %dma_start3A_201 = tpu.memref_slice %arg2[%dma_start3A_199, %dma_start3A_200] : memref<10000x128xf32, #tpu.memory_space<hbm>> -> memref<10000x128xf32, #tpu.memory_space<hbm>>
      %dma_start3A_202 = tpu.memref_slice %arg21[%dma_start3A_198] : memref<4x!tpu.dma_semaphore, #tpu.memory_space<semaphore_mem>> -> memref<1x!tpu.dma_semaphore, #tpu.memory_space<semaphore_mem>>
      %dma_start3A_203 = tpu.memref_squeeze %dma_start3A_202 : memref<1x!tpu.dma_semaphore, #tpu.memory_space<semaphore_mem>> -> memref<!tpu.dma_semaphore, #tpu.memory_space<semaphore_mem>>
      tpu.enqueue_indirect_dma source(%dma_start3A_201 : memref<10000x128xf32, #tpu.memory_space<hbm>>) target(%arg17 : memref<80x128xf32, #tpu.memory_space<vmem>>) offsets(%arg9 : memref<80xi32, #tpu.memory_space<vmem>>) semaphore(%dma_start3A_203 : memref<!tpu.dma_semaphore, #tpu.memory_space<semaphore_mem>>)
      %dma_wait3A_204 = arith.constant 1 : i32
      %dma_wait3A_205 = arith.constant 0 : i32
      %dma_wait3A_206 = arith.constant 0 : i32
      %dma_wait3A_207 = tpu.memref_slice %arg2[%dma_wait3A_205, %dma_wait3A_206] : memref<10000x128xf32, #tpu.memory_space<hbm>> -> memref<80x128xf32, #tpu.memory_space<hbm>>
      %dma_wait3A_208 = tpu.memref_slice %arg21[%dma_wait3A_204] : memref<4x!tpu.dma_semaphore, #tpu.memory_space<semaphore_mem>> -> memref<1x!tpu.dma_semaphore, #tpu.memory_space<semaphore_mem>>
      %dma_wait3A_209 = tpu.memref_squeeze %dma_wait3A_208 : memref<1x!tpu.dma_semaphore, #tpu.memory_space<semaphore_mem>> -> memref<!tpu.dma_semaphore, #tpu.memory_space<semaphore_mem>>
      %dma_wait3A_210 = arith.constant 0 : i32
      %dma_wait3A_211 = arith.constant 0 : i32
      %dma_wait3A_212 = tpu.memref_slice %arg2[%dma_wait3A_210, %dma_wait3A_211] : memref<10000x128xf32, #tpu.memory_space<hbm>> -> memref<80x128xf32, #tpu.memory_space<hbm>>
      tpu.wait_dma2 semaphore(%dma_wait3A_209 : memref<!tpu.dma_semaphore, #tpu.memory_space<semaphore_mem>>) src(%dma_wait3A_212 : memref<80x128xf32, #tpu.memory_space<hbm>>) dst(%arg16 : memref<80x128xf32, #tpu.memory_space<vmem>>)
      %dma_wait3A_213 = arith.constant 1 : i32
      %dma_wait3A_214 = arith.constant 0 : i32
      %dma_wait3A_215 = tpu.memref_slice %arg4[%dma_wait3A_214] : memref<320000xi32, #tpu.memory_space<hbm>> -> memref<80xi32, #tpu.memory_space<hbm>>
      %dma_wait3A_216 = tpu.memref_slice %arg20[%dma_wait3A_213] : memref<4x!tpu.dma_semaphore, #tpu.memory_space<semaphore_mem>> -> memref<1x!tpu.dma_semaphore, #tpu.memory_space<semaphore_mem>>
      %dma_wait3A_217 = tpu.memref_squeeze %dma_wait3A_216 : memref<1x!tpu.dma_semaphore, #tpu.memory_space<semaphore_mem>> -> memref<!tpu.dma_semaphore, #tpu.memory_space<semaphore_mem>>
      %dma_wait3A_218 = arith.constant 0 : i32
      %dma_wait3A_219 = tpu.memref_slice %arg4[%dma_wait3A_218] : memref<320000xi32, #tpu.memory_space<hbm>> -> memref<80xi32, #tpu.memory_space<hbm>>
      tpu.wait_dma2 semaphore(%dma_wait3A_217 : memref<!tpu.dma_semaphore, #tpu.memory_space<semaphore_mem>>) src(%dma_wait3A_219 : memref<80xi32, #tpu.memory_space<hbm>>) dst(%arg12 : memref<80xi32, #tpu.memory_space<vmem>>)
      %dma_start3A_220 = arith.constant 1 : i32
      %dma_start3A_221 = arith.constant 0 : i32
      %dma_start3A_222 = arith.constant 0 : i32
      %dma_start3A_223 = tpu.memref_slice %arg23[%dma_start3A_221, %dma_start3A_222] : memref<10000x128xf32, #tpu.memory_space<vmem_shared>> -> memref<10000x128xf32, #tpu.memory_space<vmem_shared>>
      %dma_start3A_224 = tpu.memref_slice %arg22[%dma_start3A_220] : memref<4x!tpu.dma_semaphore, #tpu.memory_space<semaphore_mem>> -> memref<1x!tpu.dma_semaphore, #tpu.memory_space<semaphore_mem>>
      %dma_start3A_225 = tpu.memref_squeeze %dma_start3A_224 : memref<1x!tpu.dma_semaphore, #tpu.memory_space<semaphore_mem>> -> memref<!tpu.dma_semaphore, #tpu.memory_space<semaphore_mem>>
      tpu.enqueue_indirect_dma source(%arg16 : memref<80x128xf32, #tpu.memory_space<vmem>>) target(%dma_start3A_223 : memref<10000x128xf32, #tpu.memory_space<vmem_shared>>) offsets(%arg12 : memref<80xi32, #tpu.memory_space<vmem>>) semaphore(%dma_start3A_225 : memref<!tpu.dma_semaphore, #tpu.memory_space<semaphore_mem>>) {add = true}
      %dma_wait3A_226 = arith.constant 3 : i32
      %dma_wait3A_227 = arith.constant 0 : i32
      %dma_wait3A_228 = tpu.memref_slice %arg3[%dma_wait3A_227] : memref<320000xi32, #tpu.memory_space<hbm>> -> memref<80xi32, #tpu.memory_space<hbm>>
      %dma_wait3A_229 = tpu.memref_slice %arg19[%dma_wait3A_226] : memref<4x!tpu.dma_semaphore, #tpu.memory_space<semaphore_mem>> -> memref<1x!tpu.dma_semaphore, #tpu.memory_space<semaphore_mem>>
      %dma_wait3A_230 = tpu.memref_squeeze %dma_wait3A_229 : memref<1x!tpu.dma_semaphore, #tpu.memory_space<semaphore_mem>> -> memref<!tpu.dma_semaphore, #tpu.memory_space<semaphore_mem>>
      %dma_wait3A_231 = arith.constant 0 : i32
      %dma_wait3A_232 = tpu.memref_slice %arg3[%dma_wait3A_231] : memref<320000xi32, #tpu.memory_space<hbm>> -> memref<80xi32, #tpu.memory_space<hbm>>
      tpu.wait_dma2 semaphore(%dma_wait3A_230 : memref<!tpu.dma_semaphore, #tpu.memory_space<semaphore_mem>>) src(%dma_wait3A_232 : memref<80xi32, #tpu.memory_space<hbm>>) dst(%arg10 : memref<80xi32, #tpu.memory_space<vmem>>)
      %dma_start3A_233 = arith.constant 3 : i32
      %dma_start3A_234 = arith.constant 0 : i32
      %dma_start3A_235 = arith.constant 0 : i32
      %dma_start3A_236 = tpu.memref_slice %arg2[%dma_start3A_234, %dma_start3A_235] : memref<10000x128xf32, #tpu.memory_space<hbm>> -> memref<10000x128xf32, #tpu.memory_space<hbm>>
      %dma_start3A_237 = tpu.memref_slice %arg21[%dma_start3A_233] : memref<4x!tpu.dma_semaphore, #tpu.memory_space<semaphore_mem>> -> memref<1x!tpu.dma_semaphore, #tpu.memory_space<semaphore_mem>>
      %dma_start3A_238 = tpu.memref_squeeze %dma_start3A_237 : memref<1x!tpu.dma_semaphore, #tpu.memory_space<semaphore_mem>> -> memref<!tpu.dma_semaphore, #tpu.memory_space<semaphore_mem>>
      tpu.enqueue_indirect_dma source(%dma_start3A_236 : memref<10000x128xf32, #tpu.memory_space<hbm>>) target(%arg18 : memref<80x128xf32, #tpu.memory_space<vmem>>) offsets(%arg10 : memref<80xi32, #tpu.memory_space<vmem>>) semaphore(%dma_start3A_238 : memref<!tpu.dma_semaphore, #tpu.memory_space<semaphore_mem>>)
      %dma_wait3A_239 = arith.constant 2 : i32
      %dma_wait3A_240 = arith.constant 0 : i32
      %dma_wait3A_241 = arith.constant 0 : i32
      %dma_wait3A_242 = tpu.memref_slice %arg2[%dma_wait3A_240, %dma_wait3A_241] : memref<10000x128xf32, #tpu.memory_space<hbm>> -> memref<80x128xf32, #tpu.memory_space<hbm>>
      %dma_wait3A_243 = tpu.memref_slice %arg21[%dma_wait3A_239] : memref<4x!tpu.dma_semaphore, #tpu.memory_space<semaphore_mem>> -> memref<1x!tpu.dma_semaphore, #tpu.memory_space<semaphore_mem>>
      %dma_wait3A_244 = tpu.memref_squeeze %dma_wait3A_243 : memref<1x!tpu.dma_semaphore, #tpu.memory_space<semaphore_mem>> -> memref<!tpu.dma_semaphore, #tpu.memory_space<semaphore_mem>>
      %dma_wait3A_245 = arith.constant 0 : i32
      %dma_wait3A_246 = arith.constant 0 : i32
      %dma_wait3A_247 = tpu.memref_slice %arg2[%dma_wait3A_245, %dma_wait3A_246] : memref<10000x128xf32, #tpu.memory_space<hbm>> -> memref<80x128xf32, #tpu.memory_space<hbm>>
      tpu.wait_dma2 semaphore(%dma_wait3A_244 : memref<!tpu.dma_semaphore, #tpu.memory_space<semaphore_mem>>) src(%dma_wait3A_247 : memref<80x128xf32, #tpu.memory_space<hbm>>) dst(%arg17 : memref<80x128xf32, #tpu.memory_space<vmem>>)
      %dma_wait3A_248 = arith.constant 2 : i32
      %dma_wait3A_249 = arith.constant 0 : i32
      %dma_wait3A_250 = tpu.memref_slice %arg4[%dma_wait3A_249] : memref<320000xi32, #tpu.memory_space<hbm>> -> memref<80xi32, #tpu.memory_space<hbm>>
      %dma_wait3A_251 = tpu.memref_slice %arg20[%dma_wait3A_248] : memref<4x!tpu.dma_semaphore, #tpu.memory_space<semaphore_mem>> -> memref<1x!tpu.dma_semaphore, #tpu.memory_space<semaphore_mem>>
      %dma_wait3A_252 = tpu.memref_squeeze %dma_wait3A_251 : memref<1x!tpu.dma_semaphore, #tpu.memory_space<semaphore_mem>> -> memref<!tpu.dma_semaphore, #tpu.memory_space<semaphore_mem>>
      %dma_wait3A_253 = arith.constant 0 : i32
      %dma_wait3A_254 = tpu.memref_slice %arg4[%dma_wait3A_253] : memref<320000xi32, #tpu.memory_space<hbm>> -> memref<80xi32, #tpu.memory_space<hbm>>
      tpu.wait_dma2 semaphore(%dma_wait3A_252 : memref<!tpu.dma_semaphore, #tpu.memory_space<semaphore_mem>>) src(%dma_wait3A_254 : memref<80xi32, #tpu.memory_space<hbm>>) dst(%arg13 : memref<80xi32, #tpu.memory_space<vmem>>)
      %dma_start3A_255 = arith.constant 2 : i32
      %dma_start3A_256 = arith.constant 0 : i32
      %dma_start3A_257 = arith.constant 0 : i32
      %dma_start3A_258 = tpu.memref_slice %arg23[%dma_start3A_256, %dma_start3A_257] : memref<10000x128xf32, #tpu.memory_space<vmem_shared>> -> memref<10000x128xf32, #tpu.memory_space<vmem_shared>>
      %dma_start3A_259 = tpu.memref_slice %arg22[%dma_start3A_255] : memref<4x!tpu.dma_semaphore, #tpu.memory_space<semaphore_mem>> -> memref<1x!tpu.dma_semaphore, #tpu.memory_space<semaphore_mem>>
      %dma_start3A_260 = tpu.memref_squeeze %dma_start3A_259 : memref<1x!tpu.dma_semaphore, #tpu.memory_space<semaphore_mem>> -> memref<!tpu.dma_semaphore, #tpu.memory_space<semaphore_mem>>
      tpu.enqueue_indirect_dma source(%arg17 : memref<80x128xf32, #tpu.memory_space<vmem>>) target(%dma_start3A_258 : memref<10000x128xf32, #tpu.memory_space<vmem_shared>>) offsets(%arg13 : memref<80xi32, #tpu.memory_space<vmem>>) semaphore(%dma_start3A_260 : memref<!tpu.dma_semaphore, #tpu.memory_space<semaphore_mem>>) {add = true}
      %dma_wait3A_261 = arith.constant 0 : i32
      %dma_wait3A_262 = arith.constant 0 : i32
      %dma_wait3A_263 = arith.constant 0 : i32
      %dma_wait3A_264 = tpu.memref_slice %arg2[%dma_wait3A_262, %dma_wait3A_263] : memref<10000x128xf32, #tpu.memory_space<hbm>> -> memref<80x128xf32, #tpu.memory_space<hbm>>
      %dma_wait3A_265 = tpu.memref_slice %arg22[%dma_wait3A_261] : memref<4x!tpu.dma_semaphore, #tpu.memory_space<semaphore_mem>> -> memref<1x!tpu.dma_semaphore, #tpu.memory_space<semaphore_mem>>
      %dma_wait3A_266 = tpu.memref_squeeze %dma_wait3A_265 : memref<1x!tpu.dma_semaphore, #tpu.memory_space<semaphore_mem>> -> memref<!tpu.dma_semaphore, #tpu.memory_space<semaphore_mem>>
      %dma_wait3A_267 = arith.constant 0 : i32
      %dma_wait3A_268 = arith.constant 0 : i32
      %dma_wait3A_269 = tpu.memref_slice %arg2[%dma_wait3A_267, %dma_wait3A_268] : memref<10000x128xf32, #tpu.memory_space<hbm>> -> memref<80x128xf32, #tpu.memory_space<hbm>>
      tpu.wait_dma2 semaphore(%dma_wait3A_266 : memref<!tpu.dma_semaphore, #tpu.memory_space<semaphore_mem>>) src(%dma_wait3A_269 : memref<80x128xf32, #tpu.memory_space<hbm>>) dst(%arg15 : memref<80x128xf32, #tpu.memory_space<vmem>>)
      %add3A_270 = arith.constant 4 : i32
      %add3A_271 = arith.addi %mul3A_151, %add3A_270 : i32
      %mul3A_272 = arith.constant 80 : i32
      %mul3A_273 = arith.muli %add3A_271, %mul3A_272 : i32
      %add3A_274 = arith.addi %mul3A_4, %mul3A_273 : i32
      %multiple_of3A_275 = tpu.assume_multiple %add3A_274, 8 : i32
      %dma_start3A_276 = arith.constant 0 : i32
      %dma_start3A_277 = tpu.memref_slice %arg3[%multiple_of3A_275] : memref<320000xi32, #tpu.memory_space<hbm>> -> memref<80xi32, #tpu.memory_space<hbm>>
      %dma_start3A_278 = tpu.memref_slice %arg19[%dma_start3A_276] : memref<4x!tpu.dma_semaphore, #tpu.memory_space<semaphore_mem>> -> memref<1x!tpu.dma_semaphore, #tpu.memory_space<semaphore_mem>>
      %dma_start3A_279 = tpu.memref_squeeze %dma_start3A_278 : memref<1x!tpu.dma_semaphore, #tpu.memory_space<semaphore_mem>> -> memref<!tpu.dma_semaphore, #tpu.memory_space<semaphore_mem>>
      %dma_start3A_280 = tpu.memref_slice %arg3[%multiple_of3A_275] : memref<320000xi32, #tpu.memory_space<hbm>> -> memref<80xi32, #tpu.memory_space<hbm>>
      tpu.enqueue_dma source(%dma_start3A_280 : memref<80xi32, #tpu.memory_space<hbm>>) target(%arg7 : memref<80xi32, #tpu.memory_space<vmem>>) target_semaphore(%dma_start3A_279 : memref<!tpu.dma_semaphore, #tpu.memory_space<semaphore_mem>>)
      %dma_start3A_281 = arith.constant 0 : i32
      %dma_start3A_282 = tpu.memref_slice %arg4[%multiple_of3A_275] : memref<320000xi32, #tpu.memory_space<hbm>> -> memref<80xi32, #tpu.memory_space<hbm>>
      %dma_start3A_283 = tpu.memref_slice %arg20[%dma_start3A_281] : memref<4x!tpu.dma_semaphore, #tpu.memory_space<semaphore_mem>> -> memref<1x!tpu.dma_semaphore, #tpu.memory_space<semaphore_mem>>
      %dma_start3A_284 = tpu.memref_squeeze %dma_start3A_283 : memref<1x!tpu.dma_semaphore, #tpu.memory_space<semaphore_mem>> -> memref<!tpu.dma_semaphore, #tpu.memory_space<semaphore_mem>>
      %dma_start3A_285 = tpu.memref_slice %arg4[%multiple_of3A_275] : memref<320000xi32, #tpu.memory_space<hbm>> -> memref<80xi32, #tpu.memory_space<hbm>>
      tpu.enqueue_dma source(%dma_start3A_285 : memref<80xi32, #tpu.memory_space<hbm>>) target(%arg11 : memref<80xi32, #tpu.memory_space<vmem>>) target_semaphore(%dma_start3A_284 : memref<!tpu.dma_semaphore, #tpu.memory_space<semaphore_mem>>)
      %dma_wait3A_286 = arith.constant 3 : i32
      %dma_wait3A_287 = arith.constant 0 : i32
      %dma_wait3A_288 = arith.constant 0 : i32
      %dma_wait3A_289 = tpu.memref_slice %arg2[%dma_wait3A_287, %dma_wait3A_288] : memref<10000x128xf32, #tpu.memory_space<hbm>> -> memref<80x128xf32, #tpu.memory_space<hbm>>
      %dma_wait3A_290 = tpu.memref_slice %arg21[%dma_wait3A_286] : memref<4x!tpu.dma_semaphore, #tpu.memory_space<semaphore_mem>> -> memref<1x!tpu.dma_semaphore, #tpu.memory_space<semaphore_mem>>
      %dma_wait3A_291 = tpu.memref_squeeze %dma_wait3A_290 : memref<1x!tpu.dma_semaphore, #tpu.memory_space<semaphore_mem>> -> memref<!tpu.dma_semaphore, #tpu.memory_space<semaphore_mem>>
      %dma_wait3A_292 = arith.constant 0 : i32
      %dma_wait3A_293 = arith.constant 0 : i32
      %dma_wait3A_294 = tpu.memref_slice %arg2[%dma_wait3A_292, %dma_wait3A_293] : memref<10000x128xf32, #tpu.memory_space<hbm>> -> memref<80x128xf32, #tpu.memory_space<hbm>>
      tpu.wait_dma2 semaphore(%dma_wait3A_291 : memref<!tpu.dma_semaphore, #tpu.memory_space<semaphore_mem>>) src(%dma_wait3A_294 : memref<80x128xf32, #tpu.memory_space<hbm>>) dst(%arg18 : memref<80x128xf32, #tpu.memory_space<vmem>>)
      %dma_wait3A_295 = arith.constant 3 : i32
      %dma_wait3A_296 = arith.constant 0 : i32
      %dma_wait3A_297 = tpu.memref_slice %arg4[%dma_wait3A_296] : memref<320000xi32, #tpu.memory_space<hbm>> -> memref<80xi32, #tpu.memory_space<hbm>>
      %dma_wait3A_298 = tpu.memref_slice %arg20[%dma_wait3A_295] : memref<4x!tpu.dma_semaphore, #tpu.memory_space<semaphore_mem>> -> memref<1x!tpu.dma_semaphore, #tpu.memory_space<semaphore_mem>>
      %dma_wait3A_299 = tpu.memref_squeeze %dma_wait3A_298 : memref<1x!tpu.dma_semaphore, #tpu.memory_space<semaphore_mem>> -> memref<!tpu.dma_semaphore, #tpu.memory_space<semaphore_mem>>
      %dma_wait3A_300 = arith.constant 0 : i32
      %dma_wait3A_301 = tpu.memref_slice %arg4[%dma_wait3A_300] : memref<320000xi32, #tpu.memory_space<hbm>> -> memref<80xi32, #tpu.memory_space<hbm>>
      tpu.wait_dma2 semaphore(%dma_wait3A_299 : memref<!tpu.dma_semaphore, #tpu.memory_space<semaphore_mem>>) src(%dma_wait3A_301 : memref<80xi32, #tpu.memory_space<hbm>>) dst(%arg14 : memref<80xi32, #tpu.memory_space<vmem>>)
      %dma_start3A_302 = arith.constant 3 : i32
      %dma_start3A_303 = arith.constant 0 : i32
      %dma_start3A_304 = arith.constant 0 : i32
      %dma_start3A_305 = tpu.memref_slice %arg23[%dma_start3A_303, %dma_start3A_304] : memref<10000x128xf32, #tpu.memory_space<vmem_shared>> -> memref<10000x128xf32, #tpu.memory_space<vmem_shared>>
      %dma_start3A_306 = tpu.memref_slice %arg22[%dma_start3A_302] : memref<4x!tpu.dma_semaphore, #tpu.memory_space<semaphore_mem>> -> memref<1x!tpu.dma_semaphore, #tpu.memory_space<semaphore_mem>>
      %dma_start3A_307 = tpu.memref_squeeze %dma_start3A_306 : memref<1x!tpu.dma_semaphore, #tpu.memory_space<semaphore_mem>> -> memref<!tpu.dma_semaphore, #tpu.memory_space<semaphore_mem>>
      tpu.enqueue_indirect_dma source(%arg18 : memref<80x128xf32, #tpu.memory_space<vmem>>) target(%dma_start3A_305 : memref<10000x128xf32, #tpu.memory_space<vmem_shared>>) offsets(%arg14 : memref<80xi32, #tpu.memory_space<vmem>>) semaphore(%dma_start3A_307 : memref<!tpu.dma_semaphore, #tpu.memory_space<semaphore_mem>>) {add = true}
      %lt3A_308 = arith.constant 30 : i32
      %lt3A_309 = arith.cmpi slt, %scan3A_149, %lt3A_308 : i32
      %convert_element_type3A_310 = arith.extui %lt3A_309 : i1 to i32
      %cond3A_311 = arith.constant 0 : i32
      %cond3A_312 = arith.cmpi ne, %convert_element_type3A_310, %cond3A_311 : i32
      scf.if %cond3A_312 {
        %dma_wait3A_313 = arith.constant 1 : i32
        %dma_wait3A_314 = arith.constant 0 : i32
        %dma_wait3A_315 = arith.constant 0 : i32
        %dma_wait3A_316 = tpu.memref_slice %arg2[%dma_wait3A_314, %dma_wait3A_315] : memref<10000x128xf32, #tpu.memory_space<hbm>> -> memref<80x128xf32, #tpu.memory_space<hbm>>
        %dma_wait3A_317 = tpu.memref_slice %arg22[%dma_wait3A_313] : memref<4x!tpu.dma_semaphore, #tpu.memory_space<semaphore_mem>> -> memref<1x!tpu.dma_semaphore, #tpu.memory_space<semaphore_mem>>
        %dma_wait3A_318 = tpu.memref_squeeze %dma_wait3A_317 : memref<1x!tpu.dma_semaphore, #tpu.memory_space<semaphore_mem>> -> memref<!tpu.dma_semaphore, #tpu.memory_space<semaphore_mem>>
        %dma_wait3A_319 = arith.constant 0 : i32
        %dma_wait3A_320 = arith.constant 0 : i32
        %dma_wait3A_321 = tpu.memref_slice %arg2[%dma_wait3A_319, %dma_wait3A_320] : memref<10000x128xf32, #tpu.memory_space<hbm>> -> memref<80x128xf32, #tpu.memory_space<hbm>>
        tpu.wait_dma2 semaphore(%dma_wait3A_318 : memref<!tpu.dma_semaphore, #tpu.memory_space<semaphore_mem>>) src(%dma_wait3A_321 : memref<80x128xf32, #tpu.memory_space<hbm>>) dst(%arg16 : memref<80x128xf32, #tpu.memory_space<vmem>>)
        %add3A_322 = arith.constant 5 : i32
        %add3A_323 = arith.addi %mul3A_151, %add3A_322 : i32
        %mul3A_324 = arith.constant 80 : i32
        %mul3A_325 = arith.muli %add3A_323, %mul3A_324 : i32
        %add3A_326 = arith.addi %mul3A_4, %mul3A_325 : i32
        %multiple_of3A_327 = tpu.assume_multiple %add3A_326, 8 : i32
        %dma_start3A_328 = arith.constant 1 : i32
        %dma_start3A_329 = tpu.memref_slice %arg3[%multiple_of3A_327] : memref<320000xi32, #tpu.memory_space<hbm>> -> memref<80xi32, #tpu.memory_space<hbm>>
        %dma_start3A_330 = tpu.memref_slice %arg19[%dma_start3A_328] : memref<4x!tpu.dma_semaphore, #tpu.memory_space<semaphore_mem>> -> memref<1x!tpu.dma_semaphore, #tpu.memory_space<semaphore_mem>>
        %dma_start3A_331 = tpu.memref_squeeze %dma_start3A_330 : memref<1x!tpu.dma_semaphore, #tpu.memory_space<semaphore_mem>> -> memref<!tpu.dma_semaphore, #tpu.memory_space<semaphore_mem>>
        %dma_start3A_332 = tpu.memref_slice %arg3[%multiple_of3A_327] : memref<320000xi32, #tpu.memory_space<hbm>> -> memref<80xi32, #tpu.memory_space<hbm>>
        tpu.enqueue_dma source(%dma_start3A_332 : memref<80xi32, #tpu.memory_space<hbm>>) target(%arg8 : memref<80xi32, #tpu.memory_space<vmem>>) target_semaphore(%dma_start3A_331 : memref<!tpu.dma_semaphore, #tpu.memory_space<semaphore_mem>>)
        %dma_start3A_333 = arith.constant 1 : i32
        %dma_start3A_334 = tpu.memref_slice %arg4[%multiple_of3A_327] : memref<320000xi32, #tpu.memory_space<hbm>> -> memref<80xi32, #tpu.memory_space<hbm>>
        %dma_start3A_335 = tpu.memref_slice %arg20[%dma_start3A_333] : memref<4x!tpu.dma_semaphore, #tpu.memory_space<semaphore_mem>> -> memref<1x!tpu.dma_semaphore, #tpu.memory_space<semaphore_mem>>
        %dma_start3A_336 = tpu.memref_squeeze %dma_start3A_335 : memref<1x!tpu.dma_semaphore, #tpu.memory_space<semaphore_mem>> -> memref<!tpu.dma_semaphore, #tpu.memory_space<semaphore_mem>>
        %dma_start3A_337 = tpu.memref_slice %arg4[%multiple_of3A_327] : memref<320000xi32, #tpu.memory_space<hbm>> -> memref<80xi32, #tpu.memory_space<hbm>>
        tpu.enqueue_dma source(%dma_start3A_337 : memref<80xi32, #tpu.memory_space<hbm>>) target(%arg12 : memref<80xi32, #tpu.memory_space<vmem>>) target_semaphore(%dma_start3A_336 : memref<!tpu.dma_semaphore, #tpu.memory_space<semaphore_mem>>)
        %dma_wait3A_338 = arith.constant 2 : i32
        %dma_wait3A_339 = arith.constant 0 : i32
        %dma_wait3A_340 = arith.constant 0 : i32
        %dma_wait3A_341 = tpu.memref_slice %arg2[%dma_wait3A_339, %dma_wait3A_340] : memref<10000x128xf32, #tpu.memory_space<hbm>> -> memref<80x128xf32, #tpu.memory_space<hbm>>
        %dma_wait3A_342 = tpu.memref_slice %arg22[%dma_wait3A_338] : memref<4x!tpu.dma_semaphore, #tpu.memory_space<semaphore_mem>> -> memref<1x!tpu.dma_semaphore, #tpu.memory_space<semaphore_mem>>
        %dma_wait3A_343 = tpu.memref_squeeze %dma_wait3A_342 : memref<1x!tpu.dma_semaphore, #tpu.memory_space<semaphore_mem>> -> memref<!tpu.dma_semaphore, #tpu.memory_space<semaphore_mem>>
        %dma_wait3A_344 = arith.constant 0 : i32
        %dma_wait3A_345 = arith.constant 0 : i32
        %dma_wait3A_346 = tpu.memref_slice %arg2[%dma_wait3A_344, %dma_wait3A_345] : memref<10000x128xf32, #tpu.memory_space<hbm>> -> memref<80x128xf32, #tpu.memory_space<hbm>>
        tpu.wait_dma2 semaphore(%dma_wait3A_343 : memref<!tpu.dma_semaphore, #tpu.memory_space<semaphore_mem>>) src(%dma_wait3A_346 : memref<80x128xf32, #tpu.memory_space<hbm>>) dst(%arg17 : memref<80x128xf32, #tpu.memory_space<vmem>>)
        %add3A_347 = arith.constant 6 : i32
        %add3A_348 = arith.addi %mul3A_151, %add3A_347 : i32
        %mul3A_349 = arith.constant 80 : i32
        %mul3A_350 = arith.muli %add3A_348, %mul3A_349 : i32
        %add3A_351 = arith.addi %mul3A_4, %mul3A_350 : i32
        %multiple_of3A_352 = tpu.assume_multiple %add3A_351, 8 : i32
        %dma_start3A_353 = arith.constant 2 : i32
        %dma_start3A_354 = tpu.memref_slice %arg3[%multiple_of3A_352] : memref<320000xi32, #tpu.memory_space<hbm>> -> memref<80xi32, #tpu.memory_space<hbm>>
        %dma_start3A_355 = tpu.memref_slice %arg19[%dma_start3A_353] : memref<4x!tpu.dma_semaphore, #tpu.memory_space<semaphore_mem>> -> memref<1x!tpu.dma_semaphore, #tpu.memory_space<semaphore_mem>>
        %dma_start3A_356 = tpu.memref_squeeze %dma_start3A_355 : memref<1x!tpu.dma_semaphore, #tpu.memory_space<semaphore_mem>> -> memref<!tpu.dma_semaphore, #tpu.memory_space<semaphore_mem>>
        %dma_start3A_357 = tpu.memref_slice %arg3[%multiple_of3A_352] : memref<320000xi32, #tpu.memory_space<hbm>> -> memref<80xi32, #tpu.memory_space<hbm>>
        tpu.enqueue_dma source(%dma_start3A_357 : memref<80xi32, #tpu.memory_space<hbm>>) target(%arg9 : memref<80xi32, #tpu.memory_space<vmem>>) target_semaphore(%dma_start3A_356 : memref<!tpu.dma_semaphore, #tpu.memory_space<semaphore_mem>>)
        %dma_start3A_358 = arith.constant 2 : i32
        %dma_start3A_359 = tpu.memref_slice %arg4[%multiple_of3A_352] : memref<320000xi32, #tpu.memory_space<hbm>> -> memref<80xi32, #tpu.memory_space<hbm>>
        %dma_start3A_360 = tpu.memref_slice %arg20[%dma_start3A_358] : memref<4x!tpu.dma_semaphore, #tpu.memory_space<semaphore_mem>> -> memref<1x!tpu.dma_semaphore, #tpu.memory_space<semaphore_mem>>
        %dma_start3A_361 = tpu.memref_squeeze %dma_start3A_360 : memref<1x!tpu.dma_semaphore, #tpu.memory_space<semaphore_mem>> -> memref<!tpu.dma_semaphore, #tpu.memory_space<semaphore_mem>>
        %dma_start3A_362 = tpu.memref_slice %arg4[%multiple_of3A_352] : memref<320000xi32, #tpu.memory_space<hbm>> -> memref<80xi32, #tpu.memory_space<hbm>>
        tpu.enqueue_dma source(%dma_start3A_362 : memref<80xi32, #tpu.memory_space<hbm>>) target(%arg13 : memref<80xi32, #tpu.memory_space<vmem>>) target_semaphore(%dma_start3A_361 : memref<!tpu.dma_semaphore, #tpu.memory_space<semaphore_mem>>)
        %dma_wait3A_363 = arith.constant 0 : i32
        %dma_wait3A_364 = arith.constant 0 : i32
        %dma_wait3A_365 = tpu.memref_slice %arg3[%dma_wait3A_364] : memref<320000xi32, #tpu.memory_space<hbm>> -> memref<80xi32, #tpu.memory_space<hbm>>
        %dma_wait3A_366 = tpu.memref_slice %arg19[%dma_wait3A_363] : memref<4x!tpu.dma_semaphore, #tpu.memory_space<semaphore_mem>> -> memref<1x!tpu.dma_semaphore, #tpu.memory_space<semaphore_mem>>
        %dma_wait3A_367 = tpu.memref_squeeze %dma_wait3A_366 : memref<1x!tpu.dma_semaphore, #tpu.memory_space<semaphore_mem>> -> memref<!tpu.dma_semaphore, #tpu.memory_space<semaphore_mem>>
        %dma_wait3A_368 = arith.constant 0 : i32
        %dma_wait3A_369 = tpu.memref_slice %arg3[%dma_wait3A_368] : memref<320000xi32, #tpu.memory_space<hbm>> -> memref<80xi32, #tpu.memory_space<hbm>>
        tpu.wait_dma2 semaphore(%dma_wait3A_367 : memref<!tpu.dma_semaphore, #tpu.memory_space<semaphore_mem>>) src(%dma_wait3A_369 : memref<80xi32, #tpu.memory_space<hbm>>) dst(%arg7 : memref<80xi32, #tpu.memory_space<vmem>>)
        %dma_start3A_370 = arith.constant 0 : i32
        %dma_start3A_371 = arith.constant 0 : i32
        %dma_start3A_372 = arith.constant 0 : i32
        %dma_start3A_373 = tpu.memref_slice %arg2[%dma_start3A_371, %dma_start3A_372] : memref<10000x128xf32, #tpu.memory_space<hbm>> -> memref<10000x128xf32, #tpu.memory_space<hbm>>
        %dma_start3A_374 = tpu.memref_slice %arg21[%dma_start3A_370] : memref<4x!tpu.dma_semaphore, #tpu.memory_space<semaphore_mem>> -> memref<1x!tpu.dma_semaphore, #tpu.memory_space<semaphore_mem>>
        %dma_start3A_375 = tpu.memref_squeeze %dma_start3A_374 : memref<1x!tpu.dma_semaphore, #tpu.memory_space<semaphore_mem>> -> memref<!tpu.dma_semaphore, #tpu.memory_space<semaphore_mem>>
        tpu.enqueue_indirect_dma source(%dma_start3A_373 : memref<10000x128xf32, #tpu.memory_space<hbm>>) target(%arg15 : memref<80x128xf32, #tpu.memory_space<vmem>>) offsets(%arg7 : memref<80xi32, #tpu.memory_space<vmem>>) semaphore(%dma_start3A_375 : memref<!tpu.dma_semaphore, #tpu.memory_space<semaphore_mem>>)
      } else {
      }
    }
    %scan3A_71 = arith.constant 31 : i32
    %dma_wait3A_72 = arith.constant 1 : i32
    %dma_wait3A_73 = arith.constant 0 : i32
    %dma_wait3A_74 = arith.constant 0 : i32
    %dma_wait3A_75 = tpu.memref_slice %arg2[%dma_wait3A_73, %dma_wait3A_74] : memref<10000x128xf32, #tpu.memory_space<hbm>> -> memref<80x128xf32, #tpu.memory_space<hbm>>
    %dma_wait3A_76 = tpu.memref_slice %arg22[%dma_wait3A_72] : memref<4x!tpu.dma_semaphore, #tpu.memory_space<semaphore_mem>> -> memref<1x!tpu.dma_semaphore, #tpu.memory_space<semaphore_mem>>
    %dma_wait3A_77 = tpu.memref_squeeze %dma_wait3A_76 : memref<1x!tpu.dma_semaphore, #tpu.memory_space<semaphore_mem>> -> memref<!tpu.dma_semaphore, #tpu.memory_space<semaphore_mem>>
    %dma_wait3A_78 = arith.constant 0 : i32
    %dma_wait3A_79 = arith.constant 0 : i32
    %dma_wait3A_80 = tpu.memref_slice %arg2[%dma_wait3A_78, %dma_wait3A_79] : memref<10000x128xf32, #tpu.memory_space<hbm>> -> memref<80x128xf32, #tpu.memory_space<hbm>>
    tpu.wait_dma2 semaphore(%dma_wait3A_77 : memref<!tpu.dma_semaphore, #tpu.memory_space<semaphore_mem>>) src(%dma_wait3A_80 : memref<80x128xf32, #tpu.memory_space<hbm>>) dst(%arg16 : memref<80x128xf32, #tpu.memory_space<vmem>>)
    %dma_wait3A_81 = arith.constant 2 : i32
    %dma_wait3A_82 = arith.constant 0 : i32
    %dma_wait3A_83 = arith.constant 0 : i32
    %dma_wait3A_84 = tpu.memref_slice %arg2[%dma_wait3A_82, %dma_wait3A_83] : memref<10000x128xf32, #tpu.memory_space<hbm>> -> memref<80x128xf32, #tpu.memory_space<hbm>>
    %dma_wait3A_85 = tpu.memref_slice %arg22[%dma_wait3A_81] : memref<4x!tpu.dma_semaphore, #tpu.memory_space<semaphore_mem>> -> memref<1x!tpu.dma_semaphore, #tpu.memory_space<semaphore_mem>>
    %dma_wait3A_86 = tpu.memref_squeeze %dma_wait3A_85 : memref<1x!tpu.dma_semaphore, #tpu.memory_space<semaphore_mem>> -> memref<!tpu.dma_semaphore, #tpu.memory_space<semaphore_mem>>
    %dma_wait3A_87 = arith.constant 0 : i32
    %dma_wait3A_88 = arith.constant 0 : i32
    %dma_wait3A_89 = tpu.memref_slice %arg2[%dma_wait3A_87, %dma_wait3A_88] : memref<10000x128xf32, #tpu.memory_space<hbm>> -> memref<80x128xf32, #tpu.memory_space<hbm>>
    tpu.wait_dma2 semaphore(%dma_wait3A_86 : memref<!tpu.dma_semaphore, #tpu.memory_space<semaphore_mem>>) src(%dma_wait3A_89 : memref<80x128xf32, #tpu.memory_space<hbm>>) dst(%arg17 : memref<80x128xf32, #tpu.memory_space<vmem>>)
    %dma_wait3A_90 = arith.constant 0 : i32
    %dma_wait3A_91 = arith.constant 0 : i32
    %dma_wait3A_92 = tpu.memref_slice %arg3[%dma_wait3A_91] : memref<320000xi32, #tpu.memory_space<hbm>> -> memref<80xi32, #tpu.memory_space<hbm>>
    %dma_wait3A_93 = tpu.memref_slice %arg19[%dma_wait3A_90] : memref<4x!tpu.dma_semaphore, #tpu.memory_space<semaphore_mem>> -> memref<1x!tpu.dma_semaphore, #tpu.memory_space<semaphore_mem>>
    %dma_wait3A_94 = tpu.memref_squeeze %dma_wait3A_93 : memref<1x!tpu.dma_semaphore, #tpu.memory_space<semaphore_mem>> -> memref<!tpu.dma_semaphore, #tpu.memory_space<semaphore_mem>>
    %dma_wait3A_95 = arith.constant 0 : i32
    %dma_wait3A_96 = tpu.memref_slice %arg3[%dma_wait3A_95] : memref<320000xi32, #tpu.memory_space<hbm>> -> memref<80xi32, #tpu.memory_space<hbm>>
    tpu.wait_dma2 semaphore(%dma_wait3A_94 : memref<!tpu.dma_semaphore, #tpu.memory_space<semaphore_mem>>) src(%dma_wait3A_96 : memref<80xi32, #tpu.memory_space<hbm>>) dst(%arg7 : memref<80xi32, #tpu.memory_space<vmem>>)
    %dma_start3A_97 = arith.constant 0 : i32
    %dma_start3A_98 = arith.constant 0 : i32
    %dma_start3A_99 = arith.constant 0 : i32
    %dma_start3A_100 = tpu.memref_slice %arg2[%dma_start3A_98, %dma_start3A_99] : memref<10000x128xf32, #tpu.memory_space<hbm>> -> memref<10000x128xf32, #tpu.memory_space<hbm>>
    %dma_start3A_101 = tpu.memref_slice %arg21[%dma_start3A_97] : memref<4x!tpu.dma_semaphore, #tpu.memory_space<semaphore_mem>> -> memref<1x!tpu.dma_semaphore, #tpu.memory_space<semaphore_mem>>
    %dma_start3A_102 = tpu.memref_squeeze %dma_start3A_101 : memref<1x!tpu.dma_semaphore, #tpu.memory_space<semaphore_mem>> -> memref<!tpu.dma_semaphore, #tpu.memory_space<semaphore_mem>>
    tpu.enqueue_indirect_dma source(%dma_start3A_100 : memref<10000x128xf32, #tpu.memory_space<hbm>>) target(%arg15 : memref<80x128xf32, #tpu.memory_space<vmem>>) offsets(%arg7 : memref<80xi32, #tpu.memory_space<vmem>>) semaphore(%dma_start3A_102 : memref<!tpu.dma_semaphore, #tpu.memory_space<semaphore_mem>>)
    %dma_wait3A_103 = arith.constant 0 : i32
    %dma_wait3A_104 = arith.constant 0 : i32
    %dma_wait3A_105 = arith.constant 0 : i32
    %dma_wait3A_106 = tpu.memref_slice %arg2[%dma_wait3A_104, %dma_wait3A_105] : memref<10000x128xf32, #tpu.memory_space<hbm>> -> memref<80x128xf32, #tpu.memory_space<hbm>>
    %dma_wait3A_107 = tpu.memref_slice %arg21[%dma_wait3A_103] : memref<4x!tpu.dma_semaphore, #tpu.memory_space<semaphore_mem>> -> memref<1x!tpu.dma_semaphore, #tpu.memory_space<semaphore_mem>>
    %dma_wait3A_108 = tpu.memref_squeeze %dma_wait3A_107 : memref<1x!tpu.dma_semaphore, #tpu.memory_space<semaphore_mem>> -> memref<!tpu.dma_semaphore, #tpu.memory_space<semaphore_mem>>
    %dma_wait3A_109 = arith.constant 0 : i32
    %dma_wait3A_110 = arith.constant 0 : i32
    %dma_wait3A_111 = tpu.memref_slice %arg2[%dma_wait3A_109, %dma_wait3A_110] : memref<10000x128xf32, #tpu.memory_space<hbm>> -> memref<80x128xf32, #tpu.memory_space<hbm>>
    tpu.wait_dma2 semaphore(%dma_wait3A_108 : memref<!tpu.dma_semaphore, #tpu.memory_space<semaphore_mem>>) src(%dma_wait3A_111 : memref<80x128xf32, #tpu.memory_space<hbm>>) dst(%arg15 : memref<80x128xf32, #tpu.memory_space<vmem>>)
    %dma_wait3A_112 = arith.constant 0 : i32
    %dma_wait3A_113 = arith.constant 0 : i32
    %dma_wait3A_114 = tpu.memref_slice %arg4[%dma_wait3A_113] : memref<320000xi32, #tpu.memory_space<hbm>> -> memref<80xi32, #tpu.memory_space<hbm>>
    %dma_wait3A_115 = tpu.memref_slice %arg20[%dma_wait3A_112] : memref<4x!tpu.dma_semaphore, #tpu.memory_space<semaphore_mem>> -> memref<1x!tpu.dma_semaphore, #tpu.memory_space<semaphore_mem>>
    %dma_wait3A_116 = tpu.memref_squeeze %dma_wait3A_115 : memref<1x!tpu.dma_semaphore, #tpu.memory_space<semaphore_mem>> -> memref<!tpu.dma_semaphore, #tpu.memory_space<semaphore_mem>>
    %dma_wait3A_117 = arith.constant 0 : i32
    %dma_wait3A_118 = tpu.memref_slice %arg4[%dma_wait3A_117] : memref<320000xi32, #tpu.memory_space<hbm>> -> memref<80xi32, #tpu.memory_space<hbm>>
    tpu.wait_dma2 semaphore(%dma_wait3A_116 : memref<!tpu.dma_semaphore, #tpu.memory_space<semaphore_mem>>) src(%dma_wait3A_118 : memref<80xi32, #tpu.memory_space<hbm>>) dst(%arg11 : memref<80xi32, #tpu.memory_space<vmem>>)
    %dma_start3A_119 = arith.constant 0 : i32
    %dma_start3A_120 = arith.constant 0 : i32
    %dma_start3A_121 = arith.constant 0 : i32
    %dma_start3A_122 = tpu.memref_slice %arg23[%dma_start3A_120, %dma_start3A_121] : memref<10000x128xf32, #tpu.memory_space<vmem_shared>> -> memref<10000x128xf32, #tpu.memory_space<vmem_shared>>
    %dma_start3A_123 = tpu.memref_slice %arg22[%dma_start3A_119] : memref<4x!tpu.dma_semaphore, #tpu.memory_space<semaphore_mem>> -> memref<1x!tpu.dma_semaphore, #tpu.memory_space<semaphore_mem>>
    %dma_start3A_124 = tpu.memref_squeeze %dma_start3A_123 : memref<1x!tpu.dma_semaphore, #tpu.memory_space<semaphore_mem>> -> memref<!tpu.dma_semaphore, #tpu.memory_space<semaphore_mem>>
    tpu.enqueue_indirect_dma source(%arg15 : memref<80x128xf32, #tpu.memory_space<vmem>>) target(%dma_start3A_122 : memref<10000x128xf32, #tpu.memory_space<vmem_shared>>) offsets(%arg11 : memref<80xi32, #tpu.memory_space<vmem>>) semaphore(%dma_start3A_124 : memref<!tpu.dma_semaphore, #tpu.memory_space<semaphore_mem>>) {add = true}
    %dma_wait3A_125 = arith.constant 0 : i32
    %dma_wait3A_126 = arith.constant 0 : i32
    %dma_wait3A_127 = arith.constant 0 : i32
    %dma_wait3A_128 = tpu.memref_slice %arg2[%dma_wait3A_126, %dma_wait3A_127] : memref<10000x128xf32, #tpu.memory_space<hbm>> -> memref<80x128xf32, #tpu.memory_space<hbm>>
    %dma_wait3A_129 = tpu.memref_slice %arg22[%dma_wait3A_125] : memref<4x!tpu.dma_semaphore, #tpu.memory_space<semaphore_mem>> -> memref<1x!tpu.dma_semaphore, #tpu.memory_space<semaphore_mem>>
    %dma_wait3A_130 = tpu.memref_squeeze %dma_wait3A_129 : memref<1x!tpu.dma_semaphore, #tpu.memory_space<semaphore_mem>> -> memref<!tpu.dma_semaphore, #tpu.memory_space<semaphore_mem>>
    %dma_wait3A_131 = arith.constant 0 : i32
    %dma_wait3A_132 = arith.constant 0 : i32
    %dma_wait3A_133 = tpu.memref_slice %arg2[%dma_wait3A_131, %dma_wait3A_132] : memref<10000x128xf32, #tpu.memory_space<hbm>> -> memref<80x128xf32, #tpu.memory_space<hbm>>
    tpu.wait_dma2 semaphore(%dma_wait3A_130 : memref<!tpu.dma_semaphore, #tpu.memory_space<semaphore_mem>>) src(%dma_wait3A_133 : memref<80x128xf32, #tpu.memory_space<hbm>>) dst(%arg15 : memref<80x128xf32, #tpu.memory_space<vmem>>)
    %dma_wait3A_134 = arith.constant 3 : i32
    %dma_wait3A_135 = arith.constant 0 : i32
    %dma_wait3A_136 = arith.constant 0 : i32
    %dma_wait3A_137 = tpu.memref_slice %arg2[%dma_wait3A_135, %dma_wait3A_136] : memref<10000x128xf32, #tpu.memory_space<hbm>> -> memref<80x128xf32, #tpu.memory_space<hbm>>
    %dma_wait3A_138 = tpu.memref_slice %arg22[%dma_wait3A_134] : memref<4x!tpu.dma_semaphore, #tpu.memory_space<semaphore_mem>> -> memref<1x!tpu.dma_semaphore, #tpu.memory_space<semaphore_mem>>
    %dma_wait3A_139 = tpu.memref_squeeze %dma_wait3A_138 : memref<1x!tpu.dma_semaphore, #tpu.memory_space<semaphore_mem>> -> memref<!tpu.dma_semaphore, #tpu.memory_space<semaphore_mem>>
    %dma_wait3A_140 = arith.constant 0 : i32
    %dma_wait3A_141 = arith.constant 0 : i32
    %dma_wait3A_142 = tpu.memref_slice %arg2[%dma_wait3A_140, %dma_wait3A_141] : memref<10000x128xf32, #tpu.memory_space<hbm>> -> memref<80x128xf32, #tpu.memory_space<hbm>>
    tpu.wait_dma2 semaphore(%dma_wait3A_139 : memref<!tpu.dma_semaphore, #tpu.memory_space<semaphore_mem>>) src(%dma_wait3A_142 : memref<80x128xf32, #tpu.memory_space<hbm>>) dst(%arg18 : memref<80x128xf32, #tpu.memory_space<vmem>>)
    %barrier3A_143 = arith.constant 0 : index
    tpu.barrier barrier_id(%barrier3A_143)
    %lt3A_144 = arith.constant 10 : i32
    %lt3A_145 = arith.cmpi slt, %arg1, %lt3A_144 : i32
    %convert_element_type3A_146 = arith.extui %lt3A_145 : i1 to i32
    %cond3A_147 = arith.constant 0 : i32
    %cond3A_148 = arith.cmpi ne, %convert_element_type3A_146, %cond3A_147 : i32
    scf.if %cond3A_148 {
      %mul3A_149 = arith.constant 1000 : i32
      %mul3A_150 = arith.muli %arg1, %mul3A_149 : i32
      %mul3A_151 = arith.constant 1000 : i32
      %mul3A_152 = arith.muli %arg1, %mul3A_151 : i32
      "tpu.region"() ({
        %run_scoped3A = tpu.sem_alloc : memref<!tpu.dma_semaphore, #tpu.memory_space<semaphore_mem>>
        %dma_start3A_153 = arith.constant 0 : i32
        %dma_start3A_154 = tpu.memref_slice %arg6[%arg0, %mul3A_152, %dma_start3A_153] : memref<2x10000x128xf32, #tpu.memory_space<hbm>> -> memref<1x1000x128xf32, #tpu.memory_space<hbm>>
        %dma_start3A_155 = tpu.memref_squeeze %dma_start3A_154 : memref<1x1000x128xf32, #tpu.memory_space<hbm>> -> memref<1000x128xf32, #tpu.memory_space<hbm>>
        %dma_start3A_156 = arith.constant 0 : i32
        %dma_start3A_157 = tpu.memref_slice %arg23[%mul3A_150, %dma_start3A_156] : memref<10000x128xf32, #tpu.memory_space<vmem_shared>> -> memref<1000x128xf32, #tpu.memory_space<vmem_shared>>
        tpu.enqueue_dma source(%dma_start3A_157 : memref<1000x128xf32, #tpu.memory_space<vmem_shared>>) target(%dma_start3A_155 : memref<1000x128xf32, #tpu.memory_space<hbm>>) target_semaphore(%run_scoped3A : memref<!tpu.dma_semaphore, #tpu.memory_space<semaphore_mem>>)
        %dma_wait3A_158 = arith.constant 0 : i32
        %dma_wait3A_159 = tpu.memref_slice %arg6[%arg0, %mul3A_152, %dma_wait3A_158] : memref<2x10000x128xf32, #tpu.memory_space<hbm>> -> memref<1x1000x128xf32, #tpu.memory_space<hbm>>
        %dma_wait3A_160 = tpu.memref_squeeze %dma_wait3A_159 : memref<1x1000x128xf32, #tpu.memory_space<hbm>> -> memref<1000x128xf32, #tpu.memory_space<hbm>>
        %dma_wait3A_161 = arith.constant 0 : i32
        %dma_wait3A_162 = tpu.memref_slice %arg23[%mul3A_150, %dma_wait3A_161] : memref<10000x128xf32, #tpu.memory_space<vmem_shared>> -> memref<1000x128xf32, #tpu.memory_space<vmem_shared>>
        tpu.wait_dma2 semaphore(%run_scoped3A : memref<!tpu.dma_semaphore, #tpu.memory_space<semaphore_mem>>) src(%dma_wait3A_162 : memref<1000x128xf32, #tpu.memory_space<vmem_shared>>) dst(%dma_wait3A_160 : memref<1000x128xf32, #tpu.memory_space<hbm>>)
        tpu.yield
      }) : () -> ()
    } else {
    }
    return
  }
}

#map = affine_map<(d0, d1) -> (0, 0)>
#map1 = affine_map<(d0, d1) -> (0)>
#map2 = affine_map<(d0, d1) -> (0, 0, 0)>
module attributes {stable_mosaic.version = 14 : i64} {
  func.func @_sc_scatter_body(%arg0: i32, %arg1: i32, %arg2: memref<10000x128xf32, #tpu.memory_space<hbm>>, %arg3: memref<320000xi32, #tpu.memory_space<hbm>>, %arg4: memref<320000xi32, #tpu.memory_space<hbm>>, %arg5: memref<10000x128xf32, #tpu.memory_space<hbm>>, %arg6: memref<2x10000x128xf32, #tpu.memory_space<hbm>>, %arg7: memref<80xi32, #tpu.memory_space<vmem>>, %arg8: memref<80xi32, #tpu.memory_space<vmem>>, %arg9: memref<80xi32, #tpu.memory_space<vmem>>, %arg10: memref<80xi32, #tpu.memory_space<vmem>>, %arg11: memref<80xi32, #tpu.memory_space<vmem>>, %arg12: memref<80xi32, #tpu.memory_space<vmem>>, %arg13: memref<80xi32, #tpu.memory_space<vmem>>, %arg14: memref<80xi32, #tpu.memory_space<vmem>>, %arg15: memref<80x128xf32, #tpu.memory_space<vmem>>, %arg16: memref<80x128xf32, #tpu.memory_space<vmem>>, %arg17: memref<80x128xf32, #tpu.memory_space<vmem>>, %arg18: memref<80x128xf32, #tpu.memory_space<vmem>>, %arg19: memref<4x!tpu.dma_semaphore, #tpu.memory_space<semaphore_mem>>, %arg20: memref<4x!tpu.dma_semaphore, #tpu.memory_space<semaphore_mem>>, %arg21: memref<4x!tpu.dma_semaphore, #tpu.memory_space<semaphore_mem>>, %arg22: memref<4x!tpu.dma_semaphore, #tpu.memory_space<semaphore_mem>>, %arg23: memref<10000x128xf32, #tpu.memory_space<vmem_shared>>) attributes {dimension_semantics = [#tpu.dimension_semantics<core_parallel>, #tpu.dimension_semantics<subcore_parallel>], iteration_bounds = array<i64: 2, 16>, scalar_prefetch = 0 : i64, scratch_operands = 17 : i64, tpu.core_type = #tpu.core_type<sc_vector_subcore>, window_params = [{transform_indices = #map}, {transform_indices = #map1}, {transform_indices = #map1}, {transform_indices = #map}, {transform_indices = #map2}]} {
    %mul3A = arith.constant 16 : i32
    %mul3A_0 = arith.muli %arg0, %mul3A : i32
    %add3A = arith.addi %mul3A_0, %arg1 : i32
    %lt3A = arith.constant 10 : i32
    %lt3A_1 = arith.cmpi slt, %arg1, %lt3A : i32
    %convert_element_type3A = arith.extui %lt3A_1 : i1 to i32
    %cond3A = arith.constant 0 : i32
    %cond3A_2 = arith.cmpi ne, %convert_element_type3A, %cond3A : i32
    scf.if %cond3A_2 {
      %mul3A_149 = arith.constant 1000 : i32
      %mul3A_150 = arith.muli %arg1, %mul3A_149 : i32
      %mul3A_151 = arith.constant 1000 : i32
      %mul3A_152 = arith.muli %arg1, %mul3A_151 : i32
      "tpu.region"() ({
        %run_scoped3A = tpu.sem_alloc : memref<!tpu.dma_semaphore, #tpu.memory_space<semaphore_mem>>
        %dma_start3A_153 = arith.constant 0 : i32
        %dma_start3A_154 = tpu.memref_slice %arg23[%mul3A_152, %dma_start3A_153] : memref<10000x128xf32, #tpu.memory_space<vmem_shared>> -> memref<1000x128xf32, #tpu.memory_space<vmem_shared>>
        %dma_start3A_155 = arith.constant 0 : i32
        %dma_start3A_156 = tpu.memref_slice %arg5[%mul3A_150, %dma_start3A_155] : memref<10000x128xf32, #tpu.memory_space<hbm>> -> memref<1000x128xf32, #tpu.memory_space<hbm>>
        tpu.enqueue_dma source(%dma_start3A_156 : memref<1000x128xf32, #tpu.memory_space<hbm>>) target(%dma_start3A_154 : memref<1000x128xf32, #tpu.memory_space<vmem_shared>>) target_semaphore(%run_scoped3A : memref<!tpu.dma_semaphore, #tpu.memory_space<semaphore_mem>>)
        %dma_wait3A_157 = arith.constant 0 : i32
        %dma_wait3A_158 = tpu.memref_slice %arg23[%mul3A_152, %dma_wait3A_157] : memref<10000x128xf32, #tpu.memory_space<vmem_shared>> -> memref<1000x128xf32, #tpu.memory_space<vmem_shared>>
        %dma_wait3A_159 = arith.constant 0 : i32
        %dma_wait3A_160 = tpu.memref_slice %arg5[%mul3A_150, %dma_wait3A_159] : memref<10000x128xf32, #tpu.memory_space<hbm>> -> memref<1000x128xf32, #tpu.memory_space<hbm>>
        tpu.wait_dma2 semaphore(%run_scoped3A : memref<!tpu.dma_semaphore, #tpu.memory_space<semaphore_mem>>) src(%dma_wait3A_160 : memref<1000x128xf32, #tpu.memory_space<hbm>>) dst(%dma_wait3A_158 : memref<1000x128xf32, #tpu.memory_space<vmem_shared>>)
        tpu.yield
      }) : () -> ()
    } else {
    }
    %barrier3A = arith.constant 0 : index
    tpu.barrier barrier_id(%barrier3A)
    %mul3A_3 = arith.constant 10000 : i32
    %mul3A_4 = arith.muli %add3A, %mul3A_3 : i32
    %add3A_5 = arith.constant 0 : i32
    %add3A_6 = arith.addi %mul3A_4, %add3A_5 : i32
    %multiple_of3A = tpu.assume_multiple %add3A_6, 8 : i32
    %dma_start3A = arith.constant 0 : i32
    %dma_start3A_7 = tpu.memref_slice %arg3[%multiple_of3A] : memref<320000xi32, #tpu.memory_space<hbm>> -> memref<80xi32, #tpu.memory_space<hbm>>
    %dma_start3A_8 = tpu.memref_slice %arg19[%dma_start3A] : memref<4x!tpu.dma_semaphore, #tpu.memory_space<semaphore_mem>> -> memref<1x!tpu.dma_semaphore, #tpu.memory_space<semaphore_mem>>
    %dma_start3A_9 = tpu.memref_squeeze %dma_start3A_8 : memref<1x!tpu.dma_semaphore, #tpu.memory_space<semaphore_mem>> -> memref<!tpu.dma_semaphore, #tpu.memory_space<semaphore_mem>>
    %dma_start3A_10 = tpu.memref_slice %arg3[%multiple_of3A] : memref<320000xi32, #tpu.memory_space<hbm>> -> memref<80xi32, #tpu.memory_space<hbm>>
    tpu.enqueue_dma source(%dma_start3A_10 : memref<80xi32, #tpu.memory_space<hbm>>) target(%arg7 : memref<80xi32, #tpu.memory_space<vmem>>) target_semaphore(%dma_start3A_9 : memref<!tpu.dma_semaphore, #tpu.memory_space<semaphore_mem>>)
    %dma_start3A_11 = arith.constant 0 : i32
    %dma_start3A_12 = tpu.memref_slice %arg4[%multiple_of3A] : memref<320000xi32, #tpu.memory_space<hbm>> -> memref<80xi32, #tpu.memory_space<hbm>>
    %dma_start3A_13 = tpu.memref_slice %arg20[%dma_start3A_11] : memref<4x!tpu.dma_semaphore, #tpu.memory_space<semaphore_mem>> -> memref<1x!tpu.dma_semaphore, #tpu.memory_space<semaphore_mem>>
    %dma_start3A_14 = tpu.memref_squeeze %dma_start3A_13 : memref<1x!tpu.dma_semaphore, #tpu.memory_space<semaphore_mem>> -> memref<!tpu.dma_semaphore, #tpu.memory_space<semaphore_mem>>
    %dma_start3A_15 = tpu.memref_slice %arg4[%multiple_of3A] : memref<320000xi32, #tpu.memory_space<hbm>> -> memref<80xi32, #tpu.memory_space<hbm>>
    tpu.enqueue_dma source(%dma_start3A_15 : memref<80xi32, #tpu.memory_space<hbm>>) target(%arg11 : memref<80xi32, #tpu.memory_space<vmem>>) target_semaphore(%dma_start3A_14 : memref<!tpu.dma_semaphore, #tpu.memory_space<semaphore_mem>>)
    %add3A_16 = arith.constant 80 : i32
    %add3A_17 = arith.addi %mul3A_4, %add3A_16 : i32
    %multiple_of3A_18 = tpu.assume_multiple %add3A_17, 8 : i32
    %dma_start3A_19 = arith.constant 1 : i32
    %dma_start3A_20 = tpu.memref_slice %arg3[%multiple_of3A_18] : memref<320000xi32, #tpu.memory_space<hbm>> -> memref<80xi32, #tpu.memory_space<hbm>>
    %dma_start3A_21 = tpu.memref_slice %arg19[%dma_start3A_19] : memref<4x!tpu.dma_semaphore, #tpu.memory_space<semaphore_mem>> -> memref<1x!tpu.dma_semaphore, #tpu.memory_space<semaphore_mem>>
    %dma_start3A_22 = tpu.memref_squeeze %dma_start3A_21 : memref<1x!tpu.dma_semaphore, #tpu.memory_space<semaphore_mem>> -> memref<!tpu.dma_semaphore, #tpu.memory_space<semaphore_mem>>
    %dma_start3A_23 = tpu.memref_slice %arg3[%multiple_of3A_18] : memref<320000xi32, #tpu.memory_space<hbm>> -> memref<80xi32, #tpu.memory_space<hbm>>
    tpu.enqueue_dma source(%dma_start3A_23 : memref<80xi32, #tpu.memory_space<hbm>>) target(%arg8 : memref<80xi32, #tpu.memory_space<vmem>>) target_semaphore(%dma_start3A_22 : memref<!tpu.dma_semaphore, #tpu.memory_space<semaphore_mem>>)
    %dma_start3A_24 = arith.constant 1 : i32
    %dma_start3A_25 = tpu.memref_slice %arg4[%multiple_of3A_18] : memref<320000xi32, #tpu.memory_space<hbm>> -> memref<80xi32, #tpu.memory_space<hbm>>
    %dma_start3A_26 = tpu.memref_slice %arg20[%dma_start3A_24] : memref<4x!tpu.dma_semaphore, #tpu.memory_space<semaphore_mem>> -> memref<1x!tpu.dma_semaphore, #tpu.memory_space<semaphore_mem>>
    %dma_start3A_27 = tpu.memref_squeeze %dma_start3A_26 : memref<1x!tpu.dma_semaphore, #tpu.memory_space<semaphore_mem>> -> memref<!tpu.dma_semaphore, #tpu.memory_space<semaphore_mem>>
    %dma_start3A_28 = tpu.memref_slice %arg4[%multiple_of3A_18] : memref<320000xi32, #tpu.memory_space<hbm>> -> memref<80xi32, #tpu.memory_space<hbm>>
    tpu.enqueue_dma source(%dma_start3A_28 : memref<80xi32, #tpu.memory_space<hbm>>) target(%arg12 : memref<80xi32, #tpu.memory_space<vmem>>) target_semaphore(%dma_start3A_27 : memref<!tpu.dma_semaphore, #tpu.memory_space<semaphore_mem>>)
    %add3A_29 = arith.constant 160 : i32
    %add3A_30 = arith.addi %mul3A_4, %add3A_29 : i32
    %multiple_of3A_31 = tpu.assume_multiple %add3A_30, 8 : i32
    %dma_start3A_32 = arith.constant 2 : i32
    %dma_start3A_33 = tpu.memref_slice %arg3[%multiple_of3A_31] : memref<320000xi32, #tpu.memory_space<hbm>> -> memref<80xi32, #tpu.memory_space<hbm>>
    %dma_start3A_34 = tpu.memref_slice %arg19[%dma_start3A_32] : memref<4x!tpu.dma_semaphore, #tpu.memory_space<semaphore_mem>> -> memref<1x!tpu.dma_semaphore, #tpu.memory_space<semaphore_mem>>
    %dma_start3A_35 = tpu.memref_squeeze %dma_start3A_34 : memref<1x!tpu.dma_semaphore, #tpu.memory_space<semaphore_mem>> -> memref<!tpu.dma_semaphore, #tpu.memory_space<semaphore_mem>>
    %dma_start3A_36 = tpu.memref_slice %arg3[%multiple_of3A_31] : memref<320000xi32, #tpu.memory_space<hbm>> -> memref<80xi32, #tpu.memory_space<hbm>>
    tpu.enqueue_dma source(%dma_start3A_36 : memref<80xi32, #tpu.memory_space<hbm>>) target(%arg9 : memref<80xi32, #tpu.memory_space<vmem>>) target_semaphore(%dma_start3A_35 : memref<!tpu.dma_semaphore, #tpu.memory_space<semaphore_mem>>)
    %dma_start3A_37 = arith.constant 2 : i32
    %dma_start3A_38 = tpu.memref_slice %arg4[%multiple_of3A_31] : memref<320000xi32, #tpu.memory_space<hbm>> -> memref<80xi32, #tpu.memory_space<hbm>>
    %dma_start3A_39 = tpu.memref_slice %arg20[%dma_start3A_37] : memref<4x!tpu.dma_semaphore, #tpu.memory_space<semaphore_mem>> -> memref<1x!tpu.dma_semaphore, #tpu.memory_space<semaphore_mem>>
    %dma_start3A_40 = tpu.memref_squeeze %dma_start3A_39 : memref<1x!tpu.dma_semaphore, #tpu.memory_space<semaphore_mem>> -> memref<!tpu.dma_semaphore, #tpu.memory_space<semaphore_mem>>
    %dma_start3A_41 = tpu.memref_slice %arg4[%multiple_of3A_31] : memref<320000xi32, #tpu.memory_space<hbm>> -> memref<80xi32, #tpu.memory_space<hbm>>
    tpu.enqueue_dma source(%dma_start3A_41 : memref<80xi32, #tpu.memory_space<hbm>>) target(%arg13 : memref<80xi32, #tpu.memory_space<vmem>>) target_semaphore(%dma_start3A_40 : memref<!tpu.dma_semaphore, #tpu.memory_space<semaphore_mem>>)
    %add3A_42 = arith.constant 240 : i32
    %add3A_43 = arith.addi %mul3A_4, %add3A_42 : i32
    %multiple_of3A_44 = tpu.assume_multiple %add3A_43, 8 : i32
    %dma_start3A_45 = arith.constant 3 : i32
    %dma_start3A_46 = tpu.memref_slice %arg3[%multiple_of3A_44] : memref<320000xi32, #tpu.memory_space<hbm>> -> memref<80xi32, #tpu.memory_space<hbm>>
    %dma_start3A_47 = tpu.memref_slice %arg19[%dma_start3A_45] : memref<4x!tpu.dma_semaphore, #tpu.memory_space<semaphore_mem>> -> memref<1x!tpu.dma_semaphore, #tpu.memory_space<semaphore_mem>>
    %dma_start3A_48 = tpu.memref_squeeze %dma_start3A_47 : memref<1x!tpu.dma_semaphore, #tpu.memory_space<semaphore_mem>> -> memref<!tpu.dma_semaphore, #tpu.memory_space<semaphore_mem>>
    %dma_start3A_49 = tpu.memref_slice %arg3[%multiple_of3A_44] : memref<320000xi32, #tpu.memory_space<hbm>> -> memref<80xi32, #tpu.memory_space<hbm>>
    tpu.enqueue_dma source(%dma_start3A_49 : memref<80xi32, #tpu.memory_space<hbm>>) target(%arg10 : memref<80xi32, #tpu.memory_space<vmem>>) target_semaphore(%dma_start3A_48 : memref<!tpu.dma_semaphore, #tpu.memory_space<semaphore_mem>>)
    %dma_start3A_50 = arith.constant 3 : i32
    %dma_start3A_51 = tpu.memref_slice %arg4[%multiple_of3A_44] : memref<320000xi32, #tpu.memory_space<hbm>> -> memref<80xi32, #tpu.memory_space<hbm>>
    %dma_start3A_52 = tpu.memref_slice %arg20[%dma_start3A_50] : memref<4x!tpu.dma_semaphore, #tpu.memory_space<semaphore_mem>> -> memref<1x!tpu.dma_semaphore, #tpu.memory_space<semaphore_mem>>
    %dma_start3A_53 = tpu.memref_squeeze %dma_start3A_52 : memref<1x!tpu.dma_semaphore, #tpu.memory_space<semaphore_mem>> -> memref<!tpu.dma_semaphore, #tpu.memory_space<semaphore_mem>>
    %dma_start3A_54 = tpu.memref_slice %arg4[%multiple_of3A_44] : memref<320000xi32, #tpu.memory_space<hbm>> -> memref<80xi32, #tpu.memory_space<hbm>>
    tpu.enqueue_dma source(%dma_start3A_54 : memref<80xi32, #tpu.memory_space<hbm>>) target(%arg14 : memref<80xi32, #tpu.memory_space<vmem>>) target_semaphore(%dma_start3A_53 : memref<!tpu.dma_semaphore, #tpu.memory_space<semaphore_mem>>)
    %dma_wait3A = arith.constant 0 : i32
    %dma_wait3A_55 = arith.constant 0 : i32
    %dma_wait3A_56 = tpu.memref_slice %arg3[%dma_wait3A_55] : memref<320000xi32, #tpu.memory_space<hbm>> -> memref<80xi32, #tpu.memory_space<hbm>>
    %dma_wait3A_57 = tpu.memref_slice %arg19[%dma_wait3A] : memref<4x!tpu.dma_semaphore, #tpu.memory_space<semaphore_mem>> -> memref<1x!tpu.dma_semaphore, #tpu.memory_space<semaphore_mem>>
    %dma_wait3A_58 = tpu.memref_squeeze %dma_wait3A_57 : memref<1x!tpu.dma_semaphore, #tpu.memory_space<semaphore_mem>> -> memref<!tpu.dma_semaphore, #tpu.memory_space<semaphore_mem>>
    %dma_wait3A_59 = arith.constant 0 : i32
    %dma_wait3A_60 = tpu.memref_slice %arg3[%dma_wait3A_59] : memref<320000xi32, #tpu.memory_space<hbm>> -> memref<80xi32, #tpu.memory_space<hbm>>
    tpu.wait_dma2 semaphore(%dma_wait3A_58 : memref<!tpu.dma_semaphore, #tpu.memory_space<semaphore_mem>>) src(%dma_wait3A_60 : memref<80xi32, #tpu.memory_space<hbm>>) dst(%arg7 : memref<80xi32, #tpu.memory_space<vmem>>)
    %dma_start3A_61 = arith.constant 0 : i32
    %dma_start3A_62 = arith.constant 0 : i32
    %dma_start3A_63 = arith.constant 0 : i32
    %dma_start3A_64 = tpu.memref_slice %arg2[%dma_start3A_62, %dma_start3A_63] : memref<10000x128xf32, #tpu.memory_space<hbm>> -> memref<10000x128xf32, #tpu.memory_space<hbm>>
    %dma_start3A_65 = tpu.memref_slice %arg21[%dma_start3A_61] : memref<4x!tpu.dma_semaphore, #tpu.memory_space<semaphore_mem>> -> memref<1x!tpu.dma_semaphore, #tpu.memory_space<semaphore_mem>>
    %dma_start3A_66 = tpu.memref_squeeze %dma_start3A_65 : memref<1x!tpu.dma_semaphore, #tpu.memory_space<semaphore_mem>> -> memref<!tpu.dma_semaphore, #tpu.memory_space<semaphore_mem>>
    tpu.enqueue_indirect_dma source(%dma_start3A_64 : memref<10000x128xf32, #tpu.memory_space<hbm>>) target(%arg15 : memref<80x128xf32, #tpu.memory_space<vmem>>) offsets(%arg7 : memref<80xi32, #tpu.memory_space<vmem>>) semaphore(%dma_start3A_66 : memref<!tpu.dma_semaphore, #tpu.memory_space<semaphore_mem>>)
    %scan3A = arith.constant 0 : i32
    %scan3A_67 = arith.constant 0 : i32
    %scan3A_68 = arith.constant 31 : i32
    %scan3A_69 = arith.addi %scan3A_67, %scan3A_68 : i32
    %scan3A_70 = arith.constant 1 : i32
    scf.for %scan3A_149 = %scan3A_67 to %scan3A_69 step %scan3A_70  : i32 {
      %mul3A_150 = arith.constant 4 : i32
      %mul3A_151 = arith.muli %mul3A_150, %scan3A_149 : i32
      %gt3A = arith.constant 0 : i32
      %gt3A_152 = arith.cmpi sgt, %scan3A_149, %gt3A : i32
      %convert_element_type3A_153 = arith.extui %gt3A_152 : i1 to i32
      %cond3A_154 = arith.constant 0 : i32
      %cond3A_155 = arith.cmpi ne, %convert_element_type3A_153, %cond3A_154 : i32
      scf.if %cond3A_155 {
        %dma_wait3A_313 = arith.constant 3 : i32
        %dma_wait3A_314 = arith.constant 0 : i32
        %dma_wait3A_315 = arith.constant 0 : i32
        %dma_wait3A_316 = tpu.memref_slice %arg2[%dma_wait3A_314, %dma_wait3A_315] : memref<10000x128xf32, #tpu.memory_space<hbm>> -> memref<80x128xf32, #tpu.memory_space<hbm>>
        %dma_wait3A_317 = tpu.memref_slice %arg22[%dma_wait3A_313] : memref<4x!tpu.dma_semaphore, #tpu.memory_space<semaphore_mem>> -> memref<1x!tpu.dma_semaphore, #tpu.memory_space<semaphore_mem>>
        %dma_wait3A_318 = tpu.memref_squeeze %dma_wait3A_317 : memref<1x!tpu.dma_semaphore, #tpu.memory_space<semaphore_mem>> -> memref<!tpu.dma_semaphore, #tpu.memory_space<semaphore_mem>>
        %dma_wait3A_319 = arith.constant 0 : i32
        %dma_wait3A_320 = arith.constant 0 : i32
        %dma_wait3A_321 = tpu.memref_slice %arg2[%dma_wait3A_319, %dma_wait3A_320] : memref<10000x128xf32, #tpu.memory_space<hbm>> -> memref<80x128xf32, #tpu.memory_space<hbm>>
        tpu.wait_dma2 semaphore(%dma_wait3A_318 : memref<!tpu.dma_semaphore, #tpu.memory_space<semaphore_mem>>) src(%dma_wait3A_321 : memref<80x128xf32, #tpu.memory_space<hbm>>) dst(%arg18 : memref<80x128xf32, #tpu.memory_space<vmem>>)
        %add3A_322 = arith.constant 3 : i32
        %add3A_323 = arith.addi %mul3A_151, %add3A_322 : i32
        %mul3A_324 = arith.constant 80 : i32
        %mul3A_325 = arith.muli %add3A_323, %mul3A_324 : i32
        %add3A_326 = arith.addi %mul3A_4, %mul3A_325 : i32
        %multiple_of3A_327 = tpu.assume_multiple %add3A_326, 8 : i32
        %dma_start3A_328 = arith.constant 3 : i32
        %dma_start3A_329 = tpu.memref_slice %arg3[%multiple_of3A_327] : memref<320000xi32, #tpu.memory_space<hbm>> -> memref<80xi32, #tpu.memory_space<hbm>>
        %dma_start3A_330 = tpu.memref_slice %arg19[%dma_start3A_328] : memref<4x!tpu.dma_semaphore, #tpu.memory_space<semaphore_mem>> -> memref<1x!tpu.dma_semaphore, #tpu.memory_space<semaphore_mem>>
        %dma_start3A_331 = tpu.memref_squeeze %dma_start3A_330 : memref<1x!tpu.dma_semaphore, #tpu.memory_space<semaphore_mem>> -> memref<!tpu.dma_semaphore, #tpu.memory_space<semaphore_mem>>
        %dma_start3A_332 = tpu.memref_slice %arg3[%multiple_of3A_327] : memref<320000xi32, #tpu.memory_space<hbm>> -> memref<80xi32, #tpu.memory_space<hbm>>
        tpu.enqueue_dma source(%dma_start3A_332 : memref<80xi32, #tpu.memory_space<hbm>>) target(%arg10 : memref<80xi32, #tpu.memory_space<vmem>>) target_semaphore(%dma_start3A_331 : memref<!tpu.dma_semaphore, #tpu.memory_space<semaphore_mem>>)
        %dma_start3A_333 = arith.constant 3 : i32
        %dma_start3A_334 = tpu.memref_slice %arg4[%multiple_of3A_327] : memref<320000xi32, #tpu.memory_space<hbm>> -> memref<80xi32, #tpu.memory_space<hbm>>
        %dma_start3A_335 = tpu.memref_slice %arg20[%dma_start3A_333] : memref<4x!tpu.dma_semaphore, #tpu.memory_space<semaphore_mem>> -> memref<1x!tpu.dma_semaphore, #tpu.memory_space<semaphore_mem>>
        %dma_start3A_336 = tpu.memref_squeeze %dma_start3A_335 : memref<1x!tpu.dma_semaphore, #tpu.memory_space<semaphore_mem>> -> memref<!tpu.dma_semaphore, #tpu.memory_space<semaphore_mem>>
        %dma_start3A_337 = tpu.memref_slice %arg4[%multiple_of3A_327] : memref<320000xi32, #tpu.memory_space<hbm>> -> memref<80xi32, #tpu.memory_space<hbm>>
        tpu.enqueue_dma source(%dma_start3A_337 : memref<80xi32, #tpu.memory_space<hbm>>) target(%arg14 : memref<80xi32, #tpu.memory_space<vmem>>) target_semaphore(%dma_start3A_336 : memref<!tpu.dma_semaphore, #tpu.memory_space<semaphore_mem>>)
      } else {
      }
      %dma_wait3A_156 = arith.constant 1 : i32
      %dma_wait3A_157 = arith.constant 0 : i32
      %dma_wait3A_158 = tpu.memref_slice %arg3[%dma_wait3A_157] : memref<320000xi32, #tpu.memory_space<hbm>> -> memref<80xi32, #tpu.memory_space<hbm>>
      %dma_wait3A_159 = tpu.memref_slice %arg19[%dma_wait3A_156] : memref<4x!tpu.dma_semaphore, #tpu.memory_space<semaphore_mem>> -> memref<1x!tpu.dma_semaphore, #tpu.memory_space<semaphore_mem>>
      %dma_wait3A_160 = tpu.memref_squeeze %dma_wait3A_159 : memref<1x!tpu.dma_semaphore, #tpu.memory_space<semaphore_mem>> -> memref<!tpu.dma_semaphore, #tpu.memory_space<semaphore_mem>>
      %dma_wait3A_161 = arith.constant 0 : i32
      %dma_wait3A_162 = tpu.memref_slice %arg3[%dma_wait3A_161] : memref<320000xi32, #tpu.memory_space<hbm>> -> memref<80xi32, #tpu.memory_space<hbm>>
      tpu.wait_dma2 semaphore(%dma_wait3A_160 : memref<!tpu.dma_semaphore, #tpu.memory_space<semaphore_mem>>) src(%dma_wait3A_162 : memref<80xi32, #tpu.memory_space<hbm>>) dst(%arg8 : memref<80xi32, #tpu.memory_space<vmem>>)
      %dma_start3A_163 = arith.constant 1 : i32
      %dma_start3A_164 = arith.constant 0 : i32
      %dma_start3A_165 = arith.constant 0 : i32
      %dma_start3A_166 = tpu.memref_slice %arg2[%dma_start3A_164, %dma_start3A_165] : memref<10000x128xf32, #tpu.memory_space<hbm>> -> memref<10000x128xf32, #tpu.memory_space<hbm>>
      %dma_start3A_167 = tpu.memref_slice %arg21[%dma_start3A_163] : memref<4x!tpu.dma_semaphore, #tpu.memory_space<semaphore_mem>> -> memref<1x!tpu.dma_semaphore, #tpu.memory_space<semaphore_mem>>
      %dma_start3A_168 = tpu.memref_squeeze %dma_start3A_167 : memref<1x!tpu.dma_semaphore, #tpu.memory_space<semaphore_mem>> -> memref<!tpu.dma_semaphore, #tpu.memory_space<semaphore_mem>>
      tpu.enqueue_indirect_dma source(%dma_start3A_166 : memref<10000x128xf32, #tpu.memory_space<hbm>>) target(%arg16 : memref<80x128xf32, #tpu.memory_space<vmem>>) offsets(%arg8 : memref<80xi32, #tpu.memory_space<vmem>>) semaphore(%dma_start3A_168 : memref<!tpu.dma_semaphore, #tpu.memory_space<semaphore_mem>>)
      %dma_wait3A_169 = arith.constant 0 : i32
      %dma_wait3A_170 = arith.constant 0 : i32
      %dma_wait3A_171 = arith.constant 0 : i32
      %dma_wait3A_172 = tpu.memref_slice %arg2[%dma_wait3A_170, %dma_wait3A_171] : memref<10000x128xf32, #tpu.memory_space<hbm>> -> memref<80x128xf32, #tpu.memory_space<hbm>>
      %dma_wait3A_173 = tpu.memref_slice %arg21[%dma_wait3A_169] : memref<4x!tpu.dma_semaphore, #tpu.memory_space<semaphore_mem>> -> memref<1x!tpu.dma_semaphore, #tpu.memory_space<semaphore_mem>>
      %dma_wait3A_174 = tpu.memref_squeeze %dma_wait3A_173 : memref<1x!tpu.dma_semaphore, #tpu.memory_space<semaphore_mem>> -> memref<!tpu.dma_semaphore, #tpu.memory_space<semaphore_mem>>
      %dma_wait3A_175 = arith.constant 0 : i32
      %dma_wait3A_176 = arith.constant 0 : i32
      %dma_wait3A_177 = tpu.memref_slice %arg2[%dma_wait3A_175, %dma_wait3A_176] : memref<10000x128xf32, #tpu.memory_space<hbm>> -> memref<80x128xf32, #tpu.memory_space<hbm>>
      tpu.wait_dma2 semaphore(%dma_wait3A_174 : memref<!tpu.dma_semaphore, #tpu.memory_space<semaphore_mem>>) src(%dma_wait3A_177 : memref<80x128xf32, #tpu.memory_space<hbm>>) dst(%arg15 : memref<80x128xf32, #tpu.memory_space<vmem>>)
      %dma_wait3A_178 = arith.constant 0 : i32
      %dma_wait3A_179 = arith.constant 0 : i32
      %dma_wait3A_180 = tpu.memref_slice %arg4[%dma_wait3A_179] : memref<320000xi32, #tpu.memory_space<hbm>> -> memref<80xi32, #tpu.memory_space<hbm>>
      %dma_wait3A_181 = tpu.memref_slice %arg20[%dma_wait3A_178] : memref<4x!tpu.dma_semaphore, #tpu.memory_space<semaphore_mem>> -> memref<1x!tpu.dma_semaphore, #tpu.memory_space<semaphore_mem>>
      %dma_wait3A_182 = tpu.memref_squeeze %dma_wait3A_181 : memref<1x!tpu.dma_semaphore, #tpu.memory_space<semaphore_mem>> -> memref<!tpu.dma_semaphore, #tpu.memory_space<semaphore_mem>>
      %dma_wait3A_183 = arith.constant 0 : i32
      %dma_wait3A_184 = tpu.memref_slice %arg4[%dma_wait3A_183] : memref<320000xi32, #tpu.memory_space<hbm>> -> memref<80xi32, #tpu.memory_space<hbm>>
      tpu.wait_dma2 semaphore(%dma_wait3A_182 : memref<!tpu.dma_semaphore, #tpu.memory_space<semaphore_mem>>) src(%dma_wait3A_184 : memref<80xi32, #tpu.memory_space<hbm>>) dst(%arg11 : memref<80xi32, #tpu.memory_space<vmem>>)
      %dma_start3A_185 = arith.constant 0 : i32
      %dma_start3A_186 = arith.constant 0 : i32
      %dma_start3A_187 = arith.constant 0 : i32
      %dma_start3A_188 = tpu.memref_slice %arg23[%dma_start3A_186, %dma_start3A_187] : memref<10000x128xf32, #tpu.memory_space<vmem_shared>> -> memref<10000x128xf32, #tpu.memory_space<vmem_shared>>
      %dma_start3A_189 = tpu.memref_slice %arg22[%dma_start3A_185] : memref<4x!tpu.dma_semaphore, #tpu.memory_space<semaphore_mem>> -> memref<1x!tpu.dma_semaphore, #tpu.memory_space<semaphore_mem>>
      %dma_start3A_190 = tpu.memref_squeeze %dma_start3A_189 : memref<1x!tpu.dma_semaphore, #tpu.memory_space<semaphore_mem>> -> memref<!tpu.dma_semaphore, #tpu.memory_space<semaphore_mem>>
      tpu.enqueue_indirect_dma source(%arg15 : memref<80x128xf32, #tpu.memory_space<vmem>>) target(%dma_start3A_188 : memref<10000x128xf32, #tpu.memory_space<vmem_shared>>) offsets(%arg11 : memref<80xi32, #tpu.memory_space<vmem>>) semaphore(%dma_start3A_190 : memref<!tpu.dma_semaphore, #tpu.memory_space<semaphore_mem>>) {add = true}
      %dma_wait3A_191 = arith.constant 2 : i32
      %dma_wait3A_192 = arith.constant 0 : i32
      %dma_wait3A_193 = tpu.memref_slice %arg3[%dma_wait3A_192] : memref<320000xi32, #tpu.memory_space<hbm>> -> memref<80xi32, #tpu.memory_space<hbm>>
      %dma_wait3A_194 = tpu.memref_slice %arg19[%dma_wait3A_191] : memref<4x!tpu.dma_semaphore, #tpu.memory_space<semaphore_mem>> -> memref<1x!tpu.dma_semaphore, #tpu.memory_space<semaphore_mem>>
      %dma_wait3A_195 = tpu.memref_squeeze %dma_wait3A_194 : memref<1x!tpu.dma_semaphore, #tpu.memory_space<semaphore_mem>> -> memref<!tpu.dma_semaphore, #tpu.memory_space<semaphore_mem>>
      %dma_wait3A_196 = arith.constant 0 : i32
      %dma_wait3A_197 = tpu.memref_slice %arg3[%dma_wait3A_196] : memref<320000xi32, #tpu.memory_space<hbm>> -> memref<80xi32, #tpu.memory_space<hbm>>
      tpu.wait_dma2 semaphore(%dma_wait3A_195 : memref<!tpu.dma_semaphore, #tpu.memory_space<semaphore_mem>>) src(%dma_wait3A_197 : memref<80xi32, #tpu.memory_space<hbm>>) dst(%arg9 : memref<80xi32, #tpu.memory_space<vmem>>)
      %dma_start3A_198 = arith.constant 2 : i32
      %dma_start3A_199 = arith.constant 0 : i32
      %dma_start3A_200 = arith.constant 0 : i32
      %dma_start3A_201 = tpu.memref_slice %arg2[%dma_start3A_199, %dma_start3A_200] : memref<10000x128xf32, #tpu.memory_space<hbm>> -> memref<10000x128xf32, #tpu.memory_space<hbm>>
      %dma_start3A_202 = tpu.memref_slice %arg21[%dma_start3A_198] : memref<4x!tpu.dma_semaphore, #tpu.memory_space<semaphore_mem>> -> memref<1x!tpu.dma_semaphore, #tpu.memory_space<semaphore_mem>>
      %dma_start3A_203 = tpu.memref_squeeze %dma_start3A_202 : memref<1x!tpu.dma_semaphore, #tpu.memory_space<semaphore_mem>> -> memref<!tpu.dma_semaphore, #tpu.memory_space<semaphore_mem>>
      tpu.enqueue_indirect_dma source(%dma_start3A_201 : memref<10000x128xf32, #tpu.memory_space<hbm>>) target(%arg17 : memref<80x128xf32, #tpu.memory_space<vmem>>) offsets(%arg9 : memref<80xi32, #tpu.memory_space<vmem>>) semaphore(%dma_start3A_203 : memref<!tpu.dma_semaphore, #tpu.memory_space<semaphore_mem>>)
      %dma_wait3A_204 = arith.constant 1 : i32
      %dma_wait3A_205 = arith.constant 0 : i32
      %dma_wait3A_206 = arith.constant 0 : i32
      %dma_wait3A_207 = tpu.memref_slice %arg2[%dma_wait3A_205, %dma_wait3A_206] : memref<10000x128xf32, #tpu.memory_space<hbm>> -> memref<80x128xf32, #tpu.memory_space<hbm>>
      %dma_wait3A_208 = tpu.memref_slice %arg21[%dma_wait3A_204] : memref<4x!tpu.dma_semaphore, #tpu.memory_space<semaphore_mem>> -> memref<1x!tpu.dma_semaphore, #tpu.memory_space<semaphore_mem>>
      %dma_wait3A_209 = tpu.memref_squeeze %dma_wait3A_208 : memref<1x!tpu.dma_semaphore, #tpu.memory_space<semaphore_mem>> -> memref<!tpu.dma_semaphore, #tpu.memory_space<semaphore_mem>>
      %dma_wait3A_210 = arith.constant 0 : i32
      %dma_wait3A_211 = arith.constant 0 : i32
      %dma_wait3A_212 = tpu.memref_slice %arg2[%dma_wait3A_210, %dma_wait3A_211] : memref<10000x128xf32, #tpu.memory_space<hbm>> -> memref<80x128xf32, #tpu.memory_space<hbm>>
      tpu.wait_dma2 semaphore(%dma_wait3A_209 : memref<!tpu.dma_semaphore, #tpu.memory_space<semaphore_mem>>) src(%dma_wait3A_212 : memref<80x128xf32, #tpu.memory_space<hbm>>) dst(%arg16 : memref<80x128xf32, #tpu.memory_space<vmem>>)
      %dma_wait3A_213 = arith.constant 1 : i32
      %dma_wait3A_214 = arith.constant 0 : i32
      %dma_wait3A_215 = tpu.memref_slice %arg4[%dma_wait3A_214] : memref<320000xi32, #tpu.memory_space<hbm>> -> memref<80xi32, #tpu.memory_space<hbm>>
      %dma_wait3A_216 = tpu.memref_slice %arg20[%dma_wait3A_213] : memref<4x!tpu.dma_semaphore, #tpu.memory_space<semaphore_mem>> -> memref<1x!tpu.dma_semaphore, #tpu.memory_space<semaphore_mem>>
      %dma_wait3A_217 = tpu.memref_squeeze %dma_wait3A_216 : memref<1x!tpu.dma_semaphore, #tpu.memory_space<semaphore_mem>> -> memref<!tpu.dma_semaphore, #tpu.memory_space<semaphore_mem>>
      %dma_wait3A_218 = arith.constant 0 : i32
      %dma_wait3A_219 = tpu.memref_slice %arg4[%dma_wait3A_218] : memref<320000xi32, #tpu.memory_space<hbm>> -> memref<80xi32, #tpu.memory_space<hbm>>
      tpu.wait_dma2 semaphore(%dma_wait3A_217 : memref<!tpu.dma_semaphore, #tpu.memory_space<semaphore_mem>>) src(%dma_wait3A_219 : memref<80xi32, #tpu.memory_space<hbm>>) dst(%arg12 : memref<80xi32, #tpu.memory_space<vmem>>)
      %dma_start3A_220 = arith.constant 1 : i32
      %dma_start3A_221 = arith.constant 0 : i32
      %dma_start3A_222 = arith.constant 0 : i32
      %dma_start3A_223 = tpu.memref_slice %arg23[%dma_start3A_221, %dma_start3A_222] : memref<10000x128xf32, #tpu.memory_space<vmem_shared>> -> memref<10000x128xf32, #tpu.memory_space<vmem_shared>>
      %dma_start3A_224 = tpu.memref_slice %arg22[%dma_start3A_220] : memref<4x!tpu.dma_semaphore, #tpu.memory_space<semaphore_mem>> -> memref<1x!tpu.dma_semaphore, #tpu.memory_space<semaphore_mem>>
      %dma_start3A_225 = tpu.memref_squeeze %dma_start3A_224 : memref<1x!tpu.dma_semaphore, #tpu.memory_space<semaphore_mem>> -> memref<!tpu.dma_semaphore, #tpu.memory_space<semaphore_mem>>
      tpu.enqueue_indirect_dma source(%arg16 : memref<80x128xf32, #tpu.memory_space<vmem>>) target(%dma_start3A_223 : memref<10000x128xf32, #tpu.memory_space<vmem_shared>>) offsets(%arg12 : memref<80xi32, #tpu.memory_space<vmem>>) semaphore(%dma_start3A_225 : memref<!tpu.dma_semaphore, #tpu.memory_space<semaphore_mem>>) {add = true}
      %dma_wait3A_226 = arith.constant 3 : i32
      %dma_wait3A_227 = arith.constant 0 : i32
      %dma_wait3A_228 = tpu.memref_slice %arg3[%dma_wait3A_227] : memref<320000xi32, #tpu.memory_space<hbm>> -> memref<80xi32, #tpu.memory_space<hbm>>
      %dma_wait3A_229 = tpu.memref_slice %arg19[%dma_wait3A_226] : memref<4x!tpu.dma_semaphore, #tpu.memory_space<semaphore_mem>> -> memref<1x!tpu.dma_semaphore, #tpu.memory_space<semaphore_mem>>
      %dma_wait3A_230 = tpu.memref_squeeze %dma_wait3A_229 : memref<1x!tpu.dma_semaphore, #tpu.memory_space<semaphore_mem>> -> memref<!tpu.dma_semaphore, #tpu.memory_space<semaphore_mem>>
      %dma_wait3A_231 = arith.constant 0 : i32
      %dma_wait3A_232 = tpu.memref_slice %arg3[%dma_wait3A_231] : memref<320000xi32, #tpu.memory_space<hbm>> -> memref<80xi32, #tpu.memory_space<hbm>>
      tpu.wait_dma2 semaphore(%dma_wait3A_230 : memref<!tpu.dma_semaphore, #tpu.memory_space<semaphore_mem>>) src(%dma_wait3A_232 : memref<80xi32, #tpu.memory_space<hbm>>) dst(%arg10 : memref<80xi32, #tpu.memory_space<vmem>>)
      %dma_start3A_233 = arith.constant 3 : i32
      %dma_start3A_234 = arith.constant 0 : i32
      %dma_start3A_235 = arith.constant 0 : i32
      %dma_start3A_236 = tpu.memref_slice %arg2[%dma_start3A_234, %dma_start3A_235] : memref<10000x128xf32, #tpu.memory_space<hbm>> -> memref<10000x128xf32, #tpu.memory_space<hbm>>
      %dma_start3A_237 = tpu.memref_slice %arg21[%dma_start3A_233] : memref<4x!tpu.dma_semaphore, #tpu.memory_space<semaphore_mem>> -> memref<1x!tpu.dma_semaphore, #tpu.memory_space<semaphore_mem>>
      %dma_start3A_238 = tpu.memref_squeeze %dma_start3A_237 : memref<1x!tpu.dma_semaphore, #tpu.memory_space<semaphore_mem>> -> memref<!tpu.dma_semaphore, #tpu.memory_space<semaphore_mem>>
      tpu.enqueue_indirect_dma source(%dma_start3A_236 : memref<10000x128xf32, #tpu.memory_space<hbm>>) target(%arg18 : memref<80x128xf32, #tpu.memory_space<vmem>>) offsets(%arg10 : memref<80xi32, #tpu.memory_space<vmem>>) semaphore(%dma_start3A_238 : memref<!tpu.dma_semaphore, #tpu.memory_space<semaphore_mem>>)
      %dma_wait3A_239 = arith.constant 2 : i32
      %dma_wait3A_240 = arith.constant 0 : i32
      %dma_wait3A_241 = arith.constant 0 : i32
      %dma_wait3A_242 = tpu.memref_slice %arg2[%dma_wait3A_240, %dma_wait3A_241] : memref<10000x128xf32, #tpu.memory_space<hbm>> -> memref<80x128xf32, #tpu.memory_space<hbm>>
      %dma_wait3A_243 = tpu.memref_slice %arg21[%dma_wait3A_239] : memref<4x!tpu.dma_semaphore, #tpu.memory_space<semaphore_mem>> -> memref<1x!tpu.dma_semaphore, #tpu.memory_space<semaphore_mem>>
      %dma_wait3A_244 = tpu.memref_squeeze %dma_wait3A_243 : memref<1x!tpu.dma_semaphore, #tpu.memory_space<semaphore_mem>> -> memref<!tpu.dma_semaphore, #tpu.memory_space<semaphore_mem>>
      %dma_wait3A_245 = arith.constant 0 : i32
      %dma_wait3A_246 = arith.constant 0 : i32
      %dma_wait3A_247 = tpu.memref_slice %arg2[%dma_wait3A_245, %dma_wait3A_246] : memref<10000x128xf32, #tpu.memory_space<hbm>> -> memref<80x128xf32, #tpu.memory_space<hbm>>
      tpu.wait_dma2 semaphore(%dma_wait3A_244 : memref<!tpu.dma_semaphore, #tpu.memory_space<semaphore_mem>>) src(%dma_wait3A_247 : memref<80x128xf32, #tpu.memory_space<hbm>>) dst(%arg17 : memref<80x128xf32, #tpu.memory_space<vmem>>)
      %dma_wait3A_248 = arith.constant 2 : i32
      %dma_wait3A_249 = arith.constant 0 : i32
      %dma_wait3A_250 = tpu.memref_slice %arg4[%dma_wait3A_249] : memref<320000xi32, #tpu.memory_space<hbm>> -> memref<80xi32, #tpu.memory_space<hbm>>
      %dma_wait3A_251 = tpu.memref_slice %arg20[%dma_wait3A_248] : memref<4x!tpu.dma_semaphore, #tpu.memory_space<semaphore_mem>> -> memref<1x!tpu.dma_semaphore, #tpu.memory_space<semaphore_mem>>
      %dma_wait3A_252 = tpu.memref_squeeze %dma_wait3A_251 : memref<1x!tpu.dma_semaphore, #tpu.memory_space<semaphore_mem>> -> memref<!tpu.dma_semaphore, #tpu.memory_space<semaphore_mem>>
      %dma_wait3A_253 = arith.constant 0 : i32
      %dma_wait3A_254 = tpu.memref_slice %arg4[%dma_wait3A_253] : memref<320000xi32, #tpu.memory_space<hbm>> -> memref<80xi32, #tpu.memory_space<hbm>>
      tpu.wait_dma2 semaphore(%dma_wait3A_252 : memref<!tpu.dma_semaphore, #tpu.memory_space<semaphore_mem>>) src(%dma_wait3A_254 : memref<80xi32, #tpu.memory_space<hbm>>) dst(%arg13 : memref<80xi32, #tpu.memory_space<vmem>>)
      %dma_start3A_255 = arith.constant 2 : i32
      %dma_start3A_256 = arith.constant 0 : i32
      %dma_start3A_257 = arith.constant 0 : i32
      %dma_start3A_258 = tpu.memref_slice %arg23[%dma_start3A_256, %dma_start3A_257] : memref<10000x128xf32, #tpu.memory_space<vmem_shared>> -> memref<10000x128xf32, #tpu.memory_space<vmem_shared>>
      %dma_start3A_259 = tpu.memref_slice %arg22[%dma_start3A_255] : memref<4x!tpu.dma_semaphore, #tpu.memory_space<semaphore_mem>> -> memref<1x!tpu.dma_semaphore, #tpu.memory_space<semaphore_mem>>
      %dma_start3A_260 = tpu.memref_squeeze %dma_start3A_259 : memref<1x!tpu.dma_semaphore, #tpu.memory_space<semaphore_mem>> -> memref<!tpu.dma_semaphore, #tpu.memory_space<semaphore_mem>>
      tpu.enqueue_indirect_dma source(%arg17 : memref<80x128xf32, #tpu.memory_space<vmem>>) target(%dma_start3A_258 : memref<10000x128xf32, #tpu.memory_space<vmem_shared>>) offsets(%arg13 : memref<80xi32, #tpu.memory_space<vmem>>) semaphore(%dma_start3A_260 : memref<!tpu.dma_semaphore, #tpu.memory_space<semaphore_mem>>) {add = true}
      %dma_wait3A_261 = arith.constant 0 : i32
      %dma_wait3A_262 = arith.constant 0 : i32
      %dma_wait3A_263 = arith.constant 0 : i32
      %dma_wait3A_264 = tpu.memref_slice %arg2[%dma_wait3A_262, %dma_wait3A_263] : memref<10000x128xf32, #tpu.memory_space<hbm>> -> memref<80x128xf32, #tpu.memory_space<hbm>>
      %dma_wait3A_265 = tpu.memref_slice %arg22[%dma_wait3A_261] : memref<4x!tpu.dma_semaphore, #tpu.memory_space<semaphore_mem>> -> memref<1x!tpu.dma_semaphore, #tpu.memory_space<semaphore_mem>>
      %dma_wait3A_266 = tpu.memref_squeeze %dma_wait3A_265 : memref<1x!tpu.dma_semaphore, #tpu.memory_space<semaphore_mem>> -> memref<!tpu.dma_semaphore, #tpu.memory_space<semaphore_mem>>
      %dma_wait3A_267 = arith.constant 0 : i32
      %dma_wait3A_268 = arith.constant 0 : i32
      %dma_wait3A_269 = tpu.memref_slice %arg2[%dma_wait3A_267, %dma_wait3A_268] : memref<10000x128xf32, #tpu.memory_space<hbm>> -> memref<80x128xf32, #tpu.memory_space<hbm>>
      tpu.wait_dma2 semaphore(%dma_wait3A_266 : memref<!tpu.dma_semaphore, #tpu.memory_space<semaphore_mem>>) src(%dma_wait3A_269 : memref<80x128xf32, #tpu.memory_space<hbm>>) dst(%arg15 : memref<80x128xf32, #tpu.memory_space<vmem>>)
      %add3A_270 = arith.constant 4 : i32
      %add3A_271 = arith.addi %mul3A_151, %add3A_270 : i32
      %mul3A_272 = arith.constant 80 : i32
      %mul3A_273 = arith.muli %add3A_271, %mul3A_272 : i32
      %add3A_274 = arith.addi %mul3A_4, %mul3A_273 : i32
      %multiple_of3A_275 = tpu.assume_multiple %add3A_274, 8 : i32
      %dma_start3A_276 = arith.constant 0 : i32
      %dma_start3A_277 = tpu.memref_slice %arg3[%multiple_of3A_275] : memref<320000xi32, #tpu.memory_space<hbm>> -> memref<80xi32, #tpu.memory_space<hbm>>
      %dma_start3A_278 = tpu.memref_slice %arg19[%dma_start3A_276] : memref<4x!tpu.dma_semaphore, #tpu.memory_space<semaphore_mem>> -> memref<1x!tpu.dma_semaphore, #tpu.memory_space<semaphore_mem>>
      %dma_start3A_279 = tpu.memref_squeeze %dma_start3A_278 : memref<1x!tpu.dma_semaphore, #tpu.memory_space<semaphore_mem>> -> memref<!tpu.dma_semaphore, #tpu.memory_space<semaphore_mem>>
      %dma_start3A_280 = tpu.memref_slice %arg3[%multiple_of3A_275] : memref<320000xi32, #tpu.memory_space<hbm>> -> memref<80xi32, #tpu.memory_space<hbm>>
      tpu.enqueue_dma source(%dma_start3A_280 : memref<80xi32, #tpu.memory_space<hbm>>) target(%arg7 : memref<80xi32, #tpu.memory_space<vmem>>) target_semaphore(%dma_start3A_279 : memref<!tpu.dma_semaphore, #tpu.memory_space<semaphore_mem>>)
      %dma_start3A_281 = arith.constant 0 : i32
      %dma_start3A_282 = tpu.memref_slice %arg4[%multiple_of3A_275] : memref<320000xi32, #tpu.memory_space<hbm>> -> memref<80xi32, #tpu.memory_space<hbm>>
      %dma_start3A_283 = tpu.memref_slice %arg20[%dma_start3A_281] : memref<4x!tpu.dma_semaphore, #tpu.memory_space<semaphore_mem>> -> memref<1x!tpu.dma_semaphore, #tpu.memory_space<semaphore_mem>>
      %dma_start3A_284 = tpu.memref_squeeze %dma_start3A_283 : memref<1x!tpu.dma_semaphore, #tpu.memory_space<semaphore_mem>> -> memref<!tpu.dma_semaphore, #tpu.memory_space<semaphore_mem>>
      %dma_start3A_285 = tpu.memref_slice %arg4[%multiple_of3A_275] : memref<320000xi32, #tpu.memory_space<hbm>> -> memref<80xi32, #tpu.memory_space<hbm>>
      tpu.enqueue_dma source(%dma_start3A_285 : memref<80xi32, #tpu.memory_space<hbm>>) target(%arg11 : memref<80xi32, #tpu.memory_space<vmem>>) target_semaphore(%dma_start3A_284 : memref<!tpu.dma_semaphore, #tpu.memory_space<semaphore_mem>>)
      %dma_wait3A_286 = arith.constant 3 : i32
      %dma_wait3A_287 = arith.constant 0 : i32
      %dma_wait3A_288 = arith.constant 0 : i32
      %dma_wait3A_289 = tpu.memref_slice %arg2[%dma_wait3A_287, %dma_wait3A_288] : memref<10000x128xf32, #tpu.memory_space<hbm>> -> memref<80x128xf32, #tpu.memory_space<hbm>>
      %dma_wait3A_290 = tpu.memref_slice %arg21[%dma_wait3A_286] : memref<4x!tpu.dma_semaphore, #tpu.memory_space<semaphore_mem>> -> memref<1x!tpu.dma_semaphore, #tpu.memory_space<semaphore_mem>>
      %dma_wait3A_291 = tpu.memref_squeeze %dma_wait3A_290 : memref<1x!tpu.dma_semaphore, #tpu.memory_space<semaphore_mem>> -> memref<!tpu.dma_semaphore, #tpu.memory_space<semaphore_mem>>
      %dma_wait3A_292 = arith.constant 0 : i32
      %dma_wait3A_293 = arith.constant 0 : i32
      %dma_wait3A_294 = tpu.memref_slice %arg2[%dma_wait3A_292, %dma_wait3A_293] : memref<10000x128xf32, #tpu.memory_space<hbm>> -> memref<80x128xf32, #tpu.memory_space<hbm>>
      tpu.wait_dma2 semaphore(%dma_wait3A_291 : memref<!tpu.dma_semaphore, #tpu.memory_space<semaphore_mem>>) src(%dma_wait3A_294 : memref<80x128xf32, #tpu.memory_space<hbm>>) dst(%arg18 : memref<80x128xf32, #tpu.memory_space<vmem>>)
      %dma_wait3A_295 = arith.constant 3 : i32
      %dma_wait3A_296 = arith.constant 0 : i32
      %dma_wait3A_297 = tpu.memref_slice %arg4[%dma_wait3A_296] : memref<320000xi32, #tpu.memory_space<hbm>> -> memref<80xi32, #tpu.memory_space<hbm>>
      %dma_wait3A_298 = tpu.memref_slice %arg20[%dma_wait3A_295] : memref<4x!tpu.dma_semaphore, #tpu.memory_space<semaphore_mem>> -> memref<1x!tpu.dma_semaphore, #tpu.memory_space<semaphore_mem>>
      %dma_wait3A_299 = tpu.memref_squeeze %dma_wait3A_298 : memref<1x!tpu.dma_semaphore, #tpu.memory_space<semaphore_mem>> -> memref<!tpu.dma_semaphore, #tpu.memory_space<semaphore_mem>>
      %dma_wait3A_300 = arith.constant 0 : i32
      %dma_wait3A_301 = tpu.memref_slice %arg4[%dma_wait3A_300] : memref<320000xi32, #tpu.memory_space<hbm>> -> memref<80xi32, #tpu.memory_space<hbm>>
      tpu.wait_dma2 semaphore(%dma_wait3A_299 : memref<!tpu.dma_semaphore, #tpu.memory_space<semaphore_mem>>) src(%dma_wait3A_301 : memref<80xi32, #tpu.memory_space<hbm>>) dst(%arg14 : memref<80xi32, #tpu.memory_space<vmem>>)
      %dma_start3A_302 = arith.constant 3 : i32
      %dma_start3A_303 = arith.constant 0 : i32
      %dma_start3A_304 = arith.constant 0 : i32
      %dma_start3A_305 = tpu.memref_slice %arg23[%dma_start3A_303, %dma_start3A_304] : memref<10000x128xf32, #tpu.memory_space<vmem_shared>> -> memref<10000x128xf32, #tpu.memory_space<vmem_shared>>
      %dma_start3A_306 = tpu.memref_slice %arg22[%dma_start3A_302] : memref<4x!tpu.dma_semaphore, #tpu.memory_space<semaphore_mem>> -> memref<1x!tpu.dma_semaphore, #tpu.memory_space<semaphore_mem>>
      %dma_start3A_307 = tpu.memref_squeeze %dma_start3A_306 : memref<1x!tpu.dma_semaphore, #tpu.memory_space<semaphore_mem>> -> memref<!tpu.dma_semaphore, #tpu.memory_space<semaphore_mem>>
      tpu.enqueue_indirect_dma source(%arg18 : memref<80x128xf32, #tpu.memory_space<vmem>>) target(%dma_start3A_305 : memref<10000x128xf32, #tpu.memory_space<vmem_shared>>) offsets(%arg14 : memref<80xi32, #tpu.memory_space<vmem>>) semaphore(%dma_start3A_307 : memref<!tpu.dma_semaphore, #tpu.memory_space<semaphore_mem>>) {add = true}
      %lt3A_308 = arith.constant 30 : i32
      %lt3A_309 = arith.cmpi slt, %scan3A_149, %lt3A_308 : i32
      %convert_element_type3A_310 = arith.extui %lt3A_309 : i1 to i32
      %cond3A_311 = arith.constant 0 : i32
      %cond3A_312 = arith.cmpi ne, %convert_element_type3A_310, %cond3A_311 : i32
      scf.if %cond3A_312 {
        %dma_wait3A_313 = arith.constant 1 : i32
        %dma_wait3A_314 = arith.constant 0 : i32
        %dma_wait3A_315 = arith.constant 0 : i32
        %dma_wait3A_316 = tpu.memref_slice %arg2[%dma_wait3A_314, %dma_wait3A_315] : memref<10000x128xf32, #tpu.memory_space<hbm>> -> memref<80x128xf32, #tpu.memory_space<hbm>>
        %dma_wait3A_317 = tpu.memref_slice %arg22[%dma_wait3A_313] : memref<4x!tpu.dma_semaphore, #tpu.memory_space<semaphore_mem>> -> memref<1x!tpu.dma_semaphore, #tpu.memory_space<semaphore_mem>>
        %dma_wait3A_318 = tpu.memref_squeeze %dma_wait3A_317 : memref<1x!tpu.dma_semaphore, #tpu.memory_space<semaphore_mem>> -> memref<!tpu.dma_semaphore, #tpu.memory_space<semaphore_mem>>
        %dma_wait3A_319 = arith.constant 0 : i32
        %dma_wait3A_320 = arith.constant 0 : i32
        %dma_wait3A_321 = tpu.memref_slice %arg2[%dma_wait3A_319, %dma_wait3A_320] : memref<10000x128xf32, #tpu.memory_space<hbm>> -> memref<80x128xf32, #tpu.memory_space<hbm>>
        tpu.wait_dma2 semaphore(%dma_wait3A_318 : memref<!tpu.dma_semaphore, #tpu.memory_space<semaphore_mem>>) src(%dma_wait3A_321 : memref<80x128xf32, #tpu.memory_space<hbm>>) dst(%arg16 : memref<80x128xf32, #tpu.memory_space<vmem>>)
        %add3A_322 = arith.constant 5 : i32
        %add3A_323 = arith.addi %mul3A_151, %add3A_322 : i32
        %mul3A_324 = arith.constant 80 : i32
        %mul3A_325 = arith.muli %add3A_323, %mul3A_324 : i32
        %add3A_326 = arith.addi %mul3A_4, %mul3A_325 : i32
        %multiple_of3A_327 = tpu.assume_multiple %add3A_326, 8 : i32
        %dma_start3A_328 = arith.constant 1 : i32
        %dma_start3A_329 = tpu.memref_slice %arg3[%multiple_of3A_327] : memref<320000xi32, #tpu.memory_space<hbm>> -> memref<80xi32, #tpu.memory_space<hbm>>
        %dma_start3A_330 = tpu.memref_slice %arg19[%dma_start3A_328] : memref<4x!tpu.dma_semaphore, #tpu.memory_space<semaphore_mem>> -> memref<1x!tpu.dma_semaphore, #tpu.memory_space<semaphore_mem>>
        %dma_start3A_331 = tpu.memref_squeeze %dma_start3A_330 : memref<1x!tpu.dma_semaphore, #tpu.memory_space<semaphore_mem>> -> memref<!tpu.dma_semaphore, #tpu.memory_space<semaphore_mem>>
        %dma_start3A_332 = tpu.memref_slice %arg3[%multiple_of3A_327] : memref<320000xi32, #tpu.memory_space<hbm>> -> memref<80xi32, #tpu.memory_space<hbm>>
        tpu.enqueue_dma source(%dma_start3A_332 : memref<80xi32, #tpu.memory_space<hbm>>) target(%arg8 : memref<80xi32, #tpu.memory_space<vmem>>) target_semaphore(%dma_start3A_331 : memref<!tpu.dma_semaphore, #tpu.memory_space<semaphore_mem>>)
        %dma_start3A_333 = arith.constant 1 : i32
        %dma_start3A_334 = tpu.memref_slice %arg4[%multiple_of3A_327] : memref<320000xi32, #tpu.memory_space<hbm>> -> memref<80xi32, #tpu.memory_space<hbm>>
        %dma_start3A_335 = tpu.memref_slice %arg20[%dma_start3A_333] : memref<4x!tpu.dma_semaphore, #tpu.memory_space<semaphore_mem>> -> memref<1x!tpu.dma_semaphore, #tpu.memory_space<semaphore_mem>>
        %dma_start3A_336 = tpu.memref_squeeze %dma_start3A_335 : memref<1x!tpu.dma_semaphore, #tpu.memory_space<semaphore_mem>> -> memref<!tpu.dma_semaphore, #tpu.memory_space<semaphore_mem>>
        %dma_start3A_337 = tpu.memref_slice %arg4[%multiple_of3A_327] : memref<320000xi32, #tpu.memory_space<hbm>> -> memref<80xi32, #tpu.memory_space<hbm>>
        tpu.enqueue_dma source(%dma_start3A_337 : memref<80xi32, #tpu.memory_space<hbm>>) target(%arg12 : memref<80xi32, #tpu.memory_space<vmem>>) target_semaphore(%dma_start3A_336 : memref<!tpu.dma_semaphore, #tpu.memory_space<semaphore_mem>>)
        %dma_wait3A_338 = arith.constant 2 : i32
        %dma_wait3A_339 = arith.constant 0 : i32
        %dma_wait3A_340 = arith.constant 0 : i32
        %dma_wait3A_341 = tpu.memref_slice %arg2[%dma_wait3A_339, %dma_wait3A_340] : memref<10000x128xf32, #tpu.memory_space<hbm>> -> memref<80x128xf32, #tpu.memory_space<hbm>>
        %dma_wait3A_342 = tpu.memref_slice %arg22[%dma_wait3A_338] : memref<4x!tpu.dma_semaphore, #tpu.memory_space<semaphore_mem>> -> memref<1x!tpu.dma_semaphore, #tpu.memory_space<semaphore_mem>>
        %dma_wait3A_343 = tpu.memref_squeeze %dma_wait3A_342 : memref<1x!tpu.dma_semaphore, #tpu.memory_space<semaphore_mem>> -> memref<!tpu.dma_semaphore, #tpu.memory_space<semaphore_mem>>
        %dma_wait3A_344 = arith.constant 0 : i32
        %dma_wait3A_345 = arith.constant 0 : i32
        %dma_wait3A_346 = tpu.memref_slice %arg2[%dma_wait3A_344, %dma_wait3A_345] : memref<10000x128xf32, #tpu.memory_space<hbm>> -> memref<80x128xf32, #tpu.memory_space<hbm>>
        tpu.wait_dma2 semaphore(%dma_wait3A_343 : memref<!tpu.dma_semaphore, #tpu.memory_space<semaphore_mem>>) src(%dma_wait3A_346 : memref<80x128xf32, #tpu.memory_space<hbm>>) dst(%arg17 : memref<80x128xf32, #tpu.memory_space<vmem>>)
        %add3A_347 = arith.constant 6 : i32
        %add3A_348 = arith.addi %mul3A_151, %add3A_347 : i32
        %mul3A_349 = arith.constant 80 : i32
        %mul3A_350 = arith.muli %add3A_348, %mul3A_349 : i32
        %add3A_351 = arith.addi %mul3A_4, %mul3A_350 : i32
        %multiple_of3A_352 = tpu.assume_multiple %add3A_351, 8 : i32
        %dma_start3A_353 = arith.constant 2 : i32
        %dma_start3A_354 = tpu.memref_slice %arg3[%multiple_of3A_352] : memref<320000xi32, #tpu.memory_space<hbm>> -> memref<80xi32, #tpu.memory_space<hbm>>
        %dma_start3A_355 = tpu.memref_slice %arg19[%dma_start3A_353] : memref<4x!tpu.dma_semaphore, #tpu.memory_space<semaphore_mem>> -> memref<1x!tpu.dma_semaphore, #tpu.memory_space<semaphore_mem>>
        %dma_start3A_356 = tpu.memref_squeeze %dma_start3A_355 : memref<1x!tpu.dma_semaphore, #tpu.memory_space<semaphore_mem>> -> memref<!tpu.dma_semaphore, #tpu.memory_space<semaphore_mem>>
        %dma_start3A_357 = tpu.memref_slice %arg3[%multiple_of3A_352] : memref<320000xi32, #tpu.memory_space<hbm>> -> memref<80xi32, #tpu.memory_space<hbm>>
        tpu.enqueue_dma source(%dma_start3A_357 : memref<80xi32, #tpu.memory_space<hbm>>) target(%arg9 : memref<80xi32, #tpu.memory_space<vmem>>) target_semaphore(%dma_start3A_356 : memref<!tpu.dma_semaphore, #tpu.memory_space<semaphore_mem>>)
        %dma_start3A_358 = arith.constant 2 : i32
        %dma_start3A_359 = tpu.memref_slice %arg4[%multiple_of3A_352] : memref<320000xi32, #tpu.memory_space<hbm>> -> memref<80xi32, #tpu.memory_space<hbm>>
        %dma_start3A_360 = tpu.memref_slice %arg20[%dma_start3A_358] : memref<4x!tpu.dma_semaphore, #tpu.memory_space<semaphore_mem>> -> memref<1x!tpu.dma_semaphore, #tpu.memory_space<semaphore_mem>>
        %dma_start3A_361 = tpu.memref_squeeze %dma_start3A_360 : memref<1x!tpu.dma_semaphore, #tpu.memory_space<semaphore_mem>> -> memref<!tpu.dma_semaphore, #tpu.memory_space<semaphore_mem>>
        %dma_start3A_362 = tpu.memref_slice %arg4[%multiple_of3A_352] : memref<320000xi32, #tpu.memory_space<hbm>> -> memref<80xi32, #tpu.memory_space<hbm>>
        tpu.enqueue_dma source(%dma_start3A_362 : memref<80xi32, #tpu.memory_space<hbm>>) target(%arg13 : memref<80xi32, #tpu.memory_space<vmem>>) target_semaphore(%dma_start3A_361 : memref<!tpu.dma_semaphore, #tpu.memory_space<semaphore_mem>>)
        %dma_wait3A_363 = arith.constant 0 : i32
        %dma_wait3A_364 = arith.constant 0 : i32
        %dma_wait3A_365 = tpu.memref_slice %arg3[%dma_wait3A_364] : memref<320000xi32, #tpu.memory_space<hbm>> -> memref<80xi32, #tpu.memory_space<hbm>>
        %dma_wait3A_366 = tpu.memref_slice %arg19[%dma_wait3A_363] : memref<4x!tpu.dma_semaphore, #tpu.memory_space<semaphore_mem>> -> memref<1x!tpu.dma_semaphore, #tpu.memory_space<semaphore_mem>>
        %dma_wait3A_367 = tpu.memref_squeeze %dma_wait3A_366 : memref<1x!tpu.dma_semaphore, #tpu.memory_space<semaphore_mem>> -> memref<!tpu.dma_semaphore, #tpu.memory_space<semaphore_mem>>
        %dma_wait3A_368 = arith.constant 0 : i32
        %dma_wait3A_369 = tpu.memref_slice %arg3[%dma_wait3A_368] : memref<320000xi32, #tpu.memory_space<hbm>> -> memref<80xi32, #tpu.memory_space<hbm>>
        tpu.wait_dma2 semaphore(%dma_wait3A_367 : memref<!tpu.dma_semaphore, #tpu.memory_space<semaphore_mem>>) src(%dma_wait3A_369 : memref<80xi32, #tpu.memory_space<hbm>>) dst(%arg7 : memref<80xi32, #tpu.memory_space<vmem>>)
        %dma_start3A_370 = arith.constant 0 : i32
        %dma_start3A_371 = arith.constant 0 : i32
        %dma_start3A_372 = arith.constant 0 : i32
        %dma_start3A_373 = tpu.memref_slice %arg2[%dma_start3A_371, %dma_start3A_372] : memref<10000x128xf32, #tpu.memory_space<hbm>> -> memref<10000x128xf32, #tpu.memory_space<hbm>>
        %dma_start3A_374 = tpu.memref_slice %arg21[%dma_start3A_370] : memref<4x!tpu.dma_semaphore, #tpu.memory_space<semaphore_mem>> -> memref<1x!tpu.dma_semaphore, #tpu.memory_space<semaphore_mem>>
        %dma_start3A_375 = tpu.memref_squeeze %dma_start3A_374 : memref<1x!tpu.dma_semaphore, #tpu.memory_space<semaphore_mem>> -> memref<!tpu.dma_semaphore, #tpu.memory_space<semaphore_mem>>
        tpu.enqueue_indirect_dma source(%dma_start3A_373 : memref<10000x128xf32, #tpu.memory_space<hbm>>) target(%arg15 : memref<80x128xf32, #tpu.memory_space<vmem>>) offsets(%arg7 : memref<80xi32, #tpu.memory_space<vmem>>) semaphore(%dma_start3A_375 : memref<!tpu.dma_semaphore, #tpu.memory_space<semaphore_mem>>)
      } else {
      }
    }
    %scan3A_71 = arith.constant 31 : i32
    %dma_wait3A_72 = arith.constant 1 : i32
    %dma_wait3A_73 = arith.constant 0 : i32
    %dma_wait3A_74 = arith.constant 0 : i32
    %dma_wait3A_75 = tpu.memref_slice %arg2[%dma_wait3A_73, %dma_wait3A_74] : memref<10000x128xf32, #tpu.memory_space<hbm>> -> memref<80x128xf32, #tpu.memory_space<hbm>>
    %dma_wait3A_76 = tpu.memref_slice %arg22[%dma_wait3A_72] : memref<4x!tpu.dma_semaphore, #tpu.memory_space<semaphore_mem>> -> memref<1x!tpu.dma_semaphore, #tpu.memory_space<semaphore_mem>>
    %dma_wait3A_77 = tpu.memref_squeeze %dma_wait3A_76 : memref<1x!tpu.dma_semaphore, #tpu.memory_space<semaphore_mem>> -> memref<!tpu.dma_semaphore, #tpu.memory_space<semaphore_mem>>
    %dma_wait3A_78 = arith.constant 0 : i32
    %dma_wait3A_79 = arith.constant 0 : i32
    %dma_wait3A_80 = tpu.memref_slice %arg2[%dma_wait3A_78, %dma_wait3A_79] : memref<10000x128xf32, #tpu.memory_space<hbm>> -> memref<80x128xf32, #tpu.memory_space<hbm>>
    tpu.wait_dma2 semaphore(%dma_wait3A_77 : memref<!tpu.dma_semaphore, #tpu.memory_space<semaphore_mem>>) src(%dma_wait3A_80 : memref<80x128xf32, #tpu.memory_space<hbm>>) dst(%arg16 : memref<80x128xf32, #tpu.memory_space<vmem>>)
    %dma_wait3A_81 = arith.constant 2 : i32
    %dma_wait3A_82 = arith.constant 0 : i32
    %dma_wait3A_83 = arith.constant 0 : i32
    %dma_wait3A_84 = tpu.memref_slice %arg2[%dma_wait3A_82, %dma_wait3A_83] : memref<10000x128xf32, #tpu.memory_space<hbm>> -> memref<80x128xf32, #tpu.memory_space<hbm>>
    %dma_wait3A_85 = tpu.memref_slice %arg22[%dma_wait3A_81] : memref<4x!tpu.dma_semaphore, #tpu.memory_space<semaphore_mem>> -> memref<1x!tpu.dma_semaphore, #tpu.memory_space<semaphore_mem>>
    %dma_wait3A_86 = tpu.memref_squeeze %dma_wait3A_85 : memref<1x!tpu.dma_semaphore, #tpu.memory_space<semaphore_mem>> -> memref<!tpu.dma_semaphore, #tpu.memory_space<semaphore_mem>>
    %dma_wait3A_87 = arith.constant 0 : i32
    %dma_wait3A_88 = arith.constant 0 : i32
    %dma_wait3A_89 = tpu.memref_slice %arg2[%dma_wait3A_87, %dma_wait3A_88] : memref<10000x128xf32, #tpu.memory_space<hbm>> -> memref<80x128xf32, #tpu.memory_space<hbm>>
    tpu.wait_dma2 semaphore(%dma_wait3A_86 : memref<!tpu.dma_semaphore, #tpu.memory_space<semaphore_mem>>) src(%dma_wait3A_89 : memref<80x128xf32, #tpu.memory_space<hbm>>) dst(%arg17 : memref<80x128xf32, #tpu.memory_space<vmem>>)
    %dma_wait3A_90 = arith.constant 0 : i32
    %dma_wait3A_91 = arith.constant 0 : i32
    %dma_wait3A_92 = tpu.memref_slice %arg3[%dma_wait3A_91] : memref<320000xi32, #tpu.memory_space<hbm>> -> memref<80xi32, #tpu.memory_space<hbm>>
    %dma_wait3A_93 = tpu.memref_slice %arg19[%dma_wait3A_90] : memref<4x!tpu.dma_semaphore, #tpu.memory_space<semaphore_mem>> -> memref<1x!tpu.dma_semaphore, #tpu.memory_space<semaphore_mem>>
    %dma_wait3A_94 = tpu.memref_squeeze %dma_wait3A_93 : memref<1x!tpu.dma_semaphore, #tpu.memory_space<semaphore_mem>> -> memref<!tpu.dma_semaphore, #tpu.memory_space<semaphore_mem>>
    %dma_wait3A_95 = arith.constant 0 : i32
    %dma_wait3A_96 = tpu.memref_slice %arg3[%dma_wait3A_95] : memref<320000xi32, #tpu.memory_space<hbm>> -> memref<80xi32, #tpu.memory_space<hbm>>
    tpu.wait_dma2 semaphore(%dma_wait3A_94 : memref<!tpu.dma_semaphore, #tpu.memory_space<semaphore_mem>>) src(%dma_wait3A_96 : memref<80xi32, #tpu.memory_space<hbm>>) dst(%arg7 : memref<80xi32, #tpu.memory_space<vmem>>)
    %dma_start3A_97 = arith.constant 0 : i32
    %dma_start3A_98 = arith.constant 0 : i32
    %dma_start3A_99 = arith.constant 0 : i32
    %dma_start3A_100 = tpu.memref_slice %arg2[%dma_start3A_98, %dma_start3A_99] : memref<10000x128xf32, #tpu.memory_space<hbm>> -> memref<10000x128xf32, #tpu.memory_space<hbm>>
    %dma_start3A_101 = tpu.memref_slice %arg21[%dma_start3A_97] : memref<4x!tpu.dma_semaphore, #tpu.memory_space<semaphore_mem>> -> memref<1x!tpu.dma_semaphore, #tpu.memory_space<semaphore_mem>>
    %dma_start3A_102 = tpu.memref_squeeze %dma_start3A_101 : memref<1x!tpu.dma_semaphore, #tpu.memory_space<semaphore_mem>> -> memref<!tpu.dma_semaphore, #tpu.memory_space<semaphore_mem>>
    tpu.enqueue_indirect_dma source(%dma_start3A_100 : memref<10000x128xf32, #tpu.memory_space<hbm>>) target(%arg15 : memref<80x128xf32, #tpu.memory_space<vmem>>) offsets(%arg7 : memref<80xi32, #tpu.memory_space<vmem>>) semaphore(%dma_start3A_102 : memref<!tpu.dma_semaphore, #tpu.memory_space<semaphore_mem>>)
    %dma_wait3A_103 = arith.constant 0 : i32
    %dma_wait3A_104 = arith.constant 0 : i32
    %dma_wait3A_105 = arith.constant 0 : i32
    %dma_wait3A_106 = tpu.memref_slice %arg2[%dma_wait3A_104, %dma_wait3A_105] : memref<10000x128xf32, #tpu.memory_space<hbm>> -> memref<80x128xf32, #tpu.memory_space<hbm>>
    %dma_wait3A_107 = tpu.memref_slice %arg21[%dma_wait3A_103] : memref<4x!tpu.dma_semaphore, #tpu.memory_space<semaphore_mem>> -> memref<1x!tpu.dma_semaphore, #tpu.memory_space<semaphore_mem>>
    %dma_wait3A_108 = tpu.memref_squeeze %dma_wait3A_107 : memref<1x!tpu.dma_semaphore, #tpu.memory_space<semaphore_mem>> -> memref<!tpu.dma_semaphore, #tpu.memory_space<semaphore_mem>>
    %dma_wait3A_109 = arith.constant 0 : i32
    %dma_wait3A_110 = arith.constant 0 : i32
    %dma_wait3A_111 = tpu.memref_slice %arg2[%dma_wait3A_109, %dma_wait3A_110] : memref<10000x128xf32, #tpu.memory_space<hbm>> -> memref<80x128xf32, #tpu.memory_space<hbm>>
    tpu.wait_dma2 semaphore(%dma_wait3A_108 : memref<!tpu.dma_semaphore, #tpu.memory_space<semaphore_mem>>) src(%dma_wait3A_111 : memref<80x128xf32, #tpu.memory_space<hbm>>) dst(%arg15 : memref<80x128xf32, #tpu.memory_space<vmem>>)
    %dma_wait3A_112 = arith.constant 0 : i32
    %dma_wait3A_113 = arith.constant 0 : i32
    %dma_wait3A_114 = tpu.memref_slice %arg4[%dma_wait3A_113] : memref<320000xi32, #tpu.memory_space<hbm>> -> memref<80xi32, #tpu.memory_space<hbm>>
    %dma_wait3A_115 = tpu.memref_slice %arg20[%dma_wait3A_112] : memref<4x!tpu.dma_semaphore, #tpu.memory_space<semaphore_mem>> -> memref<1x!tpu.dma_semaphore, #tpu.memory_space<semaphore_mem>>
    %dma_wait3A_116 = tpu.memref_squeeze %dma_wait3A_115 : memref<1x!tpu.dma_semaphore, #tpu.memory_space<semaphore_mem>> -> memref<!tpu.dma_semaphore, #tpu.memory_space<semaphore_mem>>
    %dma_wait3A_117 = arith.constant 0 : i32
    %dma_wait3A_118 = tpu.memref_slice %arg4[%dma_wait3A_117] : memref<320000xi32, #tpu.memory_space<hbm>> -> memref<80xi32, #tpu.memory_space<hbm>>
    tpu.wait_dma2 semaphore(%dma_wait3A_116 : memref<!tpu.dma_semaphore, #tpu.memory_space<semaphore_mem>>) src(%dma_wait3A_118 : memref<80xi32, #tpu.memory_space<hbm>>) dst(%arg11 : memref<80xi32, #tpu.memory_space<vmem>>)
    %dma_start3A_119 = arith.constant 0 : i32
    %dma_start3A_120 = arith.constant 0 : i32
    %dma_start3A_121 = arith.constant 0 : i32
    %dma_start3A_122 = tpu.memref_slice %arg23[%dma_start3A_120, %dma_start3A_121] : memref<10000x128xf32, #tpu.memory_space<vmem_shared>> -> memref<10000x128xf32, #tpu.memory_space<vmem_shared>>
    %dma_start3A_123 = tpu.memref_slice %arg22[%dma_start3A_119] : memref<4x!tpu.dma_semaphore, #tpu.memory_space<semaphore_mem>> -> memref<1x!tpu.dma_semaphore, #tpu.memory_space<semaphore_mem>>
    %dma_start3A_124 = tpu.memref_squeeze %dma_start3A_123 : memref<1x!tpu.dma_semaphore, #tpu.memory_space<semaphore_mem>> -> memref<!tpu.dma_semaphore, #tpu.memory_space<semaphore_mem>>
    tpu.enqueue_indirect_dma source(%arg15 : memref<80x128xf32, #tpu.memory_space<vmem>>) target(%dma_start3A_122 : memref<10000x128xf32, #tpu.memory_space<vmem_shared>>) offsets(%arg11 : memref<80xi32, #tpu.memory_space<vmem>>) semaphore(%dma_start3A_124 : memref<!tpu.dma_semaphore, #tpu.memory_space<semaphore_mem>>) {add = true}
    %dma_wait3A_125 = arith.constant 0 : i32
    %dma_wait3A_126 = arith.constant 0 : i32
    %dma_wait3A_127 = arith.constant 0 : i32
    %dma_wait3A_128 = tpu.memref_slice %arg2[%dma_wait3A_126, %dma_wait3A_127] : memref<10000x128xf32, #tpu.memory_space<hbm>> -> memref<80x128xf32, #tpu.memory_space<hbm>>
    %dma_wait3A_129 = tpu.memref_slice %arg22[%dma_wait3A_125] : memref<4x!tpu.dma_semaphore, #tpu.memory_space<semaphore_mem>> -> memref<1x!tpu.dma_semaphore, #tpu.memory_space<semaphore_mem>>
    %dma_wait3A_130 = tpu.memref_squeeze %dma_wait3A_129 : memref<1x!tpu.dma_semaphore, #tpu.memory_space<semaphore_mem>> -> memref<!tpu.dma_semaphore, #tpu.memory_space<semaphore_mem>>
    %dma_wait3A_131 = arith.constant 0 : i32
    %dma_wait3A_132 = arith.constant 0 : i32
    %dma_wait3A_133 = tpu.memref_slice %arg2[%dma_wait3A_131, %dma_wait3A_132] : memref<10000x128xf32, #tpu.memory_space<hbm>> -> memref<80x128xf32, #tpu.memory_space<hbm>>
    tpu.wait_dma2 semaphore(%dma_wait3A_130 : memref<!tpu.dma_semaphore, #tpu.memory_space<semaphore_mem>>) src(%dma_wait3A_133 : memref<80x128xf32, #tpu.memory_space<hbm>>) dst(%arg15 : memref<80x128xf32, #tpu.memory_space<vmem>>)
    %dma_wait3A_134 = arith.constant 3 : i32
    %dma_wait3A_135 = arith.constant 0 : i32
    %dma_wait3A_136 = arith.constant 0 : i32
    %dma_wait3A_137 = tpu.memref_slice %arg2[%dma_wait3A_135, %dma_wait3A_136] : memref<10000x128xf32, #tpu.memory_space<hbm>> -> memref<80x128xf32, #tpu.memory_space<hbm>>
    %dma_wait3A_138 = tpu.memref_slice %arg22[%dma_wait3A_134] : memref<4x!tpu.dma_semaphore, #tpu.memory_space<semaphore_mem>> -> memref<1x!tpu.dma_semaphore, #tpu.memory_space<semaphore_mem>>
    %dma_wait3A_139 = tpu.memref_squeeze %dma_wait3A_138 : memref<1x!tpu.dma_semaphore, #tpu.memory_space<semaphore_mem>> -> memref<!tpu.dma_semaphore, #tpu.memory_space<semaphore_mem>>
    %dma_wait3A_140 = arith.constant 0 : i32
    %dma_wait3A_141 = arith.constant 0 : i32
    %dma_wait3A_142 = tpu.memref_slice %arg2[%dma_wait3A_140, %dma_wait3A_141] : memref<10000x128xf32, #tpu.memory_space<hbm>> -> memref<80x128xf32, #tpu.memory_space<hbm>>
    tpu.wait_dma2 semaphore(%dma_wait3A_139 : memref<!tpu.dma_semaphore, #tpu.memory_space<semaphore_mem>>) src(%dma_wait3A_142 : memref<80x128xf32, #tpu.memory_space<hbm>>) dst(%arg18 : memref<80x128xf32, #tpu.memory_space<vmem>>)
    %barrier3A_143 = arith.constant 0 : index
    tpu.barrier barrier_id(%barrier3A_143)
    %lt3A_144 = arith.constant 10 : i32
    %lt3A_145 = arith.cmpi slt, %arg1, %lt3A_144 : i32
    %convert_element_type3A_146 = arith.extui %lt3A_145 : i1 to i32
    %cond3A_147 = arith.constant 0 : i32
    %cond3A_148 = arith.cmpi ne, %convert_element_type3A_146, %cond3A_147 : i32
    scf.if %cond3A_148 {
      %mul3A_149 = arith.constant 1000 : i32
      %mul3A_150 = arith.muli %arg1, %mul3A_149 : i32
      %mul3A_151 = arith.constant 1000 : i32
      %mul3A_152 = arith.muli %arg1, %mul3A_151 : i32
      "tpu.region"() ({
        %run_scoped3A = tpu.sem_alloc : memref<!tpu.dma_semaphore, #tpu.memory_space<semaphore_mem>>
        %dma_start3A_153 = arith.constant 0 : i32
        %dma_start3A_154 = tpu.memref_slice %arg6[%arg0, %mul3A_152, %dma_start3A_153] : memref<2x10000x128xf32, #tpu.memory_space<hbm>> -> memref<1x1000x128xf32, #tpu.memory_space<hbm>>
        %dma_start3A_155 = tpu.memref_squeeze %dma_start3A_154 : memref<1x1000x128xf32, #tpu.memory_space<hbm>> -> memref<1000x128xf32, #tpu.memory_space<hbm>>
        %dma_start3A_156 = arith.constant 0 : i32
        %dma_start3A_157 = tpu.memref_slice %arg23[%mul3A_150, %dma_start3A_156] : memref<10000x128xf32, #tpu.memory_space<vmem_shared>> -> memref<1000x128xf32, #tpu.memory_space<vmem_shared>>
        tpu.enqueue_dma source(%dma_start3A_157 : memref<1000x128xf32, #tpu.memory_space<vmem_shared>>) target(%dma_start3A_155 : memref<1000x128xf32, #tpu.memory_space<hbm>>) target_semaphore(%run_scoped3A : memref<!tpu.dma_semaphore, #tpu.memory_space<semaphore_mem>>)
        %dma_wait3A_158 = arith.constant 0 : i32
        %dma_wait3A_159 = tpu.memref_slice %arg6[%arg0, %mul3A_152, %dma_wait3A_158] : memref<2x10000x128xf32, #tpu.memory_space<hbm>> -> memref<1x1000x128xf32, #tpu.memory_space<hbm>>
        %dma_wait3A_160 = tpu.memref_squeeze %dma_wait3A_159 : memref<1x1000x128xf32, #tpu.memory_space<hbm>> -> memref<1000x128xf32, #tpu.memory_space<hbm>>
        %dma_wait3A_161 = arith.constant 0 : i32
        %dma_wait3A_162 = tpu.memref_slice %arg23[%mul3A_150, %dma_wait3A_161] : memref<10000x128xf32, #tpu.memory_space<vmem_shared>> -> memref<1000x128xf32, #tpu.memory_space<vmem_shared>>
        tpu.wait_dma2 semaphore(%run_scoped3A : memref<!tpu.dma_semaphore, #tpu.memory_space<semaphore_mem>>) src(%dma_wait3A_162 : memref<1000x128xf32, #tpu.memory_space<vmem_shared>>) dst(%dma_wait3A_160 : memref<1000x128xf32, #tpu.memory_space<hbm>>)
        tpu.yield
      }) : () -> ()
    } else {
    }
    return
  }
}

#map = affine_map<(d0, d1) -> (0)>
module attributes {stable_mosaic.version = 14 : i64} {
  func.func @_sc_pre_body(%arg0: i32, %arg1: i32, %arg2: memref<1920000xf32, #tpu.memory_space<hbm>>, %arg3: memref<320000xi32, #tpu.memory_space<hbm>>, %arg4: memref<80000xf32, #tpu.memory_space<hbm>>, %arg5: memref<2560000xf32, #tpu.memory_space<hbm>>, %arg6: memref<12016xf32, #tpu.memory_space<vmem>>, %arg7: memref<2016xi32, #tpu.memory_space<vmem>>, %arg8: memref<80000xf32, #tpu.memory_space<vmem>>) attributes {dimension_semantics = [#tpu.dimension_semantics<core_parallel>, #tpu.dimension_semantics<subcore_parallel>], iteration_bounds = array<i64: 2, 16>, scalar_prefetch = 0 : i64, scratch_operands = 3 : i64, tpu.core_type = #tpu.core_type<sc_vector_subcore>, window_params = [{transform_indices = #map}, {transform_indices = #map}, {transform_indices = #map}, {transform_indices = #map}]} {
    %mul3A = arith.constant 16 : i32
    %mul3A_0 = arith.muli %arg0, %mul3A : i32
    %add3A = arith.addi %mul3A_0, %arg1 : i32
    "tpu.region"() ({
      %run_scoped3A = tpu.sem_alloc : memref<!tpu.dma_semaphore, #tpu.memory_space<semaphore_mem>>
      tpu.enqueue_dma source(%arg4 : memref<80000xf32, #tpu.memory_space<hbm>>) target(%arg8 : memref<80000xf32, #tpu.memory_space<vmem>>) target_semaphore(%run_scoped3A : memref<!tpu.dma_semaphore, #tpu.memory_space<semaphore_mem>>)
      tpu.wait_dma2 semaphore(%run_scoped3A : memref<!tpu.dma_semaphore, #tpu.memory_space<semaphore_mem>>) src(%arg4 : memref<80000xf32, #tpu.memory_space<hbm>>) dst(%arg8 : memref<80000xf32, #tpu.memory_space<vmem>>)
      tpu.yield
    }) : () -> ()
    %iota3A = tpu.iota {dimensions = array<i32: 0>} : vector<16xi32>
    %ge3A = arith.constant 6 : i32
    %ge3A_1 = vector.broadcast %ge3A : i32 to vector<16xi32>
    %ge3A_2 = arith.cmpi sge, %iota3A, %ge3A_1 : vector<16xi32>
    %lt3A = arith.constant 12 : i32
    %lt3A_3 = vector.broadcast %lt3A : i32 to vector<16xi32>
    %lt3A_4 = arith.cmpi slt, %iota3A, %lt3A_3 : vector<16xi32>
    %and3A = arith.andi %ge3A_2, %lt3A_4 : vector<16xi1>
    %eq3A = arith.constant 13 : i32
    %eq3A_5 = vector.broadcast %eq3A : i32 to vector<16xi32>
    %eq3A_6 = arith.cmpi eq, %iota3A, %eq3A_5 : vector<16xi32>
    %or3A = arith.ori %and3A, %eq3A_6 : vector<16xi1>
    %lt3A_7 = arith.constant 6 : i32
    %lt3A_8 = vector.broadcast %lt3A_7 : i32 to vector<16xi32>
    %lt3A_9 = arith.cmpi slt, %iota3A, %lt3A_8 : vector<16xi32>
    %lt3A_10 = arith.constant 12 : i32
    %lt3A_11 = vector.broadcast %lt3A_10 : i32 to vector<16xi32>
    %lt3A_12 = arith.cmpi slt, %iota3A, %lt3A_11 : vector<16xi32>
    %sub3A = arith.constant 6 : i32
    %sub3A_13 = vector.broadcast %sub3A : i32 to vector<16xi32>
    %sub3A_14 = arith.subi %iota3A, %sub3A_13 : vector<16xi32>
    %jit3A = arith.constant 6 : i32
    %broadcast_in_dim3A = vector.broadcast %jit3A : i32 to vector<16xi32>
    %select_n3A = arith.select %lt3A_12, %sub3A_14, %broadcast_in_dim3A : vector<16xi1>, vector<16xi32>
    %select_n3A_15 = arith.select %lt3A_9, %iota3A, %select_n3A : vector<16xi1>, vector<16xi32>
    %lt3A_16 = arith.constant 14 : i32
    %lt3A_17 = vector.broadcast %lt3A_16 : i32 to vector<16xi32>
    %lt3A_18 = arith.cmpi slt, %iota3A, %lt3A_17 : vector<16xi32>
    %ge3A_19 = arith.constant 12 : i32
    %ge3A_20 = vector.broadcast %ge3A_19 : i32 to vector<16xi32>
    %ge3A_21 = arith.cmpi sge, %iota3A, %ge3A_20 : vector<16xi32>
    %mul3A_22 = arith.constant 10000 : i32
    %mul3A_23 = arith.muli %add3A, %mul3A_22 : i32
    %mul3A_24 = arith.constant 6 : i32
    %mul3A_25 = arith.muli %mul3A_23, %mul3A_24 : i32
    %mul3A_26 = arith.constant 10000 : i32
    %mul3A_27 = arith.muli %add3A, %mul3A_26 : i32
    %scan3A = arith.constant 0 : i32
    %scan3A_28 = arith.constant 0 : i32
    %scan3A_29 = arith.constant 5 : i32
    %scan3A_30 = arith.addi %scan3A_28, %scan3A_29 : i32
    %scan3A_31 = arith.constant 1 : i32
    scf.for %scan3A_35 = %scan3A_28 to %scan3A_30 step %scan3A_31  : i32 {
      %mul3A_36 = arith.constant 12000 : i32
      %mul3A_37 = arith.muli %scan3A_35, %mul3A_36 : i32
      %add3A_38 = arith.addi %mul3A_25, %mul3A_37 : i32
      %multiple_of3A_39 = tpu.assume_multiple %add3A_38, 8 : i32
      %mul3A_40 = arith.constant 2000 : i32
      %mul3A_41 = arith.muli %scan3A_35, %mul3A_40 : i32
      %add3A_42 = arith.addi %mul3A_27, %mul3A_41 : i32
      %multiple_of3A_43 = tpu.assume_multiple %add3A_42, 8 : i32
      "tpu.region"() ({
        %run_scoped3A = tpu.sem_alloc : memref<!tpu.dma_semaphore, #tpu.memory_space<semaphore_mem>>
        %dma_start3A = arith.constant 0 : i32
        %dma_start3A_50 = tpu.memref_slice %arg6[%dma_start3A] : memref<12016xf32, #tpu.memory_space<vmem>> -> memref<12000xf32, #tpu.memory_space<vmem>>
        %dma_start3A_51 = tpu.memref_slice %arg2[%multiple_of3A_39] : memref<1920000xf32, #tpu.memory_space<hbm>> -> memref<12000xf32, #tpu.memory_space<hbm>>
        %dma_start3A_52 = arith.constant 0 : i32
        %dma_start3A_53 = tpu.memref_slice %arg6[%dma_start3A_52] : memref<12016xf32, #tpu.memory_space<vmem>> -> memref<12000xf32, #tpu.memory_space<vmem>>
        %dma_start3A_54 = tpu.memref_slice %arg2[%multiple_of3A_39] : memref<1920000xf32, #tpu.memory_space<hbm>> -> memref<12000xf32, #tpu.memory_space<hbm>>
        tpu.enqueue_dma source(%dma_start3A_54 : memref<12000xf32, #tpu.memory_space<hbm>>) target(%dma_start3A_53 : memref<12000xf32, #tpu.memory_space<vmem>>) target_semaphore(%run_scoped3A : memref<!tpu.dma_semaphore, #tpu.memory_space<semaphore_mem>>)
        %dma_wait3A = arith.constant 0 : i32
        %dma_wait3A_55 = tpu.memref_slice %arg6[%dma_wait3A] : memref<12016xf32, #tpu.memory_space<vmem>> -> memref<12000xf32, #tpu.memory_space<vmem>>
        %dma_wait3A_56 = tpu.memref_slice %arg2[%multiple_of3A_39] : memref<1920000xf32, #tpu.memory_space<hbm>> -> memref<12000xf32, #tpu.memory_space<hbm>>
        %dma_wait3A_57 = arith.constant 0 : i32
        %dma_wait3A_58 = tpu.memref_slice %arg6[%dma_wait3A_57] : memref<12016xf32, #tpu.memory_space<vmem>> -> memref<12000xf32, #tpu.memory_space<vmem>>
        %dma_wait3A_59 = tpu.memref_slice %arg2[%multiple_of3A_39] : memref<1920000xf32, #tpu.memory_space<hbm>> -> memref<12000xf32, #tpu.memory_space<hbm>>
        tpu.wait_dma2 semaphore(%run_scoped3A : memref<!tpu.dma_semaphore, #tpu.memory_space<semaphore_mem>>) src(%dma_wait3A_59 : memref<12000xf32, #tpu.memory_space<hbm>>) dst(%dma_wait3A_58 : memref<12000xf32, #tpu.memory_space<vmem>>)
        tpu.yield
      }) : () -> ()
      "tpu.region"() ({
        %run_scoped3A = tpu.sem_alloc : memref<!tpu.dma_semaphore, #tpu.memory_space<semaphore_mem>>
        %dma_start3A = arith.constant 0 : i32
        %dma_start3A_50 = tpu.memref_slice %arg7[%dma_start3A] : memref<2016xi32, #tpu.memory_space<vmem>> -> memref<2000xi32, #tpu.memory_space<vmem>>
        %dma_start3A_51 = tpu.memref_slice %arg3[%multiple_of3A_43] : memref<320000xi32, #tpu.memory_space<hbm>> -> memref<2000xi32, #tpu.memory_space<hbm>>
        %dma_start3A_52 = arith.constant 0 : i32
        %dma_start3A_53 = tpu.memref_slice %arg7[%dma_start3A_52] : memref<2016xi32, #tpu.memory_space<vmem>> -> memref<2000xi32, #tpu.memory_space<vmem>>
        %dma_start3A_54 = tpu.memref_slice %arg3[%multiple_of3A_43] : memref<320000xi32, #tpu.memory_space<hbm>> -> memref<2000xi32, #tpu.memory_space<hbm>>
        tpu.enqueue_dma source(%dma_start3A_54 : memref<2000xi32, #tpu.memory_space<hbm>>) target(%dma_start3A_53 : memref<2000xi32, #tpu.memory_space<vmem>>) target_semaphore(%run_scoped3A : memref<!tpu.dma_semaphore, #tpu.memory_space<semaphore_mem>>)
        %dma_wait3A = arith.constant 0 : i32
        %dma_wait3A_55 = tpu.memref_slice %arg7[%dma_wait3A] : memref<2016xi32, #tpu.memory_space<vmem>> -> memref<2000xi32, #tpu.memory_space<vmem>>
        %dma_wait3A_56 = tpu.memref_slice %arg3[%multiple_of3A_43] : memref<320000xi32, #tpu.memory_space<hbm>> -> memref<2000xi32, #tpu.memory_space<hbm>>
        %dma_wait3A_57 = arith.constant 0 : i32
        %dma_wait3A_58 = tpu.memref_slice %arg7[%dma_wait3A_57] : memref<2016xi32, #tpu.memory_space<vmem>> -> memref<2000xi32, #tpu.memory_space<vmem>>
        %dma_wait3A_59 = tpu.memref_slice %arg3[%multiple_of3A_43] : memref<320000xi32, #tpu.memory_space<hbm>> -> memref<2000xi32, #tpu.memory_space<hbm>>
        tpu.wait_dma2 semaphore(%run_scoped3A : memref<!tpu.dma_semaphore, #tpu.memory_space<semaphore_mem>>) src(%dma_wait3A_59 : memref<2000xi32, #tpu.memory_space<hbm>>) dst(%dma_wait3A_58 : memref<2000xi32, #tpu.memory_space<vmem>>)
        tpu.yield
      }) : () -> ()
      %scan3A_44 = arith.constant 0 : i32
      %scan3A_45 = arith.constant 0 : i32
      %scan3A_46 = arith.constant 125 : i32
      %scan3A_47 = arith.addi %scan3A_45, %scan3A_46 : i32
      %scan3A_48 = arith.constant 1 : i32
      scf.for %scan3A_50 = %scan3A_45 to %scan3A_47 step %scan3A_48  : i32 {
        %mul3A_51 = arith.constant 16 : i32
        %mul3A_52 = arith.muli %scan3A_50, %mul3A_51 : i32
        %get3A = arith.index_cast %mul3A_52 : i32 to index
        %get3A_53 = tpu.vector_load %arg7[%get3A] {strides = array<i32>} : memref<2016xi32, #tpu.memory_space<vmem>>, vector<16xi32>,
        %slice3A = vector.extract_strided_slice %get3A_53 {offsets = [0], sizes = [1], strides = [1]} : vector<16xi32> to vector<1xi32>
        %squeeze3A = vector.extract %slice3A[0] : i32 from vector<1xi32>
        %slice3A_54 = vector.extract_strided_slice %get3A_53 {offsets = [1], sizes = [1], strides = [1]} : vector<16xi32> to vector<1xi32>
        %squeeze3A_55 = vector.extract %slice3A_54[0] : i32 from vector<1xi32>
        %mul3A_56 = arith.constant 16 : i32
        %mul3A_57 = arith.muli %scan3A_50, %mul3A_56 : i32
        %add3A_58 = arith.constant 0 : i32
        %add3A_59 = arith.addi %mul3A_57, %add3A_58 : i32
        %mul3A_60 = arith.constant 6 : i32
        %mul3A_61 = arith.muli %add3A_59, %mul3A_60 : i32
        %get3A_62 = arith.index_cast %mul3A_61 : i32 to index
        %get3A_63 = tpu.vector_load %arg6[%get3A_62] {strides = array<i32>} : memref<12016xf32, #tpu.memory_space<vmem>>, vector<16xf32>,
        %jit3A_64 = arith.constant 1.000000e+00 : f32
        %broadcast_in_dim3A_65 = vector.broadcast %jit3A_64 : f32 to vector<16xf32>
        %select_n3A_66 = arith.select %ge3A_21, %broadcast_in_dim3A_65, %get3A_63 : vector<16xi1>, vector<16xf32>
        %broadcast_in_dim3A_67 = vector.broadcast %squeeze3A_55 : i32 to vector<16xi32>
        %broadcast_in_dim3A_68 = vector.broadcast %squeeze3A : i32 to vector<16xi32>
        %select_n3A_69 = arith.select %or3A, %broadcast_in_dim3A_67, %broadcast_in_dim3A_68 : vector<16xi1>, vector<16xi32>
        %mul3A_70 = arith.constant 8 : i32
        %mul3A_71 = vector.broadcast %mul3A_70 : i32 to vector<16xi32>
        %mul3A_72 = arith.muli %select_n3A_69, %mul3A_71 : vector<16xi32>
        %add3A_73 = arith.addi %mul3A_72, %select_n3A_15 : vector<16xi32>
        tpu.vector_store_idx %arg8[%add3A_73], %select_n3A_66 masked %lt3A_18 {add = true} : memref<80000xf32, #tpu.memory_space<vmem>>[vector<16xi32>], vector<16xf32>, vector<16xi1>
        %slice3A_74 = vector.extract_strided_slice %get3A_53 {offsets = [2], sizes = [1], strides = [1]} : vector<16xi32> to vector<1xi32>
        %squeeze3A_75 = vector.extract %slice3A_74[0] : i32 from vector<1xi32>
        %slice3A_76 = vector.extract_strided_slice %get3A_53 {offsets = [3], sizes = [1], strides = [1]} : vector<16xi32> to vector<1xi32>
        %squeeze3A_77 = vector.extract %slice3A_76[0] : i32 from vector<1xi32>
        %mul3A_78 = arith.constant 16 : i32
        %mul3A_79 = arith.muli %scan3A_50, %mul3A_78 : i32
        %add3A_80 = arith.constant 2 : i32
        %add3A_81 = arith.addi %mul3A_79, %add3A_80 : i32
        %mul3A_82 = arith.constant 6 : i32
        %mul3A_83 = arith.muli %add3A_81, %mul3A_82 : i32
        %get3A_84 = arith.index_cast %mul3A_83 : i32 to index
        %get3A_85 = tpu.vector_load %arg6[%get3A_84] {strides = array<i32>} : memref<12016xf32, #tpu.memory_space<vmem>>, vector<16xf32>,
        %jit3A_86 = arith.constant 1.000000e+00 : f32
        %broadcast_in_dim3A_87 = vector.broadcast %jit3A_86 : f32 to vector<16xf32>
        %select_n3A_88 = arith.select %ge3A_21, %broadcast_in_dim3A_87, %get3A_85 : vector<16xi1>, vector<16xf32>
        %broadcast_in_dim3A_89 = vector.broadcast %squeeze3A_77 : i32 to vector<16xi32>
        %broadcast_in_dim3A_90 = vector.broadcast %squeeze3A_75 : i32 to vector<16xi32>
        %select_n3A_91 = arith.select %or3A, %broadcast_in_dim3A_89, %broadcast_in_dim3A_90 : vector<16xi1>, vector<16xi32>
        %mul3A_92 = arith.constant 8 : i32
        %mul3A_93 = vector.broadcast %mul3A_92 : i32 to vector<16xi32>
        %mul3A_94 = arith.muli %select_n3A_91, %mul3A_93 : vector<16xi32>
        %add3A_95 = arith.addi %mul3A_94, %select_n3A_15 : vector<16xi32>
        tpu.vector_store_idx %arg8[%add3A_95], %select_n3A_88 masked %lt3A_18 {add = true} : memref<80000xf32, #tpu.memory_space<vmem>>[vector<16xi32>], vector<16xf32>, vector<16xi1>
        %slice3A_96 = vector.extract_strided_slice %get3A_53 {offsets = [4], sizes = [1], strides = [1]} : vector<16xi32> to vector<1xi32>
        %squeeze3A_97 = vector.extract %slice3A_96[0] : i32 from vector<1xi32>
        %slice3A_98 = vector.extract_strided_slice %get3A_53 {offsets = [5], sizes = [1], strides = [1]} : vector<16xi32> to vector<1xi32>
        %squeeze3A_99 = vector.extract %slice3A_98[0] : i32 from vector<1xi32>
        %mul3A_100 = arith.constant 16 : i32
        %mul3A_101 = arith.muli %scan3A_50, %mul3A_100 : i32
        %add3A_102 = arith.constant 4 : i32
        %add3A_103 = arith.addi %mul3A_101, %add3A_102 : i32
        %mul3A_104 = arith.constant 6 : i32
        %mul3A_105 = arith.muli %add3A_103, %mul3A_104 : i32
        %get3A_106 = arith.index_cast %mul3A_105 : i32 to index
        %get3A_107 = tpu.vector_load %arg6[%get3A_106] {strides = array<i32>} : memref<12016xf32, #tpu.memory_space<vmem>>, vector<16xf32>,
        %jit3A_108 = arith.constant 1.000000e+00 : f32
        %broadcast_in_dim3A_109 = vector.broadcast %jit3A_108 : f32 to vector<16xf32>
        %select_n3A_110 = arith.select %ge3A_21, %broadcast_in_dim3A_109, %get3A_107 : vector<16xi1>, vector<16xf32>
        %broadcast_in_dim3A_111 = vector.broadcast %squeeze3A_99 : i32 to vector<16xi32>
        %broadcast_in_dim3A_112 = vector.broadcast %squeeze3A_97 : i32 to vector<16xi32>
        %select_n3A_113 = arith.select %or3A, %broadcast_in_dim3A_111, %broadcast_in_dim3A_112 : vector<16xi1>, vector<16xi32>
        %mul3A_114 = arith.constant 8 : i32
        %mul3A_115 = vector.broadcast %mul3A_114 : i32 to vector<16xi32>
        %mul3A_116 = arith.muli %select_n3A_113, %mul3A_115 : vector<16xi32>
        %add3A_117 = arith.addi %mul3A_116, %select_n3A_15 : vector<16xi32>
        tpu.vector_store_idx %arg8[%add3A_117], %select_n3A_110 masked %lt3A_18 {add = true} : memref<80000xf32, #tpu.memory_space<vmem>>[vector<16xi32>], vector<16xf32>, vector<16xi1>
        %slice3A_118 = vector.extract_strided_slice %get3A_53 {offsets = [6], sizes = [1], strides = [1]} : vector<16xi32> to vector<1xi32>
        %squeeze3A_119 = vector.extract %slice3A_118[0] : i32 from vector<1xi32>
        %slice3A_120 = vector.extract_strided_slice %get3A_53 {offsets = [7], sizes = [1], strides = [1]} : vector<16xi32> to vector<1xi32>
        %squeeze3A_121 = vector.extract %slice3A_120[0] : i32 from vector<1xi32>
        %mul3A_122 = arith.constant 16 : i32
        %mul3A_123 = arith.muli %scan3A_50, %mul3A_122 : i32
        %add3A_124 = arith.constant 6 : i32
        %add3A_125 = arith.addi %mul3A_123, %add3A_124 : i32
        %mul3A_126 = arith.constant 6 : i32
        %mul3A_127 = arith.muli %add3A_125, %mul3A_126 : i32
        %get3A_128 = arith.index_cast %mul3A_127 : i32 to index
        %get3A_129 = tpu.vector_load %arg6[%get3A_128] {strides = array<i32>} : memref<12016xf32, #tpu.memory_space<vmem>>, vector<16xf32>,
        %jit3A_130 = arith.constant 1.000000e+00 : f32
        %broadcast_in_dim3A_131 = vector.broadcast %jit3A_130 : f32 to vector<16xf32>
        %select_n3A_132 = arith.select %ge3A_21, %broadcast_in_dim3A_131, %get3A_129 : vector<16xi1>, vector<16xf32>
        %broadcast_in_dim3A_133 = vector.broadcast %squeeze3A_121 : i32 to vector<16xi32>
        %broadcast_in_dim3A_134 = vector.broadcast %squeeze3A_119 : i32 to vector<16xi32>
        %select_n3A_135 = arith.select %or3A, %broadcast_in_dim3A_133, %broadcast_in_dim3A_134 : vector<16xi1>, vector<16xi32>
        %mul3A_136 = arith.constant 8 : i32
        %mul3A_137 = vector.broadcast %mul3A_136 : i32 to vector<16xi32>
        %mul3A_138 = arith.muli %select_n3A_135, %mul3A_137 : vector<16xi32>
        %add3A_139 = arith.addi %mul3A_138, %select_n3A_15 : vector<16xi32>
        tpu.vector_store_idx %arg8[%add3A_139], %select_n3A_132 masked %lt3A_18 {add = true} : memref<80000xf32, #tpu.memory_space<vmem>>[vector<16xi32>], vector<16xf32>, vector<16xi1>
        %slice3A_140 = vector.extract_strided_slice %get3A_53 {offsets = [8], sizes = [1], strides = [1]} : vector<16xi32> to vector<1xi32>
        %squeeze3A_141 = vector.extract %slice3A_140[0] : i32 from vector<1xi32>
        %slice3A_142 = vector.extract_strided_slice %get3A_53 {offsets = [9], sizes = [1], strides = [1]} : vector<16xi32> to vector<1xi32>
        %squeeze3A_143 = vector.extract %slice3A_142[0] : i32 from vector<1xi32>
        %mul3A_144 = arith.constant 16 : i32
        %mul3A_145 = arith.muli %scan3A_50, %mul3A_144 : i32
        %add3A_146 = arith.constant 8 : i32
        %add3A_147 = arith.addi %mul3A_145, %add3A_146 : i32
        %mul3A_148 = arith.constant 6 : i32
        %mul3A_149 = arith.muli %add3A_147, %mul3A_148 : i32
        %get3A_150 = arith.index_cast %mul3A_149 : i32 to index
        %get3A_151 = tpu.vector_load %arg6[%get3A_150] {strides = array<i32>} : memref<12016xf32, #tpu.memory_space<vmem>>, vector<16xf32>,
        %jit3A_152 = arith.constant 1.000000e+00 : f32
        %broadcast_in_dim3A_153 = vector.broadcast %jit3A_152 : f32 to vector<16xf32>
        %select_n3A_154 = arith.select %ge3A_21, %broadcast_in_dim3A_153, %get3A_151 : vector<16xi1>, vector<16xf32>
        %broadcast_in_dim3A_155 = vector.broadcast %squeeze3A_143 : i32 to vector<16xi32>
        %broadcast_in_dim3A_156 = vector.broadcast %squeeze3A_141 : i32 to vector<16xi32>
        %select_n3A_157 = arith.select %or3A, %broadcast_in_dim3A_155, %broadcast_in_dim3A_156 : vector<16xi1>, vector<16xi32>
        %mul3A_158 = arith.constant 8 : i32
        %mul3A_159 = vector.broadcast %mul3A_158 : i32 to vector<16xi32>
        %mul3A_160 = arith.muli %select_n3A_157, %mul3A_159 : vector<16xi32>
        %add3A_161 = arith.addi %mul3A_160, %select_n3A_15 : vector<16xi32>
        tpu.vector_store_idx %arg8[%add3A_161], %select_n3A_154 masked %lt3A_18 {add = true} : memref<80000xf32, #tpu.memory_space<vmem>>[vector<16xi32>], vector<16xf32>, vector<16xi1>
        %slice3A_162 = vector.extract_strided_slice %get3A_53 {offsets = [10], sizes = [1], strides = [1]} : vector<16xi32> to vector<1xi32>
        %squeeze3A_163 = vector.extract %slice3A_162[0] : i32 from vector<1xi32>
        %slice3A_164 = vector.extract_strided_slice %get3A_53 {offsets = [11], sizes = [1], strides = [1]} : vector<16xi32> to vector<1xi32>
        %squeeze3A_165 = vector.extract %slice3A_164[0] : i32 from vector<1xi32>
        %mul3A_166 = arith.constant 16 : i32
        %mul3A_167 = arith.muli %scan3A_50, %mul3A_166 : i32
        %add3A_168 = arith.constant 10 : i32
        %add3A_169 = arith.addi %mul3A_167, %add3A_168 : i32
        %mul3A_170 = arith.constant 6 : i32
        %mul3A_171 = arith.muli %add3A_169, %mul3A_170 : i32
        %get3A_172 = arith.index_cast %mul3A_171 : i32 to index
        %get3A_173 = tpu.vector_load %arg6[%get3A_172] {strides = array<i32>} : memref<12016xf32, #tpu.memory_space<vmem>>, vector<16xf32>,
        %jit3A_174 = arith.constant 1.000000e+00 : f32
        %broadcast_in_dim3A_175 = vector.broadcast %jit3A_174 : f32 to vector<16xf32>
        %select_n3A_176 = arith.select %ge3A_21, %broadcast_in_dim3A_175, %get3A_173 : vector<16xi1>, vector<16xf32>
        %broadcast_in_dim3A_177 = vector.broadcast %squeeze3A_165 : i32 to vector<16xi32>
        %broadcast_in_dim3A_178 = vector.broadcast %squeeze3A_163 : i32 to vector<16xi32>
        %select_n3A_179 = arith.select %or3A, %broadcast_in_dim3A_177, %broadcast_in_dim3A_178 : vector<16xi1>, vector<16xi32>
        %mul3A_180 = arith.constant 8 : i32
        %mul3A_181 = vector.broadcast %mul3A_180 : i32 to vector<16xi32>
        %mul3A_182 = arith.muli %select_n3A_179, %mul3A_181 : vector<16xi32>
        %add3A_183 = arith.addi %mul3A_182, %select_n3A_15 : vector<16xi32>
        tpu.vector_store_idx %arg8[%add3A_183], %select_n3A_176 masked %lt3A_18 {add = true} : memref<80000xf32, #tpu.memory_space<vmem>>[vector<16xi32>], vector<16xf32>, vector<16xi1>
        %slice3A_184 = vector.extract_strided_slice %get3A_53 {offsets = [12], sizes = [1], strides = [1]} : vector<16xi32> to vector<1xi32>
        %squeeze3A_185 = vector.extract %slice3A_184[0] : i32 from vector<1xi32>
        %slice3A_186 = vector.extract_strided_slice %get3A_53 {offsets = [13], sizes = [1], strides = [1]} : vector<16xi32> to vector<1xi32>
        %squeeze3A_187 = vector.extract %slice3A_186[0] : i32 from vector<1xi32>
        %mul3A_188 = arith.constant 16 : i32
        %mul3A_189 = arith.muli %scan3A_50, %mul3A_188 : i32
        %add3A_190 = arith.constant 12 : i32
        %add3A_191 = arith.addi %mul3A_189, %add3A_190 : i32
        %mul3A_192 = arith.constant 6 : i32
        %mul3A_193 = arith.muli %add3A_191, %mul3A_192 : i32
        %get3A_194 = arith.index_cast %mul3A_193 : i32 to index
        %get3A_195 = tpu.vector_load %arg6[%get3A_194] {strides = array<i32>} : memref<12016xf32, #tpu.memory_space<vmem>>, vector<16xf32>,
        %jit3A_196 = arith.constant 1.000000e+00 : f32
        %broadcast_in_dim3A_197 = vector.broadcast %jit3A_196 : f32 to vector<16xf32>
        %select_n3A_198 = arith.select %ge3A_21, %broadcast_in_dim3A_197, %get3A_195 : vector<16xi1>, vector<16xf32>
        %broadcast_in_dim3A_199 = vector.broadcast %squeeze3A_187 : i32 to vector<16xi32>
        %broadcast_in_dim3A_200 = vector.broadcast %squeeze3A_185 : i32 to vector<16xi32>
        %select_n3A_201 = arith.select %or3A, %broadcast_in_dim3A_199, %broadcast_in_dim3A_200 : vector<16xi1>, vector<16xi32>
        %mul3A_202 = arith.constant 8 : i32
        %mul3A_203 = vector.broadcast %mul3A_202 : i32 to vector<16xi32>
        %mul3A_204 = arith.muli %select_n3A_201, %mul3A_203 : vector<16xi32>
        %add3A_205 = arith.addi %mul3A_204, %select_n3A_15 : vector<16xi32>
        tpu.vector_store_idx %arg8[%add3A_205], %select_n3A_198 masked %lt3A_18 {add = true} : memref<80000xf32, #tpu.memory_space<vmem>>[vector<16xi32>], vector<16xf32>, vector<16xi1>
        %slice3A_206 = vector.extract_strided_slice %get3A_53 {offsets = [14], sizes = [1], strides = [1]} : vector<16xi32> to vector<1xi32>
        %squeeze3A_207 = vector.extract %slice3A_206[0] : i32 from vector<1xi32>
        %slice3A_208 = vector.extract_strided_slice %get3A_53 {offsets = [15], sizes = [1], strides = [1]} : vector<16xi32> to vector<1xi32>
        %squeeze3A_209 = vector.extract %slice3A_208[0] : i32 from vector<1xi32>
        %mul3A_210 = arith.constant 16 : i32
        %mul3A_211 = arith.muli %scan3A_50, %mul3A_210 : i32
        %add3A_212 = arith.constant 14 : i32
        %add3A_213 = arith.addi %mul3A_211, %add3A_212 : i32
        %mul3A_214 = arith.constant 6 : i32
        %mul3A_215 = arith.muli %add3A_213, %mul3A_214 : i32
        %get3A_216 = arith.index_cast %mul3A_215 : i32 to index
        %get3A_217 = tpu.vector_load %arg6[%get3A_216] {strides = array<i32>} : memref<12016xf32, #tpu.memory_space<vmem>>, vector<16xf32>,
        %jit3A_218 = arith.constant 1.000000e+00 : f32
        %broadcast_in_dim3A_219 = vector.broadcast %jit3A_218 : f32 to vector<16xf32>
        %select_n3A_220 = arith.select %ge3A_21, %broadcast_in_dim3A_219, %get3A_217 : vector<16xi1>, vector<16xf32>
        %broadcast_in_dim3A_221 = vector.broadcast %squeeze3A_209 : i32 to vector<16xi32>
        %broadcast_in_dim3A_222 = vector.broadcast %squeeze3A_207 : i32 to vector<16xi32>
        %select_n3A_223 = arith.select %or3A, %broadcast_in_dim3A_221, %broadcast_in_dim3A_222 : vector<16xi1>, vector<16xi32>
        %mul3A_224 = arith.constant 8 : i32
        %mul3A_225 = vector.broadcast %mul3A_224 : i32 to vector<16xi32>
        %mul3A_226 = arith.muli %select_n3A_223, %mul3A_225 : vector<16xi32>
        %add3A_227 = arith.addi %mul3A_226, %select_n3A_15 : vector<16xi32>
        tpu.vector_store_idx %arg8[%add3A_227], %select_n3A_220 masked %lt3A_18 {add = true} : memref<80000xf32, #tpu.memory_space<vmem>>[vector<16xi32>], vector<16xf32>, vector<16xi1>
      }
      %scan3A_49 = arith.constant 125 : i32
    }
    %scan3A_32 = arith.constant 5 : i32
    %mul3A_33 = arith.constant 80000 : i32
    %mul3A_34 = arith.muli %add3A, %mul3A_33 : i32
    %multiple_of3A = tpu.assume_multiple %mul3A_34, 8 : i32
    "tpu.region"() ({
      %run_scoped3A = tpu.sem_alloc : memref<!tpu.dma_semaphore, #tpu.memory_space<semaphore_mem>>
      %dma_start3A = tpu.memref_slice %arg5[%multiple_of3A] : memref<2560000xf32, #tpu.memory_space<hbm>> -> memref<80000xf32, #tpu.memory_space<hbm>>
      %dma_start3A_35 = tpu.memref_slice %arg5[%multiple_of3A] : memref<2560000xf32, #tpu.memory_space<hbm>> -> memref<80000xf32, #tpu.memory_space<hbm>>
      tpu.enqueue_dma source(%arg8 : memref<80000xf32, #tpu.memory_space<vmem>>) target(%dma_start3A_35 : memref<80000xf32, #tpu.memory_space<hbm>>) target_semaphore(%run_scoped3A : memref<!tpu.dma_semaphore, #tpu.memory_space<semaphore_mem>>)
      %dma_wait3A = tpu.memref_slice %arg5[%multiple_of3A] : memref<2560000xf32, #tpu.memory_space<hbm>> -> memref<80000xf32, #tpu.memory_space<hbm>>
      %dma_wait3A_36 = tpu.memref_slice %arg5[%multiple_of3A] : memref<2560000xf32, #tpu.memory_space<hbm>> -> memref<80000xf32, #tpu.memory_space<hbm>>
      tpu.wait_dma2 semaphore(%run_scoped3A : memref<!tpu.dma_semaphore, #tpu.memory_space<semaphore_mem>>) src(%arg8 : memref<80000xf32, #tpu.memory_space<vmem>>) dst(%dma_wait3A_36 : memref<80000xf32, #tpu.memory_space<hbm>>)
      tpu.yield
    }) : () -> ()
    return
  }
}

#map = affine_map<(d0, d1) -> (0, 0)>
#map1 = affine_map<(d0, d1) -> (0)>
#map2 = affine_map<(d0, d1) -> (0, 0, 0)>
module attributes {stable_mosaic.version = 14 : i64} {
  func.func @_sc_scatter_body(%arg0: i32, %arg1: i32, %arg2: memref<10000x128xf32, #tpu.memory_space<hbm>>, %arg3: memref<320000xi32, #tpu.memory_space<hbm>>, %arg4: memref<320000xi32, #tpu.memory_space<hbm>>, %arg5: memref<10000x128xf32, #tpu.memory_space<hbm>>, %arg6: memref<2x10000x128xf32, #tpu.memory_space<hbm>>, %arg7: memref<80xi32, #tpu.memory_space<vmem>>, %arg8: memref<80xi32, #tpu.memory_space<vmem>>, %arg9: memref<80xi32, #tpu.memory_space<vmem>>, %arg10: memref<80xi32, #tpu.memory_space<vmem>>, %arg11: memref<80xi32, #tpu.memory_space<vmem>>, %arg12: memref<80xi32, #tpu.memory_space<vmem>>, %arg13: memref<80xi32, #tpu.memory_space<vmem>>, %arg14: memref<80xi32, #tpu.memory_space<vmem>>, %arg15: memref<80x128xf32, #tpu.memory_space<vmem>>, %arg16: memref<80x128xf32, #tpu.memory_space<vmem>>, %arg17: memref<80x128xf32, #tpu.memory_space<vmem>>, %arg18: memref<80x128xf32, #tpu.memory_space<vmem>>, %arg19: memref<4x!tpu.dma_semaphore, #tpu.memory_space<semaphore_mem>>, %arg20: memref<4x!tpu.dma_semaphore, #tpu.memory_space<semaphore_mem>>, %arg21: memref<4x!tpu.dma_semaphore, #tpu.memory_space<semaphore_mem>>, %arg22: memref<4x!tpu.dma_semaphore, #tpu.memory_space<semaphore_mem>>, %arg23: memref<10000x128xf32, #tpu.memory_space<vmem_shared>>) attributes {dimension_semantics = [#tpu.dimension_semantics<core_parallel>, #tpu.dimension_semantics<subcore_parallel>], iteration_bounds = array<i64: 2, 16>, scalar_prefetch = 0 : i64, scratch_operands = 17 : i64, tpu.core_type = #tpu.core_type<sc_vector_subcore>, window_params = [{transform_indices = #map}, {transform_indices = #map1}, {transform_indices = #map1}, {transform_indices = #map}, {transform_indices = #map2}]} {
    %mul3A = arith.constant 16 : i32
    %mul3A_0 = arith.muli %arg0, %mul3A : i32
    %add3A = arith.addi %mul3A_0, %arg1 : i32
    %lt3A = arith.constant 10 : i32
    %lt3A_1 = arith.cmpi slt, %arg1, %lt3A : i32
    %convert_element_type3A = arith.extui %lt3A_1 : i1 to i32
    %cond3A = arith.constant 0 : i32
    %cond3A_2 = arith.cmpi ne, %convert_element_type3A, %cond3A : i32
    scf.if %cond3A_2 {
      %mul3A_149 = arith.constant 1000 : i32
      %mul3A_150 = arith.muli %arg1, %mul3A_149 : i32
      %mul3A_151 = arith.constant 1000 : i32
      %mul3A_152 = arith.muli %arg1, %mul3A_151 : i32
      "tpu.region"() ({
        %run_scoped3A = tpu.sem_alloc : memref<!tpu.dma_semaphore, #tpu.memory_space<semaphore_mem>>
        %dma_start3A_153 = arith.constant 0 : i32
        %dma_start3A_154 = tpu.memref_slice %arg23[%mul3A_152, %dma_start3A_153] : memref<10000x128xf32, #tpu.memory_space<vmem_shared>> -> memref<1000x128xf32, #tpu.memory_space<vmem_shared>>
        %dma_start3A_155 = arith.constant 0 : i32
        %dma_start3A_156 = tpu.memref_slice %arg5[%mul3A_150, %dma_start3A_155] : memref<10000x128xf32, #tpu.memory_space<hbm>> -> memref<1000x128xf32, #tpu.memory_space<hbm>>
        tpu.enqueue_dma source(%dma_start3A_156 : memref<1000x128xf32, #tpu.memory_space<hbm>>) target(%dma_start3A_154 : memref<1000x128xf32, #tpu.memory_space<vmem_shared>>) target_semaphore(%run_scoped3A : memref<!tpu.dma_semaphore, #tpu.memory_space<semaphore_mem>>)
        %dma_wait3A_157 = arith.constant 0 : i32
        %dma_wait3A_158 = tpu.memref_slice %arg23[%mul3A_152, %dma_wait3A_157] : memref<10000x128xf32, #tpu.memory_space<vmem_shared>> -> memref<1000x128xf32, #tpu.memory_space<vmem_shared>>
        %dma_wait3A_159 = arith.constant 0 : i32
        %dma_wait3A_160 = tpu.memref_slice %arg5[%mul3A_150, %dma_wait3A_159] : memref<10000x128xf32, #tpu.memory_space<hbm>> -> memref<1000x128xf32, #tpu.memory_space<hbm>>
        tpu.wait_dma2 semaphore(%run_scoped3A : memref<!tpu.dma_semaphore, #tpu.memory_space<semaphore_mem>>) src(%dma_wait3A_160 : memref<1000x128xf32, #tpu.memory_space<hbm>>) dst(%dma_wait3A_158 : memref<1000x128xf32, #tpu.memory_space<vmem_shared>>)
        tpu.yield
      }) : () -> ()
    } else {
    }
    %barrier3A = arith.constant 0 : index
    tpu.barrier barrier_id(%barrier3A)
    %mul3A_3 = arith.constant 10000 : i32
    %mul3A_4 = arith.muli %add3A, %mul3A_3 : i32
    %add3A_5 = arith.constant 0 : i32
    %add3A_6 = arith.addi %mul3A_4, %add3A_5 : i32
    %multiple_of3A = tpu.assume_multiple %add3A_6, 8 : i32
    %dma_start3A = arith.constant 0 : i32
    %dma_start3A_7 = tpu.memref_slice %arg3[%multiple_of3A] : memref<320000xi32, #tpu.memory_space<hbm>> -> memref<80xi32, #tpu.memory_space<hbm>>
    %dma_start3A_8 = tpu.memref_slice %arg19[%dma_start3A] : memref<4x!tpu.dma_semaphore, #tpu.memory_space<semaphore_mem>> -> memref<1x!tpu.dma_semaphore, #tpu.memory_space<semaphore_mem>>
    %dma_start3A_9 = tpu.memref_squeeze %dma_start3A_8 : memref<1x!tpu.dma_semaphore, #tpu.memory_space<semaphore_mem>> -> memref<!tpu.dma_semaphore, #tpu.memory_space<semaphore_mem>>
    %dma_start3A_10 = tpu.memref_slice %arg3[%multiple_of3A] : memref<320000xi32, #tpu.memory_space<hbm>> -> memref<80xi32, #tpu.memory_space<hbm>>
    tpu.enqueue_dma source(%dma_start3A_10 : memref<80xi32, #tpu.memory_space<hbm>>) target(%arg7 : memref<80xi32, #tpu.memory_space<vmem>>) target_semaphore(%dma_start3A_9 : memref<!tpu.dma_semaphore, #tpu.memory_space<semaphore_mem>>)
    %dma_start3A_11 = arith.constant 0 : i32
    %dma_start3A_12 = tpu.memref_slice %arg4[%multiple_of3A] : memref<320000xi32, #tpu.memory_space<hbm>> -> memref<80xi32, #tpu.memory_space<hbm>>
    %dma_start3A_13 = tpu.memref_slice %arg20[%dma_start3A_11] : memref<4x!tpu.dma_semaphore, #tpu.memory_space<semaphore_mem>> -> memref<1x!tpu.dma_semaphore, #tpu.memory_space<semaphore_mem>>
    %dma_start3A_14 = tpu.memref_squeeze %dma_start3A_13 : memref<1x!tpu.dma_semaphore, #tpu.memory_space<semaphore_mem>> -> memref<!tpu.dma_semaphore, #tpu.memory_space<semaphore_mem>>
    %dma_start3A_15 = tpu.memref_slice %arg4[%multiple_of3A] : memref<320000xi32, #tpu.memory_space<hbm>> -> memref<80xi32, #tpu.memory_space<hbm>>
    tpu.enqueue_dma source(%dma_start3A_15 : memref<80xi32, #tpu.memory_space<hbm>>) target(%arg11 : memref<80xi32, #tpu.memory_space<vmem>>) target_semaphore(%dma_start3A_14 : memref<!tpu.dma_semaphore, #tpu.memory_space<semaphore_mem>>)
    %add3A_16 = arith.constant 80 : i32
    %add3A_17 = arith.addi %mul3A_4, %add3A_16 : i32
    %multiple_of3A_18 = tpu.assume_multiple %add3A_17, 8 : i32
    %dma_start3A_19 = arith.constant 1 : i32
    %dma_start3A_20 = tpu.memref_slice %arg3[%multiple_of3A_18] : memref<320000xi32, #tpu.memory_space<hbm>> -> memref<80xi32, #tpu.memory_space<hbm>>
    %dma_start3A_21 = tpu.memref_slice %arg19[%dma_start3A_19] : memref<4x!tpu.dma_semaphore, #tpu.memory_space<semaphore_mem>> -> memref<1x!tpu.dma_semaphore, #tpu.memory_space<semaphore_mem>>
    %dma_start3A_22 = tpu.memref_squeeze %dma_start3A_21 : memref<1x!tpu.dma_semaphore, #tpu.memory_space<semaphore_mem>> -> memref<!tpu.dma_semaphore, #tpu.memory_space<semaphore_mem>>
    %dma_start3A_23 = tpu.memref_slice %arg3[%multiple_of3A_18] : memref<320000xi32, #tpu.memory_space<hbm>> -> memref<80xi32, #tpu.memory_space<hbm>>
    tpu.enqueue_dma source(%dma_start3A_23 : memref<80xi32, #tpu.memory_space<hbm>>) target(%arg8 : memref<80xi32, #tpu.memory_space<vmem>>) target_semaphore(%dma_start3A_22 : memref<!tpu.dma_semaphore, #tpu.memory_space<semaphore_mem>>)
    %dma_start3A_24 = arith.constant 1 : i32
    %dma_start3A_25 = tpu.memref_slice %arg4[%multiple_of3A_18] : memref<320000xi32, #tpu.memory_space<hbm>> -> memref<80xi32, #tpu.memory_space<hbm>>
    %dma_start3A_26 = tpu.memref_slice %arg20[%dma_start3A_24] : memref<4x!tpu.dma_semaphore, #tpu.memory_space<semaphore_mem>> -> memref<1x!tpu.dma_semaphore, #tpu.memory_space<semaphore_mem>>
    %dma_start3A_27 = tpu.memref_squeeze %dma_start3A_26 : memref<1x!tpu.dma_semaphore, #tpu.memory_space<semaphore_mem>> -> memref<!tpu.dma_semaphore, #tpu.memory_space<semaphore_mem>>
    %dma_start3A_28 = tpu.memref_slice %arg4[%multiple_of3A_18] : memref<320000xi32, #tpu.memory_space<hbm>> -> memref<80xi32, #tpu.memory_space<hbm>>
    tpu.enqueue_dma source(%dma_start3A_28 : memref<80xi32, #tpu.memory_space<hbm>>) target(%arg12 : memref<80xi32, #tpu.memory_space<vmem>>) target_semaphore(%dma_start3A_27 : memref<!tpu.dma_semaphore, #tpu.memory_space<semaphore_mem>>)
    %add3A_29 = arith.constant 160 : i32
    %add3A_30 = arith.addi %mul3A_4, %add3A_29 : i32
    %multiple_of3A_31 = tpu.assume_multiple %add3A_30, 8 : i32
    %dma_start3A_32 = arith.constant 2 : i32
    %dma_start3A_33 = tpu.memref_slice %arg3[%multiple_of3A_31] : memref<320000xi32, #tpu.memory_space<hbm>> -> memref<80xi32, #tpu.memory_space<hbm>>
    %dma_start3A_34 = tpu.memref_slice %arg19[%dma_start3A_32] : memref<4x!tpu.dma_semaphore, #tpu.memory_space<semaphore_mem>> -> memref<1x!tpu.dma_semaphore, #tpu.memory_space<semaphore_mem>>
    %dma_start3A_35 = tpu.memref_squeeze %dma_start3A_34 : memref<1x!tpu.dma_semaphore, #tpu.memory_space<semaphore_mem>> -> memref<!tpu.dma_semaphore, #tpu.memory_space<semaphore_mem>>
    %dma_start3A_36 = tpu.memref_slice %arg3[%multiple_of3A_31] : memref<320000xi32, #tpu.memory_space<hbm>> -> memref<80xi32, #tpu.memory_space<hbm>>
    tpu.enqueue_dma source(%dma_start3A_36 : memref<80xi32, #tpu.memory_space<hbm>>) target(%arg9 : memref<80xi32, #tpu.memory_space<vmem>>) target_semaphore(%dma_start3A_35 : memref<!tpu.dma_semaphore, #tpu.memory_space<semaphore_mem>>)
    %dma_start3A_37 = arith.constant 2 : i32
    %dma_start3A_38 = tpu.memref_slice %arg4[%multiple_of3A_31] : memref<320000xi32, #tpu.memory_space<hbm>> -> memref<80xi32, #tpu.memory_space<hbm>>
    %dma_start3A_39 = tpu.memref_slice %arg20[%dma_start3A_37] : memref<4x!tpu.dma_semaphore, #tpu.memory_space<semaphore_mem>> -> memref<1x!tpu.dma_semaphore, #tpu.memory_space<semaphore_mem>>
    %dma_start3A_40 = tpu.memref_squeeze %dma_start3A_39 : memref<1x!tpu.dma_semaphore, #tpu.memory_space<semaphore_mem>> -> memref<!tpu.dma_semaphore, #tpu.memory_space<semaphore_mem>>
    %dma_start3A_41 = tpu.memref_slice %arg4[%multiple_of3A_31] : memref<320000xi32, #tpu.memory_space<hbm>> -> memref<80xi32, #tpu.memory_space<hbm>>
    tpu.enqueue_dma source(%dma_start3A_41 : memref<80xi32, #tpu.memory_space<hbm>>) target(%arg13 : memref<80xi32, #tpu.memory_space<vmem>>) target_semaphore(%dma_start3A_40 : memref<!tpu.dma_semaphore, #tpu.memory_space<semaphore_mem>>)
    %add3A_42 = arith.constant 240 : i32
    %add3A_43 = arith.addi %mul3A_4, %add3A_42 : i32
    %multiple_of3A_44 = tpu.assume_multiple %add3A_43, 8 : i32
    %dma_start3A_45 = arith.constant 3 : i32
    %dma_start3A_46 = tpu.memref_slice %arg3[%multiple_of3A_44] : memref<320000xi32, #tpu.memory_space<hbm>> -> memref<80xi32, #tpu.memory_space<hbm>>
    %dma_start3A_47 = tpu.memref_slice %arg19[%dma_start3A_45] : memref<4x!tpu.dma_semaphore, #tpu.memory_space<semaphore_mem>> -> memref<1x!tpu.dma_semaphore, #tpu.memory_space<semaphore_mem>>
    %dma_start3A_48 = tpu.memref_squeeze %dma_start3A_47 : memref<1x!tpu.dma_semaphore, #tpu.memory_space<semaphore_mem>> -> memref<!tpu.dma_semaphore, #tpu.memory_space<semaphore_mem>>
    %dma_start3A_49 = tpu.memref_slice %arg3[%multiple_of3A_44] : memref<320000xi32, #tpu.memory_space<hbm>> -> memref<80xi32, #tpu.memory_space<hbm>>
    tpu.enqueue_dma source(%dma_start3A_49 : memref<80xi32, #tpu.memory_space<hbm>>) target(%arg10 : memref<80xi32, #tpu.memory_space<vmem>>) target_semaphore(%dma_start3A_48 : memref<!tpu.dma_semaphore, #tpu.memory_space<semaphore_mem>>)
    %dma_start3A_50 = arith.constant 3 : i32
    %dma_start3A_51 = tpu.memref_slice %arg4[%multiple_of3A_44] : memref<320000xi32, #tpu.memory_space<hbm>> -> memref<80xi32, #tpu.memory_space<hbm>>
    %dma_start3A_52 = tpu.memref_slice %arg20[%dma_start3A_50] : memref<4x!tpu.dma_semaphore, #tpu.memory_space<semaphore_mem>> -> memref<1x!tpu.dma_semaphore, #tpu.memory_space<semaphore_mem>>
    %dma_start3A_53 = tpu.memref_squeeze %dma_start3A_52 : memref<1x!tpu.dma_semaphore, #tpu.memory_space<semaphore_mem>> -> memref<!tpu.dma_semaphore, #tpu.memory_space<semaphore_mem>>
    %dma_start3A_54 = tpu.memref_slice %arg4[%multiple_of3A_44] : memref<320000xi32, #tpu.memory_space<hbm>> -> memref<80xi32, #tpu.memory_space<hbm>>
    tpu.enqueue_dma source(%dma_start3A_54 : memref<80xi32, #tpu.memory_space<hbm>>) target(%arg14 : memref<80xi32, #tpu.memory_space<vmem>>) target_semaphore(%dma_start3A_53 : memref<!tpu.dma_semaphore, #tpu.memory_space<semaphore_mem>>)
    %dma_wait3A = arith.constant 0 : i32
    %dma_wait3A_55 = arith.constant 0 : i32
    %dma_wait3A_56 = tpu.memref_slice %arg3[%dma_wait3A_55] : memref<320000xi32, #tpu.memory_space<hbm>> -> memref<80xi32, #tpu.memory_space<hbm>>
    %dma_wait3A_57 = tpu.memref_slice %arg19[%dma_wait3A] : memref<4x!tpu.dma_semaphore, #tpu.memory_space<semaphore_mem>> -> memref<1x!tpu.dma_semaphore, #tpu.memory_space<semaphore_mem>>
    %dma_wait3A_58 = tpu.memref_squeeze %dma_wait3A_57 : memref<1x!tpu.dma_semaphore, #tpu.memory_space<semaphore_mem>> -> memref<!tpu.dma_semaphore, #tpu.memory_space<semaphore_mem>>
    %dma_wait3A_59 = arith.constant 0 : i32
    %dma_wait3A_60 = tpu.memref_slice %arg3[%dma_wait3A_59] : memref<320000xi32, #tpu.memory_space<hbm>> -> memref<80xi32, #tpu.memory_space<hbm>>
    tpu.wait_dma2 semaphore(%dma_wait3A_58 : memref<!tpu.dma_semaphore, #tpu.memory_space<semaphore_mem>>) src(%dma_wait3A_60 : memref<80xi32, #tpu.memory_space<hbm>>) dst(%arg7 : memref<80xi32, #tpu.memory_space<vmem>>)
    %dma_start3A_61 = arith.constant 0 : i32
    %dma_start3A_62 = arith.constant 0 : i32
    %dma_start3A_63 = arith.constant 0 : i32
    %dma_start3A_64 = tpu.memref_slice %arg2[%dma_start3A_62, %dma_start3A_63] : memref<10000x128xf32, #tpu.memory_space<hbm>> -> memref<10000x128xf32, #tpu.memory_space<hbm>>
    %dma_start3A_65 = tpu.memref_slice %arg21[%dma_start3A_61] : memref<4x!tpu.dma_semaphore, #tpu.memory_space<semaphore_mem>> -> memref<1x!tpu.dma_semaphore, #tpu.memory_space<semaphore_mem>>
    %dma_start3A_66 = tpu.memref_squeeze %dma_start3A_65 : memref<1x!tpu.dma_semaphore, #tpu.memory_space<semaphore_mem>> -> memref<!tpu.dma_semaphore, #tpu.memory_space<semaphore_mem>>
    tpu.enqueue_indirect_dma source(%dma_start3A_64 : memref<10000x128xf32, #tpu.memory_space<hbm>>) target(%arg15 : memref<80x128xf32, #tpu.memory_space<vmem>>) offsets(%arg7 : memref<80xi32, #tpu.memory_space<vmem>>) semaphore(%dma_start3A_66 : memref<!tpu.dma_semaphore, #tpu.memory_space<semaphore_mem>>)
    %scan3A = arith.constant 0 : i32
    %scan3A_67 = arith.constant 0 : i32
    %scan3A_68 = arith.constant 31 : i32
    %scan3A_69 = arith.addi %scan3A_67, %scan3A_68 : i32
    %scan3A_70 = arith.constant 1 : i32
    scf.for %scan3A_149 = %scan3A_67 to %scan3A_69 step %scan3A_70  : i32 {
      %mul3A_150 = arith.constant 4 : i32
      %mul3A_151 = arith.muli %mul3A_150, %scan3A_149 : i32
      %gt3A = arith.constant 0 : i32
      %gt3A_152 = arith.cmpi sgt, %scan3A_149, %gt3A : i32
      %convert_element_type3A_153 = arith.extui %gt3A_152 : i1 to i32
      %cond3A_154 = arith.constant 0 : i32
      %cond3A_155 = arith.cmpi ne, %convert_element_type3A_153, %cond3A_154 : i32
      scf.if %cond3A_155 {
        %dma_wait3A_313 = arith.constant 3 : i32
        %dma_wait3A_314 = arith.constant 0 : i32
        %dma_wait3A_315 = arith.constant 0 : i32
        %dma_wait3A_316 = tpu.memref_slice %arg2[%dma_wait3A_314, %dma_wait3A_315] : memref<10000x128xf32, #tpu.memory_space<hbm>> -> memref<80x128xf32, #tpu.memory_space<hbm>>
        %dma_wait3A_317 = tpu.memref_slice %arg22[%dma_wait3A_313] : memref<4x!tpu.dma_semaphore, #tpu.memory_space<semaphore_mem>> -> memref<1x!tpu.dma_semaphore, #tpu.memory_space<semaphore_mem>>
        %dma_wait3A_318 = tpu.memref_squeeze %dma_wait3A_317 : memref<1x!tpu.dma_semaphore, #tpu.memory_space<semaphore_mem>> -> memref<!tpu.dma_semaphore, #tpu.memory_space<semaphore_mem>>
        %dma_wait3A_319 = arith.constant 0 : i32
        %dma_wait3A_320 = arith.constant 0 : i32
        %dma_wait3A_321 = tpu.memref_slice %arg2[%dma_wait3A_319, %dma_wait3A_320] : memref<10000x128xf32, #tpu.memory_space<hbm>> -> memref<80x128xf32, #tpu.memory_space<hbm>>
        tpu.wait_dma2 semaphore(%dma_wait3A_318 : memref<!tpu.dma_semaphore, #tpu.memory_space<semaphore_mem>>) src(%dma_wait3A_321 : memref<80x128xf32, #tpu.memory_space<hbm>>) dst(%arg18 : memref<80x128xf32, #tpu.memory_space<vmem>>)
        %add3A_322 = arith.constant 3 : i32
        %add3A_323 = arith.addi %mul3A_151, %add3A_322 : i32
        %mul3A_324 = arith.constant 80 : i32
        %mul3A_325 = arith.muli %add3A_323, %mul3A_324 : i32
        %add3A_326 = arith.addi %mul3A_4, %mul3A_325 : i32
        %multiple_of3A_327 = tpu.assume_multiple %add3A_326, 8 : i32
        %dma_start3A_328 = arith.constant 3 : i32
        %dma_start3A_329 = tpu.memref_slice %arg3[%multiple_of3A_327] : memref<320000xi32, #tpu.memory_space<hbm>> -> memref<80xi32, #tpu.memory_space<hbm>>
        %dma_start3A_330 = tpu.memref_slice %arg19[%dma_start3A_328] : memref<4x!tpu.dma_semaphore, #tpu.memory_space<semaphore_mem>> -> memref<1x!tpu.dma_semaphore, #tpu.memory_space<semaphore_mem>>
        %dma_start3A_331 = tpu.memref_squeeze %dma_start3A_330 : memref<1x!tpu.dma_semaphore, #tpu.memory_space<semaphore_mem>> -> memref<!tpu.dma_semaphore, #tpu.memory_space<semaphore_mem>>
        %dma_start3A_332 = tpu.memref_slice %arg3[%multiple_of3A_327] : memref<320000xi32, #tpu.memory_space<hbm>> -> memref<80xi32, #tpu.memory_space<hbm>>
        tpu.enqueue_dma source(%dma_start3A_332 : memref<80xi32, #tpu.memory_space<hbm>>) target(%arg10 : memref<80xi32, #tpu.memory_space<vmem>>) target_semaphore(%dma_start3A_331 : memref<!tpu.dma_semaphore, #tpu.memory_space<semaphore_mem>>)
        %dma_start3A_333 = arith.constant 3 : i32
        %dma_start3A_334 = tpu.memref_slice %arg4[%multiple_of3A_327] : memref<320000xi32, #tpu.memory_space<hbm>> -> memref<80xi32, #tpu.memory_space<hbm>>
        %dma_start3A_335 = tpu.memref_slice %arg20[%dma_start3A_333] : memref<4x!tpu.dma_semaphore, #tpu.memory_space<semaphore_mem>> -> memref<1x!tpu.dma_semaphore, #tpu.memory_space<semaphore_mem>>
        %dma_start3A_336 = tpu.memref_squeeze %dma_start3A_335 : memref<1x!tpu.dma_semaphore, #tpu.memory_space<semaphore_mem>> -> memref<!tpu.dma_semaphore, #tpu.memory_space<semaphore_mem>>
        %dma_start3A_337 = tpu.memref_slice %arg4[%multiple_of3A_327] : memref<320000xi32, #tpu.memory_space<hbm>> -> memref<80xi32, #tpu.memory_space<hbm>>
        tpu.enqueue_dma source(%dma_start3A_337 : memref<80xi32, #tpu.memory_space<hbm>>) target(%arg14 : memref<80xi32, #tpu.memory_space<vmem>>) target_semaphore(%dma_start3A_336 : memref<!tpu.dma_semaphore, #tpu.memory_space<semaphore_mem>>)
      } else {
      }
      %dma_wait3A_156 = arith.constant 1 : i32
      %dma_wait3A_157 = arith.constant 0 : i32
      %dma_wait3A_158 = tpu.memref_slice %arg3[%dma_wait3A_157] : memref<320000xi32, #tpu.memory_space<hbm>> -> memref<80xi32, #tpu.memory_space<hbm>>
      %dma_wait3A_159 = tpu.memref_slice %arg19[%dma_wait3A_156] : memref<4x!tpu.dma_semaphore, #tpu.memory_space<semaphore_mem>> -> memref<1x!tpu.dma_semaphore, #tpu.memory_space<semaphore_mem>>
      %dma_wait3A_160 = tpu.memref_squeeze %dma_wait3A_159 : memref<1x!tpu.dma_semaphore, #tpu.memory_space<semaphore_mem>> -> memref<!tpu.dma_semaphore, #tpu.memory_space<semaphore_mem>>
      %dma_wait3A_161 = arith.constant 0 : i32
      %dma_wait3A_162 = tpu.memref_slice %arg3[%dma_wait3A_161] : memref<320000xi32, #tpu.memory_space<hbm>> -> memref<80xi32, #tpu.memory_space<hbm>>
      tpu.wait_dma2 semaphore(%dma_wait3A_160 : memref<!tpu.dma_semaphore, #tpu.memory_space<semaphore_mem>>) src(%dma_wait3A_162 : memref<80xi32, #tpu.memory_space<hbm>>) dst(%arg8 : memref<80xi32, #tpu.memory_space<vmem>>)
      %dma_start3A_163 = arith.constant 1 : i32
      %dma_start3A_164 = arith.constant 0 : i32
      %dma_start3A_165 = arith.constant 0 : i32
      %dma_start3A_166 = tpu.memref_slice %arg2[%dma_start3A_164, %dma_start3A_165] : memref<10000x128xf32, #tpu.memory_space<hbm>> -> memref<10000x128xf32, #tpu.memory_space<hbm>>
      %dma_start3A_167 = tpu.memref_slice %arg21[%dma_start3A_163] : memref<4x!tpu.dma_semaphore, #tpu.memory_space<semaphore_mem>> -> memref<1x!tpu.dma_semaphore, #tpu.memory_space<semaphore_mem>>
      %dma_start3A_168 = tpu.memref_squeeze %dma_start3A_167 : memref<1x!tpu.dma_semaphore, #tpu.memory_space<semaphore_mem>> -> memref<!tpu.dma_semaphore, #tpu.memory_space<semaphore_mem>>
      tpu.enqueue_indirect_dma source(%dma_start3A_166 : memref<10000x128xf32, #tpu.memory_space<hbm>>) target(%arg16 : memref<80x128xf32, #tpu.memory_space<vmem>>) offsets(%arg8 : memref<80xi32, #tpu.memory_space<vmem>>) semaphore(%dma_start3A_168 : memref<!tpu.dma_semaphore, #tpu.memory_space<semaphore_mem>>)
      %dma_wait3A_169 = arith.constant 0 : i32
      %dma_wait3A_170 = arith.constant 0 : i32
      %dma_wait3A_171 = arith.constant 0 : i32
      %dma_wait3A_172 = tpu.memref_slice %arg2[%dma_wait3A_170, %dma_wait3A_171] : memref<10000x128xf32, #tpu.memory_space<hbm>> -> memref<80x128xf32, #tpu.memory_space<hbm>>
      %dma_wait3A_173 = tpu.memref_slice %arg21[%dma_wait3A_169] : memref<4x!tpu.dma_semaphore, #tpu.memory_space<semaphore_mem>> -> memref<1x!tpu.dma_semaphore, #tpu.memory_space<semaphore_mem>>
      %dma_wait3A_174 = tpu.memref_squeeze %dma_wait3A_173 : memref<1x!tpu.dma_semaphore, #tpu.memory_space<semaphore_mem>> -> memref<!tpu.dma_semaphore, #tpu.memory_space<semaphore_mem>>
      %dma_wait3A_175 = arith.constant 0 : i32
      %dma_wait3A_176 = arith.constant 0 : i32
      %dma_wait3A_177 = tpu.memref_slice %arg2[%dma_wait3A_175, %dma_wait3A_176] : memref<10000x128xf32, #tpu.memory_space<hbm>> -> memref<80x128xf32, #tpu.memory_space<hbm>>
      tpu.wait_dma2 semaphore(%dma_wait3A_174 : memref<!tpu.dma_semaphore, #tpu.memory_space<semaphore_mem>>) src(%dma_wait3A_177 : memref<80x128xf32, #tpu.memory_space<hbm>>) dst(%arg15 : memref<80x128xf32, #tpu.memory_space<vmem>>)
      %dma_wait3A_178 = arith.constant 0 : i32
      %dma_wait3A_179 = arith.constant 0 : i32
      %dma_wait3A_180 = tpu.memref_slice %arg4[%dma_wait3A_179] : memref<320000xi32, #tpu.memory_space<hbm>> -> memref<80xi32, #tpu.memory_space<hbm>>
      %dma_wait3A_181 = tpu.memref_slice %arg20[%dma_wait3A_178] : memref<4x!tpu.dma_semaphore, #tpu.memory_space<semaphore_mem>> -> memref<1x!tpu.dma_semaphore, #tpu.memory_space<semaphore_mem>>
      %dma_wait3A_182 = tpu.memref_squeeze %dma_wait3A_181 : memref<1x!tpu.dma_semaphore, #tpu.memory_space<semaphore_mem>> -> memref<!tpu.dma_semaphore, #tpu.memory_space<semaphore_mem>>
      %dma_wait3A_183 = arith.constant 0 : i32
      %dma_wait3A_184 = tpu.memref_slice %arg4[%dma_wait3A_183] : memref<320000xi32, #tpu.memory_space<hbm>> -> memref<80xi32, #tpu.memory_space<hbm>>
      tpu.wait_dma2 semaphore(%dma_wait3A_182 : memref<!tpu.dma_semaphore, #tpu.memory_space<semaphore_mem>>) src(%dma_wait3A_184 : memref<80xi32, #tpu.memory_space<hbm>>) dst(%arg11 : memref<80xi32, #tpu.memory_space<vmem>>)
      %dma_start3A_185 = arith.constant 0 : i32
      %dma_start3A_186 = arith.constant 0 : i32
      %dma_start3A_187 = arith.constant 0 : i32
      %dma_start3A_188 = tpu.memref_slice %arg23[%dma_start3A_186, %dma_start3A_187] : memref<10000x128xf32, #tpu.memory_space<vmem_shared>> -> memref<10000x128xf32, #tpu.memory_space<vmem_shared>>
      %dma_start3A_189 = tpu.memref_slice %arg22[%dma_start3A_185] : memref<4x!tpu.dma_semaphore, #tpu.memory_space<semaphore_mem>> -> memref<1x!tpu.dma_semaphore, #tpu.memory_space<semaphore_mem>>
      %dma_start3A_190 = tpu.memref_squeeze %dma_start3A_189 : memref<1x!tpu.dma_semaphore, #tpu.memory_space<semaphore_mem>> -> memref<!tpu.dma_semaphore, #tpu.memory_space<semaphore_mem>>
      tpu.enqueue_indirect_dma source(%arg15 : memref<80x128xf32, #tpu.memory_space<vmem>>) target(%dma_start3A_188 : memref<10000x128xf32, #tpu.memory_space<vmem_shared>>) offsets(%arg11 : memref<80xi32, #tpu.memory_space<vmem>>) semaphore(%dma_start3A_190 : memref<!tpu.dma_semaphore, #tpu.memory_space<semaphore_mem>>) {add = true}
      %dma_wait3A_191 = arith.constant 2 : i32
      %dma_wait3A_192 = arith.constant 0 : i32
      %dma_wait3A_193 = tpu.memref_slice %arg3[%dma_wait3A_192] : memref<320000xi32, #tpu.memory_space<hbm>> -> memref<80xi32, #tpu.memory_space<hbm>>
      %dma_wait3A_194 = tpu.memref_slice %arg19[%dma_wait3A_191] : memref<4x!tpu.dma_semaphore, #tpu.memory_space<semaphore_mem>> -> memref<1x!tpu.dma_semaphore, #tpu.memory_space<semaphore_mem>>
      %dma_wait3A_195 = tpu.memref_squeeze %dma_wait3A_194 : memref<1x!tpu.dma_semaphore, #tpu.memory_space<semaphore_mem>> -> memref<!tpu.dma_semaphore, #tpu.memory_space<semaphore_mem>>
      %dma_wait3A_196 = arith.constant 0 : i32
      %dma_wait3A_197 = tpu.memref_slice %arg3[%dma_wait3A_196] : memref<320000xi32, #tpu.memory_space<hbm>> -> memref<80xi32, #tpu.memory_space<hbm>>
      tpu.wait_dma2 semaphore(%dma_wait3A_195 : memref<!tpu.dma_semaphore, #tpu.memory_space<semaphore_mem>>) src(%dma_wait3A_197 : memref<80xi32, #tpu.memory_space<hbm>>) dst(%arg9 : memref<80xi32, #tpu.memory_space<vmem>>)
      %dma_start3A_198 = arith.constant 2 : i32
      %dma_start3A_199 = arith.constant 0 : i32
      %dma_start3A_200 = arith.constant 0 : i32
      %dma_start3A_201 = tpu.memref_slice %arg2[%dma_start3A_199, %dma_start3A_200] : memref<10000x128xf32, #tpu.memory_space<hbm>> -> memref<10000x128xf32, #tpu.memory_space<hbm>>
      %dma_start3A_202 = tpu.memref_slice %arg21[%dma_start3A_198] : memref<4x!tpu.dma_semaphore, #tpu.memory_space<semaphore_mem>> -> memref<1x!tpu.dma_semaphore, #tpu.memory_space<semaphore_mem>>
      %dma_start3A_203 = tpu.memref_squeeze %dma_start3A_202 : memref<1x!tpu.dma_semaphore, #tpu.memory_space<semaphore_mem>> -> memref<!tpu.dma_semaphore, #tpu.memory_space<semaphore_mem>>
      tpu.enqueue_indirect_dma source(%dma_start3A_201 : memref<10000x128xf32, #tpu.memory_space<hbm>>) target(%arg17 : memref<80x128xf32, #tpu.memory_space<vmem>>) offsets(%arg9 : memref<80xi32, #tpu.memory_space<vmem>>) semaphore(%dma_start3A_203 : memref<!tpu.dma_semaphore, #tpu.memory_space<semaphore_mem>>)
      %dma_wait3A_204 = arith.constant 1 : i32
      %dma_wait3A_205 = arith.constant 0 : i32
      %dma_wait3A_206 = arith.constant 0 : i32
      %dma_wait3A_207 = tpu.memref_slice %arg2[%dma_wait3A_205, %dma_wait3A_206] : memref<10000x128xf32, #tpu.memory_space<hbm>> -> memref<80x128xf32, #tpu.memory_space<hbm>>
      %dma_wait3A_208 = tpu.memref_slice %arg21[%dma_wait3A_204] : memref<4x!tpu.dma_semaphore, #tpu.memory_space<semaphore_mem>> -> memref<1x!tpu.dma_semaphore, #tpu.memory_space<semaphore_mem>>
      %dma_wait3A_209 = tpu.memref_squeeze %dma_wait3A_208 : memref<1x!tpu.dma_semaphore, #tpu.memory_space<semaphore_mem>> -> memref<!tpu.dma_semaphore, #tpu.memory_space<semaphore_mem>>
      %dma_wait3A_210 = arith.constant 0 : i32
      %dma_wait3A_211 = arith.constant 0 : i32
      %dma_wait3A_212 = tpu.memref_slice %arg2[%dma_wait3A_210, %dma_wait3A_211] : memref<10000x128xf32, #tpu.memory_space<hbm>> -> memref<80x128xf32, #tpu.memory_space<hbm>>
      tpu.wait_dma2 semaphore(%dma_wait3A_209 : memref<!tpu.dma_semaphore, #tpu.memory_space<semaphore_mem>>) src(%dma_wait3A_212 : memref<80x128xf32, #tpu.memory_space<hbm>>) dst(%arg16 : memref<80x128xf32, #tpu.memory_space<vmem>>)
      %dma_wait3A_213 = arith.constant 1 : i32
      %dma_wait3A_214 = arith.constant 0 : i32
      %dma_wait3A_215 = tpu.memref_slice %arg4[%dma_wait3A_214] : memref<320000xi32, #tpu.memory_space<hbm>> -> memref<80xi32, #tpu.memory_space<hbm>>
      %dma_wait3A_216 = tpu.memref_slice %arg20[%dma_wait3A_213] : memref<4x!tpu.dma_semaphore, #tpu.memory_space<semaphore_mem>> -> memref<1x!tpu.dma_semaphore, #tpu.memory_space<semaphore_mem>>
      %dma_wait3A_217 = tpu.memref_squeeze %dma_wait3A_216 : memref<1x!tpu.dma_semaphore, #tpu.memory_space<semaphore_mem>> -> memref<!tpu.dma_semaphore, #tpu.memory_space<semaphore_mem>>
      %dma_wait3A_218 = arith.constant 0 : i32
      %dma_wait3A_219 = tpu.memref_slice %arg4[%dma_wait3A_218] : memref<320000xi32, #tpu.memory_space<hbm>> -> memref<80xi32, #tpu.memory_space<hbm>>
      tpu.wait_dma2 semaphore(%dma_wait3A_217 : memref<!tpu.dma_semaphore, #tpu.memory_space<semaphore_mem>>) src(%dma_wait3A_219 : memref<80xi32, #tpu.memory_space<hbm>>) dst(%arg12 : memref<80xi32, #tpu.memory_space<vmem>>)
      %dma_start3A_220 = arith.constant 1 : i32
      %dma_start3A_221 = arith.constant 0 : i32
      %dma_start3A_222 = arith.constant 0 : i32
      %dma_start3A_223 = tpu.memref_slice %arg23[%dma_start3A_221, %dma_start3A_222] : memref<10000x128xf32, #tpu.memory_space<vmem_shared>> -> memref<10000x128xf32, #tpu.memory_space<vmem_shared>>
      %dma_start3A_224 = tpu.memref_slice %arg22[%dma_start3A_220] : memref<4x!tpu.dma_semaphore, #tpu.memory_space<semaphore_mem>> -> memref<1x!tpu.dma_semaphore, #tpu.memory_space<semaphore_mem>>
      %dma_start3A_225 = tpu.memref_squeeze %dma_start3A_224 : memref<1x!tpu.dma_semaphore, #tpu.memory_space<semaphore_mem>> -> memref<!tpu.dma_semaphore, #tpu.memory_space<semaphore_mem>>
      tpu.enqueue_indirect_dma source(%arg16 : memref<80x128xf32, #tpu.memory_space<vmem>>) target(%dma_start3A_223 : memref<10000x128xf32, #tpu.memory_space<vmem_shared>>) offsets(%arg12 : memref<80xi32, #tpu.memory_space<vmem>>) semaphore(%dma_start3A_225 : memref<!tpu.dma_semaphore, #tpu.memory_space<semaphore_mem>>) {add = true}
      %dma_wait3A_226 = arith.constant 3 : i32
      %dma_wait3A_227 = arith.constant 0 : i32
      %dma_wait3A_228 = tpu.memref_slice %arg3[%dma_wait3A_227] : memref<320000xi32, #tpu.memory_space<hbm>> -> memref<80xi32, #tpu.memory_space<hbm>>
      %dma_wait3A_229 = tpu.memref_slice %arg19[%dma_wait3A_226] : memref<4x!tpu.dma_semaphore, #tpu.memory_space<semaphore_mem>> -> memref<1x!tpu.dma_semaphore, #tpu.memory_space<semaphore_mem>>
      %dma_wait3A_230 = tpu.memref_squeeze %dma_wait3A_229 : memref<1x!tpu.dma_semaphore, #tpu.memory_space<semaphore_mem>> -> memref<!tpu.dma_semaphore, #tpu.memory_space<semaphore_mem>>
      %dma_wait3A_231 = arith.constant 0 : i32
      %dma_wait3A_232 = tpu.memref_slice %arg3[%dma_wait3A_231] : memref<320000xi32, #tpu.memory_space<hbm>> -> memref<80xi32, #tpu.memory_space<hbm>>
      tpu.wait_dma2 semaphore(%dma_wait3A_230 : memref<!tpu.dma_semaphore, #tpu.memory_space<semaphore_mem>>) src(%dma_wait3A_232 : memref<80xi32, #tpu.memory_space<hbm>>) dst(%arg10 : memref<80xi32, #tpu.memory_space<vmem>>)
      %dma_start3A_233 = arith.constant 3 : i32
      %dma_start3A_234 = arith.constant 0 : i32
      %dma_start3A_235 = arith.constant 0 : i32
      %dma_start3A_236 = tpu.memref_slice %arg2[%dma_start3A_234, %dma_start3A_235] : memref<10000x128xf32, #tpu.memory_space<hbm>> -> memref<10000x128xf32, #tpu.memory_space<hbm>>
      %dma_start3A_237 = tpu.memref_slice %arg21[%dma_start3A_233] : memref<4x!tpu.dma_semaphore, #tpu.memory_space<semaphore_mem>> -> memref<1x!tpu.dma_semaphore, #tpu.memory_space<semaphore_mem>>
      %dma_start3A_238 = tpu.memref_squeeze %dma_start3A_237 : memref<1x!tpu.dma_semaphore, #tpu.memory_space<semaphore_mem>> -> memref<!tpu.dma_semaphore, #tpu.memory_space<semaphore_mem>>
      tpu.enqueue_indirect_dma source(%dma_start3A_236 : memref<10000x128xf32, #tpu.memory_space<hbm>>) target(%arg18 : memref<80x128xf32, #tpu.memory_space<vmem>>) offsets(%arg10 : memref<80xi32, #tpu.memory_space<vmem>>) semaphore(%dma_start3A_238 : memref<!tpu.dma_semaphore, #tpu.memory_space<semaphore_mem>>)
      %dma_wait3A_239 = arith.constant 2 : i32
      %dma_wait3A_240 = arith.constant 0 : i32
      %dma_wait3A_241 = arith.constant 0 : i32
      %dma_wait3A_242 = tpu.memref_slice %arg2[%dma_wait3A_240, %dma_wait3A_241] : memref<10000x128xf32, #tpu.memory_space<hbm>> -> memref<80x128xf32, #tpu.memory_space<hbm>>
      %dma_wait3A_243 = tpu.memref_slice %arg21[%dma_wait3A_239] : memref<4x!tpu.dma_semaphore, #tpu.memory_space<semaphore_mem>> -> memref<1x!tpu.dma_semaphore, #tpu.memory_space<semaphore_mem>>
      %dma_wait3A_244 = tpu.memref_squeeze %dma_wait3A_243 : memref<1x!tpu.dma_semaphore, #tpu.memory_space<semaphore_mem>> -> memref<!tpu.dma_semaphore, #tpu.memory_space<semaphore_mem>>
      %dma_wait3A_245 = arith.constant 0 : i32
      %dma_wait3A_246 = arith.constant 0 : i32
      %dma_wait3A_247 = tpu.memref_slice %arg2[%dma_wait3A_245, %dma_wait3A_246] : memref<10000x128xf32, #tpu.memory_space<hbm>> -> memref<80x128xf32, #tpu.memory_space<hbm>>
      tpu.wait_dma2 semaphore(%dma_wait3A_244 : memref<!tpu.dma_semaphore, #tpu.memory_space<semaphore_mem>>) src(%dma_wait3A_247 : memref<80x128xf32, #tpu.memory_space<hbm>>) dst(%arg17 : memref<80x128xf32, #tpu.memory_space<vmem>>)
      %dma_wait3A_248 = arith.constant 2 : i32
      %dma_wait3A_249 = arith.constant 0 : i32
      %dma_wait3A_250 = tpu.memref_slice %arg4[%dma_wait3A_249] : memref<320000xi32, #tpu.memory_space<hbm>> -> memref<80xi32, #tpu.memory_space<hbm>>
      %dma_wait3A_251 = tpu.memref_slice %arg20[%dma_wait3A_248] : memref<4x!tpu.dma_semaphore, #tpu.memory_space<semaphore_mem>> -> memref<1x!tpu.dma_semaphore, #tpu.memory_space<semaphore_mem>>
      %dma_wait3A_252 = tpu.memref_squeeze %dma_wait3A_251 : memref<1x!tpu.dma_semaphore, #tpu.memory_space<semaphore_mem>> -> memref<!tpu.dma_semaphore, #tpu.memory_space<semaphore_mem>>
      %dma_wait3A_253 = arith.constant 0 : i32
      %dma_wait3A_254 = tpu.memref_slice %arg4[%dma_wait3A_253] : memref<320000xi32, #tpu.memory_space<hbm>> -> memref<80xi32, #tpu.memory_space<hbm>>
      tpu.wait_dma2 semaphore(%dma_wait3A_252 : memref<!tpu.dma_semaphore, #tpu.memory_space<semaphore_mem>>) src(%dma_wait3A_254 : memref<80xi32, #tpu.memory_space<hbm>>) dst(%arg13 : memref<80xi32, #tpu.memory_space<vmem>>)
      %dma_start3A_255 = arith.constant 2 : i32
      %dma_start3A_256 = arith.constant 0 : i32
      %dma_start3A_257 = arith.constant 0 : i32
      %dma_start3A_258 = tpu.memref_slice %arg23[%dma_start3A_256, %dma_start3A_257] : memref<10000x128xf32, #tpu.memory_space<vmem_shared>> -> memref<10000x128xf32, #tpu.memory_space<vmem_shared>>
      %dma_start3A_259 = tpu.memref_slice %arg22[%dma_start3A_255] : memref<4x!tpu.dma_semaphore, #tpu.memory_space<semaphore_mem>> -> memref<1x!tpu.dma_semaphore, #tpu.memory_space<semaphore_mem>>
      %dma_start3A_260 = tpu.memref_squeeze %dma_start3A_259 : memref<1x!tpu.dma_semaphore, #tpu.memory_space<semaphore_mem>> -> memref<!tpu.dma_semaphore, #tpu.memory_space<semaphore_mem>>
      tpu.enqueue_indirect_dma source(%arg17 : memref<80x128xf32, #tpu.memory_space<vmem>>) target(%dma_start3A_258 : memref<10000x128xf32, #tpu.memory_space<vmem_shared>>) offsets(%arg13 : memref<80xi32, #tpu.memory_space<vmem>>) semaphore(%dma_start3A_260 : memref<!tpu.dma_semaphore, #tpu.memory_space<semaphore_mem>>) {add = true}
      %dma_wait3A_261 = arith.constant 0 : i32
      %dma_wait3A_262 = arith.constant 0 : i32
      %dma_wait3A_263 = arith.constant 0 : i32
      %dma_wait3A_264 = tpu.memref_slice %arg2[%dma_wait3A_262, %dma_wait3A_263] : memref<10000x128xf32, #tpu.memory_space<hbm>> -> memref<80x128xf32, #tpu.memory_space<hbm>>
      %dma_wait3A_265 = tpu.memref_slice %arg22[%dma_wait3A_261] : memref<4x!tpu.dma_semaphore, #tpu.memory_space<semaphore_mem>> -> memref<1x!tpu.dma_semaphore, #tpu.memory_space<semaphore_mem>>
      %dma_wait3A_266 = tpu.memref_squeeze %dma_wait3A_265 : memref<1x!tpu.dma_semaphore, #tpu.memory_space<semaphore_mem>> -> memref<!tpu.dma_semaphore, #tpu.memory_space<semaphore_mem>>
      %dma_wait3A_267 = arith.constant 0 : i32
      %dma_wait3A_268 = arith.constant 0 : i32
      %dma_wait3A_269 = tpu.memref_slice %arg2[%dma_wait3A_267, %dma_wait3A_268] : memref<10000x128xf32, #tpu.memory_space<hbm>> -> memref<80x128xf32, #tpu.memory_space<hbm>>
      tpu.wait_dma2 semaphore(%dma_wait3A_266 : memref<!tpu.dma_semaphore, #tpu.memory_space<semaphore_mem>>) src(%dma_wait3A_269 : memref<80x128xf32, #tpu.memory_space<hbm>>) dst(%arg15 : memref<80x128xf32, #tpu.memory_space<vmem>>)
      %add3A_270 = arith.constant 4 : i32
      %add3A_271 = arith.addi %mul3A_151, %add3A_270 : i32
      %mul3A_272 = arith.constant 80 : i32
      %mul3A_273 = arith.muli %add3A_271, %mul3A_272 : i32
      %add3A_274 = arith.addi %mul3A_4, %mul3A_273 : i32
      %multiple_of3A_275 = tpu.assume_multiple %add3A_274, 8 : i32
      %dma_start3A_276 = arith.constant 0 : i32
      %dma_start3A_277 = tpu.memref_slice %arg3[%multiple_of3A_275] : memref<320000xi32, #tpu.memory_space<hbm>> -> memref<80xi32, #tpu.memory_space<hbm>>
      %dma_start3A_278 = tpu.memref_slice %arg19[%dma_start3A_276] : memref<4x!tpu.dma_semaphore, #tpu.memory_space<semaphore_mem>> -> memref<1x!tpu.dma_semaphore, #tpu.memory_space<semaphore_mem>>
      %dma_start3A_279 = tpu.memref_squeeze %dma_start3A_278 : memref<1x!tpu.dma_semaphore, #tpu.memory_space<semaphore_mem>> -> memref<!tpu.dma_semaphore, #tpu.memory_space<semaphore_mem>>
      %dma_start3A_280 = tpu.memref_slice %arg3[%multiple_of3A_275] : memref<320000xi32, #tpu.memory_space<hbm>> -> memref<80xi32, #tpu.memory_space<hbm>>
      tpu.enqueue_dma source(%dma_start3A_280 : memref<80xi32, #tpu.memory_space<hbm>>) target(%arg7 : memref<80xi32, #tpu.memory_space<vmem>>) target_semaphore(%dma_start3A_279 : memref<!tpu.dma_semaphore, #tpu.memory_space<semaphore_mem>>)
      %dma_start3A_281 = arith.constant 0 : i32
      %dma_start3A_282 = tpu.memref_slice %arg4[%multiple_of3A_275] : memref<320000xi32, #tpu.memory_space<hbm>> -> memref<80xi32, #tpu.memory_space<hbm>>
      %dma_start3A_283 = tpu.memref_slice %arg20[%dma_start3A_281] : memref<4x!tpu.dma_semaphore, #tpu.memory_space<semaphore_mem>> -> memref<1x!tpu.dma_semaphore, #tpu.memory_space<semaphore_mem>>
      %dma_start3A_284 = tpu.memref_squeeze %dma_start3A_283 : memref<1x!tpu.dma_semaphore, #tpu.memory_space<semaphore_mem>> -> memref<!tpu.dma_semaphore, #tpu.memory_space<semaphore_mem>>
      %dma_start3A_285 = tpu.memref_slice %arg4[%multiple_of3A_275] : memref<320000xi32, #tpu.memory_space<hbm>> -> memref<80xi32, #tpu.memory_space<hbm>>
      tpu.enqueue_dma source(%dma_start3A_285 : memref<80xi32, #tpu.memory_space<hbm>>) target(%arg11 : memref<80xi32, #tpu.memory_space<vmem>>) target_semaphore(%dma_start3A_284 : memref<!tpu.dma_semaphore, #tpu.memory_space<semaphore_mem>>)
      %dma_wait3A_286 = arith.constant 3 : i32
      %dma_wait3A_287 = arith.constant 0 : i32
      %dma_wait3A_288 = arith.constant 0 : i32
      %dma_wait3A_289 = tpu.memref_slice %arg2[%dma_wait3A_287, %dma_wait3A_288] : memref<10000x128xf32, #tpu.memory_space<hbm>> -> memref<80x128xf32, #tpu.memory_space<hbm>>
      %dma_wait3A_290 = tpu.memref_slice %arg21[%dma_wait3A_286] : memref<4x!tpu.dma_semaphore, #tpu.memory_space<semaphore_mem>> -> memref<1x!tpu.dma_semaphore, #tpu.memory_space<semaphore_mem>>
      %dma_wait3A_291 = tpu.memref_squeeze %dma_wait3A_290 : memref<1x!tpu.dma_semaphore, #tpu.memory_space<semaphore_mem>> -> memref<!tpu.dma_semaphore, #tpu.memory_space<semaphore_mem>>
      %dma_wait3A_292 = arith.constant 0 : i32
      %dma_wait3A_293 = arith.constant 0 : i32
      %dma_wait3A_294 = tpu.memref_slice %arg2[%dma_wait3A_292, %dma_wait3A_293] : memref<10000x128xf32, #tpu.memory_space<hbm>> -> memref<80x128xf32, #tpu.memory_space<hbm>>
      tpu.wait_dma2 semaphore(%dma_wait3A_291 : memref<!tpu.dma_semaphore, #tpu.memory_space<semaphore_mem>>) src(%dma_wait3A_294 : memref<80x128xf32, #tpu.memory_space<hbm>>) dst(%arg18 : memref<80x128xf32, #tpu.memory_space<vmem>>)
      %dma_wait3A_295 = arith.constant 3 : i32
      %dma_wait3A_296 = arith.constant 0 : i32
      %dma_wait3A_297 = tpu.memref_slice %arg4[%dma_wait3A_296] : memref<320000xi32, #tpu.memory_space<hbm>> -> memref<80xi32, #tpu.memory_space<hbm>>
      %dma_wait3A_298 = tpu.memref_slice %arg20[%dma_wait3A_295] : memref<4x!tpu.dma_semaphore, #tpu.memory_space<semaphore_mem>> -> memref<1x!tpu.dma_semaphore, #tpu.memory_space<semaphore_mem>>
      %dma_wait3A_299 = tpu.memref_squeeze %dma_wait3A_298 : memref<1x!tpu.dma_semaphore, #tpu.memory_space<semaphore_mem>> -> memref<!tpu.dma_semaphore, #tpu.memory_space<semaphore_mem>>
      %dma_wait3A_300 = arith.constant 0 : i32
      %dma_wait3A_301 = tpu.memref_slice %arg4[%dma_wait3A_300] : memref<320000xi32, #tpu.memory_space<hbm>> -> memref<80xi32, #tpu.memory_space<hbm>>
      tpu.wait_dma2 semaphore(%dma_wait3A_299 : memref<!tpu.dma_semaphore, #tpu.memory_space<semaphore_mem>>) src(%dma_wait3A_301 : memref<80xi32, #tpu.memory_space<hbm>>) dst(%arg14 : memref<80xi32, #tpu.memory_space<vmem>>)
      %dma_start3A_302 = arith.constant 3 : i32
      %dma_start3A_303 = arith.constant 0 : i32
      %dma_start3A_304 = arith.constant 0 : i32
      %dma_start3A_305 = tpu.memref_slice %arg23[%dma_start3A_303, %dma_start3A_304] : memref<10000x128xf32, #tpu.memory_space<vmem_shared>> -> memref<10000x128xf32, #tpu.memory_space<vmem_shared>>
      %dma_start3A_306 = tpu.memref_slice %arg22[%dma_start3A_302] : memref<4x!tpu.dma_semaphore, #tpu.memory_space<semaphore_mem>> -> memref<1x!tpu.dma_semaphore, #tpu.memory_space<semaphore_mem>>
      %dma_start3A_307 = tpu.memref_squeeze %dma_start3A_306 : memref<1x!tpu.dma_semaphore, #tpu.memory_space<semaphore_mem>> -> memref<!tpu.dma_semaphore, #tpu.memory_space<semaphore_mem>>
      tpu.enqueue_indirect_dma source(%arg18 : memref<80x128xf32, #tpu.memory_space<vmem>>) target(%dma_start3A_305 : memref<10000x128xf32, #tpu.memory_space<vmem_shared>>) offsets(%arg14 : memref<80xi32, #tpu.memory_space<vmem>>) semaphore(%dma_start3A_307 : memref<!tpu.dma_semaphore, #tpu.memory_space<semaphore_mem>>) {add = true}
      %lt3A_308 = arith.constant 30 : i32
      %lt3A_309 = arith.cmpi slt, %scan3A_149, %lt3A_308 : i32
      %convert_element_type3A_310 = arith.extui %lt3A_309 : i1 to i32
      %cond3A_311 = arith.constant 0 : i32
      %cond3A_312 = arith.cmpi ne, %convert_element_type3A_310, %cond3A_311 : i32
      scf.if %cond3A_312 {
        %dma_wait3A_313 = arith.constant 1 : i32
        %dma_wait3A_314 = arith.constant 0 : i32
        %dma_wait3A_315 = arith.constant 0 : i32
        %dma_wait3A_316 = tpu.memref_slice %arg2[%dma_wait3A_314, %dma_wait3A_315] : memref<10000x128xf32, #tpu.memory_space<hbm>> -> memref<80x128xf32, #tpu.memory_space<hbm>>
        %dma_wait3A_317 = tpu.memref_slice %arg22[%dma_wait3A_313] : memref<4x!tpu.dma_semaphore, #tpu.memory_space<semaphore_mem>> -> memref<1x!tpu.dma_semaphore, #tpu.memory_space<semaphore_mem>>
        %dma_wait3A_318 = tpu.memref_squeeze %dma_wait3A_317 : memref<1x!tpu.dma_semaphore, #tpu.memory_space<semaphore_mem>> -> memref<!tpu.dma_semaphore, #tpu.memory_space<semaphore_mem>>
        %dma_wait3A_319 = arith.constant 0 : i32
        %dma_wait3A_320 = arith.constant 0 : i32
        %dma_wait3A_321 = tpu.memref_slice %arg2[%dma_wait3A_319, %dma_wait3A_320] : memref<10000x128xf32, #tpu.memory_space<hbm>> -> memref<80x128xf32, #tpu.memory_space<hbm>>
        tpu.wait_dma2 semaphore(%dma_wait3A_318 : memref<!tpu.dma_semaphore, #tpu.memory_space<semaphore_mem>>) src(%dma_wait3A_321 : memref<80x128xf32, #tpu.memory_space<hbm>>) dst(%arg16 : memref<80x128xf32, #tpu.memory_space<vmem>>)
        %add3A_322 = arith.constant 5 : i32
        %add3A_323 = arith.addi %mul3A_151, %add3A_322 : i32
        %mul3A_324 = arith.constant 80 : i32
        %mul3A_325 = arith.muli %add3A_323, %mul3A_324 : i32
        %add3A_326 = arith.addi %mul3A_4, %mul3A_325 : i32
        %multiple_of3A_327 = tpu.assume_multiple %add3A_326, 8 : i32
        %dma_start3A_328 = arith.constant 1 : i32
        %dma_start3A_329 = tpu.memref_slice %arg3[%multiple_of3A_327] : memref<320000xi32, #tpu.memory_space<hbm>> -> memref<80xi32, #tpu.memory_space<hbm>>
        %dma_start3A_330 = tpu.memref_slice %arg19[%dma_start3A_328] : memref<4x!tpu.dma_semaphore, #tpu.memory_space<semaphore_mem>> -> memref<1x!tpu.dma_semaphore, #tpu.memory_space<semaphore_mem>>
        %dma_start3A_331 = tpu.memref_squeeze %dma_start3A_330 : memref<1x!tpu.dma_semaphore, #tpu.memory_space<semaphore_mem>> -> memref<!tpu.dma_semaphore, #tpu.memory_space<semaphore_mem>>
        %dma_start3A_332 = tpu.memref_slice %arg3[%multiple_of3A_327] : memref<320000xi32, #tpu.memory_space<hbm>> -> memref<80xi32, #tpu.memory_space<hbm>>
        tpu.enqueue_dma source(%dma_start3A_332 : memref<80xi32, #tpu.memory_space<hbm>>) target(%arg8 : memref<80xi32, #tpu.memory_space<vmem>>) target_semaphore(%dma_start3A_331 : memref<!tpu.dma_semaphore, #tpu.memory_space<semaphore_mem>>)
        %dma_start3A_333 = arith.constant 1 : i32
        %dma_start3A_334 = tpu.memref_slice %arg4[%multiple_of3A_327] : memref<320000xi32, #tpu.memory_space<hbm>> -> memref<80xi32, #tpu.memory_space<hbm>>
        %dma_start3A_335 = tpu.memref_slice %arg20[%dma_start3A_333] : memref<4x!tpu.dma_semaphore, #tpu.memory_space<semaphore_mem>> -> memref<1x!tpu.dma_semaphore, #tpu.memory_space<semaphore_mem>>
        %dma_start3A_336 = tpu.memref_squeeze %dma_start3A_335 : memref<1x!tpu.dma_semaphore, #tpu.memory_space<semaphore_mem>> -> memref<!tpu.dma_semaphore, #tpu.memory_space<semaphore_mem>>
        %dma_start3A_337 = tpu.memref_slice %arg4[%multiple_of3A_327] : memref<320000xi32, #tpu.memory_space<hbm>> -> memref<80xi32, #tpu.memory_space<hbm>>
        tpu.enqueue_dma source(%dma_start3A_337 : memref<80xi32, #tpu.memory_space<hbm>>) target(%arg12 : memref<80xi32, #tpu.memory_space<vmem>>) target_semaphore(%dma_start3A_336 : memref<!tpu.dma_semaphore, #tpu.memory_space<semaphore_mem>>)
        %dma_wait3A_338 = arith.constant 2 : i32
        %dma_wait3A_339 = arith.constant 0 : i32
        %dma_wait3A_340 = arith.constant 0 : i32
        %dma_wait3A_341 = tpu.memref_slice %arg2[%dma_wait3A_339, %dma_wait3A_340] : memref<10000x128xf32, #tpu.memory_space<hbm>> -> memref<80x128xf32, #tpu.memory_space<hbm>>
        %dma_wait3A_342 = tpu.memref_slice %arg22[%dma_wait3A_338] : memref<4x!tpu.dma_semaphore, #tpu.memory_space<semaphore_mem>> -> memref<1x!tpu.dma_semaphore, #tpu.memory_space<semaphore_mem>>
        %dma_wait3A_343 = tpu.memref_squeeze %dma_wait3A_342 : memref<1x!tpu.dma_semaphore, #tpu.memory_space<semaphore_mem>> -> memref<!tpu.dma_semaphore, #tpu.memory_space<semaphore_mem>>
        %dma_wait3A_344 = arith.constant 0 : i32
        %dma_wait3A_345 = arith.constant 0 : i32
        %dma_wait3A_346 = tpu.memref_slice %arg2[%dma_wait3A_344, %dma_wait3A_345] : memref<10000x128xf32, #tpu.memory_space<hbm>> -> memref<80x128xf32, #tpu.memory_space<hbm>>
        tpu.wait_dma2 semaphore(%dma_wait3A_343 : memref<!tpu.dma_semaphore, #tpu.memory_space<semaphore_mem>>) src(%dma_wait3A_346 : memref<80x128xf32, #tpu.memory_space<hbm>>) dst(%arg17 : memref<80x128xf32, #tpu.memory_space<vmem>>)
        %add3A_347 = arith.constant 6 : i32
        %add3A_348 = arith.addi %mul3A_151, %add3A_347 : i32
        %mul3A_349 = arith.constant 80 : i32
        %mul3A_350 = arith.muli %add3A_348, %mul3A_349 : i32
        %add3A_351 = arith.addi %mul3A_4, %mul3A_350 : i32
        %multiple_of3A_352 = tpu.assume_multiple %add3A_351, 8 : i32
        %dma_start3A_353 = arith.constant 2 : i32
        %dma_start3A_354 = tpu.memref_slice %arg3[%multiple_of3A_352] : memref<320000xi32, #tpu.memory_space<hbm>> -> memref<80xi32, #tpu.memory_space<hbm>>
        %dma_start3A_355 = tpu.memref_slice %arg19[%dma_start3A_353] : memref<4x!tpu.dma_semaphore, #tpu.memory_space<semaphore_mem>> -> memref<1x!tpu.dma_semaphore, #tpu.memory_space<semaphore_mem>>
        %dma_start3A_356 = tpu.memref_squeeze %dma_start3A_355 : memref<1x!tpu.dma_semaphore, #tpu.memory_space<semaphore_mem>> -> memref<!tpu.dma_semaphore, #tpu.memory_space<semaphore_mem>>
        %dma_start3A_357 = tpu.memref_slice %arg3[%multiple_of3A_352] : memref<320000xi32, #tpu.memory_space<hbm>> -> memref<80xi32, #tpu.memory_space<hbm>>
        tpu.enqueue_dma source(%dma_start3A_357 : memref<80xi32, #tpu.memory_space<hbm>>) target(%arg9 : memref<80xi32, #tpu.memory_space<vmem>>) target_semaphore(%dma_start3A_356 : memref<!tpu.dma_semaphore, #tpu.memory_space<semaphore_mem>>)
        %dma_start3A_358 = arith.constant 2 : i32
        %dma_start3A_359 = tpu.memref_slice %arg4[%multiple_of3A_352] : memref<320000xi32, #tpu.memory_space<hbm>> -> memref<80xi32, #tpu.memory_space<hbm>>
        %dma_start3A_360 = tpu.memref_slice %arg20[%dma_start3A_358] : memref<4x!tpu.dma_semaphore, #tpu.memory_space<semaphore_mem>> -> memref<1x!tpu.dma_semaphore, #tpu.memory_space<semaphore_mem>>
        %dma_start3A_361 = tpu.memref_squeeze %dma_start3A_360 : memref<1x!tpu.dma_semaphore, #tpu.memory_space<semaphore_mem>> -> memref<!tpu.dma_semaphore, #tpu.memory_space<semaphore_mem>>
        %dma_start3A_362 = tpu.memref_slice %arg4[%multiple_of3A_352] : memref<320000xi32, #tpu.memory_space<hbm>> -> memref<80xi32, #tpu.memory_space<hbm>>
        tpu.enqueue_dma source(%dma_start3A_362 : memref<80xi32, #tpu.memory_space<hbm>>) target(%arg13 : memref<80xi32, #tpu.memory_space<vmem>>) target_semaphore(%dma_start3A_361 : memref<!tpu.dma_semaphore, #tpu.memory_space<semaphore_mem>>)
        %dma_wait3A_363 = arith.constant 0 : i32
        %dma_wait3A_364 = arith.constant 0 : i32
        %dma_wait3A_365 = tpu.memref_slice %arg3[%dma_wait3A_364] : memref<320000xi32, #tpu.memory_space<hbm>> -> memref<80xi32, #tpu.memory_space<hbm>>
        %dma_wait3A_366 = tpu.memref_slice %arg19[%dma_wait3A_363] : memref<4x!tpu.dma_semaphore, #tpu.memory_space<semaphore_mem>> -> memref<1x!tpu.dma_semaphore, #tpu.memory_space<semaphore_mem>>
        %dma_wait3A_367 = tpu.memref_squeeze %dma_wait3A_366 : memref<1x!tpu.dma_semaphore, #tpu.memory_space<semaphore_mem>> -> memref<!tpu.dma_semaphore, #tpu.memory_space<semaphore_mem>>
        %dma_wait3A_368 = arith.constant 0 : i32
        %dma_wait3A_369 = tpu.memref_slice %arg3[%dma_wait3A_368] : memref<320000xi32, #tpu.memory_space<hbm>> -> memref<80xi32, #tpu.memory_space<hbm>>
        tpu.wait_dma2 semaphore(%dma_wait3A_367 : memref<!tpu.dma_semaphore, #tpu.memory_space<semaphore_mem>>) src(%dma_wait3A_369 : memref<80xi32, #tpu.memory_space<hbm>>) dst(%arg7 : memref<80xi32, #tpu.memory_space<vmem>>)
        %dma_start3A_370 = arith.constant 0 : i32
        %dma_start3A_371 = arith.constant 0 : i32
        %dma_start3A_372 = arith.constant 0 : i32
        %dma_start3A_373 = tpu.memref_slice %arg2[%dma_start3A_371, %dma_start3A_372] : memref<10000x128xf32, #tpu.memory_space<hbm>> -> memref<10000x128xf32, #tpu.memory_space<hbm>>
        %dma_start3A_374 = tpu.memref_slice %arg21[%dma_start3A_370] : memref<4x!tpu.dma_semaphore, #tpu.memory_space<semaphore_mem>> -> memref<1x!tpu.dma_semaphore, #tpu.memory_space<semaphore_mem>>
        %dma_start3A_375 = tpu.memref_squeeze %dma_start3A_374 : memref<1x!tpu.dma_semaphore, #tpu.memory_space<semaphore_mem>> -> memref<!tpu.dma_semaphore, #tpu.memory_space<semaphore_mem>>
        tpu.enqueue_indirect_dma source(%dma_start3A_373 : memref<10000x128xf32, #tpu.memory_space<hbm>>) target(%arg15 : memref<80x128xf32, #tpu.memory_space<vmem>>) offsets(%arg7 : memref<80xi32, #tpu.memory_space<vmem>>) semaphore(%dma_start3A_375 : memref<!tpu.dma_semaphore, #tpu.memory_space<semaphore_mem>>)
      } else {
      }
    }
    %scan3A_71 = arith.constant 31 : i32
    %dma_wait3A_72 = arith.constant 1 : i32
    %dma_wait3A_73 = arith.constant 0 : i32
    %dma_wait3A_74 = arith.constant 0 : i32
    %dma_wait3A_75 = tpu.memref_slice %arg2[%dma_wait3A_73, %dma_wait3A_74] : memref<10000x128xf32, #tpu.memory_space<hbm>> -> memref<80x128xf32, #tpu.memory_space<hbm>>
    %dma_wait3A_76 = tpu.memref_slice %arg22[%dma_wait3A_72] : memref<4x!tpu.dma_semaphore, #tpu.memory_space<semaphore_mem>> -> memref<1x!tpu.dma_semaphore, #tpu.memory_space<semaphore_mem>>
    %dma_wait3A_77 = tpu.memref_squeeze %dma_wait3A_76 : memref<1x!tpu.dma_semaphore, #tpu.memory_space<semaphore_mem>> -> memref<!tpu.dma_semaphore, #tpu.memory_space<semaphore_mem>>
    %dma_wait3A_78 = arith.constant 0 : i32
    %dma_wait3A_79 = arith.constant 0 : i32
    %dma_wait3A_80 = tpu.memref_slice %arg2[%dma_wait3A_78, %dma_wait3A_79] : memref<10000x128xf32, #tpu.memory_space<hbm>> -> memref<80x128xf32, #tpu.memory_space<hbm>>
    tpu.wait_dma2 semaphore(%dma_wait3A_77 : memref<!tpu.dma_semaphore, #tpu.memory_space<semaphore_mem>>) src(%dma_wait3A_80 : memref<80x128xf32, #tpu.memory_space<hbm>>) dst(%arg16 : memref<80x128xf32, #tpu.memory_space<vmem>>)
    %dma_wait3A_81 = arith.constant 2 : i32
    %dma_wait3A_82 = arith.constant 0 : i32
    %dma_wait3A_83 = arith.constant 0 : i32
    %dma_wait3A_84 = tpu.memref_slice %arg2[%dma_wait3A_82, %dma_wait3A_83] : memref<10000x128xf32, #tpu.memory_space<hbm>> -> memref<80x128xf32, #tpu.memory_space<hbm>>
    %dma_wait3A_85 = tpu.memref_slice %arg22[%dma_wait3A_81] : memref<4x!tpu.dma_semaphore, #tpu.memory_space<semaphore_mem>> -> memref<1x!tpu.dma_semaphore, #tpu.memory_space<semaphore_mem>>
    %dma_wait3A_86 = tpu.memref_squeeze %dma_wait3A_85 : memref<1x!tpu.dma_semaphore, #tpu.memory_space<semaphore_mem>> -> memref<!tpu.dma_semaphore, #tpu.memory_space<semaphore_mem>>
    %dma_wait3A_87 = arith.constant 0 : i32
    %dma_wait3A_88 = arith.constant 0 : i32
    %dma_wait3A_89 = tpu.memref_slice %arg2[%dma_wait3A_87, %dma_wait3A_88] : memref<10000x128xf32, #tpu.memory_space<hbm>> -> memref<80x128xf32, #tpu.memory_space<hbm>>
    tpu.wait_dma2 semaphore(%dma_wait3A_86 : memref<!tpu.dma_semaphore, #tpu.memory_space<semaphore_mem>>) src(%dma_wait3A_89 : memref<80x128xf32, #tpu.memory_space<hbm>>) dst(%arg17 : memref<80x128xf32, #tpu.memory_space<vmem>>)
    %dma_wait3A_90 = arith.constant 0 : i32
    %dma_wait3A_91 = arith.constant 0 : i32
    %dma_wait3A_92 = tpu.memref_slice %arg3[%dma_wait3A_91] : memref<320000xi32, #tpu.memory_space<hbm>> -> memref<80xi32, #tpu.memory_space<hbm>>
    %dma_wait3A_93 = tpu.memref_slice %arg19[%dma_wait3A_90] : memref<4x!tpu.dma_semaphore, #tpu.memory_space<semaphore_mem>> -> memref<1x!tpu.dma_semaphore, #tpu.memory_space<semaphore_mem>>
    %dma_wait3A_94 = tpu.memref_squeeze %dma_wait3A_93 : memref<1x!tpu.dma_semaphore, #tpu.memory_space<semaphore_mem>> -> memref<!tpu.dma_semaphore, #tpu.memory_space<semaphore_mem>>
    %dma_wait3A_95 = arith.constant 0 : i32
    %dma_wait3A_96 = tpu.memref_slice %arg3[%dma_wait3A_95] : memref<320000xi32, #tpu.memory_space<hbm>> -> memref<80xi32, #tpu.memory_space<hbm>>
    tpu.wait_dma2 semaphore(%dma_wait3A_94 : memref<!tpu.dma_semaphore, #tpu.memory_space<semaphore_mem>>) src(%dma_wait3A_96 : memref<80xi32, #tpu.memory_space<hbm>>) dst(%arg7 : memref<80xi32, #tpu.memory_space<vmem>>)
    %dma_start3A_97 = arith.constant 0 : i32
    %dma_start3A_98 = arith.constant 0 : i32
    %dma_start3A_99 = arith.constant 0 : i32
    %dma_start3A_100 = tpu.memref_slice %arg2[%dma_start3A_98, %dma_start3A_99] : memref<10000x128xf32, #tpu.memory_space<hbm>> -> memref<10000x128xf32, #tpu.memory_space<hbm>>
    %dma_start3A_101 = tpu.memref_slice %arg21[%dma_start3A_97] : memref<4x!tpu.dma_semaphore, #tpu.memory_space<semaphore_mem>> -> memref<1x!tpu.dma_semaphore, #tpu.memory_space<semaphore_mem>>
    %dma_start3A_102 = tpu.memref_squeeze %dma_start3A_101 : memref<1x!tpu.dma_semaphore, #tpu.memory_space<semaphore_mem>> -> memref<!tpu.dma_semaphore, #tpu.memory_space<semaphore_mem>>
    tpu.enqueue_indirect_dma source(%dma_start3A_100 : memref<10000x128xf32, #tpu.memory_space<hbm>>) target(%arg15 : memref<80x128xf32, #tpu.memory_space<vmem>>) offsets(%arg7 : memref<80xi32, #tpu.memory_space<vmem>>) semaphore(%dma_start3A_102 : memref<!tpu.dma_semaphore, #tpu.memory_space<semaphore_mem>>)
    %dma_wait3A_103 = arith.constant 0 : i32
    %dma_wait3A_104 = arith.constant 0 : i32
    %dma_wait3A_105 = arith.constant 0 : i32
    %dma_wait3A_106 = tpu.memref_slice %arg2[%dma_wait3A_104, %dma_wait3A_105] : memref<10000x128xf32, #tpu.memory_space<hbm>> -> memref<80x128xf32, #tpu.memory_space<hbm>>
    %dma_wait3A_107 = tpu.memref_slice %arg21[%dma_wait3A_103] : memref<4x!tpu.dma_semaphore, #tpu.memory_space<semaphore_mem>> -> memref<1x!tpu.dma_semaphore, #tpu.memory_space<semaphore_mem>>
    %dma_wait3A_108 = tpu.memref_squeeze %dma_wait3A_107 : memref<1x!tpu.dma_semaphore, #tpu.memory_space<semaphore_mem>> -> memref<!tpu.dma_semaphore, #tpu.memory_space<semaphore_mem>>
    %dma_wait3A_109 = arith.constant 0 : i32
    %dma_wait3A_110 = arith.constant 0 : i32
    %dma_wait3A_111 = tpu.memref_slice %arg2[%dma_wait3A_109, %dma_wait3A_110] : memref<10000x128xf32, #tpu.memory_space<hbm>> -> memref<80x128xf32, #tpu.memory_space<hbm>>
    tpu.wait_dma2 semaphore(%dma_wait3A_108 : memref<!tpu.dma_semaphore, #tpu.memory_space<semaphore_mem>>) src(%dma_wait3A_111 : memref<80x128xf32, #tpu.memory_space<hbm>>) dst(%arg15 : memref<80x128xf32, #tpu.memory_space<vmem>>)
    %dma_wait3A_112 = arith.constant 0 : i32
    %dma_wait3A_113 = arith.constant 0 : i32
    %dma_wait3A_114 = tpu.memref_slice %arg4[%dma_wait3A_113] : memref<320000xi32, #tpu.memory_space<hbm>> -> memref<80xi32, #tpu.memory_space<hbm>>
    %dma_wait3A_115 = tpu.memref_slice %arg20[%dma_wait3A_112] : memref<4x!tpu.dma_semaphore, #tpu.memory_space<semaphore_mem>> -> memref<1x!tpu.dma_semaphore, #tpu.memory_space<semaphore_mem>>
    %dma_wait3A_116 = tpu.memref_squeeze %dma_wait3A_115 : memref<1x!tpu.dma_semaphore, #tpu.memory_space<semaphore_mem>> -> memref<!tpu.dma_semaphore, #tpu.memory_space<semaphore_mem>>
    %dma_wait3A_117 = arith.constant 0 : i32
    %dma_wait3A_118 = tpu.memref_slice %arg4[%dma_wait3A_117] : memref<320000xi32, #tpu.memory_space<hbm>> -> memref<80xi32, #tpu.memory_space<hbm>>
    tpu.wait_dma2 semaphore(%dma_wait3A_116 : memref<!tpu.dma_semaphore, #tpu.memory_space<semaphore_mem>>) src(%dma_wait3A_118 : memref<80xi32, #tpu.memory_space<hbm>>) dst(%arg11 : memref<80xi32, #tpu.memory_space<vmem>>)
    %dma_start3A_119 = arith.constant 0 : i32
    %dma_start3A_120 = arith.constant 0 : i32
    %dma_start3A_121 = arith.constant 0 : i32
    %dma_start3A_122 = tpu.memref_slice %arg23[%dma_start3A_120, %dma_start3A_121] : memref<10000x128xf32, #tpu.memory_space<vmem_shared>> -> memref<10000x128xf32, #tpu.memory_space<vmem_shared>>
    %dma_start3A_123 = tpu.memref_slice %arg22[%dma_start3A_119] : memref<4x!tpu.dma_semaphore, #tpu.memory_space<semaphore_mem>> -> memref<1x!tpu.dma_semaphore, #tpu.memory_space<semaphore_mem>>
    %dma_start3A_124 = tpu.memref_squeeze %dma_start3A_123 : memref<1x!tpu.dma_semaphore, #tpu.memory_space<semaphore_mem>> -> memref<!tpu.dma_semaphore, #tpu.memory_space<semaphore_mem>>
    tpu.enqueue_indirect_dma source(%arg15 : memref<80x128xf32, #tpu.memory_space<vmem>>) target(%dma_start3A_122 : memref<10000x128xf32, #tpu.memory_space<vmem_shared>>) offsets(%arg11 : memref<80xi32, #tpu.memory_space<vmem>>) semaphore(%dma_start3A_124 : memref<!tpu.dma_semaphore, #tpu.memory_space<semaphore_mem>>) {add = true}
    %dma_wait3A_125 = arith.constant 0 : i32
    %dma_wait3A_126 = arith.constant 0 : i32
    %dma_wait3A_127 = arith.constant 0 : i32
    %dma_wait3A_128 = tpu.memref_slice %arg2[%dma_wait3A_126, %dma_wait3A_127] : memref<10000x128xf32, #tpu.memory_space<hbm>> -> memref<80x128xf32, #tpu.memory_space<hbm>>
    %dma_wait3A_129 = tpu.memref_slice %arg22[%dma_wait3A_125] : memref<4x!tpu.dma_semaphore, #tpu.memory_space<semaphore_mem>> -> memref<1x!tpu.dma_semaphore, #tpu.memory_space<semaphore_mem>>
    %dma_wait3A_130 = tpu.memref_squeeze %dma_wait3A_129 : memref<1x!tpu.dma_semaphore, #tpu.memory_space<semaphore_mem>> -> memref<!tpu.dma_semaphore, #tpu.memory_space<semaphore_mem>>
    %dma_wait3A_131 = arith.constant 0 : i32
    %dma_wait3A_132 = arith.constant 0 : i32
    %dma_wait3A_133 = tpu.memref_slice %arg2[%dma_wait3A_131, %dma_wait3A_132] : memref<10000x128xf32, #tpu.memory_space<hbm>> -> memref<80x128xf32, #tpu.memory_space<hbm>>
    tpu.wait_dma2 semaphore(%dma_wait3A_130 : memref<!tpu.dma_semaphore, #tpu.memory_space<semaphore_mem>>) src(%dma_wait3A_133 : memref<80x128xf32, #tpu.memory_space<hbm>>) dst(%arg15 : memref<80x128xf32, #tpu.memory_space<vmem>>)
    %dma_wait3A_134 = arith.constant 3 : i32
    %dma_wait3A_135 = arith.constant 0 : i32
    %dma_wait3A_136 = arith.constant 0 : i32
    %dma_wait3A_137 = tpu.memref_slice %arg2[%dma_wait3A_135, %dma_wait3A_136] : memref<10000x128xf32, #tpu.memory_space<hbm>> -> memref<80x128xf32, #tpu.memory_space<hbm>>
    %dma_wait3A_138 = tpu.memref_slice %arg22[%dma_wait3A_134] : memref<4x!tpu.dma_semaphore, #tpu.memory_space<semaphore_mem>> -> memref<1x!tpu.dma_semaphore, #tpu.memory_space<semaphore_mem>>
    %dma_wait3A_139 = tpu.memref_squeeze %dma_wait3A_138 : memref<1x!tpu.dma_semaphore, #tpu.memory_space<semaphore_mem>> -> memref<!tpu.dma_semaphore, #tpu.memory_space<semaphore_mem>>
    %dma_wait3A_140 = arith.constant 0 : i32
    %dma_wait3A_141 = arith.constant 0 : i32
    %dma_wait3A_142 = tpu.memref_slice %arg2[%dma_wait3A_140, %dma_wait3A_141] : memref<10000x128xf32, #tpu.memory_space<hbm>> -> memref<80x128xf32, #tpu.memory_space<hbm>>
    tpu.wait_dma2 semaphore(%dma_wait3A_139 : memref<!tpu.dma_semaphore, #tpu.memory_space<semaphore_mem>>) src(%dma_wait3A_142 : memref<80x128xf32, #tpu.memory_space<hbm>>) dst(%arg18 : memref<80x128xf32, #tpu.memory_space<vmem>>)
    %barrier3A_143 = arith.constant 0 : index
    tpu.barrier barrier_id(%barrier3A_143)
    %lt3A_144 = arith.constant 10 : i32
    %lt3A_145 = arith.cmpi slt, %arg1, %lt3A_144 : i32
    %convert_element_type3A_146 = arith.extui %lt3A_145 : i1 to i32
    %cond3A_147 = arith.constant 0 : i32
    %cond3A_148 = arith.cmpi ne, %convert_element_type3A_146, %cond3A_147 : i32
    scf.if %cond3A_148 {
      %mul3A_149 = arith.constant 1000 : i32
      %mul3A_150 = arith.muli %arg1, %mul3A_149 : i32
      %mul3A_151 = arith.constant 1000 : i32
      %mul3A_152 = arith.muli %arg1, %mul3A_151 : i32
      "tpu.region"() ({
        %run_scoped3A = tpu.sem_alloc : memref<!tpu.dma_semaphore, #tpu.memory_space<semaphore_mem>>
        %dma_start3A_153 = arith.constant 0 : i32
        %dma_start3A_154 = tpu.memref_slice %arg6[%arg0, %mul3A_152, %dma_start3A_153] : memref<2x10000x128xf32, #tpu.memory_space<hbm>> -> memref<1x1000x128xf32, #tpu.memory_space<hbm>>
        %dma_start3A_155 = tpu.memref_squeeze %dma_start3A_154 : memref<1x1000x128xf32, #tpu.memory_space<hbm>> -> memref<1000x128xf32, #tpu.memory_space<hbm>>
        %dma_start3A_156 = arith.constant 0 : i32
        %dma_start3A_157 = tpu.memref_slice %arg23[%mul3A_150, %dma_start3A_156] : memref<10000x128xf32, #tpu.memory_space<vmem_shared>> -> memref<1000x128xf32, #tpu.memory_space<vmem_shared>>
        tpu.enqueue_dma source(%dma_start3A_157 : memref<1000x128xf32, #tpu.memory_space<vmem_shared>>) target(%dma_start3A_155 : memref<1000x128xf32, #tpu.memory_space<hbm>>) target_semaphore(%run_scoped3A : memref<!tpu.dma_semaphore, #tpu.memory_space<semaphore_mem>>)
        %dma_wait3A_158 = arith.constant 0 : i32
        %dma_wait3A_159 = tpu.memref_slice %arg6[%arg0, %mul3A_152, %dma_wait3A_158] : memref<2x10000x128xf32, #tpu.memory_space<hbm>> -> memref<1x1000x128xf32, #tpu.memory_space<hbm>>
        %dma_wait3A_160 = tpu.memref_squeeze %dma_wait3A_159 : memref<1x1000x128xf32, #tpu.memory_space<hbm>> -> memref<1000x128xf32, #tpu.memory_space<hbm>>
        %dma_wait3A_161 = arith.constant 0 : i32
        %dma_wait3A_162 = tpu.memref_slice %arg23[%mul3A_150, %dma_wait3A_161] : memref<10000x128xf32, #tpu.memory_space<vmem_shared>> -> memref<1000x128xf32, #tpu.memory_space<vmem_shared>>
        tpu.wait_dma2 semaphore(%run_scoped3A : memref<!tpu.dma_semaphore, #tpu.memory_space<semaphore_mem>>) src(%dma_wait3A_162 : memref<1000x128xf32, #tpu.memory_space<vmem_shared>>) dst(%dma_wait3A_160 : memref<1000x128xf32, #tpu.memory_space<hbm>>)
        tpu.yield
      }) : () -> ()
    } else {
    }
    return
  }
}

module attributes {stable_mosaic.version = 14 : i64} {
  func.func @_mm0_body(%arg0: i32, %arg1: memref<400x128xf32, #tpu.memory_space<vmem>>, %arg2: memref<128x128xf32, #tpu.memory_space<vmem>>, %arg3: memref<1x128xf32, #tpu.memory_space<vmem>>, %arg4: memref<400x128xf32, #tpu.memory_space<vmem>>) attributes {dimension_semantics = [#tpu.dimension_semantics<arbitrary>], iteration_bounds = array<i64: 25>, scalar_prefetch = 0 : i64, scratch_operands = 0 : i64, tpu.core_type = #tpu.core_type<tc>, window_params = [{transform_indices = @transform_0, window_bounds = array<i64: 400, 128>}, {pipeline_mode = #tpu.pipeline_mode<synchronous>, transform_indices = @transform_1, window_bounds = array<i64: 128, 128>}, {pipeline_mode = #tpu.pipeline_mode<synchronous>, transform_indices = @transform_2, window_bounds = array<i64: 1, 128>}, {transform_indices = @transform_3, window_bounds = array<i64: 400, 128>}]} {
    %get3A = arith.constant 0 : index
    %get3A_0 = arith.constant 0 : index
    %get3A_1 = vector.load %arg1[%get3A, %get3A_0] : memref<400x128xf32, #tpu.memory_space<vmem>>, vector<400x128xf32>
    %get3A_2 = arith.constant 0 : index
    %get3A_3 = arith.constant 0 : index
    %get3A_4 = vector.load %arg2[%get3A_2, %get3A_3] : memref<128x128xf32, #tpu.memory_space<vmem>>, vector<128x128xf32>
    %dot_general3A = arith.constant dense<0.000000e+00> : vector<400x128xf32>
    %dot_general3A_5 = tpu.matmul %get3A_1, %get3A_4, %dot_general3A {dimension_numbers = #tpu.dot_dimension_numbers<[1], [1], [0], [0], [0, 0, 1, 0], [], []>, transpose_lhs_hint = false} : vector<400x128xf32>, vector<128x128xf32>, vector<400x128xf32> -> vector<400x128xf32>
    %get3A_6 = arith.constant 0 : index
    %get3A_7 = arith.constant 0 : index
    %get3A_8 = vector.load %arg3[%get3A_6, %get3A_7] : memref<1x128xf32, #tpu.memory_space<vmem>>, vector<1x128xf32>
    %add3A = vector.broadcast %get3A_8 : vector<1x128xf32> to vector<400x128xf32>
    %add3A_9 = arith.addf %dot_general3A_5, %add3A : vector<400x128xf32>
    %swap3A = arith.constant 0 : index
    %swap3A_10 = arith.constant 0 : index
    %swap3A_11 = vector.load %arg4[%swap3A, %swap3A_10] : memref<400x128xf32, #tpu.memory_space<vmem>>, vector<400x128xf32>
    tpu.vector_store %arg4[%swap3A, %swap3A_10], %add3A_9 {strides = array<i32>} : memref<400x128xf32, #tpu.memory_space<vmem>>, vector<400x128xf32>,
    return
  }
  func.func @transform_0(%arg0: i32) -> (i32, i32) {
    %c0_i32 = arith.constant 0 : i32
    %c0_i32_0 = arith.constant 0 : i32
    return %arg0, %c0_i32 : i32, i32
  }
  func.func @transform_1(%arg0: i32) -> (i32, i32) {
    %c0_i32 = arith.constant 0 : i32
    %c0_i32_0 = arith.constant 0 : i32
    %c0_i32_1 = arith.constant 0 : i32
    return %c0_i32, %c0_i32_0 : i32, i32
  }
  func.func @transform_2(%arg0: i32) -> (i32, i32) {
    %c0_i32 = arith.constant 0 : i32
    %c0_i32_0 = arith.constant 0 : i32
    %c0_i32_1 = arith.constant 0 : i32
    return %c0_i32, %c0_i32_0 : i32, i32
  }
  func.func @transform_3(%arg0: i32) -> (i32, i32) {
    %c0_i32 = arith.constant 0 : i32
    %c0_i32_0 = arith.constant 0 : i32
    return %arg0, %c0_i32 : i32, i32
  }
}

module attributes {stable_mosaic.version = 14 : i64} {
  func.func @_segsum_body(%arg0: i32, %arg1: memref<32x3200xf32, #tpu.memory_space<vmem>>, %arg2: memref<1x3200xf32, #tpu.memory_space<vmem>>) attributes {dimension_semantics = [#tpu.dimension_semantics<arbitrary>], iteration_bounds = array<i64: 25>, scalar_prefetch = 0 : i64, scratch_operands = 0 : i64, tpu.core_type = #tpu.core_type<tc>, window_params = [{transform_indices = @transform_0, window_bounds = array<i64: 32, 3200>}, {transform_indices = @transform_1, window_bounds = array<i64: 1, 3200>}]} {
    %get3A = arith.constant 0 : index
    %get3A_0 = arith.constant 0 : index
    %get3A_1 = vector.load %arg1[%get3A, %get3A_0] : memref<32x3200xf32, #tpu.memory_space<vmem>>, vector<32x3200xf32>
    %reduce_sum3A = arith.constant dense<0.000000e+00> : vector<3200xf32>
    %reduce_sum3A_2 = vector.multi_reduction <add>, %get3A_1, %reduce_sum3A [0] : vector<32x3200xf32> to vector<3200xf32>
    %broadcast_in_dim3A = vector.shape_cast %reduce_sum3A_2 : vector<3200xf32> to vector<1x3200xf32>
    %swap3A = arith.constant 0 : index
    %swap3A_3 = arith.constant 0 : index
    %swap3A_4 = vector.load %arg2[%swap3A, %swap3A_3] : memref<1x3200xf32, #tpu.memory_space<vmem>>, vector<1x3200xf32>
    tpu.vector_store %arg2[%swap3A, %swap3A_3], %broadcast_in_dim3A {strides = array<i32>} : memref<1x3200xf32, #tpu.memory_space<vmem>>, vector<1x3200xf32>,
    return
  }
  func.func @transform_0(%arg0: i32) -> (i32, i32) {
    %c0_i32 = arith.constant 0 : i32
    %c0_i32_0 = arith.constant 0 : i32
    return %c0_i32, %arg0 : i32, i32
  }
  func.func @transform_1(%arg0: i32) -> (i32, i32) {
    %c0_i32 = arith.constant 0 : i32
    %c0_i32_0 = arith.constant 0 : i32
    return %c0_i32, %arg0 : i32, i32
  }
}

module attributes {stable_mosaic.version = 14 : i64} {
  func.func @_fused_body(%arg0: i32, %arg1: memref<400x128xf32, #tpu.memory_space<vmem>>, %arg2: memref<400x128xf32, #tpu.memory_space<vmem>>, %arg3: memref<400x8xf32, #tpu.memory_space<vmem>>, %arg4: memref<128x8xf32, #tpu.memory_space<vmem>>, %arg5: memref<1x128xf32, #tpu.memory_space<vmem>>, %arg6: memref<1x128xf32, #tpu.memory_space<vmem>>, %arg7: memref<128x128xf32, #tpu.memory_space<vmem>>, %arg8: memref<1x128xf32, #tpu.memory_space<vmem>>, %arg9: memref<400x128xf32, #tpu.memory_space<vmem>>) attributes {dimension_semantics = [#tpu.dimension_semantics<arbitrary>], iteration_bounds = array<i64: 25>, scalar_prefetch = 0 : i64, scratch_operands = 0 : i64, tpu.core_type = #tpu.core_type<tc>, window_params = [{transform_indices = @transform_0, window_bounds = array<i64: 400, 128>}, {transform_indices = @transform_1, window_bounds = array<i64: 400, 128>}, {transform_indices = @transform_2, window_bounds = array<i64: 400, 8>}, {pipeline_mode = #tpu.pipeline_mode<synchronous>, transform_indices = @transform_3, window_bounds = array<i64: 128, 8>}, {pipeline_mode = #tpu.pipeline_mode<synchronous>, transform_indices = @transform_4, window_bounds = array<i64: 1, 128>}, {pipeline_mode = #tpu.pipeline_mode<synchronous>, transform_indices = @transform_5, window_bounds = array<i64: 1, 128>}, {pipeline_mode = #tpu.pipeline_mode<synchronous>, transform_indices = @transform_6, window_bounds = array<i64: 128, 128>}, {pipeline_mode = #tpu.pipeline_mode<synchronous>, transform_indices = @transform_7, window_bounds = array<i64: 1, 128>}, {transform_indices = @transform_8, window_bounds = array<i64: 400, 128>}]} {
    %get3A = arith.constant 0 : index
    %get3A_0 = arith.constant 0 : index
    %get3A_1 = vector.load %arg3[%get3A, %get3A_0] : memref<400x8xf32, #tpu.memory_space<vmem>>, vector<400x8xf32>
    %get3A_2 = arith.constant 0 : index
    %get3A_3 = arith.constant 0 : index
    %get3A_4 = vector.load %arg4[%get3A_2, %get3A_3] : memref<128x8xf32, #tpu.memory_space<vmem>>, vector<128x8xf32>
    %dot_general3A = arith.constant dense<0.000000e+00> : vector<400x128xf32>
    %dot_general3A_5 = tpu.matmul %get3A_1, %get3A_4, %dot_general3A {dimension_numbers = #tpu.dot_dimension_numbers<[1], [1], [0], [0], [0, 0, 1, 0], [], []>, transpose_lhs_hint = false} : vector<400x8xf32>, vector<128x8xf32>, vector<400x128xf32> -> vector<400x128xf32>
    %get3A_6 = arith.constant 0 : index
    %get3A_7 = arith.constant 0 : index
    %get3A_8 = vector.load %arg1[%get3A_6, %get3A_7] : memref<400x128xf32, #tpu.memory_space<vmem>>, vector<400x128xf32>
    %get3A_9 = arith.constant 0 : index
    %get3A_10 = arith.constant 0 : index
    %get3A_11 = vector.load %arg2[%get3A_9, %get3A_10] : memref<400x128xf32, #tpu.memory_space<vmem>>, vector<400x128xf32>
    %add3A = arith.addf %get3A_8, %get3A_11 : vector<400x128xf32>
    %add3A_12 = arith.addf %add3A, %dot_general3A_5 : vector<400x128xf32>
    %max3A = arith.constant 0.000000e+00 : f32
    %max3A_13 = vector.broadcast %max3A : f32 to vector<400x128xf32>
    %max3A_14 = arith.maximumf %add3A_12, %max3A_13 : vector<400x128xf32>
    %get3A_15 = arith.constant 0 : index
    %get3A_16 = arith.constant 0 : index
    %get3A_17 = vector.load %arg5[%get3A_15, %get3A_16] : memref<1x128xf32, #tpu.memory_space<vmem>>, vector<1x128xf32>
    %mul3A = vector.broadcast %get3A_17 : vector<1x128xf32> to vector<400x128xf32>
    %mul3A_18 = arith.mulf %max3A_14, %mul3A : vector<400x128xf32>
    %get3A_19 = arith.constant 0 : index
    %get3A_20 = arith.constant 0 : index
    %get3A_21 = vector.load %arg6[%get3A_19, %get3A_20] : memref<1x128xf32, #tpu.memory_space<vmem>>, vector<1x128xf32>
    %add3A_22 = vector.broadcast %get3A_21 : vector<1x128xf32> to vector<400x128xf32>
    %add3A_23 = arith.addf %mul3A_18, %add3A_22 : vector<400x128xf32>
    %get3A_24 = arith.constant 0 : index
    %get3A_25 = arith.constant 0 : index
    %get3A_26 = vector.load %arg7[%get3A_24, %get3A_25] : memref<128x128xf32, #tpu.memory_space<vmem>>, vector<128x128xf32>
    %dot_general3A_27 = arith.constant dense<0.000000e+00> : vector<400x128xf32>
    %dot_general3A_28 = tpu.matmul %add3A_23, %get3A_26, %dot_general3A_27 {dimension_numbers = #tpu.dot_dimension_numbers<[1], [1], [0], [0], [0, 0, 1, 0], [], []>, transpose_lhs_hint = false} : vector<400x128xf32>, vector<128x128xf32>, vector<400x128xf32> -> vector<400x128xf32>
    %get3A_29 = arith.constant 0 : index
    %get3A_30 = arith.constant 0 : index
    %get3A_31 = vector.load %arg8[%get3A_29, %get3A_30] : memref<1x128xf32, #tpu.memory_space<vmem>>, vector<1x128xf32>
    %add3A_32 = vector.broadcast %get3A_31 : vector<1x128xf32> to vector<400x128xf32>
    %add3A_33 = arith.addf %dot_general3A_28, %add3A_32 : vector<400x128xf32>
    %swap3A = arith.constant 0 : index
    %swap3A_34 = arith.constant 0 : index
    %swap3A_35 = vector.load %arg9[%swap3A, %swap3A_34] : memref<400x128xf32, #tpu.memory_space<vmem>>, vector<400x128xf32>
    tpu.vector_store %arg9[%swap3A, %swap3A_34], %add3A_33 {strides = array<i32>} : memref<400x128xf32, #tpu.memory_space<vmem>>, vector<400x128xf32>,
    return
  }
  func.func @transform_0(%arg0: i32) -> (i32, i32) {
    %c0_i32 = arith.constant 0 : i32
    %c0_i32_0 = arith.constant 0 : i32
    return %arg0, %c0_i32 : i32, i32
  }
  func.func @transform_1(%arg0: i32) -> (i32, i32) {
    %c0_i32 = arith.constant 0 : i32
    %c0_i32_0 = arith.constant 0 : i32
    return %arg0, %c0_i32 : i32, i32
  }
  func.func @transform_2(%arg0: i32) -> (i32, i32) {
    %c0_i32 = arith.constant 0 : i32
    %c0_i32_0 = arith.constant 0 : i32
    return %arg0, %c0_i32 : i32, i32
  }
  func.func @transform_3(%arg0: i32) -> (i32, i32) {
    %c0_i32 = arith.constant 0 : i32
    %c0_i32_0 = arith.constant 0 : i32
    %c0_i32_1 = arith.constant 0 : i32
    return %c0_i32, %c0_i32_0 : i32, i32
  }
  func.func @transform_4(%arg0: i32) -> (i32, i32) {
    %c0_i32 = arith.constant 0 : i32
    %c0_i32_0 = arith.constant 0 : i32
    %c0_i32_1 = arith.constant 0 : i32
    return %c0_i32, %c0_i32_0 : i32, i32
  }
  func.func @transform_5(%arg0: i32) -> (i32, i32) {
    %c0_i32 = arith.constant 0 : i32
    %c0_i32_0 = arith.constant 0 : i32
    %c0_i32_1 = arith.constant 0 : i32
    return %c0_i32, %c0_i32_0 : i32, i32
  }
  func.func @transform_6(%arg0: i32) -> (i32, i32) {
    %c0_i32 = arith.constant 0 : i32
    %c0_i32_0 = arith.constant 0 : i32
    %c0_i32_1 = arith.constant 0 : i32
    return %c0_i32, %c0_i32_0 : i32, i32
  }
  func.func @transform_7(%arg0: i32) -> (i32, i32) {
    %c0_i32 = arith.constant 0 : i32
    %c0_i32_0 = arith.constant 0 : i32
    %c0_i32_1 = arith.constant 0 : i32
    return %c0_i32, %c0_i32_0 : i32, i32
  }
  func.func @transform_8(%arg0: i32) -> (i32, i32) {
    %c0_i32 = arith.constant 0 : i32
    %c0_i32_0 = arith.constant 0 : i32
    return %arg0, %c0_i32 : i32, i32
  }
}

module attributes {stable_mosaic.version = 14 : i64} {
  func.func @_final_body(%arg0: i32, %arg1: memref<400x128xf32, #tpu.memory_space<vmem>>, %arg2: memref<400x128xf32, #tpu.memory_space<vmem>>, %arg3: memref<400x8xf32, #tpu.memory_space<vmem>>, %arg4: memref<128x8xf32, #tpu.memory_space<vmem>>, %arg5: memref<1x128xf32, #tpu.memory_space<vmem>>, %arg6: memref<1x128xf32, #tpu.memory_space<vmem>>, %arg7: memref<1x128xf32, #tpu.memory_space<vmem>>, %arg8: memref<1x128xf32, #tpu.memory_space<vmem>>) attributes {dimension_semantics = [#tpu.dimension_semantics<arbitrary>], iteration_bounds = array<i64: 25>, scalar_prefetch = 0 : i64, scratch_operands = 1 : i64, tpu.core_type = #tpu.core_type<tc>, window_params = [{transform_indices = @transform_0, window_bounds = array<i64: 400, 128>}, {transform_indices = @transform_1, window_bounds = array<i64: 400, 128>}, {transform_indices = @transform_2, window_bounds = array<i64: 400, 8>}, {pipeline_mode = #tpu.pipeline_mode<synchronous>, transform_indices = @transform_3, window_bounds = array<i64: 128, 8>}, {pipeline_mode = #tpu.pipeline_mode<synchronous>, transform_indices = @transform_4, window_bounds = array<i64: 1, 128>}, {pipeline_mode = #tpu.pipeline_mode<synchronous>, transform_indices = @transform_5, window_bounds = array<i64: 1, 128>}, {pipeline_mode = #tpu.pipeline_mode<synchronous>, transform_indices = @transform_6, window_bounds = array<i64: 1, 128>}]} {
    %eq3A = arith.constant 0 : i32
    %eq3A_0 = arith.cmpi eq, %arg0, %eq3A : i32
    %convert_element_type3A = arith.extui %eq3A_0 : i1 to i32
    %cond3A = arith.constant 0 : i32
    %cond3A_1 = arith.cmpi ne, %convert_element_type3A, %cond3A : i32
    scf.if %cond3A_1 {
      %broadcast_in_dim3A_38 = arith.constant 0.000000e+00 : f32
      %broadcast_in_dim3A_39 = vector.broadcast %broadcast_in_dim3A_38 : f32 to vector<1x128xf32>
      %swap3A_40 = arith.constant 0 : index
      %swap3A_41 = arith.constant 0 : index
      %swap3A_42 = vector.load %arg8[%swap3A_40, %swap3A_41] : memref<1x128xf32, #tpu.memory_space<vmem>>, vector<1x128xf32>
      tpu.vector_store %arg8[%swap3A_40, %swap3A_41], %broadcast_in_dim3A_39 {strides = array<i32>} : memref<1x128xf32, #tpu.memory_space<vmem>>, vector<1x128xf32>,
    } else {
    }
    %get3A = arith.constant 0 : index
    %get3A_2 = arith.constant 0 : index
    %get3A_3 = vector.load %arg3[%get3A, %get3A_2] : memref<400x8xf32, #tpu.memory_space<vmem>>, vector<400x8xf32>
    %get3A_4 = arith.constant 0 : index
    %get3A_5 = arith.constant 0 : index
    %get3A_6 = vector.load %arg4[%get3A_4, %get3A_5] : memref<128x8xf32, #tpu.memory_space<vmem>>, vector<128x8xf32>
    %dot_general3A = arith.constant dense<0.000000e+00> : vector<400x128xf32>
    %dot_general3A_7 = tpu.matmul %get3A_3, %get3A_6, %dot_general3A {dimension_numbers = #tpu.dot_dimension_numbers<[1], [1], [0], [0], [0, 0, 1, 0], [], []>, transpose_lhs_hint = false} : vector<400x8xf32>, vector<128x8xf32>, vector<400x128xf32> -> vector<400x128xf32>
    %get3A_8 = arith.constant 0 : index
    %get3A_9 = arith.constant 0 : index
    %get3A_10 = vector.load %arg1[%get3A_8, %get3A_9] : memref<400x128xf32, #tpu.memory_space<vmem>>, vector<400x128xf32>
    %get3A_11 = arith.constant 0 : index
    %get3A_12 = arith.constant 0 : index
    %get3A_13 = vector.load %arg2[%get3A_11, %get3A_12] : memref<400x128xf32, #tpu.memory_space<vmem>>, vector<400x128xf32>
    %add3A = arith.addf %get3A_10, %get3A_13 : vector<400x128xf32>
    %add3A_14 = arith.addf %add3A, %dot_general3A_7 : vector<400x128xf32>
    %max3A = arith.constant 0.000000e+00 : f32
    %max3A_15 = vector.broadcast %max3A : f32 to vector<400x128xf32>
    %max3A_16 = arith.maximumf %add3A_14, %max3A_15 : vector<400x128xf32>
    %get3A_17 = arith.constant 0 : index
    %get3A_18 = arith.constant 0 : index
    %get3A_19 = vector.load %arg5[%get3A_17, %get3A_18] : memref<1x128xf32, #tpu.memory_space<vmem>>, vector<1x128xf32>
    %mul3A = vector.broadcast %get3A_19 : vector<1x128xf32> to vector<400x128xf32>
    %mul3A_20 = arith.mulf %max3A_16, %mul3A : vector<400x128xf32>
    %get3A_21 = arith.constant 0 : index
    %get3A_22 = arith.constant 0 : index
    %get3A_23 = vector.load %arg6[%get3A_21, %get3A_22] : memref<1x128xf32, #tpu.memory_space<vmem>>, vector<1x128xf32>
    %add3A_24 = vector.broadcast %get3A_23 : vector<1x128xf32> to vector<400x128xf32>
    %add3A_25 = arith.addf %mul3A_20, %add3A_24 : vector<400x128xf32>
    %get3A_26 = arith.constant 0 : index
    %get3A_27 = arith.constant 0 : index
    %get3A_28 = vector.load %arg8[%get3A_26, %get3A_27] : memref<1x128xf32, #tpu.memory_space<vmem>>, vector<1x128xf32>
    %reduce_sum3A = arith.constant dense<0.000000e+00> : vector<128xf32>
    %reduce_sum3A_29 = vector.multi_reduction <add>, %add3A_25, %reduce_sum3A [0] : vector<400x128xf32> to vector<128xf32>
    %broadcast_in_dim3A = vector.shape_cast %reduce_sum3A_29 : vector<128xf32> to vector<1x128xf32>
    %add3A_30 = arith.addf %get3A_28, %broadcast_in_dim3A : vector<1x128xf32>
    %swap3A = arith.constant 0 : index
    %swap3A_31 = arith.constant 0 : index
    %swap3A_32 = vector.load %arg8[%swap3A, %swap3A_31] : memref<1x128xf32, #tpu.memory_space<vmem>>, vector<1x128xf32>
    tpu.vector_store %arg8[%swap3A, %swap3A_31], %add3A_30 {strides = array<i32>} : memref<1x128xf32, #tpu.memory_space<vmem>>, vector<1x128xf32>,
    %eq3A_33 = arith.constant 24 : i32
    %eq3A_34 = arith.cmpi eq, %arg0, %eq3A_33 : i32
    %convert_element_type3A_35 = arith.extui %eq3A_34 : i1 to i32
    %cond3A_36 = arith.constant 0 : i32
    %cond3A_37 = arith.cmpi ne, %convert_element_type3A_35, %cond3A_36 : i32
    scf.if %cond3A_37 {
      %get3A_38 = arith.constant 0 : index
      %get3A_39 = arith.constant 0 : index
      %get3A_40 = vector.load %arg8[%get3A_38, %get3A_39] : memref<1x128xf32, #tpu.memory_space<vmem>>, vector<1x128xf32>
      %mul3A_41 = arith.constant 9.99999974E-5 : f32
      %mul3A_42 = vector.broadcast %mul3A_41 : f32 to vector<1x128xf32>
      %mul3A_43 = arith.mulf %get3A_40, %mul3A_42 : vector<1x128xf32>
      %swap3A_44 = arith.constant 0 : index
      %swap3A_45 = arith.constant 0 : index
      %swap3A_46 = vector.load %arg7[%swap3A_44, %swap3A_45] : memref<1x128xf32, #tpu.memory_space<vmem>>, vector<1x128xf32>
      tpu.vector_store %arg7[%swap3A_44, %swap3A_45], %mul3A_43 {strides = array<i32>} : memref<1x128xf32, #tpu.memory_space<vmem>>, vector<1x128xf32>,
    } else {
    }
    return
  }
  func.func @transform_0(%arg0: i32) -> (i32, i32) {
    %c0_i32 = arith.constant 0 : i32
    %c0_i32_0 = arith.constant 0 : i32
    return %arg0, %c0_i32 : i32, i32
  }
  func.func @transform_1(%arg0: i32) -> (i32, i32) {
    %c0_i32 = arith.constant 0 : i32
    %c0_i32_0 = arith.constant 0 : i32
    return %arg0, %c0_i32 : i32, i32
  }
  func.func @transform_2(%arg0: i32) -> (i32, i32) {
    %c0_i32 = arith.constant 0 : i32
    %c0_i32_0 = arith.constant 0 : i32
    return %arg0, %c0_i32 : i32, i32
  }
  func.func @transform_3(%arg0: i32) -> (i32, i32) {
    %c0_i32 = arith.constant 0 : i32
    %c0_i32_0 = arith.constant 0 : i32
    %c0_i32_1 = arith.constant 0 : i32
    return %c0_i32, %c0_i32_0 : i32, i32
  }
  func.func @transform_4(%arg0: i32) -> (i32, i32) {
    %c0_i32 = arith.constant 0 : i32
    %c0_i32_0 = arith.constant 0 : i32
    %c0_i32_1 = arith.constant 0 : i32
    return %c0_i32, %c0_i32_0 : i32, i32
  }
  func.func @transform_5(%arg0: i32) -> (i32, i32) {
    %c0_i32 = arith.constant 0 : i32
    %c0_i32_0 = arith.constant 0 : i32
    %c0_i32_1 = arith.constant 0 : i32
    return %c0_i32, %c0_i32_0 : i32, i32
  }
  func.func @transform_6(%arg0: i32) -> (i32, i32) {
    %c0_i32 = arith.constant 0 : i32
    %c0_i32_0 = arith.constant 0 : i32
    %c0_i32_1 = arith.constant 0 : i32
    return %c0_i32, %c0_i32_0 : i32, i32
  }
}

</mosaic_0001>

<sc_bundles>
// kernel: _run.11.cloned.1.call-start
scs
__scs_entry_jumppad:
0x0: {  	(pc) =	sbr.rel $0x88, $3  }
0x1: {  	(tag) =	ssettag $0x0;
	lr =	simm.s32 $0x1  }
0x2: {  	[smem:$0x3F96] =	sst lr;
	_ =	strace $0xD0000000  }
0x3: {  	_ = 	snop  }
0x4: {  	_ = 	snop  }
0x5: {  	_ = 	snop  }
0x6: {  	_ = 	snop  }
0x7: {  	_ = 	snop  }
__scs_overlays_trampoline_lowered:
0x8: {  	[smem:$0x3FA5] =	sst s0  }
0x9: {  	[smem:$0x3FA6] =	sst s1  }
0xa: {  	[smem:$0x3FA7] =	sst s2  }
0xb: {  	[smem:$0x3FA8] =	sst s3  }
0xc: {  	[smem:$0x3FA9] =	sst s4  }
0xd: {  	[smem:$0x3FAA] =	sst s5  }
0xe: {  	[smem:$0x3FAB] =	sst s6  }
0xf: {  	[smem:$0x3FAC] =	sst s7  }
0x10: {  	[smem:$0x3FAD] =	sst s8  }
0x11: {  	[smem:$0x3FAE] =	sst s9;
	s0 =	simm.s32 @!p0 $0x0  }
0x12: {  	s1 =	sld [smem:$0x3F94];
	s0 =	simm.s32 @p0 $0x1  }
0x13: {  	[smem:$0x3FAF] =	sst s0;
	s0 =	simm.s32 @!p1 $0x0  }
0x14: {  	s2 =	sld [smem:$0x3F93];
	s0 =	simm.s32 @p1 $0x1  }
0x15: {  	[smem:$0x3FB0] =	sst s0;
	s0 =	simm.s32 @!p2 $0x0  }
0x16: {  	s3 =	sld [smem:$0x3FDB];
	s0 =	simm.s32 @p2 $0x1  }
0x17: {  	s4 =	simm.s32 $0x1BF5;
	[smem:$0x3FB2] =	sst s0  }
0x18: {  	s0 =	sld [smem:$0x3F95];
	_ =	swait.ge [sflag:s4], $0x0  }
0x19: {  	s7 =	sld [smem:$0x3F96]  }
0x1a: {  	s8 =	sadd.s32 $0xFFFFE003, lr  }
0x1b: {  	s9 =	sadd.s32 $0xFFFFFEF7, lr;
	s5 =	simm.s32 $0xFFFFFFFF;
	p2 =	slt.u32 s8, $0xFFFFF086  }
0x1c: {  	p1 =	slt.u32 s9, $0xF7A;
	s5 =	simm.s32 @!p2 $0x0  }
0x1d: {  	s5 =	simm.s32 @p1 $0x1;
	p0 =	seq.s32 s7, s2  }
0x1e: {  	s7 =	smul.u32 @!p0 $0xF7A, s2;
	p2 =	seq.s32 @!p0 s5, $0x0  }
0x1f: {  	s9 =	smul.u32 $0xF7A, s1;
	s8 =	simm.s32 @!p0 $0x1BF5;
	p2 =	por !p2, p0  }
0x20: {  	[sflag:s8] =	ssyncset.s32 @!p0 $0xFFFFF086;
	s6 =	sadd.s32 @!p0 s3, s7;
	s7 =	simm.s32 @!p0 $0x108  }
0x21: {  	s3 =	sadd.s32 s3, s9;
	s6 =	sadd.s32 @!p0 $0x88, s6;
	s7 =	simm.s32 @p2 $0x1082  }
0x22: {  	[simem:s7], [sflag:s8] =	dma.local @!p0 [hbm:s6], $0xF7A  }
0x23: {  	s9 =	sor.u32 $0xD0000000, s2;
	s6 =	simm.s32 $0x108;
	_ =	swait.ge @!p0 [sflag:s8], $0x0  }
0x24: {  	s3 =	sadd.s32 $0x88, s3;
	s6 =	simm.s32 @!p1 $0x1082;
	[sflag:s4] =	ssyncset.s32 $0xFFFFF086  }
0x25: {  	[simem:s6], [sflag:s4] =	dma.local [hbm:s3], $0xF7A  }
0x26: {  	[smem:$0x3F96] =	sst s1;
	(tag) =	ssettag s2;
	_ =	strace s9  }
0x27: {  	s1 =	sld [smem:$0x3FA6]  }
0x28: {  	s2 =	sld [smem:$0x3FA7]  }
0x29: {  	s4 =	sld [smem:$0x3FA9]  }
0x2a: {  	p0 =	seq.s32 s5, $0x0;
	s5 =	sld [smem:$0x3FAA]  }
0x2b: {  	s6 =	sld [smem:$0x3FAB]  }
0x2c: {  	s7 =	sld [smem:$0x3FAC]  }
0x2d: {  	s3 =	simm.s32 $0x108;
	s8 =	sld [smem:$0x3FAD]  }
0x2e: {  	s3 =	simm.s32 @!p0 $0x1082;
	s9 =	sld [smem:$0x3FAE]  }
0x2f: {  	lr =	sadd.s32 s0, s3;
	s0 =	sld [smem:$0x3FA5]  }
0x30: {  	s3 =	sld [smem:$0x3FA8]  }
0x31: {  	[smem:$0x3FB1] =	sst s10  }
0x32: {  	s10 =	sld [smem:$0x3FAF];
	_ =	sdelay $0x3  }
0x33: {  	p0 =	seq.s32 s10, $0x1;
	s10 =	sld [smem:$0x3FB1];
	_ =	sdelay $0x3  }
0x34: {  	[smem:$0x3FB1] =	sst s10  }
0x35: {  	s10 =	sld [smem:$0x3FB0];
	_ =	sdelay $0x3  }
0x36: {  	p1 =	seq.s32 s10, $0x1;
	s10 =	sld [smem:$0x3FB1];
	_ =	sdelay $0x3  }
0x37: {  	[smem:$0x3FB1] =	sst s10  }
0x38: {  	s10 =	sld [smem:$0x3FB2]  }
0x39: {  	_ = 	snop;
	(pc) =	sbr.ind lr, $3  }
0x3a: {  	_ = 	snop  }
0x3b: {  	_ = 	snop  }
0x3c: {  	p2 =	seq.s32 s10, $0x1;
	s10 =	sld [smem:$0x3FB1]  }
0x3d: {  	_ =	shalt  }
0x3e: {  	_ =	shalt  }
0x3f: {  	_ =	shalt  }
0x40: {  	_ =	shalt  }
0x41: {  	_ =	shalt  }
0x42: {  	_ =	shalt  }
0x43: {  	_ =	shalt  }
0x44: {  	_ =	shalt  }
0x45: {  	_ =	shalt  }
0x46: {  	_ =	shalt  }
0x47: {  	_ =	shalt  }
0x48: {  	_ =	shalt  }
0x49: {  	_ =	shalt  }
0x4a: {  	_ =	shalt  }
0x4b: {  	_ =	shalt  }
0x4c: {  	_ =	shalt  }
0x4d: {  	_ =	shalt  }
0x4e: {  	_ =	shalt  }
0x4f: {  	_ =	shalt  }
0x50: {  	_ =	shalt  }
0x51: {  	_ =	shalt  }
0x52: {  	_ =	shalt  }
0x53: {  	_ =	shalt  }
0x54: {  	_ =	shalt  }
0x55: {  	_ =	shalt  }
0x56: {  	_ =	shalt  }
0x57: {  	_ =	shalt  }
0x58: {  	_ =	shalt  }
0x59: {  	_ =	shalt  }
0x5a: {  	_ =	shalt  }
0x5b: {  	_ =	shalt  }
0x5c: {  	_ =	shalt  }
0x5d: {  	_ =	shalt  }
0x5e: {  	_ =	shalt  }
0x5f: {  	_ =	shalt  }
0x60: {  	_ =	shalt  }
0x61: {  	_ =	shalt  }
0x62: {  	_ =	shalt  }
0x63: {  	_ =	shalt  }
0x64: {  	_ =	shalt  }
0x65: {  	_ =	shalt  }
0x66: {  	_ =	shalt  }
0x67: {  	_ =	shalt  }
0x68: {  	_ =	shalt  }
0x69: {  	_ =	shalt  }
0x6a: {  	_ =	shalt  }
0x6b: {  	_ =	shalt  }
0x6c: {  	_ =	shalt  }
0x6d: {  	_ =	shalt  }
0x6e: {  	_ =	shalt  }
0x6f: {  	_ =	shalt  }
0x70: {  	_ =	shalt  }
0x71: {  	_ =	shalt  }
0x72: {  	_ =	shalt  }
0x73: {  	_ =	shalt  }
0x74: {  	_ =	shalt  }
0x75: {  	_ =	shalt  }
0x76: {  	_ =	shalt  }
0x77: {  	_ =	shalt  }
0x78: {  	_ =	shalt  }
0x79: {  	_ =	shalt  }
0x7a: {  	_ =	shalt  }
0x7b: {  	_ =	shalt  }
0x7c: {  	_ =	shalt  }
0x7d: {  	_ =	shalt  }
0x7e: {  	_ =	shalt  }
0x7f: {  	_ =	shalt  }
0x80: {  	_ =	shalt  }
0x81: {  	_ =	shalt  }
0x82: {  	_ =	shalt  }
0x83: {  	_ =	shalt  }
0x84: {  	_ =	shalt  }
0x85: {  	_ =	shalt  }
0x86: {  	_ =	shalt  }
0x87: {  	_ =	shalt  }
.Lfunc_end0:
.L_simem_size_0:
called_computation_lowered:
.L_overlay_start_0:
0x88: {  	s2 =	sld [smem:$0x3FD9]  }
0x89: {  	s3 =	sld [smem:$0x3FFE];
	_ =	sdelay $0x1  }
0x8a: {  	s1 =	srdreg.scid  }
0x8b: {  	s0 =	sand.u32 $0x1, s1  }
0x8c: {  	s16 =	sshll.u32 s0, $0xA;
	s2 =	sadd.s32 s3, s2  }
0x8d: {  	s2 =	sadd.s32 s2, s16  }
0x8e: {  	[smem:$0x3FBD] =	sst s2  }
0x8f: {  	_ = 	snop  }
0x90: {  	(tm) =	ssettm $0x1  }
0x91: {  	s17 =	sld [smem:$0x3FFB];
	_ =	sdelay $0x3  }
0x92: {  	_ =	strace s17  }
0x93: {  	s2 =	sld [smem:$0x3FFC];
	_ =	sdelay $0x3  }
0x94: {  	_ =	strace s2  }
0x95: {  	s2 =	sld [smem:$0x3FFD];
	_ =	sdelay $0x3  }
0x96: {  	_ =	strace s2  }
0x97: {  	_ =	strace $0x8FFFFFFF  }
0x98: {  	s18 =	sld [smem:$0x3FDB];
	_ =	sdelay $0x1  }
0x99: {  	s19 =	simm.s32 $_scs_section_size  }
0x9a: {  	s4 =	simm.s32 $_size__tile_overlayer_lowered;
	s5 =	simm.s32 $_tile_overlayer_lowered  }
0x9b: {  	s22 =	simm.s32 $0x1BFF;
	s21 =	sshll.u32 s5, $0x1;
	s2 =	sadd.s32 s19, s18  }
0x9c: {  	s6 =	simm.s32 $0x0;
	s20 =	sshll.u32 s4, $0x1;
	s4 =	sadd.s32 s21, s2  }
0x9d: {  	[timem:s6], [sflag:s22] =	dma.local [hbm:s4], s20  }
0x9e: {  	_ =	swait.ge [sflag:s22], s20  }
0x9f: {  	s3 =	ssub.s32 $0x0, s20;
	[sflag:s22] =	ssyncset.done $0x0  }
0xa0: {  	[sflag:s22] =	ssyncadd.s32 s3;
	_ =	sdelay $0x1  }
0xa1: {  	s23 =	simm.s32 $0x1B8B  }
0xa2: {  	_ =	swait.ge [sflag:s23], $0x1  }
0xa3: {  	[sflag:s23] =	ssyncset.done $0x0  }
0xa4: {  	s25 =	simm.s32 $0x1B8E;
	s24 =	sld [smem:$0x3FFE];
	[sflag:s23] =	ssyncadd.s32 $0xFFFFFFFF  }
0xa5: {  	s26 =	simm.s32 $execute0_lowered;
	[smem:$0x3FD2] =	sst s25  }
0xa6: {  	s4 =	sshll.u32 s26, $0x1;
	_ =	strace $0x80000046;
	[dreg:$0x1] =	wrdreg $0xFFFFFFFF  }
0xa7: {  	s28 =	simm.s32 $_size_execute0_lowered;
	s2 =	sadd.s32 s2, s4;
	[dreg:$0x0] =	wrdreg $0x0  }
0xa8: {  	s4 =	sshll.u32 s28, $0x1;
	[dreg:$0x2] =	wrdreg s2  }
0xa9: {  	[dreg:$0x3] =	wrdreg s4  }
0xaa: {  	[dreg:$0x4] =	wrdreg $0xC0  }
0xab: {  	_ =	task [dreg:s6], $0x5FFFF  }
0xac: {  	[dreg:$0x1] =	wrdreg $0xFFFFFFFF  }
0xad: {  	[dreg:$0x0] =	wrdreg $0x60  }
0xae: {  	[dreg:$0x2] =	wrdreg s24  }
0xaf: {  	[dreg:$0x3] =	wrdreg $0x9  }
0xb0: {  	_ =	task.clear_ibuf [dreg:s6], $0x4FFFF;
	_ =	strace $0x90000046  }
0xb1: {  	s29 =	simm.s32 $0x9;
	_ =	strace $0x80000048  }
0xb2: {  	_ =	swait.ge [sflag:s29], $0x1  }
0xb3: {  	[sflag:s29] =	ssyncadd.s32 $0xFFFFFFFF  }
0xb4: {  	_ =	strace $0x90000048  }
0xb5: {  	_ =	sfence  }
0xb6: {  	s30 =	sld [smem:$0x0];
	_ =	sdelay $0x2  }
0xb7: {  	s31 =	sshll.u32 s1, $0xD;
	s1 =	sshrl.u32 s1, $0x2  }
0xb8: {  	s3 =	sand.u32 $0x4000, s31;
	s1 =	sadd.s32 s1, s30  }
0xb9: {  	s0 =	sor.u32 s3, s0;
	s1 =	sshll.u32 s1, $0x11  }
0xba: {  	s0 =	sor.u32 s1, s0  }
0xbb: {  	s0 =	sadd.s32 $0x8F2B, s0  }
0xbc: {  	[sflag:s0] =	ssyncadd.remote.s32 $0x1  }
0xbd: {  	_ =	sfence.sel $0xFFFF  }
0xbe: {  	[dreg:$0x0] =	wrdreg $0xFFFFFFFF;
	(pc) =	sbr.abs _section_cstart, $3  }
0xbf: {  	[dreg:$0x1] =	wrdreg $0xFFFFFFFF  }
0xc0: {  	_ =	task.clear_ibuf [dreg:s6], $0x2FFFF;
	_ =	strace $0x9FFFFFFF  }
0xc1: {  	(tm) =	ssettm $0x7FFFFFFF  }
tec
execute0_lowered:
.L_overlay_start_1:
0x0: {  	(tag) =	ssettag $0x1  }
0x1: {  	s7 =	rddreg [dreg:$0x0]  }
0x2: {  	s1 =	srdreg.scid;
	s0 =	rddreg [dreg:$0x1];
	s2 =	simm.s32 $0x0  }
0x3: {  	v0 =	vimm.s32 $0x10543210;
	s12 =	simm.s32 $0x2F00;
	s13 =	simm.s32 $0x0;
	s5 =	sand.u32 $0x1, s1  }
0x4: {  	[smem:$0x7FF] =	sst s2;
	s1 =	stileid.u32;
	v0 =	vunpack.c.l.s4.s8 v0;
	s3 =	sshll.u32 s5, $0x4  }
0x5: {  	s6 =	sadd.s32 $0x16C00, s7;
	s9 =	ssub.s32 $0x2, s5;
	s8 =	sor.u32 s1, s3  }
0x6: {  	v1 =	vimm.s32 $0x5040302;
	_ =	strace $0x80000047;
	s10 =	sshrl.u32 s9, $0x1;
	v0 =	vunpack.c.0.s8.s32 v0;
	s4 =	smul.u32 $0x2710, s8  }
0x7: {  	vm0 =	vcmask $0x3330;
	vm1 =	vcmask $0x1F00;
	v1 =	vunpack.c.0.s8.s32 v1;
	s5 =	sadd.s32 $0x3000, s7;
	s3 =	sadd.s32 $0x4F8C00, s7;
	s9 =	ssub.s32 s9, s10  }
0x8: {  	vm2 =	vcmask $0x1738;
	vm3 =	vcmask $0x2F20;
	s10 =	simm.s32 $0x3700;
	s9 =	smax.u32 s9, $0x1;
	v0 =	vnsel vm1, $0x6, v0;
	s11 =	sadd.s32 s4, s7  }
0x9: {  	vm0 =	vmor vm2, vm0;
	vm1 =	vmmov $0xfff;
	s7 =	smul.u32 $0xEA60, s8;
	v0 =	vsel vm3, v1, v0;
	s8 =	sadd.s32 $0x19400, s11;
	s11 =	simm.s32 $0x1  }
.LBB2_1:
0xa: {  	[tilespmem:s10], [sflag:$0x1] =	stream.linear.gather [hbm4b:s6+s2], $0x13880, $0x38;
	[tilespmem:$0x16F80] =	vst v63  }
0xb: {  	_ =	swait.ge [sflag:s11], $0x13880  }
0xc: {  	[sflag:s11] =	ssyncset.done $0x0  }
0xd: {  	s14 =	simm.s32 $0x0;
	[sflag:s11] =	ssyncadd.s32 $0xFFFEC780  }
.LBB2_2:
0xe: {  	s15 =	smul.u32 $0x2EE0, s14;
	_ =	sdelay $0x1  }
0xf: {  	s15 =	sadd.s32 s7, s15  }
0x10: {  	s15 =	sshrl.u32 s15, $0x3  }
0x11: {  	s16 =	smul.u32 $0x7D0, s14;
	s17 =	simm.s32 $0x0;
	s15 =	sadd.s32 s3, s15  }
0x12: {  	[tilespmem:s17], [sflag:$0x1] =	stream.linear.gather [hbm4b:s15+s17], $0x2EE0, $0x38;
	[tilespmem:$0x16F80] =	vst v63  }
0x13: {  	s30 =	sadd.s32 s4, s16;
	_ =	swait.ge [sflag:s11], $0x2EE0  }
0x14: {  	s15 =	sshrl.u32 s30, $0x3;
	[sflag:s11] =	ssyncset.done $0x0  }
0x15: {  	s15 =	sadd.s32 s5, s15;
	[sflag:s11] =	ssyncadd.s32 $0xFFFFD120  }
0x16: {  	[tilespmem:s12], [sflag:$0x1] =	stream.linear.gather [hbm4b:s15+s17], $0x7D0, $0x38;
	[tilespmem:$0x16F80] =	vst v63  }
0x17: {  	_ =	swait.ge [sflag:s11], $0x7D0  }
0x18: {  	[sflag:s11] =	ssyncset.done $0x0  }
0x19: {  	s31 =	simm.s32 $0x0;
	[sflag:s11] =	ssyncadd.s32 $0xFFFFF830  }
0x1a: {  	v1 =	vld [tilespmem:s31+$0x2F00];
	_ =	sdelay $0x4  }
0x1b: {  	v2 =	vbroadcast v1, $0x1;
	v3 =	vbroadcast v1, $0x0;
	_ =	sdelay $0x1  }
0x1c: {  	s15 =	simm.s32 $0x30;
	v2 =	vsel vm0, v3, v2  }
0x1d: {  	v3 =	vld [tilespmem:s15+$0xFFFFFFD0];
	v2 =	vshll.u32 v2, $0x3  }
0x1e: {  	v2 =	vor.u32 v0, v2;
	_ =	sdelay $0x2  }
0x1f: {  	v4 =	vbroadcast v1, $0x3;
	v5 =	vbroadcast v1, $0x2  }
0x20: {  	v3 =	vnsel vm1, $0x3F800000, v3  }
0x21: {  	v4 =	vsel vm0, v5, v4;
	[tilespmem:v2+s10+$0x0] =	vst.idx.add.f32.msk $0x3fff, v3  }
0x22: {  	v2 =	vshll.u32 v4, $0x3;
	v3 =	vld [tilespmem:s15+$0xFFFFFFDC]  }
0x23: {  	v2 =	vor.u32 v0, v2;
	_ =	sdelay $0x2  }
0x24: {  	v5 =	vbroadcast v1, $0x4;
	v4 =	vbroadcast v1, $0x5  }
0x25: {  	v3 =	vnsel vm1, $0x3F800000, v3  }
0x26: {  	v4 =	vsel vm0, v5, v4;
	[tilespmem:v2+s10+$0x0] =	vst.idx.add.f32.msk $0x3fff, v3  }
0x27: {  	v2 =	vshll.u32 v4, $0x3;
	v3 =	vld [tilespmem:s15+$0xFFFFFFE8]  }
0x28: {  	v2 =	vor.u32 v0, v2;
	_ =	sdelay $0x2  }
0x29: {  	v5 =	vbroadcast v1, $0x6;
	v4 =	vbroadcast v1, $0x7  }
0x2a: {  	v3 =	vnsel vm1, $0x3F800000, v3  }
0x2b: {  	v4 =	vsel vm0, v5, v4;
	[tilespmem:v2+s10+$0x0] =	vst.idx.add.f32.msk $0x3fff, v3  }
0x2c: {  	v2 =	vshll.u32 v4, $0x3;
	v3 =	vld [tilespmem:s15+$0xFFFFFFF4]  }
0x2d: {  	v2 =	vor.u32 v0, v2;
	_ =	sdelay $0x2  }
0x2e: {  	v5 =	vbroadcast v1, $0x8;
	v4 =	vbroadcast v1, $0x9  }
0x2f: {  	v3 =	vnsel vm1, $0x3F800000, v3  }
0x30: {  	v4 =	vsel vm0, v5, v4;
	[tilespmem:v2+s10+$0x0] =	vst.idx.add.f32.msk $0x3fff, v3  }
0x31: {  	v2 =	vshll.u32 v4, $0x3;
	v3 =	vld [tilespmem:s15+$0x0]  }
0x32: {  	v2 =	vor.u32 v0, v2;
	_ =	sdelay $0x2  }
0x33: {  	v5 =	vbroadcast v1, $0xA;
	v4 =	vbroadcast v1, $0xB  }
0x34: {  	v3 =	vnsel vm1, $0x3F800000, v3  }
0x35: {  	v4 =	vsel vm0, v5, v4;
	[tilespmem:v2+s10+$0x0] =	vst.idx.add.f32.msk $0x3fff, v3  }
0x36: {  	v3 =	vshll.u32 v4, $0x3;
	v2 =	vld [tilespmem:s15+$0xC]  }
0x37: {  	v3 =	vor.u32 v0, v3;
	_ =	sdelay $0x2  }
0x38: {  	v5 =	vbroadcast v1, $0xC;
	v4 =	vbroadcast v1, $0xD  }
0x39: {  	v6 =	vbroadcast v1, $0xF;
	v1 =	vbroadcast v1, $0xE;
	v2 =	vnsel vm1, $0x3F800000, v2  }
0x3a: {  	v4 =	vsel vm0, v5, v4;
	[tilespmem:v3+s10+$0x0] =	vst.idx.add.f32.msk $0x3fff, v2  }
0x3b: {  	v1 =	vsel vm0, v1, v6;
	v4 =	vshll.u32 v4, $0x3;
	v3 =	vld [tilespmem:s15+$0x18]  }
0x3c: {  	s19 =	simm.s32 $0x80;
	s16 =	simm.s32 $0x40;
	s17 =	simm.s32 $0x30;
	v1 =	vshll.u32 v1, $0x3;
	v2 =	vor.u32 v0, v4  }
.LBB2_3:
0x3d: {  	_ =	sdelay $0x1  }
0x3e: {  	s20 =	sshra.s32 s16, $0x2  }
0x3f: {  	s15 =	sadd.s32 $0x60, s15;
	s16 =	smov.u32 s19;
	s18 =	sadd.s32 $0x40, s19;
	v3 =	vnsel vm1, $0x3F800000, v3  }
0x40: {  	p0 =	sne.s32 s19, $0x1F00;
	[tilespmem:v2+s10+$0x0] =	vst.idx.add.f32.msk $0x3fff, v3  }
0x41: {  	v2 =	vld [tilespmem:s17+$0x24];
	s17 =	smov.u32 s15  }
0x42: {  	v1 =	vor.u32 v0, v1;
	_ =	sdelay $0x3  }
0x43: {  	v2 =	vnsel vm1, $0x3F800000, v2  }
0x44: {  	[tilespmem:v1+s10+$0x0] =	vst.idx.add.f32.msk $0x3fff, v2  }
0x45: {  	v1 =	vld [tilespmem:s20+$0x2F00];
	_ =	sdelay $0x4  }
0x46: {  	v2 =	vbroadcast v1, $0x1;
	v3 =	vbroadcast v1, $0x0  }
0x47: {  	v4 =	vbroadcast v1, $0x3;
	v5 =	vbroadcast v1, $0x2  }
0x48: {  	v7 =	vbroadcast v1, $0x4;
	v6 =	vld [tilespmem:s15+$0xFFFFFFD0];
	v2 =	vsel vm0, v3, v2;
	v3 =	vbroadcast v1, $0x5  }
0x49: {  	v4 =	vsel vm0, v5, v4;
	v5 =	vbroadcast v1, $0x7;
	v2 =	vshll.u32 v2, $0x3  }
0x4a: {  	v4 =	vshll.u32 v4, $0x3;
	v2 =	vor.u32 v0, v2;
	v3 =	vsel vm0, v7, v3  }
0x4b: {  	v8 =	vbroadcast v1, $0x9;
	v7 =	vbroadcast v1, $0x6;
	v3 =	vshll.u32 v3, $0x3  }
0x4c: {  	v9 =	vbroadcast v1, $0x8;
	v10 =	vbroadcast v1, $0xB  }
0x4d: {  	v5 =	vsel vm0, v7, v5;
	v7 =	vbroadcast v1, $0xA;
	v6 =	vnsel vm1, $0x3F800000, v6  }
0x4e: {  	v8 =	vsel vm0, v9, v8;
	v9 =	vbroadcast v1, $0xD;
	v5 =	vshll.u32 v5, $0x3  }
0x4f: {  	[tilespmem:v2+s10+$0x0] =	vst.idx.add.f32.msk $0x3fff, v6;
	v2 =	vshll.u32 v8, $0x3;
	v6 =	vsel vm0, v7, v10;
	v7 =	vbroadcast v1, $0xC  }
0x50: {  	v4 =	vor.u32 v0, v4;
	v10 =	vbroadcast v1, $0xF;
	v1 =	vbroadcast v1, $0xE;
	v8 =	vld [tilespmem:s15+$0xFFFFFFDC]  }
0x51: {  	v7 =	vsel vm0, v7, v9  }
0x52: {  	v1 =	vsel vm0, v1, v10;
	v7 =	vshll.u32 v7, $0x3  }
0x53: {  	v1 =	vshll.u32 v1, $0x3;
	_ =	sdelay $0x1  }
0x54: {  	v8 =	vnsel vm1, $0x3F800000, v8  }
0x55: {  	[tilespmem:v4+s10+$0x0] =	vst.idx.add.f32.msk $0x3fff, v8  }
0x56: {  	v3 =	vor.u32 v0, v3;
	v4 =	vld [tilespmem:s15+$0xFFFFFFE8];
	_ =	sdelay $0x4  }
0x57: {  	v4 =	vnsel vm1, $0x3F800000, v4  }
0x58: {  	[tilespmem:v3+s10+$0x0] =	vst.idx.add.f32.msk $0x3fff, v4  }
0x59: {  	v3 =	vld [tilespmem:s15+$0xFFFFFFF4]  }
0x5a: {  	v4 =	vor.u32 v0, v5;
	_ =	sdelay $0x3  }
0x5b: {  	v3 =	vnsel vm1, $0x3F800000, v3  }
0x5c: {  	[tilespmem:v4+s10+$0x0] =	vst.idx.add.f32.msk $0x3fff, v3  }
0x5d: {  	v3 =	vld [tilespmem:s15+$0x0]  }
0x5e: {  	v2 =	vor.u32 v0, v2;
	_ =	sdelay $0x3  }
0x5f: {  	v3 =	vnsel vm1, $0x3F800000, v3  }
0x60: {  	[tilespmem:v2+s10+$0x0] =	vst.idx.add.f32.msk $0x3fff, v3  }
0x61: {  	v3 =	vshll.u32 v6, $0x3;
	v2 =	vld [tilespmem:s15+$0xC]  }
0x62: {  	v3 =	vor.u32 v0, v3;
	_ =	sdelay $0x2  }
.Ltmp0:
0x63: {  	(pc) =	sbr.rel @p0 .LBB2_3-.Ltmp0, $4  }
0x64: {  	v2 =	vnsel vm1, $0x3F800000, v2  }
0x65: {  	[tilespmem:v3+s10+$0x0] =	vst.idx.add.f32.msk $0x3fff, v2  }
0x66: {  	v3 =	vld [tilespmem:s15+$0x18]  }
0x67: {  	s19 =	smov.u32 s18;
	v2 =	vor.u32 v0, v7  }
0x68: {  	_ =	sdelay $0x2  }
0x69: {  	v3 =	vnsel vm1, $0x3F800000, v3  }
0x6a: {  	[tilespmem:v2+s10+$0x0] =	vst.idx.add.f32.msk $0x3fff, v3  }
0x6b: {  	v2 =	vld [tilespmem:s17+$0x24]  }
0x6c: {  	v1 =	vor.u32 v0, v1;
	_ =	sdelay $0x3  }
0x6d: {  	v2 =	vnsel vm1, $0x3F800000, v2  }
0x6e: {  	s16 =	sshra.s32 s16, $0x2;
	[tilespmem:v1+s10+$0x0] =	vst.idx.add.f32.msk $0x3fff, v2  }
0x6f: {  	v1 =	vld [tilespmem:s16+$0x2F00];
	_ =	sdelay $0x4  }
0x70: {  	v2 =	vbroadcast v1, $0x1;
	v3 =	vbroadcast v1, $0x0;
	_ =	sdelay $0x1  }
0x71: {  	s15 =	sadd.s32 $0x60, s15;
	v2 =	vsel vm0, v3, v2  }
0x72: {  	v3 =	vld [tilespmem:s15+$0xFFFFFFD0];
	v2 =	vshll.u32 v2, $0x3  }
0x73: {  	v2 =	vor.u32 v0, v2;
	_ =	sdelay $0x2  }
0x74: {  	v4 =	vbroadcast v1, $0x3;
	v5 =	vbroadcast v1, $0x2  }
0x75: {  	v3 =	vnsel vm1, $0x3F800000, v3  }
0x76: {  	v4 =	vsel vm0, v5, v4;
	[tilespmem:v2+s10+$0x0] =	vst.idx.add.f32.msk $0x3fff, v3  }
0x77: {  	v2 =	vshll.u32 v4, $0x3;
	v3 =	vld [tilespmem:s15+$0xFFFFFFDC]  }
0x78: {  	v2 =	vor.u32 v0, v2;
	_ =	sdelay $0x2  }
0x79: {  	v53 =	vbroadcast v1, $0x5;
	v54 =	vbroadcast v1, $0x4  }
0x7a: {  	v3 =	vnsel vm1, $0x3F800000, v3  }
0x7b: {  	v4 =	vsel vm0, v54, v53;
	[tilespmem:v2+s10+$0x0] =	vst.idx.add.f32.msk $0x3fff, v3  }
0x7c: {  	v2 =	vshll.u32 v4, $0x3;
	v3 =	vld [tilespmem:s15+$0xFFFFFFE8]  }
0x7d: {  	v2 =	vor.u32 v0, v2;
	_ =	sdelay $0x2  }
0x7e: {  	v55 =	vbroadcast v1, $0x7;
	v56 =	vbroadcast v1, $0x6  }
0x7f: {  	v3 =	vnsel vm1, $0x3F800000, v3  }
0x80: {  	v4 =	vsel vm0, v56, v55;
	[tilespmem:v2+s10+$0x0] =	vst.idx.add.f32.msk $0x3fff, v3  }
0x81: {  	v2 =	vshll.u32 v4, $0x3;
	v3 =	vld [tilespmem:s15+$0xFFFFFFF4]  }
0x82: {  	v2 =	vor.u32 v0, v2;
	_ =	sdelay $0x2  }
0x83: {  	v57 =	vbroadcast v1, $0x9;
	v58 =	vbroadcast v1, $0x8  }
0x84: {  	v3 =	vnsel vm1, $0x3F800000, v3  }
0x85: {  	v4 =	vsel vm0, v58, v57;
	[tilespmem:v2+s10+$0x0] =	vst.idx.add.f32.msk $0x3fff, v3  }
0x86: {  	v2 =	vshll.u32 v4, $0x3;
	v3 =	vld [tilespmem:s15+$0x0]  }
0x87: {  	v2 =	vor.u32 v0, v2;
	_ =	sdelay $0x2  }
0x88: {  	v59 =	vbroadcast v1, $0xB;
	v60 =	vbroadcast v1, $0xA  }
0x89: {  	v3 =	vnsel vm1, $0x3F800000, v3  }
0x8a: {  	v4 =	vsel vm0, v60, v59;
	[tilespmem:v2+s10+$0x0] =	vst.idx.add.f32.msk $0x3fff, v3  }
0x8b: {  	v3 =	vshll.u32 v4, $0x3;
	v2 =	vld [tilespmem:s15+$0xC]  }
0x8c: {  	v3 =	vor.u32 v0, v3;
	_ =	sdelay $0x2  }
0x8d: {  	v61 =	vbroadcast v1, $0xD;
	v62 =	vbroadcast v1, $0xC  }
0x8e: {  	v2 =	vnsel vm1, $0x3F800000, v2  }
0x8f: {  	v4 =	vsel vm0, v62, v61;
	[tilespmem:v3+s10+$0x0] =	vst.idx.add.f32.msk $0x3fff, v2  }
0x90: {  	v2 =	vshll.u32 v4, $0x3;
	v3 =	vld [tilespmem:s15+$0x18]  }
0x91: {  	v2 =	vor.u32 v0, v2;
	_ =	sdelay $0x2  }
0x92: {  	v63 =	vbroadcast v1, $0xF;
	v1 =	vbroadcast v1, $0xE  }
0x93: {  	v3 =	vnsel vm1, $0x3F800000, v3  }
0x94: {  	v1 =	vsel vm0, v1, v63;
	[tilespmem:v2+s10+$0x0] =	vst.idx.add.f32.msk $0x3fff, v3  }
0x95: {  	s14 =	sadd.s32 $0x1, s14;
	v1 =	vshll.u32 v1, $0x3;
	v2 =	vld [tilespmem:s15+$0x24]  }
0x96: {  	p0 =	sne.s32 s14, $0x5;
	v1 =	vor.u32 v0, v1  }
.Ltmp1:
0x97: {  	_ = 	snop;
	(pc) =	sbr.rel @p0 .LBB2_2-.Ltmp1, $3  }
0x98: {  	_ =	sdelay $0x1  }
0x99: {  	v2 =	vnsel vm1, $0x3F800000, v2  }
0x9a: {  	[tilespmem:v1+s10+$0x0] =	vst.idx.add.f32.msk $0x3fff, v2  }
0x9b: {  	s13 =	sadd.s32 $0x1, s13  }
0x9c: {  	p0 =	sne.s32 s13, s9  }
.Ltmp2:
0x9d: {  	_ = 	snop;
	(pc) =	sbr.rel @p0 .LBB2_1-.Ltmp2, $4  }
0x9e: {  	[hbm4b:s8+s2] =	stream.linear.scatter [tilespmem:s10], [sflag:$0x1], $0x13880, $0x38;
	[tilespmem:$0x16F80] =	vst v63  }
0x9f: {  	_ =	swait.ge [sflag:s11], $0x13880  }
0xa0: {  	[sflag:s11] =	ssyncset.done $0x0  }
0xa1: {  	[sflag:s11] =	ssyncadd.s32 $0xFFFEC780  }
0xa2: {  	_ =	sfence.sel $0x180000  }
0xa3: {  	[bflag:$0x0] =	sbarrier.arrive $0xFFFF  }
0xa4: {  	p0 =	sne.s32 s1, $0x0;
	_ =	strace $0x90000047  }
0xa5: {  	s0 =	sadd.s32 @!p0 $0x100000, s0;
	[bflag:$0x2] =	sbarrier.arrive $0xFFFF  }
0xa6: {  	[sflag:s0] =	ssyncadd.tile.s32 @!p0 $0x1;
	_ =	shalt  }
.Lfunc_end2:
_tile_overlayer_lowered:
.L_overlay_start_2:
0xa7: {  	(tag) =	ssettag $0x2  }
0xa8: {  	s0 =	rddreg [dreg:$0x0];
	s2 =	stileid.u32  }
0xa9: {  	s1 =	rddreg [dreg:$0x1];
	p0 =	sne.s32 s2, $0x0  }
0xaa: {  	s3 =	rddreg [dreg:$0x2];
	[bflag:$0x3] =	sbarrier.arrive $0xFFFF;
	s2 =	simm.s32 @!p0 $0x1C01  }
0xab: {  	[timem:s3], [sflag:s2] =	dma.local @!p0 [hbm:s0], s1  }
0xac: {  	s0 =	simm.s32 @!p0 $0x1  }
0xad: {  	_ =	swait.ge @!p0 [sflag:s0], s1  }
0xae: {  	s1 =	ssub.s32 @!p0 $0x0, s1;
	[sflag:s0] =	ssyncset.done @!p0 $0x0  }
0xaf: {  	[sflag:s0] =	ssyncadd.s32 @!p0 s1  }
0xb0: {  	[bflag:$0x3] =	sbarrier.arrive $0xFFFF  }
0xb1: {  	_ =	shalt  }

// kernel: _run.14.cloned.1.call-start
scs
__scs_entry_jumppad:
0x0: {  	(pc) =	sbr.rel $0x88, $3  }
0x1: {  	(tag) =	ssettag $0x0;
	lr =	simm.s32 $0x1  }
0x2: {  	[smem:$0x3F96] =	sst lr;
	_ =	strace $0xD0000000  }
0x3: {  	_ = 	snop  }
0x4: {  	_ = 	snop  }
0x5: {  	_ = 	snop  }
0x6: {  	_ = 	snop  }
0x7: {  	_ = 	snop  }
__scs_overlays_trampoline_lowered:
0x8: {  	[smem:$0x3FA5] =	sst s0  }
0x9: {  	[smem:$0x3FA6] =	sst s1  }
0xa: {  	[smem:$0x3FA7] =	sst s2  }
0xb: {  	[smem:$0x3FA8] =	sst s3  }
0xc: {  	[smem:$0x3FA9] =	sst s4  }
0xd: {  	[smem:$0x3FAA] =	sst s5  }
0xe: {  	[smem:$0x3FAB] =	sst s6  }
0xf: {  	[smem:$0x3FAC] =	sst s7  }
0x10: {  	[smem:$0x3FAD] =	sst s8  }
0x11: {  	[smem:$0x3FAE] =	sst s9;
	s0 =	simm.s32 @!p0 $0x0  }
0x12: {  	s1 =	sld [smem:$0x3F94];
	s0 =	simm.s32 @p0 $0x1  }
0x13: {  	[smem:$0x3FAF] =	sst s0;
	s0 =	simm.s32 @!p1 $0x0  }
0x14: {  	s2 =	sld [smem:$0x3F93];
	s0 =	simm.s32 @p1 $0x1  }
0x15: {  	[smem:$0x3FB0] =	sst s0;
	s0 =	simm.s32 @!p2 $0x0  }
0x16: {  	s3 =	sld [smem:$0x3FDB];
	s0 =	simm.s32 @p2 $0x1  }
0x17: {  	s4 =	simm.s32 $0x1BF5;
	[smem:$0x3FB2] =	sst s0  }
0x18: {  	s0 =	sld [smem:$0x3F95];
	_ =	swait.ge [sflag:s4], $0x0  }
0x19: {  	s7 =	sld [smem:$0x3F96]  }
0x1a: {  	s8 =	sadd.s32 $0xFFFFE003, lr  }
0x1b: {  	s9 =	sadd.s32 $0xFFFFFEF7, lr;
	s5 =	simm.s32 $0xFFFFFFFF;
	p2 =	slt.u32 s8, $0xFFFFF086  }
0x1c: {  	p1 =	slt.u32 s9, $0xF7A;
	s5 =	simm.s32 @!p2 $0x0  }
0x1d: {  	s5 =	simm.s32 @p1 $0x1;
	p0 =	seq.s32 s7, s2  }
0x1e: {  	s7 =	smul.u32 @!p0 $0xF7A, s2;
	p2 =	seq.s32 @!p0 s5, $0x0  }
0x1f: {  	s9 =	smul.u32 $0xF7A, s1;
	s8 =	simm.s32 @!p0 $0x1BF5;
	p2 =	por !p2, p0  }
0x20: {  	[sflag:s8] =	ssyncset.s32 @!p0 $0xFFFFF086;
	s6 =	sadd.s32 @!p0 s3, s7;
	s7 =	simm.s32 @!p0 $0x108  }
0x21: {  	s3 =	sadd.s32 s3, s9;
	s6 =	sadd.s32 @!p0 $0x88, s6;
	s7 =	simm.s32 @p2 $0x1082  }
0x22: {  	[simem:s7], [sflag:s8] =	dma.local @!p0 [hbm:s6], $0xF7A  }
0x23: {  	s9 =	sor.u32 $0xD0000000, s2;
	s6 =	simm.s32 $0x108;
	_ =	swait.ge @!p0 [sflag:s8], $0x0  }
0x24: {  	s3 =	sadd.s32 $0x88, s3;
	s6 =	simm.s32 @!p1 $0x1082;
	[sflag:s4] =	ssyncset.s32 $0xFFFFF086  }
0x25: {  	[simem:s6], [sflag:s4] =	dma.local [hbm:s3], $0xF7A  }
0x26: {  	[smem:$0x3F96] =	sst s1;
	(tag) =	ssettag s2;
	_ =	strace s9  }
0x27: {  	s1 =	sld [smem:$0x3FA6]  }
0x28: {  	s2 =	sld [smem:$0x3FA7]  }
0x29: {  	s4 =	sld [smem:$0x3FA9]  }
0x2a: {  	p0 =	seq.s32 s5, $0x0;
	s5 =	sld [smem:$0x3FAA]  }
0x2b: {  	s6 =	sld [smem:$0x3FAB]  }
0x2c: {  	s7 =	sld [smem:$0x3FAC]  }
0x2d: {  	s3 =	simm.s32 $0x108;
	s8 =	sld [smem:$0x3FAD]  }
0x2e: {  	s3 =	simm.s32 @!p0 $0x1082;
	s9 =	sld [smem:$0x3FAE]  }
0x2f: {  	lr =	sadd.s32 s0, s3;
	s0 =	sld [smem:$0x3FA5]  }
0x30: {  	s3 =	sld [smem:$0x3FA8]  }
0x31: {  	[smem:$0x3FB1] =	sst s10  }
0x32: {  	s10 =	sld [smem:$0x3FAF];
	_ =	sdelay $0x3  }
0x33: {  	p0 =	seq.s32 s10, $0x1;
	s10 =	sld [smem:$0x3FB1];
	_ =	sdelay $0x3  }
0x34: {  	[smem:$0x3FB1] =	sst s10  }
0x35: {  	s10 =	sld [smem:$0x3FB0];
	_ =	sdelay $0x3  }
0x36: {  	p1 =	seq.s32 s10, $0x1;
	s10 =	sld [smem:$0x3FB1];
	_ =	sdelay $0x3  }
0x37: {  	[smem:$0x3FB1] =	sst s10  }
0x38: {  	s10 =	sld [smem:$0x3FB2]  }
0x39: {  	_ = 	snop;
	(pc) =	sbr.ind lr, $3  }
0x3a: {  	_ = 	snop  }
0x3b: {  	_ = 	snop  }
0x3c: {  	p2 =	seq.s32 s10, $0x1;
	s10 =	sld [smem:$0x3FB1]  }
0x3d: {  	_ =	shalt  }
0x3e: {  	_ =	shalt  }
0x3f: {  	_ =	shalt  }
0x40: {  	_ =	shalt  }
0x41: {  	_ =	shalt  }
0x42: {  	_ =	shalt  }
0x43: {  	_ =	shalt  }
0x44: {  	_ =	shalt  }
0x45: {  	_ =	shalt  }
0x46: {  	_ =	shalt  }
0x47: {  	_ =	shalt  }
0x48: {  	_ =	shalt  }
0x49: {  	_ =	shalt  }
0x4a: {  	_ =	shalt  }
0x4b: {  	_ =	shalt  }
0x4c: {  	_ =	shalt  }
0x4d: {  	_ =	shalt  }
0x4e: {  	_ =	shalt  }
0x4f: {  	_ =	shalt  }
0x50: {  	_ =	shalt  }
0x51: {  	_ =	shalt  }
0x52: {  	_ =	shalt  }
0x53: {  	_ =	shalt  }
0x54: {  	_ =	shalt  }
0x55: {  	_ =	shalt  }
0x56: {  	_ =	shalt  }
0x57: {  	_ =	shalt  }
0x58: {  	_ =	shalt  }
0x59: {  	_ =	shalt  }
0x5a: {  	_ =	shalt  }
0x5b: {  	_ =	shalt  }
0x5c: {  	_ =	shalt  }
0x5d: {  	_ =	shalt  }
0x5e: {  	_ =	shalt  }
0x5f: {  	_ =	shalt  }
0x60: {  	_ =	shalt  }
0x61: {  	_ =	shalt  }
0x62: {  	_ =	shalt  }
0x63: {  	_ =	shalt  }
0x64: {  	_ =	shalt  }
0x65: {  	_ =	shalt  }
0x66: {  	_ =	shalt  }
0x67: {  	_ =	shalt  }
0x68: {  	_ =	shalt  }
0x69: {  	_ =	shalt  }
0x6a: {  	_ =	shalt  }
0x6b: {  	_ =	shalt  }
0x6c: {  	_ =	shalt  }
0x6d: {  	_ =	shalt  }
0x6e: {  	_ =	shalt  }
0x6f: {  	_ =	shalt  }
0x70: {  	_ =	shalt  }
0x71: {  	_ =	shalt  }
0x72: {  	_ =	shalt  }
0x73: {  	_ =	shalt  }
0x74: {  	_ =	shalt  }
0x75: {  	_ =	shalt  }
0x76: {  	_ =	shalt  }
0x77: {  	_ =	shalt  }
0x78: {  	_ =	shalt  }
0x79: {  	_ =	shalt  }
0x7a: {  	_ =	shalt  }
0x7b: {  	_ =	shalt  }
0x7c: {  	_ =	shalt  }
0x7d: {  	_ =	shalt  }
0x7e: {  	_ =	shalt  }
0x7f: {  	_ =	shalt  }
0x80: {  	_ =	shalt  }
0x81: {  	_ =	shalt  }
0x82: {  	_ =	shalt  }
0x83: {  	_ =	shalt  }
0x84: {  	_ =	shalt  }
0x85: {  	_ =	shalt  }
0x86: {  	_ =	shalt  }
0x87: {  	_ =	shalt  }
.Lfunc_end0:
.L_simem_size_0:
called_computation.1_lowered:
.L_overlay_start_0:
0x88: {  	s2 =	sld [smem:$0x3FD9]  }
0x89: {  	s3 =	sld [smem:$0x3FFE];
	_ =	sdelay $0x1  }
0x8a: {  	s1 =	srdreg.scid  }
0x8b: {  	s0 =	sand.u32 $0x1, s1  }
0x8c: {  	s17 =	sshll.u32 s0, $0xA;
	s2 =	sadd.s32 s3, s2  }
0x8d: {  	s2 =	sadd.s32 s2, s17  }
0x8e: {  	[smem:$0x3FBD] =	sst s2  }
0x8f: {  	_ = 	snop  }
0x90: {  	(tm) =	ssettm $0x1  }
0x91: {  	s18 =	sld [smem:$0x3FFB];
	_ =	sdelay $0x3  }
0x92: {  	_ =	strace s18  }
0x93: {  	s2 =	sld [smem:$0x3FFC];
	_ =	sdelay $0x3  }
0x94: {  	_ =	strace s2  }
0x95: {  	s2 =	sld [smem:$0x3FFD];
	_ =	sdelay $0x3  }
0x96: {  	_ =	strace s2  }
0x97: {  	_ =	strace $0x8FFFFFFF  }
0x98: {  	s19 =	sld [smem:$0x3FDB];
	_ =	sdelay $0x1  }
0x99: {  	s20 =	simm.s32 $_scs_section_size  }
0x9a: {  	s4 =	simm.s32 $_size__tile_overlayer_lowered;
	s5 =	simm.s32 $_tile_overlayer_lowered  }
0x9b: {  	s6 =	simm.s32 $0x1BFF;
	s21 =	sshll.u32 s5, $0x1;
	s3 =	sadd.s32 s20, s19  }
0x9c: {  	s22 =	simm.s32 $0x0;
	s4 =	sshll.u32 s4, $0x1;
	s5 =	sadd.s32 s21, s3  }
0x9d: {  	[timem:s22], [sflag:s6] =	dma.local [hbm:s5], s4  }
0x9e: {  	_ =	swait.ge [sflag:s6], s4  }
0x9f: {  	s4 =	ssub.s32 $0x0, s4;
	[sflag:s6] =	ssyncset.done $0x0  }
0xa0: {  	[sflag:s6] =	ssyncadd.s32 s4;
	_ =	sdelay $0x1  }
0xa1: {  	s23 =	simm.s32 $0x1B8B  }
0xa2: {  	_ =	swait.ge [sflag:s23], $0x1  }
0xa3: {  	[sflag:s23] =	ssyncset.done $0x0  }
0xa4: {  	[sflag:s23] =	ssyncadd.s32 $0xFFFFFFFF  }
0xa5: {  	s4 =	sld [smem:$0x0]  }
0xa6: {  	s5 =	sand.u32 $0xFFFFFFFE, s1  }
0xa7: {  	p0 =	sne.s32 s1, s5  }
0xa8: {  	s5 =	sshll.u32 @p0 s5, $0xE  }
0xa9: {  	s5 =	sadd.s32 @p0 $0x11B8D, s5;
	s6 =	sshll.u32 @p0 s4, $0x11  }
0xaa: {  	s5 =	sor.u32 @p0 s6, s5  }
0xab: {  	[sflag:s5] =	ssyncadd.remote.s32 @p0 $0x1;
	_ =	sdelay $0x1  }
0xac: {  	s5 =	simm.s32 @p0 $0x1B8D  }
0xad: {  	_ =	swait.eq @p0 [sflag:s5], $0x1  }
0xae: {  	[sflag:s5] =	ssyncadd.s32 @p0 $0xFFFFFFFF  }
0xaf: {  	s6 =	sshll.u32 @!p0 s1, $0xE  }
0xb0: {  	s6 =	sor.u32 @!p0 $0x4000, s6;
	s5 =	simm.s32 @!p0 $0x1B8D  }
0xb1: {  	s4 =	sshll.u32 @!p0 s4, $0x11;
	s6 =	sadd.s32 @!p0 $0x11B8D, s6;
	_ =	swait.eq @!p0 [sflag:s5], $0x1  }
0xb2: {  	s4 =	sor.u32 @!p0 s4, s6;
	[sflag:s5] =	ssyncadd.s32 @!p0 $0xFFFFFFFF  }
0xb3: {  	s25 =	simm.s32 $0x1B8E;
	s24 =	sld [smem:$0x3FFE];
	[sflag:s4] =	ssyncadd.remote.s32 @!p0 $0x1  }
0xb4: {  	s26 =	simm.s32 $execute0_lowered;
	[smem:$0x3FD2] =	sst s25  }
0xb5: {  	s5 =	sshll.u32 s26, $0x1;
	_ =	strace $0x80000049;
	[dreg:$0x1] =	wrdreg $0xFFFFFFFF  }
0xb6: {  	s28 =	simm.s32 $_size_execute0_lowered;
	s3 =	sadd.s32 s3, s5;
	[dreg:$0x0] =	wrdreg $0x0  }
0xb7: {  	s5 =	sshll.u32 s28, $0x1;
	[dreg:$0x2] =	wrdreg s3  }
0xb8: {  	[dreg:$0x3] =	wrdreg s5  }
0xb9: {  	[dreg:$0x4] =	wrdreg $0xC0  }
0xba: {  	_ =	task [dreg:s22], $0x5FFFF  }
0xbb: {  	[dreg:$0x1] =	wrdreg $0xFFFFFFFF  }
0xbc: {  	[dreg:$0x0] =	wrdreg $0x60  }
0xbd: {  	[dreg:$0x2] =	wrdreg s24  }
0xbe: {  	[dreg:$0x3] =	wrdreg $0xA4000  }
0xbf: {  	[dreg:$0x4] =	wrdreg $0xA  }
0xc0: {  	_ =	task.clear_ibuf [dreg:s22], $0x5FFFF;
	_ =	strace $0x90000049  }
0xc1: {  	s29 =	simm.s32 $0xA;
	_ =	strace $0x8000004B  }
0xc2: {  	_ =	swait.ge [sflag:s29], $0x1  }
0xc3: {  	[sflag:s29] =	ssyncadd.s32 $0xFFFFFFFF  }
0xc4: {  	_ =	strace $0x9000004B  }
0xc5: {  	_ =	sfence  }
0xc6: {  	s30 =	sld [smem:$0x0];
	_ =	sdelay $0x2  }
0xc7: {  	s31 =	sshll.u32 s1, $0xD;
	s1 =	sshrl.u32 s1, $0x2  }
0xc8: {  	s4 =	sand.u32 $0x4000, s31;
	s1 =	sadd.s32 s1, s30  }
0xc9: {  	s0 =	sor.u32 s4, s0;
	s1 =	sshll.u32 s1, $0x11  }
0xca: {  	s0 =	sor.u32 s1, s0  }
0xcb: {  	s0 =	sadd.s32 $0x8F2B, s0  }
0xcc: {  	[sflag:s0] =	ssyncadd.remote.s32 $0x1  }
0xcd: {  	_ =	sfence.sel $0xFFFF  }
0xce: {  	[dreg:$0x0] =	wrdreg $0xFFFFFFFF;
	(pc) =	sbr.abs _section_cstart, $3  }
0xcf: {  	[dreg:$0x1] =	wrdreg $0xFFFFFFFF  }
0xd0: {  	_ =	task.clear_ibuf [dreg:s22], $0x2FFFF;
	_ =	strace $0x9FFFFFFF  }
0xd1: {  	(tm) =	ssettm $0x7FFFFFFF  }
tec
execute0_lowered:
.L_overlay_start_1:
0x0: {  	(tag) =	ssettag $0x1  }
0x1: {  	s0 =	rddreg [dreg:$0x0]  }
0x2: {  	s2 =	rddreg [dreg:$0x1];
	s3 =	simm.s32 $0x0  }
0x3: {  	s12 =	stileid.u32;
	s1 =	srdreg.scid;
	s30 =	simm.s32 $0xC  }
0x4: {  	s31 =	simm.s32 $0x8;
	[smem:$0x7FF] =	sst s3;
	s7 =	smul.u32 $0x3E80, s12  }
0x5: {  	s1 =	sand.u32 $0x1, s1;
	s4 =	sadd.s32 $0x67600, s0;
	s9 =	smul.u32 $0x1F400, s12  }
0x6: {  	s5 =	sadd.s32 $0xCE00, s0;
	s6 =	sadd.s32 $0x3000, s0;
	s13 =	smul.u32 $0x7D000, s12  }
0x7: {  	s21 =	smul.u32 $0x2710, s12;
	p0 =	sgt.u32 s12, $0x9;
	_ =	strace $0x8000004A  }
0x8: {  	s8 =	smul.u32 $0x138800, s1;
	s10 =	sshll.u32 s1, $0x4;
	s11 =	ssub.s32 $0x2, s1  }
0x9: {  	s1 =	smul.u32 $0x27100, s1;
	s7 =	sadd.s32 s7, s0;
	s10 =	sor.u32 s12, s10  }
0xa: {  	s14 =	sshrl.u32 s11, $0x1;
	s12 =	simm.s32 $0x3;
	s8 =	sadd.s32 s9, s8  }
0xb: {  	s9 =	smul.u32 $0x2710, s10;
	s10 =	sshrl.u32 s13, $0x2;
	s7 =	sadd.s32 $0x8E800, s7  }
0xc: {  	s1 =	sadd.s32 s21, s1;
	s21 =	simm.s32 $0xB;
	s8 =	sshrl.u32 s8, $0x3  }
0xd: {  	s10 =	sadd.s32 s10, s2;
	[dreg:$0x4] =	wrdreg s7;
	s1 =	sadd.s32 $0xF0, s1  }
0xe: {  	s2 =	simm.s32 $0x0;
	s0 =	sadd.s32 s8, s0;
	s8 =	ssub.s32 s11, s14  }
0xf: {  	[dreg:$0x3] =	wrdreg s10;
	s15 =	sshrl.u32 s9, $0x3;
	s23 =	sadd.s32 $0x140, s9  }
0x10: {  	s24 =	sadd.s32 $0x190, s9;
	s25 =	sadd.s32 $0x1E0, s9;
	s26 =	sshrl.u32 s1, $0x3  }
0x11: {  	s9 =	simm.s32 $0x80;
	s1 =	simm.s32 $0x50;
	[dreg:$0xd] =	wrdreg s23  }
0x12: {  	s11 =	simm.s32 $0x5;
	s14 =	simm.s32 $0xA;
	[dreg:$0xe] =	wrdreg s24  }
0x13: {  	s16 =	sadd.s32 s5, s15;
	s17 =	sadd.s32 $0xA, s15;
	[dreg:$0xf] =	wrdreg s25  }
0x14: {  	s18 =	sadd.s32 s6, s15;
	s20 =	sadd.s32 $0x14, s15;
	[dreg:$0x5] =	wrdreg s16  }
0x15: {  	s22 =	sadd.s32 $0x1E, s15;
	s0 =	sadd.s32 $0xB5A00, s0;
	[dreg:$0x6] =	wrdreg s18  }
0x16: {  	s28 =	smax.u32 s8, $0x1;
	s29 =	sadd.s32 s26, s6;
	[dreg:$0x10] =	wrdreg s0  }
0x17: {  	s25 =	simm.s32 $0x200;
	s24 =	simm.s32 $0x280;
	[dreg:$0x11] =	wrdreg s28  }
0x18: {  	s8 =	simm.s32 $0x400;
	s19 =	sadd.s32 s5, s17;
	[dreg:$0x12] =	wrdreg s29  }
0x19: {  	s15 =	simm.s32 $0x6;
	s7 =	sadd.s32 s6, s17;
	[dreg:$0x7] =	wrdreg s19  }
0x1a: {  	s23 =	simm.s32 $0xD;
	s13 =	sadd.s32 s5, s20;
	[dreg:$0x8] =	wrdreg s7  }
0x1b: {  	s10 =	sadd.s32 s5, s22;
	s0 =	sadd.s32 s26, s5;
	[dreg:$0x9] =	wrdreg s13  }
.Ltmp0:
0x1c: {  	s16 =	simm.s32 $0x4;
	[dreg:$0xb] =	wrdreg s10;
	(pc) =	sbr.rel .LBB2_1-.Ltmp0, $4  }
0x1d: {  	s18 =	simm.s32 $0xE;
	s7 =	sadd.s32 s6, s20;
	[dreg:$0x13] =	wrdreg s0  }
0x1e: {  	s13 =	simm.s32 $0x100;
	s20 =	simm.s32 $0x300;
	s0 =	simm.s32 $0x1  }
0x1f: {  	s10 =	simm.s32 $0x9;
	[dreg:$0xa] =	wrdreg s7;
	s7 =	sadd.s32 s6, s22  }
0x20: {  	s19 =	simm.s32 $0xF;
	s22 =	simm.s32 $0x7;
	[dreg:$0xc] =	wrdreg s7  }
.LBB2_4:
0x21: {  	_ =	swait.ge [sflag:s19], $0x2800  }
0x22: {  	[sflag:s19] =	ssyncset.done $0x0  }
0x23: {  	s0 =	simm.s32 $0x1;
	[sflag:s19] =	ssyncadd.s32 $0xFFFFD800  }
0x24: {  	_ =	swait.ge [sflag:s0], $0x50  }
0x25: {  	[sflag:s0] =	ssyncset.done $0x0  }
0x26: {  	s8 =	simm.s32 $0x400;
	[sflag:s0] =	ssyncadd.s32 $0xFFFFFFB0  }
0x27: {  	[tilespmem:s8], [sflag:$0x9] =	stream.indirect.gather [hbm4b:s4+s1], $0x80, s3, s1, $0xb8;
	[tilespmem:$0x1DC80] =	vst v63  }
0x28: {  	_ =	swait.ge [sflag:s10], $0x2800  }
0x29: {  	[sflag:s10] =	ssyncset.done $0x0  }
0x2a: {  	[sflag:s10] =	ssyncadd.s32 $0xFFFFD800  }
0x2b: {  	_ =	swait.ge [sflag:s11], $0x50  }
0x2c: {  	[sflag:s11] =	ssyncset.done $0x0  }
0x2d: {  	[sflag:s11] =	ssyncadd.s32 $0xFFFFFFB0  }
0x2e: {  	s25 =	simm.s32 $0x200;
	s2 =	rddreg [dreg:$0x1]  }
0x2f: {  	[spmem:s2] =	stream.indirect.scatter.add.f32 [tilespmem:s8], [sflag:$0xD], $0x80, s25, s1, $0xb8;
	[tilespmem:$0x1DC80] =	vst v63  }
0x30: {  	_ =	swait.ge [sflag:s23], $0x2800  }
0x31: {  	[sflag:s23] =	ssyncset.done $0x0  }
0x32: {  	s28 =	simm.s32 $0x10;
	[sflag:s23] =	ssyncadd.s32 $0xFFFFD800  }
0x33: {  	_ =	swait.ge [sflag:s28], $0x2800  }
0x34: {  	[sflag:s28] =	ssyncset.done $0x0  }
0x35: {  	[sflag:s28] =	ssyncadd.s32 $0xFFFFD800  }
0x36: {  	[bflag:$0x0] =	sbarrier.arrive $0xFFFF  }
0x37: {  	s17 =	rddreg [dreg:$0x10]  }
0x38: {  	s2 =	rddreg [dreg:$0x15]  }
0x39: {  	s7 =	rddreg [dreg:$0x16]  }
0x3a: {  	[hbm:s17], [sflag:s2] =	dma.local @!p0 [spmem:s7], $0x3E80  }
0x3b: {  	s17 =	simm.s32 @!p0 $0x11  }
0x3c: {  	_ =	swait.ge @!p0 [sflag:s17], $0x3E80  }
0x3d: {  	s29 =	rddreg [dreg:$0x14]  }
0x3e: {  	s24 =	rddreg [dreg:$0x11];
	s2 =	sadd.s32 $0x1, s29  }
0x3f: {  	p1 =	sne.s32 s2, s24  }
.Ltmp1:
0x40: {  	_ = 	snop;
	(pc) =	sbr.rel @!p1 .LBB2_5-.Ltmp1, $3  }
0x41: {  	_ =	sdelay $0x1  }
0x42: {  	s9 =	simm.s32 $0x80;
	s13 =	simm.s32 $0x100;
	[sflag:s17] =	ssyncset.done @!p0 $0x0  }
0x43: {  	s20 =	simm.s32 $0x300;
	[sflag:s17] =	ssyncadd.s32 @!p0 $0xFFFFC180;
	s24 =	simm.s32 $0x280  }
.LBB2_1:
0x44: {  	s17 =	stileid.u32  }
0x45: {  	[dreg:$0x14] =	wrdreg s2;
	s17 =	sshll.u32 @!p0 s17, $0x6  }
0x46: {  	s2 =	sor.u32 @!p0 $0x1C11, s17;
	s17 =	rddreg [dreg:$0x3]  }
0x47: {  	s7 =	sshrl.u32 @!p0 s17, $0x3;
	s17 =	rddreg [dreg:$0x4]  }
0x48: {  	[dreg:$0x15] =	wrdreg s2  }
0x49: {  	[dreg:$0x16] =	wrdreg s7  }
0x4a: {  	[spmem:s7], [sflag:s2] =	dma.local @!p0 [hbm:s17], $0x3E80  }
0x4b: {  	s17 =	simm.s32 @!p0 $0x11  }
0x4c: {  	_ =	swait.ge @!p0 [sflag:s17], $0x3E80  }
0x4d: {  	[sflag:s17] =	ssyncset.done @!p0 $0x0  }
0x4e: {  	[sflag:s17] =	ssyncadd.s32 @!p0 $0xFFFFC180  }
0x4f: {  	[bflag:$0x0] =	sbarrier.arrive $0xFFFF  }
0x50: {  	s2 =	rddreg [dreg:$0x5]  }
0x51: {  	[tilespmem:s3], [sflag:$0x1] =	stream.linear.gather [hbm4b:s2+s3], $0x50, $0x38;
	[tilespmem:$0x1DC80] =	vst v63  }
0x52: {  	s7 =	rddreg [dreg:$0x6]  }
0x53: {  	[tilespmem:s25], [sflag:$0x5] =	stream.linear.gather [hbm4b:s7+s3], $0x50, $0x38;
	[tilespmem:$0x1DC80] =	vst v63  }
0x54: {  	s25 =	rddreg [dreg:$0x7]  }
0x55: {  	[tilespmem:s9], [sflag:$0x2] =	stream.linear.gather [hbm4b:s25+s3], $0x50, $0x38;
	[tilespmem:$0x1DC80] =	vst v63  }
0x56: {  	s26 =	rddreg [dreg:$0x8]  }
0x57: {  	[tilespmem:s24], [sflag:$0x6] =	stream.linear.gather [hbm4b:s26+s3], $0x50, $0x38;
	[tilespmem:$0x1DC80] =	vst v63  }
0x58: {  	s29 =	rddreg [dreg:$0x9]  }
0x59: {  	[tilespmem:s13], [sflag:$0x3] =	stream.linear.gather [hbm4b:s29+s3], $0x50, $0x38;
	[tilespmem:$0x1DC80] =	vst v63  }
0x5a: {  	s2 =	rddreg [dreg:$0xa]  }
0x5b: {  	[tilespmem:s20], [sflag:$0x7] =	stream.linear.gather [hbm4b:s2+s3], $0x50, $0x38;
	[tilespmem:$0x1DC80] =	vst v63  }
0x5c: {  	s7 =	rddreg [dreg:$0xb];
	s25 =	simm.s32 $0x180  }
0x5d: {  	[tilespmem:s25], [sflag:$0x4] =	stream.linear.gather [hbm4b:s7+s3], $0x50, $0x38;
	[tilespmem:$0x1DC80] =	vst v63  }
0x5e: {  	s26 =	rddreg [dreg:$0xc];
	s29 =	simm.s32 $0x380  }
0x5f: {  	[tilespmem:s29], [sflag:$0x8] =	stream.linear.gather [hbm4b:s26+s3], $0x50, $0x38;
	[tilespmem:$0x1DC80] =	vst v63  }
0x60: {  	_ =	swait.ge [sflag:s0], $0x50  }
0x61: {  	[sflag:s0] =	ssyncset.done $0x0;
	s17 =	rddreg [dreg:$0x13]  }
0x62: {  	s28 =	simm.s32 $0x0;
	s25 =	rddreg [dreg:$0x12];
	[sflag:s0] =	ssyncadd.s32 $0xFFFFFFB0  }
0x63: {  	[tilespmem:s8], [sflag:$0x9] =	stream.indirect.gather [hbm4b:s4+s1], $0x80, s3, s1, $0xb8;
	[tilespmem:$0x1DC80] =	vst v63  }
.LBB2_2:
0x64: {  	p1 =	seq.s32 s28, $0x0  }
0x65: {  	s26 =	simm.s32 @!p1 $0x10  }
0x66: {  	_ =	swait.ge @!p1 [sflag:s26], $0x2800  }
0x67: {  	[sflag:s26] =	ssyncset.done @!p1 $0x0  }
0x68: {  	s29 =	simm.s32 @!p1 $0x180;
	[sflag:s26] =	ssyncadd.s32 @!p1 $0xFFFFD800;
	s26 =	simm.s32 @!p1 $0x0  }
0x69: {  	[tilespmem:s29], [sflag:$0x4] =	stream.linear.gather @!p1 [hbm4b:s17+s26], $0x50, $0x38;
	[tilespmem:$0x1DC80] =	vst v63  }
0x6a: {  	s7 =	simm.s32 $0x2;
	s29 =	simm.s32 @!p1 $0x380  }
0x6b: {  	[tilespmem:s29], [sflag:$0x8] =	stream.linear.gather @!p1 [hbm4b:s25+s26], $0x50, $0x38;
	[tilespmem:$0x1DC80] =	vst v63  }
0x6c: {  	_ =	swait.ge [sflag:s7], $0x50  }
0x6d: {  	[sflag:s7] =	ssyncset.done $0x0  }
0x6e: {  	s2 =	simm.s32 $0x2C00;
	[sflag:s7] =	ssyncadd.s32 $0xFFFFFFB0  }
0x6f: {  	[tilespmem:s2], [sflag:$0xA] =	stream.indirect.gather [hbm4b:s4+s1], $0x80, s9, s1, $0xb8;
	[tilespmem:$0x1DC80] =	vst v63  }
0x70: {  	_ =	swait.ge [sflag:s10], $0x2800  }
0x71: {  	[sflag:s10] =	ssyncset.done $0x0  }
0x72: {  	[sflag:s10] =	ssyncadd.s32 $0xFFFFD800  }
0x73: {  	_ =	swait.ge [sflag:s11], $0x50  }
0x74: {  	[sflag:s11] =	ssyncset.done $0x0  }
0x75: {  	[sflag:s11] =	ssyncadd.s32 $0xFFFFFFB0  }
0x76: {  	s9 =	simm.s32 $0x200;
	s0 =	rddreg [dreg:$0x1]  }
0x77: {  	[spmem:s0] =	stream.indirect.scatter.add.f32 [tilespmem:s8], [sflag:$0xD], $0x80, s9, s1, $0xb8;
	[tilespmem:$0x1DC80] =	vst v63  }
0x78: {  	_ =	swait.ge [sflag:s12], $0x50  }
0x79: {  	[sflag:s12] =	ssyncset.done $0x0  }
0x7a: {  	s29 =	simm.s32 $0x5400;
	[sflag:s12] =	ssyncadd.s32 $0xFFFFFFB0  }
0x7b: {  	[tilespmem:s29], [sflag:$0xB] =	stream.indirect.gather [hbm4b:s4+s1], $0x80, s13, s1, $0xb8;
	[tilespmem:$0x1DC80] =	vst v63  }
0x7c: {  	_ =	swait.ge [sflag:s14], $0x2800  }
0x7d: {  	[sflag:s14] =	ssyncset.done $0x0  }
0x7e: {  	[sflag:s14] =	ssyncadd.s32 $0xFFFFD800  }
0x7f: {  	_ =	swait.ge [sflag:s15], $0x50  }
0x80: {  	[sflag:s15] =	ssyncset.done $0x0  }
0x81: {  	[sflag:s15] =	ssyncadd.s32 $0xFFFFFFB0  }
0x82: {  	[spmem:s0] =	stream.indirect.scatter.add.f32 [tilespmem:s2], [sflag:$0xE], $0x80, s24, s1, $0xb8;
	[tilespmem:$0x1DC80] =	vst v63  }
0x83: {  	_ =	swait.ge [sflag:s16], $0x50  }
0x84: {  	[sflag:s16] =	ssyncset.done $0x0  }
0x85: {  	s26 =	simm.s32 $0x180;
	s2 =	simm.s32 $0x7C00;
	[sflag:s16] =	ssyncadd.s32 $0xFFFFFFB0  }
0x86: {  	[tilespmem:s2], [sflag:$0xC] =	stream.indirect.gather [hbm4b:s4+s1], $0x80, s26, s1, $0xb8;
	[tilespmem:$0x1DC80] =	vst v63  }
0x87: {  	_ =	swait.ge [sflag:s21], $0x2800  }
0x88: {  	[sflag:s21] =	ssyncset.done $0x0  }
0x89: {  	[sflag:s21] =	ssyncadd.s32 $0xFFFFD800  }
0x8a: {  	_ =	swait.ge [sflag:s22], $0x50  }
0x8b: {  	[sflag:s22] =	ssyncset.done $0x0  }
0x8c: {  	[sflag:s22] =	ssyncadd.s32 $0xFFFFFFB0  }
0x8d: {  	[spmem:s0] =	stream.indirect.scatter.add.f32 [tilespmem:s29], [sflag:$0xF], $0x80, s20, s1, $0xb8;
	[tilespmem:$0x1DC80] =	vst v63  }
0x8e: {  	s26 =	smov.u32 s28;
	_ =	swait.ge [sflag:s23], $0x2800  }
0x8f: {  	s26 =	simm.s32 @p1 $0x0;
	s29 =	rddreg [dreg:$0xd]  }
0x90: {  	s24 =	sadd.s32 s26, s29  }
0x91: {  	[sflag:s23] =	ssyncset.done $0x0;
	s29 =	sshrl.u32 s24, $0x3  }
0x92: {  	[sflag:s23] =	ssyncadd.s32 $0xFFFFD800;
	s24 =	sadd.s32 s5, s29  }
0x93: {  	[tilespmem:s3], [sflag:$0x1] =	stream.linear.gather [hbm4b:s24+s3], $0x50, $0x38;
	[tilespmem:$0x1DC80] =	vst v63  }
0x94: {  	s29 =	sadd.s32 s6, s29  }
0x95: {  	[tilespmem:s9], [sflag:$0x5] =	stream.linear.gather [hbm4b:s29+s3], $0x50, $0x38;
	[tilespmem:$0x1DC80] =	vst v63  }
0x96: {  	_ =	swait.ge [sflag:s30], $0x2800  }
0x97: {  	[sflag:s30] =	ssyncset.done $0x0  }
0x98: {  	[sflag:s30] =	ssyncadd.s32 $0xFFFFD800  }
0x99: {  	_ =	swait.ge [sflag:s31], $0x50  }
0x9a: {  	p1 =	seq.s32 s28, $0x2580;
	[sflag:s31] =	ssyncset.done $0x0  }
.Ltmp2:
0x9b: {  	s29 =	simm.s32 $0x380;
	[sflag:s31] =	ssyncadd.s32 $0xFFFFFFB0;
	(pc) =	sbr.rel @p1 .LBB2_4-.Ltmp2, $4  }
0x9c: {  	[spmem:s0] =	stream.indirect.scatter.add.f32 [tilespmem:s2], [sflag:$0x10], $0x80, s29, s1, $0xb8;
	[tilespmem:$0x1DC80] =	vst v63  }
0x9d: {  	_ =	swait.ge [sflag:s18], $0x2800  }
0x9e: {  	s7 =	simm.s32 $0x80;
	s8 =	simm.s32 $0x300;
	[sflag:s18] =	ssyncset.done $0x0  }
0x9f: {  	s13 =	simm.s32 $0x280;
	s20 =	simm.s32 $0x100;
	[sflag:s18] =	ssyncadd.s32 $0xFFFFD800  }
0xa0: {  	s24 =	rddreg [dreg:$0xe]  }
0xa1: {  	s24 =	sadd.s32 s26, s24  }
0xa2: {  	s24 =	sshrl.u32 s24, $0x3  }
0xa3: {  	s29 =	sadd.s32 s5, s24  }
0xa4: {  	[tilespmem:s7], [sflag:$0x2] =	stream.linear.gather [hbm4b:s29+s3], $0x50, $0x38;
	[tilespmem:$0x1DC80] =	vst v63  }
0xa5: {  	s24 =	sadd.s32 s6, s24  }
0xa6: {  	[tilespmem:s13], [sflag:$0x6] =	stream.linear.gather [hbm4b:s24+s3], $0x50, $0x38;
	[tilespmem:$0x1DC80] =	vst v63  }
0xa7: {  	_ =	swait.ge [sflag:s19], $0x2800  }
0xa8: {  	s13 =	rddreg [dreg:$0xf]  }
0xa9: {  	s24 =	sadd.s32 s26, s13  }
0xaa: {  	[sflag:s19] =	ssyncset.done $0x0;
	s24 =	sshrl.u32 s24, $0x3  }
0xab: {  	[sflag:s19] =	ssyncadd.s32 $0xFFFFD800;
	s29 =	sadd.s32 s5, s24  }
0xac: {  	[tilespmem:s20], [sflag:$0x3] =	stream.linear.gather [hbm4b:s29+s3], $0x50, $0x38;
	[tilespmem:$0x1DC80] =	vst v63  }
0xad: {  	s0 =	simm.s32 $0x1;
	s24 =	sadd.s32 s6, s24  }
0xae: {  	[tilespmem:s8], [sflag:$0x7] =	stream.linear.gather [hbm4b:s24+s3], $0x50, $0x38;
	[tilespmem:$0x1DC80] =	vst v63  }
.Ltmp3:
0xaf: {  	s28 =	sadd.s32 $0x140, s28;
	s25 =	sadd.s32 $0x28, s25;
	(pc) =	sbr.rel .LBB2_2-.Ltmp3, $4  }
0xb0: {  	s17 =	sadd.s32 $0x28, s17;
	s9 =	simm.s32 $0x80;
	_ =	swait.ge [sflag:s0], $0x50  }
0xb1: {  	s13 =	simm.s32 $0x100;
	s20 =	simm.s32 $0x300;
	[sflag:s0] =	ssyncset.done $0x0  }
0xb2: {  	s8 =	simm.s32 $0x400;
	s24 =	simm.s32 $0x280;
	[sflag:s0] =	ssyncadd.s32 $0xFFFFFFB0  }
0xb3: {  	[tilespmem:s8], [sflag:$0x9] =	stream.indirect.gather [hbm4b:s4+s1], $0x80, s3, s1, $0xb8;
	[tilespmem:$0x1DC80] =	vst v63  }
.LBB2_5:
0xb4: {  	_ =	sfence.sel $0x180000  }
0xb5: {  	[bflag:$0x0] =	sbarrier.arrive $0xFFFF  }
0xb6: {  	_ =	strace $0x9000004A  }
0xb7: {  	s0 =	stileid.u32;
	[bflag:$0x2] =	sbarrier.arrive $0xFFFF  }
0xb8: {  	p0 =	sne.s32 s0, $0x0;
	s0 =	rddreg [dreg:$0x2]  }
0xb9: {  	s0 =	sadd.s32 @!p0 $0x100000, s0  }
0xba: {  	[sflag:s0] =	ssyncadd.tile.s32 @!p0 $0x1;
	_ =	shalt  }
.Lfunc_end2:
_tile_overlayer_lowered:
.L_overlay_start_2:
0xbb: {  	(tag) =	ssettag $0x2  }
0xbc: {  	s0 =	rddreg [dreg:$0x0];
	s2 =	stileid.u32  }
0xbd: {  	s1 =	rddreg [dreg:$0x1];
	p0 =	sne.s32 s2, $0x0  }
0xbe: {  	s3 =	rddreg [dreg:$0x2];
	[bflag:$0x3] =	sbarrier.arrive $0xFFFF;
	s2 =	simm.s32 @!p0 $0x1C11  }
0xbf: {  	[timem:s3], [sflag:s2] =	dma.local @!p0 [hbm:s0], s1  }
0xc0: {  	s0 =	simm.s32 @!p0 $0x11  }
0xc1: {  	_ =	swait.ge @!p0 [sflag:s0], s1  }
0xc2: {  	s1 =	ssub.s32 @!p0 $0x0, s1;
	[sflag:s0] =	ssyncset.done @!p0 $0x0  }
0xc3: {  	[sflag:s0] =	ssyncadd.s32 @!p0 s1  }
0xc4: {  	[bflag:$0x3] =	sbarrier.arrive $0xFFFF  }
0xc5: {  	_ =	shalt  }

// kernel: _run.17.cloned.1.call-start
scs
__scs_entry_jumppad:
0x0: {  	(pc) =	sbr.rel $0x88, $3  }
0x1: {  	(tag) =	ssettag $0x0;
	lr =	simm.s32 $0x1  }
0x2: {  	[smem:$0x3F96] =	sst lr;
	_ =	strace $0xD0000000  }
0x3: {  	_ = 	snop  }
0x4: {  	_ = 	snop  }
0x5: {  	_ = 	snop  }
0x6: {  	_ = 	snop  }
0x7: {  	_ = 	snop  }
__scs_overlays_trampoline_lowered:
0x8: {  	[smem:$0x3FA5] =	sst s0  }
0x9: {  	[smem:$0x3FA6] =	sst s1  }
0xa: {  	[smem:$0x3FA7] =	sst s2  }
0xb: {  	[smem:$0x3FA8] =	sst s3  }
0xc: {  	[smem:$0x3FA9] =	sst s4  }
0xd: {  	[smem:$0x3FAA] =	sst s5  }
0xe: {  	[smem:$0x3FAB] =	sst s6  }
0xf: {  	[smem:$0x3FAC] =	sst s7  }
0x10: {  	[smem:$0x3FAD] =	sst s8  }
0x11: {  	[smem:$0x3FAE] =	sst s9;
	s0 =	simm.s32 @!p0 $0x0  }
0x12: {  	s1 =	sld [smem:$0x3F94];
	s0 =	simm.s32 @p0 $0x1  }
0x13: {  	[smem:$0x3FAF] =	sst s0;
	s0 =	simm.s32 @!p1 $0x0  }
0x14: {  	s2 =	sld [smem:$0x3F93];
	s0 =	simm.s32 @p1 $0x1  }
0x15: {  	[smem:$0x3FB0] =	sst s0;
	s0 =	simm.s32 @!p2 $0x0  }
0x16: {  	s3 =	sld [smem:$0x3FDB];
	s0 =	simm.s32 @p2 $0x1  }
0x17: {  	s4 =	simm.s32 $0x1BF5;
	[smem:$0x3FB2] =	sst s0  }
0x18: {  	s0 =	sld [smem:$0x3F95];
	_ =	swait.ge [sflag:s4], $0x0  }
0x19: {  	s7 =	sld [smem:$0x3F96]  }
0x1a: {  	s8 =	sadd.s32 $0xFFFFE003, lr  }
0x1b: {  	s9 =	sadd.s32 $0xFFFFFEF7, lr;
	s5 =	simm.s32 $0xFFFFFFFF;
	p2 =	slt.u32 s8, $0xFFFFF086  }
0x1c: {  	p1 =	slt.u32 s9, $0xF7A;
	s5 =	simm.s32 @!p2 $0x0  }
0x1d: {  	s5 =	simm.s32 @p1 $0x1;
	p0 =	seq.s32 s7, s2  }
0x1e: {  	s7 =	smul.u32 @!p0 $0xF7A, s2;
	p2 =	seq.s32 @!p0 s5, $0x0  }
0x1f: {  	s9 =	smul.u32 $0xF7A, s1;
	s8 =	simm.s32 @!p0 $0x1BF5;
	p2 =	por !p2, p0  }
0x20: {  	[sflag:s8] =	ssyncset.s32 @!p0 $0xFFFFF086;
	s6 =	sadd.s32 @!p0 s3, s7;
	s7 =	simm.s32 @!p0 $0x108  }
0x21: {  	s3 =	sadd.s32 s3, s9;
	s6 =	sadd.s32 @!p0 $0x88, s6;
	s7 =	simm.s32 @p2 $0x1082  }
0x22: {  	[simem:s7], [sflag:s8] =	dma.local @!p0 [hbm:s6], $0xF7A  }
0x23: {  	s9 =	sor.u32 $0xD0000000, s2;
	s6 =	simm.s32 $0x108;
	_ =	swait.ge @!p0 [sflag:s8], $0x0  }
0x24: {  	s3 =	sadd.s32 $0x88, s3;
	s6 =	simm.s32 @!p1 $0x1082;
	[sflag:s4] =	ssyncset.s32 $0xFFFFF086  }
0x25: {  	[simem:s6], [sflag:s4] =	dma.local [hbm:s3], $0xF7A  }
0x26: {  	[smem:$0x3F96] =	sst s1;
	(tag) =	ssettag s2;
	_ =	strace s9  }
0x27: {  	s1 =	sld [smem:$0x3FA6]  }
0x28: {  	s2 =	sld [smem:$0x3FA7]  }
0x29: {  	s4 =	sld [smem:$0x3FA9]  }
0x2a: {  	p0 =	seq.s32 s5, $0x0;
	s5 =	sld [smem:$0x3FAA]  }
0x2b: {  	s6 =	sld [smem:$0x3FAB]  }
0x2c: {  	s7 =	sld [smem:$0x3FAC]  }
0x2d: {  	s3 =	simm.s32 $0x108;
	s8 =	sld [smem:$0x3FAD]  }
0x2e: {  	s3 =	simm.s32 @!p0 $0x1082;
	s9 =	sld [smem:$0x3FAE]  }
0x2f: {  	lr =	sadd.s32 s0, s3;
	s0 =	sld [smem:$0x3FA5]  }
0x30: {  	s3 =	sld [smem:$0x3FA8]  }
0x31: {  	[smem:$0x3FB1] =	sst s10  }
0x32: {  	s10 =	sld [smem:$0x3FAF];
	_ =	sdelay $0x3  }
0x33: {  	p0 =	seq.s32 s10, $0x1;
	s10 =	sld [smem:$0x3FB1];
	_ =	sdelay $0x3  }
0x34: {  	[smem:$0x3FB1] =	sst s10  }
0x35: {  	s10 =	sld [smem:$0x3FB0];
	_ =	sdelay $0x3  }
0x36: {  	p1 =	seq.s32 s10, $0x1;
	s10 =	sld [smem:$0x3FB1];
	_ =	sdelay $0x3  }
0x37: {  	[smem:$0x3FB1] =	sst s10  }
0x38: {  	s10 =	sld [smem:$0x3FB2]  }
0x39: {  	_ = 	snop;
	(pc) =	sbr.ind lr, $3  }
0x3a: {  	_ = 	snop  }
0x3b: {  	_ = 	snop  }
0x3c: {  	p2 =	seq.s32 s10, $0x1;
	s10 =	sld [smem:$0x3FB1]  }
0x3d: {  	_ =	shalt  }
0x3e: {  	_ =	shalt  }
0x3f: {  	_ =	shalt  }
0x40: {  	_ =	shalt  }
0x41: {  	_ =	shalt  }
0x42: {  	_ =	shalt  }
0x43: {  	_ =	shalt  }
0x44: {  	_ =	shalt  }
0x45: {  	_ =	shalt  }
0x46: {  	_ =	shalt  }
0x47: {  	_ =	shalt  }
0x48: {  	_ =	shalt  }
0x49: {  	_ =	shalt  }
0x4a: {  	_ =	shalt  }
0x4b: {  	_ =	shalt  }
0x4c: {  	_ =	shalt  }
0x4d: {  	_ =	shalt  }
0x4e: {  	_ =	shalt  }
0x4f: {  	_ =	shalt  }
0x50: {  	_ =	shalt  }
0x51: {  	_ =	shalt  }
0x52: {  	_ =	shalt  }
0x53: {  	_ =	shalt  }
0x54: {  	_ =	shalt  }
0x55: {  	_ =	shalt  }
0x56: {  	_ =	shalt  }
0x57: {  	_ =	shalt  }
0x58: {  	_ =	shalt  }
0x59: {  	_ =	shalt  }
0x5a: {  	_ =	shalt  }
0x5b: {  	_ =	shalt  }
0x5c: {  	_ =	shalt  }
0x5d: {  	_ =	shalt  }
0x5e: {  	_ =	shalt  }
0x5f: {  	_ =	shalt  }
0x60: {  	_ =	shalt  }
0x61: {  	_ =	shalt  }
0x62: {  	_ =	shalt  }
0x63: {  	_ =	shalt  }
0x64: {  	_ =	shalt  }
0x65: {  	_ =	shalt  }
0x66: {  	_ =	shalt  }
0x67: {  	_ =	shalt  }
0x68: {  	_ =	shalt  }
0x69: {  	_ =	shalt  }
0x6a: {  	_ =	shalt  }
0x6b: {  	_ =	shalt  }
0x6c: {  	_ =	shalt  }
0x6d: {  	_ =	shalt  }
0x6e: {  	_ =	shalt  }
0x6f: {  	_ =	shalt  }
0x70: {  	_ =	shalt  }
0x71: {  	_ =	shalt  }
0x72: {  	_ =	shalt  }
0x73: {  	_ =	shalt  }
0x74: {  	_ =	shalt  }
0x75: {  	_ =	shalt  }
0x76: {  	_ =	shalt  }
0x77: {  	_ =	shalt  }
0x78: {  	_ =	shalt  }
0x79: {  	_ =	shalt  }
0x7a: {  	_ =	shalt  }
0x7b: {  	_ =	shalt  }
0x7c: {  	_ =	shalt  }
0x7d: {  	_ =	shalt  }
0x7e: {  	_ =	shalt  }
0x7f: {  	_ =	shalt  }
0x80: {  	_ =	shalt  }
0x81: {  	_ =	shalt  }
0x82: {  	_ =	shalt  }
0x83: {  	_ =	shalt  }
0x84: {  	_ =	shalt  }
0x85: {  	_ =	shalt  }
0x86: {  	_ =	shalt  }
0x87: {  	_ =	shalt  }
.Lfunc_end0:
.L_simem_size_0:
called_computation.2_lowered:
.L_overlay_start_0:
0x88: {  	s2 =	sld [smem:$0x3FD9]  }
0x89: {  	s3 =	sld [smem:$0x3FFE];
	_ =	sdelay $0x1  }
0x8a: {  	s1 =	srdreg.scid  }
0x8b: {  	s0 =	sand.u32 $0x1, s1  }
0x8c: {  	s16 =	sshll.u32 s0, $0xA;
	s2 =	sadd.s32 s3, s2  }
0x8d: {  	s2 =	sadd.s32 s2, s16  }
0x8e: {  	[smem:$0x3FBD] =	sst s2  }
0x8f: {  	_ = 	snop  }
0x90: {  	(tm) =	ssettm $0x1  }
0x91: {  	s17 =	sld [smem:$0x3FFB];
	_ =	sdelay $0x3  }
0x92: {  	_ =	strace s17  }
0x93: {  	s2 =	sld [smem:$0x3FFC];
	_ =	sdelay $0x3  }
0x94: {  	_ =	strace s2  }
0x95: {  	s2 =	sld [smem:$0x3FFD];
	_ =	sdelay $0x3  }
0x96: {  	_ =	strace s2  }
0x97: {  	_ =	strace $0x8FFFFFFF  }
0x98: {  	s18 =	sld [smem:$0x3FDB];
	_ =	sdelay $0x1  }
0x99: {  	s19 =	simm.s32 $_scs_section_size  }
0x9a: {  	s4 =	simm.s32 $_size__tile_overlayer_lowered;
	s5 =	simm.s32 $_tile_overlayer_lowered  }
0x9b: {  	s22 =	simm.s32 $0x1BFF;
	s21 =	sshll.u32 s5, $0x1;
	s2 =	sadd.s32 s19, s18  }
0x9c: {  	s6 =	simm.s32 $0x0;
	s20 =	sshll.u32 s4, $0x1;
	s4 =	sadd.s32 s21, s2  }
0x9d: {  	[timem:s6], [sflag:s22] =	dma.local [hbm:s4], s20  }
0x9e: {  	_ =	swait.ge [sflag:s22], s20  }
0x9f: {  	s3 =	ssub.s32 $0x0, s20;
	[sflag:s22] =	ssyncset.done $0x0  }
0xa0: {  	[sflag:s22] =	ssyncadd.s32 s3;
	_ =	sdelay $0x1  }
0xa1: {  	s23 =	simm.s32 $0x1B8B  }
0xa2: {  	_ =	swait.ge [sflag:s23], $0x1  }
0xa3: {  	[sflag:s23] =	ssyncset.done $0x0  }
0xa4: {  	s25 =	simm.s32 $0x1B8E;
	s24 =	sld [smem:$0x3FFE];
	[sflag:s23] =	ssyncadd.s32 $0xFFFFFFFF  }
0xa5: {  	s26 =	simm.s32 $execute0_lowered;
	[smem:$0x3FD2] =	sst s25  }
0xa6: {  	s4 =	sshll.u32 s26, $0x1;
	_ =	strace $0x8000004C;
	[dreg:$0x1] =	wrdreg $0xFFFFFFFF  }
0xa7: {  	s28 =	simm.s32 $_size_execute0_lowered;
	s2 =	sadd.s32 s2, s4;
	[dreg:$0x0] =	wrdreg $0x0  }
0xa8: {  	s4 =	sshll.u32 s28, $0x1;
	[dreg:$0x2] =	wrdreg s2  }
0xa9: {  	[dreg:$0x3] =	wrdreg s4  }
0xaa: {  	[dreg:$0x4] =	wrdreg $0xC0  }
0xab: {  	_ =	task [dreg:s6], $0x5FFFF  }
0xac: {  	[dreg:$0x1] =	wrdreg $0xFFFFFFFF  }
0xad: {  	[dreg:$0x0] =	wrdreg $0x60  }
0xae: {  	[dreg:$0x2] =	wrdreg s24  }
0xaf: {  	[dreg:$0x3] =	wrdreg $0xA4000  }
0xb0: {  	[dreg:$0x4] =	wrdreg $0x9  }
0xb1: {  	_ =	task.clear_ibuf [dreg:s6], $0x5FFFF;
	_ =	strace $0x9000004C  }
0xb2: {  	s29 =	simm.s32 $0x9;
	_ =	strace $0x8000004E  }
0xb3: {  	_ =	swait.ge [sflag:s29], $0x1  }
0xb4: {  	[sflag:s29] =	ssyncadd.s32 $0xFFFFFFFF  }
0xb5: {  	_ =	strace $0x9000004E  }
0xb6: {  	_ =	sfence  }
0xb7: {  	s30 =	sld [smem:$0x0];
	_ =	sdelay $0x2  }
0xb8: {  	s31 =	sshll.u32 s1, $0xD;
	s1 =	sshrl.u32 s1, $0x2  }
0xb9: {  	s3 =	sand.u32 $0x4000, s31;
	s1 =	sadd.s32 s1, s30  }
0xba: {  	s0 =	sor.u32 s3, s0;
	s1 =	sshll.u32 s1, $0x11  }
0xbb: {  	s0 =	sor.u32 s1, s0  }
0xbc: {  	s0 =	sadd.s32 $0x8F2B, s0  }
0xbd: {  	[sflag:s0] =	ssyncadd.remote.s32 $0x1  }
0xbe: {  	_ =	sfence.sel $0xFFFF  }
0xbf: {  	[dreg:$0x0] =	wrdreg $0xFFFFFFFF;
	(pc) =	sbr.abs _section_cstart, $3  }
0xc0: {  	[dreg:$0x1] =	wrdreg $0xFFFFFFFF  }
0xc1: {  	_ =	task.clear_ibuf [dreg:s6], $0x2FFFF;
	_ =	strace $0x9FFFFFFF  }
0xc2: {  	(tm) =	ssettm $0x7FFFFFFF  }
0xc3: {  	_ =	shalt  }
tec
execute0_lowered:
.L_overlay_start_1:
0x0: {  	(tag) =	ssettag $0x1  }
0x1: {  	s0 =	rddreg [dreg:$0x0]  }
0x2: {  	s2 =	rddreg [dreg:$0x1];
	s3 =	simm.s32 $0x0  }
0x3: {  	s12 =	stileid.u32;
	s1 =	srdreg.scid;
	s30 =	simm.s32 $0xC  }
0x4: {  	s31 =	simm.s32 $0x8;
	[smem:$0x7FF] =	sst s3;
	s7 =	smul.u32 $0x3E80, s12  }
0x5: {  	s1 =	sand.u32 $0x1, s1;
	s4 =	sadd.s32 $0x16C00, s0;
	s9 =	smul.u32 $0x1F400, s12  }
0x6: {  	s5 =	sadd.s32 $0xCE00, s0;
	s6 =	sadd.s32 $0x3000, s0;
	s13 =	smul.u32 $0x7D000, s12  }
0x7: {  	s21 =	smul.u32 $0x2710, s12;
	p0 =	sgt.u32 s12, $0x9;
	_ =	strace $0x8000004D  }
0x8: {  	s8 =	smul.u32 $0x138800, s1;
	s10 =	sshll.u32 s1, $0x4;
	s11 =	ssub.s32 $0x2, s1  }
0x9: {  	s1 =	smul.u32 $0x27100, s1;
	s7 =	sadd.s32 s7, s0;
	s10 =	sor.u32 s12, s10  }
0xa: {  	s14 =	sshrl.u32 s11, $0x1;
	s12 =	simm.s32 $0x3;
	s8 =	sadd.s32 s9, s8  }
0xb: {  	s9 =	smul.u32 $0x2710, s10;
	s10 =	sshrl.u32 s13, $0x2;
	s7 =	sadd.s32 $0x8E800, s7  }
0xc: {  	s1 =	sadd.s32 s21, s1;
	s21 =	simm.s32 $0xB;
	s8 =	sshrl.u32 s8, $0x3  }
0xd: {  	s10 =	sadd.s32 s10, s2;
	[dreg:$0x4] =	wrdreg s7;
	s1 =	sadd.s32 $0xF0, s1  }
0xe: {  	s2 =	simm.s32 $0x0;
	s0 =	sadd.s32 s8, s0;
	s8 =	ssub.s32 s11, s14  }
0xf: {  	[dreg:$0x3] =	wrdreg s10;
	s15 =	sshrl.u32 s9, $0x3;
	s23 =	sadd.s32 $0x140, s9  }
0x10: {  	s24 =	sadd.s32 $0x190, s9;
	s25 =	sadd.s32 $0x1E0, s9;
	s26 =	sshrl.u32 s1, $0x3  }
0x11: {  	s9 =	simm.s32 $0x80;
	s1 =	simm.s32 $0x50;
	[dreg:$0xd] =	wrdreg s23  }
0x12: {  	s11 =	simm.s32 $0x5;
	s14 =	simm.s32 $0xA;
	[dreg:$0xe] =	wrdreg s24  }
0x13: {  	s16 =	sadd.s32 s5, s15;
	s17 =	sadd.s32 $0xA, s15;
	[dreg:$0xf] =	wrdreg s25  }
0x14: {  	s18 =	sadd.s32 s6, s15;
	s20 =	sadd.s32 $0x14, s15;
	[dreg:$0x5] =	wrdreg s16  }
0x15: {  	s22 =	sadd.s32 $0x1E, s15;
	s0 =	sadd.s32 $0x3DE00, s0;
	[dreg:$0x6] =	wrdreg s18  }
0x16: {  	s28 =	smax.u32 s8, $0x1;
	s29 =	sadd.s32 s26, s6;
	[dreg:$0x10] =	wrdreg s0  }
0x17: {  	s25 =	simm.s32 $0x200;
	s24 =	simm.s32 $0x280;
	[dreg:$0x11] =	wrdreg s28  }
0x18: {  	s8 =	simm.s32 $0x400;
	s19 =	sadd.s32 s5, s17;
	[dreg:$0x12] =	wrdreg s29  }
0x19: {  	s15 =	simm.s32 $0x6;
	s7 =	sadd.s32 s6, s17;
	[dreg:$0x7] =	wrdreg s19  }
0x1a: {  	s23 =	simm.s32 $0xD;
	s13 =	sadd.s32 s5, s20;
	[dreg:$0x8] =	wrdreg s7  }
0x1b: {  	s10 =	sadd.s32 s5, s22;
	s0 =	sadd.s32 s26, s5;
	[dreg:$0x9] =	wrdreg s13  }
.Ltmp0:
0x1c: {  	s16 =	simm.s32 $0x4;
	[dreg:$0xb] =	wrdreg s10;
	(pc) =	sbr.rel .LBB2_1-.Ltmp0, $4  }
0x1d: {  	s18 =	simm.s32 $0xE;
	s7 =	sadd.s32 s6, s20;
	[dreg:$0x13] =	wrdreg s0  }
0x1e: {  	s13 =	simm.s32 $0x100;
	s20 =	simm.s32 $0x300;
	s0 =	simm.s32 $0x1  }
0x1f: {  	s10 =	simm.s32 $0x9;
	[dreg:$0xa] =	wrdreg s7;
	s7 =	sadd.s32 s6, s22  }
0x20: {  	s19 =	simm.s32 $0xF;
	s22 =	simm.s32 $0x7;
	[dreg:$0xc] =	wrdreg s7  }
.LBB2_4:
0x21: {  	_ =	swait.ge [sflag:s19], $0x2800  }
0x22: {  	[sflag:s19] =	ssyncset.done $0x0  }
0x23: {  	s0 =	simm.s32 $0x1;
	[sflag:s19] =	ssyncadd.s32 $0xFFFFD800  }
0x24: {  	_ =	swait.ge [sflag:s0], $0x50  }
0x25: {  	[sflag:s0] =	ssyncset.done $0x0  }
0x26: {  	s8 =	simm.s32 $0x400;
	[sflag:s0] =	ssyncadd.s32 $0xFFFFFFB0  }
0x27: {  	[tilespmem:s8], [sflag:$0x9] =	stream.indirect.gather [hbm4b:s4+s1], $0x80, s3, s1, $0xb8;
	[tilespmem:$0x1DC80] =	vst v63  }
0x28: {  	_ =	swait.ge [sflag:s10], $0x2800  }
0x29: {  	[sflag:s10] =	ssyncset.done $0x0  }
0x2a: {  	[sflag:s10] =	ssyncadd.s32 $0xFFFFD800  }
0x2b: {  	_ =	swait.ge [sflag:s11], $0x50  }
0x2c: {  	[sflag:s11] =	ssyncset.done $0x0  }
0x2d: {  	[sflag:s11] =	ssyncadd.s32 $0xFFFFFFB0  }
0x2e: {  	s25 =	simm.s32 $0x200;
	s2 =	rddreg [dreg:$0x1]  }
0x2f: {  	[spmem:s2] =	stream.indirect.scatter.add.f32 [tilespmem:s8], [sflag:$0xD], $0x80, s25, s1, $0xb8;
	[tilespmem:$0x1DC80] =	vst v63  }
0x30: {  	_ =	swait.ge [sflag:s23], $0x2800  }
0x31: {  	[sflag:s23] =	ssyncset.done $0x0  }
0x32: {  	s28 =	simm.s32 $0x10;
	[sflag:s23] =	ssyncadd.s32 $0xFFFFD800  }
0x33: {  	_ =	swait.ge [sflag:s28], $0x2800  }
0x34: {  	[sflag:s28] =	ssyncset.done $0x0  }
0x35: {  	[sflag:s28] =	ssyncadd.s32 $0xFFFFD800  }
0x36: {  	[bflag:$0x0] =	sbarrier.arrive $0xFFFF  }
0x37: {  	s17 =	rddreg [dreg:$0x10]  }
0x38: {  	s2 =	rddreg [dreg:$0x15]  }
0x39: {  	s7 =	rddreg [dreg:$0x16]  }
0x3a: {  	[hbm:s17], [sflag:s2] =	dma.local @!p0 [spmem:s7], $0x3E80  }
0x3b: {  	s17 =	simm.s32 @!p0 $0x11  }
0x3c: {  	_ =	swait.ge @!p0 [sflag:s17], $0x3E80  }
0x3d: {  	s29 =	rddreg [dreg:$0x14]  }
0x3e: {  	s24 =	rddreg [dreg:$0x11];
	s2 =	sadd.s32 $0x1, s29  }
0x3f: {  	p1 =	sne.s32 s2, s24  }
.Ltmp1:
0x40: {  	_ = 	snop;
	(pc) =	sbr.rel @!p1 .LBB2_5-.Ltmp1, $3  }
0x41: {  	_ =	sdelay $0x1  }
0x42: {  	s9 =	simm.s32 $0x80;
	s13 =	simm.s32 $0x100;
	[sflag:s17] =	ssyncset.done @!p0 $0x0  }
0x43: {  	s20 =	simm.s32 $0x300;
	[sflag:s17] =	ssyncadd.s32 @!p0 $0xFFFFC180;
	s24 =	simm.s32 $0x280  }
.LBB2_1:
0x44: {  	s17 =	stileid.u32  }
0x45: {  	[dreg:$0x14] =	wrdreg s2;
	s17 =	sshll.u32 @!p0 s17, $0x6  }
0x46: {  	s2 =	sor.u32 @!p0 $0x1C11, s17;
	s17 =	rddreg [dreg:$0x3]  }
0x47: {  	s7 =	sshrl.u32 @!p0 s17, $0x3;
	s17 =	rddreg [dreg:$0x4]  }
0x48: {  	[dreg:$0x15] =	wrdreg s2  }
0x49: {  	[dreg:$0x16] =	wrdreg s7  }
0x4a: {  	[spmem:s7], [sflag:s2] =	dma.local @!p0 [hbm:s17], $0x3E80  }
0x4b: {  	s17 =	simm.s32 @!p0 $0x11  }
0x4c: {  	_ =	swait.ge @!p0 [sflag:s17], $0x3E80  }
0x4d: {  	[sflag:s17] =	ssyncset.done @!p0 $0x0  }
0x4e: {  	[sflag:s17] =	ssyncadd.s32 @!p0 $0xFFFFC180  }
0x4f: {  	[bflag:$0x0] =	sbarrier.arrive $0xFFFF  }
0x50: {  	s2 =	rddreg [dreg:$0x5]  }
0x51: {  	[tilespmem:s3], [sflag:$0x1] =	stream.linear.gather [hbm4b:s2+s3], $0x50, $0x38;
	[tilespmem:$0x1DC80] =	vst v63  }
0x52: {  	s7 =	rddreg [dreg:$0x6]  }
0x53: {  	[tilespmem:s25], [sflag:$0x5] =	stream.linear.gather [hbm4b:s7+s3], $0x50, $0x38;
	[tilespmem:$0x1DC80] =	vst v63  }
0x54: {  	s25 =	rddreg [dreg:$0x7]  }
0x55: {  	[tilespmem:s9], [sflag:$0x2] =	stream.linear.gather [hbm4b:s25+s3], $0x50, $0x38;
	[tilespmem:$0x1DC80] =	vst v63  }
0x56: {  	s26 =	rddreg [dreg:$0x8]  }
0x57: {  	[tilespmem:s24], [sflag:$0x6] =	stream.linear.gather [hbm4b:s26+s3], $0x50, $0x38;
	[tilespmem:$0x1DC80] =	vst v63  }
0x58: {  	s29 =	rddreg [dreg:$0x9]  }
0x59: {  	[tilespmem:s13], [sflag:$0x3] =	stream.linear.gather [hbm4b:s29+s3], $0x50, $0x38;
	[tilespmem:$0x1DC80] =	vst v63  }
0x5a: {  	s2 =	rddreg [dreg:$0xa]  }
0x5b: {  	[tilespmem:s20], [sflag:$0x7] =	stream.linear.gather [hbm4b:s2+s3], $0x50, $0x38;
	[tilespmem:$0x1DC80] =	vst v63  }
0x5c: {  	s7 =	rddreg [dreg:$0xb];
	s25 =	simm.s32 $0x180  }
0x5d: {  	[tilespmem:s25], [sflag:$0x4] =	stream.linear.gather [hbm4b:s7+s3], $0x50, $0x38;
	[tilespmem:$0x1DC80] =	vst v63  }
0x5e: {  	s26 =	rddreg [dreg:$0xc];
	s29 =	simm.s32 $0x380  }
0x5f: {  	[tilespmem:s29], [sflag:$0x8] =	stream.linear.gather [hbm4b:s26+s3], $0x50, $0x38;
	[tilespmem:$0x1DC80] =	vst v63  }
0x60: {  	_ =	swait.ge [sflag:s0], $0x50  }
0x61: {  	[sflag:s0] =	ssyncset.done $0x0;
	s17 =	rddreg [dreg:$0x13]  }
0x62: {  	s28 =	simm.s32 $0x0;
	s25 =	rddreg [dreg:$0x12];
	[sflag:s0] =	ssyncadd.s32 $0xFFFFFFB0  }
0x63: {  	[tilespmem:s8], [sflag:$0x9] =	stream.indirect.gather [hbm4b:s4+s1], $0x80, s3, s1, $0xb8;
	[tilespmem:$0x1DC80] =	vst v63  }
.LBB2_2:
0x64: {  	p1 =	seq.s32 s28, $0x0  }
0x65: {  	s26 =	simm.s32 @!p1 $0x10  }
0x66: {  	_ =	swait.ge @!p1 [sflag:s26], $0x2800  }
0x67: {  	[sflag:s26] =	ssyncset.done @!p1 $0x0  }
0x68: {  	s29 =	simm.s32 @!p1 $0x180;
	[sflag:s26] =	ssyncadd.s32 @!p1 $0xFFFFD800;
	s26 =	simm.s32 @!p1 $0x0  }
0x69: {  	[tilespmem:s29], [sflag:$0x4] =	stream.linear.gather @!p1 [hbm4b:s17+s26], $0x50, $0x38;
	[tilespmem:$0x1DC80] =	vst v63  }
0x6a: {  	s7 =	simm.s32 $0x2;
	s29 =	simm.s32 @!p1 $0x380  }
0x6b: {  	[tilespmem:s29], [sflag:$0x8] =	stream.linear.gather @!p1 [hbm4b:s25+s26], $0x50, $0x38;
	[tilespmem:$0x1DC80] =	vst v63  }
0x6c: {  	_ =	swait.ge [sflag:s7], $0x50  }
0x6d: {  	[sflag:s7] =	ssyncset.done $0x0  }
0x6e: {  	s2 =	simm.s32 $0x2C00;
	[sflag:s7] =	ssyncadd.s32 $0xFFFFFFB0  }
0x6f: {  	[tilespmem:s2], [sflag:$0xA] =	stream.indirect.gather [hbm4b:s4+s1], $0x80, s9, s1, $0xb8;
	[tilespmem:$0x1DC80] =	vst v63  }
0x70: {  	_ =	swait.ge [sflag:s10], $0x2800  }
0x71: {  	[sflag:s10] =	ssyncset.done $0x0  }
0x72: {  	[sflag:s10] =	ssyncadd.s32 $0xFFFFD800  }
0x73: {  	_ =	swait.ge [sflag:s11], $0x50  }
0x74: {  	[sflag:s11] =	ssyncset.done $0x0  }
0x75: {  	[sflag:s11] =	ssyncadd.s32 $0xFFFFFFB0  }
0x76: {  	s9 =	simm.s32 $0x200;
	s0 =	rddreg [dreg:$0x1]  }
0x77: {  	[spmem:s0] =	stream.indirect.scatter.add.f32 [tilespmem:s8], [sflag:$0xD], $0x80, s9, s1, $0xb8;
	[tilespmem:$0x1DC80] =	vst v63  }
0x78: {  	_ =	swait.ge [sflag:s12], $0x50  }
0x79: {  	[sflag:s12] =	ssyncset.done $0x0  }
0x7a: {  	s29 =	simm.s32 $0x5400;
	[sflag:s12] =	ssyncadd.s32 $0xFFFFFFB0  }
0x7b: {  	[tilespmem:s29], [sflag:$0xB] =	stream.indirect.gather [hbm4b:s4+s1], $0x80, s13, s1, $0xb8;
	[tilespmem:$0x1DC80] =	vst v63  }
0x7c: {  	_ =	swait.ge [sflag:s14], $0x2800  }
0x7d: {  	[sflag:s14] =	ssyncset.done $0x0  }
0x7e: {  	[sflag:s14] =	ssyncadd.s32 $0xFFFFD800  }
0x7f: {  	_ =	swait.ge [sflag:s15], $0x50  }
0x80: {  	[sflag:s15] =	ssyncset.done $0x0  }
0x81: {  	[sflag:s15] =	ssyncadd.s32 $0xFFFFFFB0  }
0x82: {  	[spmem:s0] =	stream.indirect.scatter.add.f32 [tilespmem:s2], [sflag:$0xE], $0x80, s24, s1, $0xb8;
	[tilespmem:$0x1DC80] =	vst v63  }
0x83: {  	_ =	swait.ge [sflag:s16], $0x50  }
0x84: {  	[sflag:s16] =	ssyncset.done $0x0  }
0x85: {  	s26 =	simm.s32 $0x180;
	s2 =	simm.s32 $0x7C00;
	[sflag:s16] =	ssyncadd.s32 $0xFFFFFFB0  }
0x86: {  	[tilespmem:s2], [sflag:$0xC] =	stream.indirect.gather [hbm4b:s4+s1], $0x80, s26, s1, $0xb8;
	[tilespmem:$0x1DC80] =	vst v63  }
0x87: {  	_ =	swait.ge [sflag:s21], $0x2800  }
0x88: {  	[sflag:s21] =	ssyncset.done $0x0  }
0x89: {  	[sflag:s21] =	ssyncadd.s32 $0xFFFFD800  }
0x8a: {  	_ =	swait.ge [sflag:s22], $0x50  }
0x8b: {  	[sflag:s22] =	ssyncset.done $0x0  }
0x8c: {  	[sflag:s22] =	ssyncadd.s32 $0xFFFFFFB0  }
0x8d: {  	[spmem:s0] =	stream.indirect.scatter.add.f32 [tilespmem:s29], [sflag:$0xF], $0x80, s20, s1, $0xb8;
	[tilespmem:$0x1DC80] =	vst v63  }
0x8e: {  	s26 =	smov.u32 s28;
	_ =	swait.ge [sflag:s23], $0x2800  }
0x8f: {  	s26 =	simm.s32 @p1 $0x0;
	s29 =	rddreg [dreg:$0xd]  }
0x90: {  	s24 =	sadd.s32 s26, s29  }
0x91: {  	[sflag:s23] =	ssyncset.done $0x0;
	s29 =	sshrl.u32 s24, $0x3  }
0x92: {  	[sflag:s23] =	ssyncadd.s32 $0xFFFFD800;
	s24 =	sadd.s32 s5, s29  }
0x93: {  	[tilespmem:s3], [sflag:$0x1] =	stream.linear.gather [hbm4b:s24+s3], $0x50, $0x38;
	[tilespmem:$0x1DC80] =	vst v63  }
0x94: {  	s29 =	sadd.s32 s6, s29  }
0x95: {  	[tilespmem:s9], [sflag:$0x5] =	stream.linear.gather [hbm4b:s29+s3], $0x50, $0x38;
	[tilespmem:$0x1DC80] =	vst v63  }
0x96: {  	_ =	swait.ge [sflag:s30], $0x2800  }
0x97: {  	[sflag:s30] =	ssyncset.done $0x0  }
0x98: {  	[sflag:s30] =	ssyncadd.s32 $0xFFFFD800  }
0x99: {  	_ =	swait.ge [sflag:s31], $0x50  }
0x9a: {  	p1 =	seq.s32 s28, $0x2580;
	[sflag:s31] =	ssyncset.done $0x0  }
.Ltmp2:
0x9b: {  	s29 =	simm.s32 $0x380;
	[sflag:s31] =	ssyncadd.s32 $0xFFFFFFB0;
	(pc) =	sbr.rel @p1 .LBB2_4-.Ltmp2, $4  }
0x9c: {  	[spmem:s0] =	stream.indirect.scatter.add.f32 [tilespmem:s2], [sflag:$0x10], $0x80, s29, s1, $0xb8;
	[tilespmem:$0x1DC80] =	vst v63  }
0x9d: {  	_ =	swait.ge [sflag:s18], $0x2800  }
0x9e: {  	s7 =	simm.s32 $0x80;
	s8 =	simm.s32 $0x300;
	[sflag:s18] =	ssyncset.done $0x0  }
0x9f: {  	s13 =	simm.s32 $0x280;
	s20 =	simm.s32 $0x100;
	[sflag:s18] =	ssyncadd.s32 $0xFFFFD800  }
0xa0: {  	s24 =	rddreg [dreg:$0xe]  }
0xa1: {  	s24 =	sadd.s32 s26, s24  }
0xa2: {  	s24 =	sshrl.u32 s24, $0x3  }
0xa3: {  	s29 =	sadd.s32 s5, s24  }
0xa4: {  	[tilespmem:s7], [sflag:$0x2] =	stream.linear.gather [hbm4b:s29+s3], $0x50, $0x38;
	[tilespmem:$0x1DC80] =	vst v63  }
0xa5: {  	s24 =	sadd.s32 s6, s24  }
0xa6: {  	[tilespmem:s13], [sflag:$0x6] =	stream.linear.gather [hbm4b:s24+s3], $0x50, $0x38;
	[tilespmem:$0x1DC80] =	vst v63  }
0xa7: {  	_ =	swait.ge [sflag:s19], $0x2800  }
0xa8: {  	s13 =	rddreg [dreg:$0xf]  }
0xa9: {  	s24 =	sadd.s32 s26, s13  }
0xaa: {  	[sflag:s19] =	ssyncset.done $0x0;
	s24 =	sshrl.u32 s24, $0x3  }
0xab: {  	[sflag:s19] =	ssyncadd.s32 $0xFFFFD800;
	s29 =	sadd.s32 s5, s24  }
0xac: {  	[tilespmem:s20], [sflag:$0x3] =	stream.linear.gather [hbm4b:s29+s3], $0x50, $0x38;
	[tilespmem:$0x1DC80] =	vst v63  }
0xad: {  	s0 =	simm.s32 $0x1;
	s24 =	sadd.s32 s6, s24  }
0xae: {  	[tilespmem:s8], [sflag:$0x7] =	stream.linear.gather [hbm4b:s24+s3], $0x50, $0x38;
	[tilespmem:$0x1DC80] =	vst v63  }
.Ltmp3:
0xaf: {  	s28 =	sadd.s32 $0x140, s28;
	s25 =	sadd.s32 $0x28, s25;
	(pc) =	sbr.rel .LBB2_2-.Ltmp3, $4  }
0xb0: {  	s17 =	sadd.s32 $0x28, s17;
	s9 =	simm.s32 $0x80;
	_ =	swait.ge [sflag:s0], $0x50  }
0xb1: {  	s13 =	simm.s32 $0x100;
	s20 =	simm.s32 $0x300;
	[sflag:s0] =	ssyncset.done $0x0  }
0xb2: {  	s8 =	simm.s32 $0x400;
	s24 =	simm.s32 $0x280;
	[sflag:s0] =	ssyncadd.s32 $0xFFFFFFB0  }
0xb3: {  	[tilespmem:s8], [sflag:$0x9] =	stream.indirect.gather [hbm4b:s4+s1], $0x80, s3, s1, $0xb8;
	[tilespmem:$0x1DC80] =	vst v63  }
.LBB2_5:
0xb4: {  	_ =	sfence.sel $0x180000  }
0xb5: {  	[bflag:$0x0] =	sbarrier.arrive $0xFFFF  }
0xb6: {  	_ =	strace $0x9000004D  }
0xb7: {  	s0 =	stileid.u32;
	[bflag:$0x2] =	sbarrier.arrive $0xFFFF  }
0xb8: {  	p0 =	sne.s32 s0, $0x0;
	s0 =	rddreg [dreg:$0x2]  }
0xb9: {  	s0 =	sadd.s32 @!p0 $0x100000, s0  }
0xba: {  	[sflag:s0] =	ssyncadd.tile.s32 @!p0 $0x1;
	_ =	shalt  }
.Lfunc_end2:
_tile_overlayer_lowered:
.L_overlay_start_2:
0xbb: {  	(tag) =	ssettag $0x2  }
0xbc: {  	s0 =	rddreg [dreg:$0x0];
	s2 =	stileid.u32  }
0xbd: {  	s1 =	rddreg [dreg:$0x1];
	p0 =	sne.s32 s2, $0x0  }
0xbe: {  	s3 =	rddreg [dreg:$0x2];
	[bflag:$0x3] =	sbarrier.arrive $0xFFFF;
	s2 =	simm.s32 @!p0 $0x1C11  }
0xbf: {  	[timem:s3], [sflag:s2] =	dma.local @!p0 [hbm:s0], s1  }
0xc0: {  	s0 =	simm.s32 @!p0 $0x11  }
0xc1: {  	_ =	swait.ge @!p0 [sflag:s0], s1  }
0xc2: {  	s1 =	ssub.s32 @!p0 $0x0, s1;
	[sflag:s0] =	ssyncset.done @!p0 $0x0  }
0xc3: {  	[sflag:s0] =	ssyncadd.s32 @!p0 s1  }
0xc4: {  	[bflag:$0x3] =	sbarrier.arrive $0xFFFF  }
0xc5: {  	_ =	shalt  }

// kernel: _run.20.cloned.1.call-start
scs
__scs_entry_jumppad:
0x0: {  	(pc) =	sbr.rel $0x88, $3  }
0x1: {  	(tag) =	ssettag $0x0;
	lr =	simm.s32 $0x1  }
0x2: {  	[smem:$0x3F96] =	sst lr;
	_ =	strace $0xD0000000  }
0x3: {  	_ = 	snop  }
0x4: {  	_ = 	snop  }
0x5: {  	_ = 	snop  }
0x6: {  	_ = 	snop  }
0x7: {  	_ = 	snop  }
__scs_overlays_trampoline_lowered:
0x8: {  	[smem:$0x3FA5] =	sst s0  }
0x9: {  	[smem:$0x3FA6] =	sst s1  }
0xa: {  	[smem:$0x3FA7] =	sst s2  }
0xb: {  	[smem:$0x3FA8] =	sst s3  }
0xc: {  	[smem:$0x3FA9] =	sst s4  }
0xd: {  	[smem:$0x3FAA] =	sst s5  }
0xe: {  	[smem:$0x3FAB] =	sst s6  }
0xf: {  	[smem:$0x3FAC] =	sst s7  }
0x10: {  	[smem:$0x3FAD] =	sst s8  }
0x11: {  	[smem:$0x3FAE] =	sst s9;
	s0 =	simm.s32 @!p0 $0x0  }
0x12: {  	s1 =	sld [smem:$0x3F94];
	s0 =	simm.s32 @p0 $0x1  }
0x13: {  	[smem:$0x3FAF] =	sst s0;
	s0 =	simm.s32 @!p1 $0x0  }
0x14: {  	s2 =	sld [smem:$0x3F93];
	s0 =	simm.s32 @p1 $0x1  }
0x15: {  	[smem:$0x3FB0] =	sst s0;
	s0 =	simm.s32 @!p2 $0x0  }
0x16: {  	s3 =	sld [smem:$0x3FDB];
	s0 =	simm.s32 @p2 $0x1  }
0x17: {  	s4 =	simm.s32 $0x1BF5;
	[smem:$0x3FB2] =	sst s0  }
0x18: {  	s0 =	sld [smem:$0x3F95];
	_ =	swait.ge [sflag:s4], $0x0  }
0x19: {  	s7 =	sld [smem:$0x3F96]  }
0x1a: {  	s8 =	sadd.s32 $0xFFFFE003, lr  }
0x1b: {  	s9 =	sadd.s32 $0xFFFFFEF7, lr;
	s5 =	simm.s32 $0xFFFFFFFF;
	p2 =	slt.u32 s8, $0xFFFFF086  }
0x1c: {  	p1 =	slt.u32 s9, $0xF7A;
	s5 =	simm.s32 @!p2 $0x0  }
0x1d: {  	s5 =	simm.s32 @p1 $0x1;
	p0 =	seq.s32 s7, s2  }
0x1e: {  	s7 =	smul.u32 @!p0 $0xF7A, s2;
	p2 =	seq.s32 @!p0 s5, $0x0  }
0x1f: {  	s9 =	smul.u32 $0xF7A, s1;
	s8 =	simm.s32 @!p0 $0x1BF5;
	p2 =	por !p2, p0  }
0x20: {  	[sflag:s8] =	ssyncset.s32 @!p0 $0xFFFFF086;
	s6 =	sadd.s32 @!p0 s3, s7;
	s7 =	simm.s32 @!p0 $0x108  }
0x21: {  	s3 =	sadd.s32 s3, s9;
	s6 =	sadd.s32 @!p0 $0x88, s6;
	s7 =	simm.s32 @p2 $0x1082  }
0x22: {  	[simem:s7], [sflag:s8] =	dma.local @!p0 [hbm:s6], $0xF7A  }
0x23: {  	s9 =	sor.u32 $0xD0000000, s2;
	s6 =	simm.s32 $0x108;
	_ =	swait.ge @!p0 [sflag:s8], $0x0  }
0x24: {  	s3 =	sadd.s32 $0x88, s3;
	s6 =	simm.s32 @!p1 $0x1082;
	[sflag:s4] =	ssyncset.s32 $0xFFFFF086  }
0x25: {  	[simem:s6], [sflag:s4] =	dma.local [hbm:s3], $0xF7A  }
0x26: {  	[smem:$0x3F96] =	sst s1;
	(tag) =	ssettag s2;
	_ =	strace s9  }
0x27: {  	s1 =	sld [smem:$0x3FA6]  }
0x28: {  	s2 =	sld [smem:$0x3FA7]  }
0x29: {  	s4 =	sld [smem:$0x3FA9]  }
0x2a: {  	p0 =	seq.s32 s5, $0x0;
	s5 =	sld [smem:$0x3FAA]  }
0x2b: {  	s6 =	sld [smem:$0x3FAB]  }
0x2c: {  	s7 =	sld [smem:$0x3FAC]  }
0x2d: {  	s3 =	simm.s32 $0x108;
	s8 =	sld [smem:$0x3FAD]  }
0x2e: {  	s3 =	simm.s32 @!p0 $0x1082;
	s9 =	sld [smem:$0x3FAE]  }
0x2f: {  	lr =	sadd.s32 s0, s3;
	s0 =	sld [smem:$0x3FA5]  }
0x30: {  	s3 =	sld [smem:$0x3FA8]  }
0x31: {  	[smem:$0x3FB1] =	sst s10  }
0x32: {  	s10 =	sld [smem:$0x3FAF];
	_ =	sdelay $0x3  }
0x33: {  	p0 =	seq.s32 s10, $0x1;
	s10 =	sld [smem:$0x3FB1];
	_ =	sdelay $0x3  }
0x34: {  	[smem:$0x3FB1] =	sst s10  }
0x35: {  	s10 =	sld [smem:$0x3FB0];
	_ =	sdelay $0x3  }
0x36: {  	p1 =	seq.s32 s10, $0x1;
	s10 =	sld [smem:$0x3FB1];
	_ =	sdelay $0x3  }
0x37: {  	[smem:$0x3FB1] =	sst s10  }
0x38: {  	s10 =	sld [smem:$0x3FB2]  }
0x39: {  	_ = 	snop;
	(pc) =	sbr.ind lr, $3  }
0x3a: {  	_ = 	snop  }
0x3b: {  	_ = 	snop  }
0x3c: {  	p2 =	seq.s32 s10, $0x1;
	s10 =	sld [smem:$0x3FB1]  }
0x3d: {  	_ =	shalt  }
0x3e: {  	_ =	shalt  }
0x3f: {  	_ =	shalt  }
0x40: {  	_ =	shalt  }
0x41: {  	_ =	shalt  }
0x42: {  	_ =	shalt  }
0x43: {  	_ =	shalt  }
0x44: {  	_ =	shalt  }
0x45: {  	_ =	shalt  }
0x46: {  	_ =	shalt  }
0x47: {  	_ =	shalt  }
0x48: {  	_ =	shalt  }
0x49: {  	_ =	shalt  }
0x4a: {  	_ =	shalt  }
0x4b: {  	_ =	shalt  }
0x4c: {  	_ =	shalt  }
0x4d: {  	_ =	shalt  }
0x4e: {  	_ =	shalt  }
0x4f: {  	_ =	shalt  }
0x50: {  	_ =	shalt  }
0x51: {  	_ =	shalt  }
0x52: {  	_ =	shalt  }
0x53: {  	_ =	shalt  }
0x54: {  	_ =	shalt  }
0x55: {  	_ =	shalt  }
0x56: {  	_ =	shalt  }
0x57: {  	_ =	shalt  }
0x58: {  	_ =	shalt  }
0x59: {  	_ =	shalt  }
0x5a: {  	_ =	shalt  }
0x5b: {  	_ =	shalt  }
0x5c: {  	_ =	shalt  }
0x5d: {  	_ =	shalt  }
0x5e: {  	_ =	shalt  }
0x5f: {  	_ =	shalt  }
0x60: {  	_ =	shalt  }
0x61: {  	_ =	shalt  }
0x62: {  	_ =	shalt  }
0x63: {  	_ =	shalt  }
0x64: {  	_ =	shalt  }
0x65: {  	_ =	shalt  }
0x66: {  	_ =	shalt  }
0x67: {  	_ =	shalt  }
0x68: {  	_ =	shalt  }
0x69: {  	_ =	shalt  }
0x6a: {  	_ =	shalt  }
0x6b: {  	_ =	shalt  }
0x6c: {  	_ =	shalt  }
0x6d: {  	_ =	shalt  }
0x6e: {  	_ =	shalt  }
0x6f: {  	_ =	shalt  }
0x70: {  	_ =	shalt  }
0x71: {  	_ =	shalt  }
0x72: {  	_ =	shalt  }
0x73: {  	_ =	shalt  }
0x74: {  	_ =	shalt  }
0x75: {  	_ =	shalt  }
0x76: {  	_ =	shalt  }
0x77: {  	_ =	shalt  }
0x78: {  	_ =	shalt  }
0x79: {  	_ =	shalt  }
0x7a: {  	_ =	shalt  }
0x7b: {  	_ =	shalt  }
0x7c: {  	_ =	shalt  }
0x7d: {  	_ =	shalt  }
0x7e: {  	_ =	shalt  }
0x7f: {  	_ =	shalt  }
0x80: {  	_ =	shalt  }
0x81: {  	_ =	shalt  }
0x82: {  	_ =	shalt  }
0x83: {  	_ =	shalt  }
0x84: {  	_ =	shalt  }
0x85: {  	_ =	shalt  }
0x86: {  	_ =	shalt  }
0x87: {  	_ =	shalt  }
.Lfunc_end0:
.L_simem_size_0:
called_computation.3_lowered:
.L_overlay_start_0:
0x88: {  	s2 =	sld [smem:$0x3FD9]  }
0x89: {  	s3 =	sld [smem:$0x3FFE];
	_ =	sdelay $0x1  }
0x8a: {  	s1 =	srdreg.scid  }
0x8b: {  	s0 =	sand.u32 $0x1, s1  }
0x8c: {  	s16 =	sshll.u32 s0, $0xA;
	s2 =	sadd.s32 s3, s2  }
0x8d: {  	s2 =	sadd.s32 s2, s16  }
0x8e: {  	[smem:$0x3FBD] =	sst s2  }
0x8f: {  	_ = 	snop  }
0x90: {  	(tm) =	ssettm $0x1  }
0x91: {  	s17 =	sld [smem:$0x3FFB];
	_ =	sdelay $0x3  }
0x92: {  	_ =	strace s17  }
0x93: {  	s2 =	sld [smem:$0x3FFC];
	_ =	sdelay $0x3  }
0x94: {  	_ =	strace s2  }
0x95: {  	s2 =	sld [smem:$0x3FFD];
	_ =	sdelay $0x3  }
0x96: {  	_ =	strace s2  }
0x97: {  	_ =	strace $0x8FFFFFFF  }
0x98: {  	s18 =	sld [smem:$0x3FDB];
	_ =	sdelay $0x1  }
0x99: {  	s19 =	simm.s32 $_scs_section_size  }
0x9a: {  	s4 =	simm.s32 $_size__tile_overlayer_lowered;
	s5 =	simm.s32 $_tile_overlayer_lowered  }
0x9b: {  	s22 =	simm.s32 $0x1BFF;
	s21 =	sshll.u32 s5, $0x1;
	s2 =	sadd.s32 s19, s18  }
0x9c: {  	s6 =	simm.s32 $0x0;
	s20 =	sshll.u32 s4, $0x1;
	s4 =	sadd.s32 s21, s2  }
0x9d: {  	[timem:s6], [sflag:s22] =	dma.local [hbm:s4], s20  }
0x9e: {  	_ =	swait.ge [sflag:s22], s20  }
0x9f: {  	s3 =	ssub.s32 $0x0, s20;
	[sflag:s22] =	ssyncset.done $0x0  }
0xa0: {  	[sflag:s22] =	ssyncadd.s32 s3;
	_ =	sdelay $0x1  }
0xa1: {  	s23 =	simm.s32 $0x1B8B  }
0xa2: {  	_ =	swait.ge [sflag:s23], $0x1  }
0xa3: {  	[sflag:s23] =	ssyncset.done $0x0  }
0xa4: {  	s25 =	simm.s32 $0x1B8E;
	s24 =	sld [smem:$0x3FFE];
	[sflag:s23] =	ssyncadd.s32 $0xFFFFFFFF  }
0xa5: {  	s26 =	simm.s32 $execute0_lowered;
	[smem:$0x3FD2] =	sst s25  }
0xa6: {  	s4 =	sshll.u32 s26, $0x1;
	_ =	strace $0x8000004F;
	[dreg:$0x1] =	wrdreg $0xFFFFFFFF  }
0xa7: {  	s28 =	simm.s32 $_size_execute0_lowered;
	s2 =	sadd.s32 s2, s4;
	[dreg:$0x0] =	wrdreg $0x0  }
0xa8: {  	s4 =	sshll.u32 s28, $0x1;
	[dreg:$0x2] =	wrdreg s2  }
0xa9: {  	[dreg:$0x3] =	wrdreg s4  }
0xaa: {  	[dreg:$0x4] =	wrdreg $0xC0  }
0xab: {  	_ =	task [dreg:s6], $0x5FFFF  }
0xac: {  	[dreg:$0x1] =	wrdreg $0xFFFFFFFF  }
0xad: {  	[dreg:$0x0] =	wrdreg $0x60  }
0xae: {  	[dreg:$0x2] =	wrdreg s24  }
0xaf: {  	[dreg:$0x3] =	wrdreg $0xA4000  }
0xb0: {  	[dreg:$0x4] =	wrdreg $0x9  }
0xb1: {  	_ =	task.clear_ibuf [dreg:s6], $0x5FFFF;
	_ =	strace $0x9000004F  }
0xb2: {  	s29 =	simm.s32 $0x9;
	_ =	strace $0x80000051  }
0xb3: {  	_ =	swait.ge [sflag:s29], $0x1  }
0xb4: {  	[sflag:s29] =	ssyncadd.s32 $0xFFFFFFFF  }
0xb5: {  	_ =	strace $0x90000051  }
0xb6: {  	_ =	sfence  }
0xb7: {  	s30 =	sld [smem:$0x0];
	_ =	sdelay $0x2  }
0xb8: {  	s31 =	sshll.u32 s1, $0xD;
	s1 =	sshrl.u32 s1, $0x2  }
0xb9: {  	s3 =	sand.u32 $0x4000, s31;
	s1 =	sadd.s32 s1, s30  }
0xba: {  	s0 =	sor.u32 s3, s0;
	s1 =	sshll.u32 s1, $0x11  }
0xbb: {  	s0 =	sor.u32 s1, s0  }
0xbc: {  	s0 =	sadd.s32 $0x8F2B, s0  }
0xbd: {  	[sflag:s0] =	ssyncadd.remote.s32 $0x1  }
0xbe: {  	_ =	sfence.sel $0xFFFF  }
0xbf: {  	[dreg:$0x0] =	wrdreg $0xFFFFFFFF;
	(pc) =	sbr.abs _section_cstart, $3  }
0xc0: {  	[dreg:$0x1] =	wrdreg $0xFFFFFFFF  }
0xc1: {  	_ =	task.clear_ibuf [dreg:s6], $0x2FFFF;
	_ =	strace $0x9FFFFFFF  }
0xc2: {  	(tm) =	ssettm $0x7FFFFFFF  }
0xc3: {  	_ =	shalt  }
tec
execute0_lowered:
.L_overlay_start_1:
0x0: {  	(tag) =	ssettag $0x1  }
0x1: {  	s0 =	rddreg [dreg:$0x0]  }
0x2: {  	s2 =	rddreg [dreg:$0x1];
	s3 =	simm.s32 $0x0  }
0x3: {  	s12 =	stileid.u32;
	s1 =	srdreg.scid;
	s30 =	simm.s32 $0xC  }
0x4: {  	s31 =	simm.s32 $0x8;
	[smem:$0x7FF] =	sst s3;
	s7 =	smul.u32 $0x3E80, s12  }
0x5: {  	s1 =	sand.u32 $0x1, s1;
	s4 =	sadd.s32 $0x16C00, s0;
	s9 =	smul.u32 $0x1F400, s12  }
0x6: {  	s5 =	sadd.s32 $0xCE00, s0;
	s6 =	sadd.s32 $0x3000, s0;
	s13 =	smul.u32 $0x7D000, s12  }
0x7: {  	s21 =	smul.u32 $0x2710, s12;
	p0 =	sgt.u32 s12, $0x9;
	_ =	strace $0x80000050  }
0x8: {  	s8 =	smul.u32 $0x138800, s1;
	s10 =	sshll.u32 s1, $0x4;
	s11 =	ssub.s32 $0x2, s1  }
0x9: {  	s1 =	smul.u32 $0x27100, s1;
	s7 =	sadd.s32 s7, s0;
	s10 =	sor.u32 s12, s10  }
0xa: {  	s14 =	sshrl.u32 s11, $0x1;
	s12 =	simm.s32 $0x3;
	s8 =	sadd.s32 s9, s8  }
0xb: {  	s9 =	smul.u32 $0x2710, s10;
	s10 =	sshrl.u32 s13, $0x2;
	s7 =	sadd.s32 $0x8E800, s7  }
0xc: {  	s1 =	sadd.s32 s21, s1;
	s21 =	simm.s32 $0xB;
	s8 =	sshrl.u32 s8, $0x3  }
0xd: {  	s10 =	sadd.s32 s10, s2;
	[dreg:$0x4] =	wrdreg s7;
	s1 =	sadd.s32 $0xF0, s1  }
0xe: {  	s2 =	simm.s32 $0x0;
	s0 =	sadd.s32 s8, s0;
	s8 =	ssub.s32 s11, s14  }
0xf: {  	[dreg:$0x3] =	wrdreg s10;
	s15 =	sshrl.u32 s9, $0x3;
	s23 =	sadd.s32 $0x140, s9  }
0x10: {  	s24 =	sadd.s32 $0x190, s9;
	s25 =	sadd.s32 $0x1E0, s9;
	s26 =	sshrl.u32 s1, $0x3  }
0x11: {  	s9 =	simm.s32 $0x80;
	s1 =	simm.s32 $0x50;
	[dreg:$0xd] =	wrdreg s23  }
0x12: {  	s11 =	simm.s32 $0x5;
	s14 =	simm.s32 $0xA;
	[dreg:$0xe] =	wrdreg s24  }
0x13: {  	s16 =	sadd.s32 s5, s15;
	s17 =	sadd.s32 $0xA, s15;
	[dreg:$0xf] =	wrdreg s25  }
0x14: {  	s18 =	sadd.s32 s6, s15;
	s20 =	sadd.s32 $0x14, s15;
	[dreg:$0x5] =	wrdreg s16  }
0x15: {  	s22 =	sadd.s32 $0x1E, s15;
	s0 =	sadd.s32 $0x3DE00, s0;
	[dreg:$0x6] =	wrdreg s18  }
0x16: {  	s28 =	smax.u32 s8, $0x1;
	s29 =	sadd.s32 s26, s6;
	[dreg:$0x10] =	wrdreg s0  }
0x17: {  	s25 =	simm.s32 $0x200;
	s24 =	simm.s32 $0x280;
	[dreg:$0x11] =	wrdreg s28  }
0x18: {  	s8 =	simm.s32 $0x400;
	s19 =	sadd.s32 s5, s17;
	[dreg:$0x12] =	wrdreg s29  }
0x19: {  	s15 =	simm.s32 $0x6;
	s7 =	sadd.s32 s6, s17;
	[dreg:$0x7] =	wrdreg s19  }
0x1a: {  	s23 =	simm.s32 $0xD;
	s13 =	sadd.s32 s5, s20;
	[dreg:$0x8] =	wrdreg s7  }
0x1b: {  	s10 =	sadd.s32 s5, s22;
	s0 =	sadd.s32 s26, s5;
	[dreg:$0x9] =	wrdreg s13  }
.Ltmp0:
0x1c: {  	s16 =	simm.s32 $0x4;
	[dreg:$0xb] =	wrdreg s10;
	(pc) =	sbr.rel .LBB2_1-.Ltmp0, $4  }
0x1d: {  	s18 =	simm.s32 $0xE;
	s7 =	sadd.s32 s6, s20;
	[dreg:$0x13] =	wrdreg s0  }
0x1e: {  	s13 =	simm.s32 $0x100;
	s20 =	simm.s32 $0x300;
	s0 =	simm.s32 $0x1  }
0x1f: {  	s10 =	simm.s32 $0x9;
	[dreg:$0xa] =	wrdreg s7;
	s7 =	sadd.s32 s6, s22  }
0x20: {  	s19 =	simm.s32 $0xF;
	s22 =	simm.s32 $0x7;
	[dreg:$0xc] =	wrdreg s7  }
.LBB2_4:
0x21: {  	_ =	swait.ge [sflag:s19], $0x2800  }
0x22: {  	[sflag:s19] =	ssyncset.done $0x0  }
0x23: {  	s0 =	simm.s32 $0x1;
	[sflag:s19] =	ssyncadd.s32 $0xFFFFD800  }
0x24: {  	_ =	swait.ge [sflag:s0], $0x50  }
0x25: {  	[sflag:s0] =	ssyncset.done $0x0  }
0x26: {  	s8 =	simm.s32 $0x400;
	[sflag:s0] =	ssyncadd.s32 $0xFFFFFFB0  }
0x27: {  	[tilespmem:s8], [sflag:$0x9] =	stream.indirect.gather [hbm4b:s4+s1], $0x80, s3, s1, $0xb8;
	[tilespmem:$0x1DC80] =	vst v63  }
0x28: {  	_ =	swait.ge [sflag:s10], $0x2800  }
0x29: {  	[sflag:s10] =	ssyncset.done $0x0  }
0x2a: {  	[sflag:s10] =	ssyncadd.s32 $0xFFFFD800  }
0x2b: {  	_ =	swait.ge [sflag:s11], $0x50  }
0x2c: {  	[sflag:s11] =	ssyncset.done $0x0  }
0x2d: {  	[sflag:s11] =	ssyncadd.s32 $0xFFFFFFB0  }
0x2e: {  	s25 =	simm.s32 $0x200;
	s2 =	rddreg [dreg:$0x1]  }
0x2f: {  	[spmem:s2] =	stream.indirect.scatter.add.f32 [tilespmem:s8], [sflag:$0xD], $0x80, s25, s1, $0xb8;
	[tilespmem:$0x1DC80] =	vst v63  }
0x30: {  	_ =	swait.ge [sflag:s23], $0x2800  }
0x31: {  	[sflag:s23] =	ssyncset.done $0x0  }
0x32: {  	s28 =	simm.s32 $0x10;
	[sflag:s23] =	ssyncadd.s32 $0xFFFFD800  }
0x33: {  	_ =	swait.ge [sflag:s28], $0x2800  }
0x34: {  	[sflag:s28] =	ssyncset.done $0x0  }
0x35: {  	[sflag:s28] =	ssyncadd.s32 $0xFFFFD800  }
0x36: {  	[bflag:$0x0] =	sbarrier.arrive $0xFFFF  }
0x37: {  	s17 =	rddreg [dreg:$0x10]  }
0x38: {  	s2 =	rddreg [dreg:$0x15]  }
0x39: {  	s7 =	rddreg [dreg:$0x16]  }
0x3a: {  	[hbm:s17], [sflag:s2] =	dma.local @!p0 [spmem:s7], $0x3E80  }
0x3b: {  	s17 =	simm.s32 @!p0 $0x11  }
0x3c: {  	_ =	swait.ge @!p0 [sflag:s17], $0x3E80  }
0x3d: {  	s29 =	rddreg [dreg:$0x14]  }
0x3e: {  	s24 =	rddreg [dreg:$0x11];
	s2 =	sadd.s32 $0x1, s29  }
0x3f: {  	p1 =	sne.s32 s2, s24  }
.Ltmp1:
0x40: {  	_ = 	snop;
	(pc) =	sbr.rel @!p1 .LBB2_5-.Ltmp1, $3  }
0x41: {  	_ =	sdelay $0x1  }
0x42: {  	s9 =	simm.s32 $0x80;
	s13 =	simm.s32 $0x100;
	[sflag:s17] =	ssyncset.done @!p0 $0x0  }
0x43: {  	s20 =	simm.s32 $0x300;
	[sflag:s17] =	ssyncadd.s32 @!p0 $0xFFFFC180;
	s24 =	simm.s32 $0x280  }
.LBB2_1:
0x44: {  	s17 =	stileid.u32  }
0x45: {  	[dreg:$0x14] =	wrdreg s2;
	s17 =	sshll.u32 @!p0 s17, $0x6  }
0x46: {  	s2 =	sor.u32 @!p0 $0x1C11, s17;
	s17 =	rddreg [dreg:$0x3]  }
0x47: {  	s7 =	sshrl.u32 @!p0 s17, $0x3;
	s17 =	rddreg [dreg:$0x4]  }
0x48: {  	[dreg:$0x15] =	wrdreg s2  }
0x49: {  	[dreg:$0x16] =	wrdreg s7  }
0x4a: {  	[spmem:s7], [sflag:s2] =	dma.local @!p0 [hbm:s17], $0x3E80  }
0x4b: {  	s17 =	simm.s32 @!p0 $0x11  }
0x4c: {  	_ =	swait.ge @!p0 [sflag:s17], $0x3E80  }
0x4d: {  	[sflag:s17] =	ssyncset.done @!p0 $0x0  }
0x4e: {  	[sflag:s17] =	ssyncadd.s32 @!p0 $0xFFFFC180  }
0x4f: {  	[bflag:$0x0] =	sbarrier.arrive $0xFFFF  }
0x50: {  	s2 =	rddreg [dreg:$0x5]  }
0x51: {  	[tilespmem:s3], [sflag:$0x1] =	stream.linear.gather [hbm4b:s2+s3], $0x50, $0x38;
	[tilespmem:$0x1DC80] =	vst v63  }
0x52: {  	s7 =	rddreg [dreg:$0x6]  }
0x53: {  	[tilespmem:s25], [sflag:$0x5] =	stream.linear.gather [hbm4b:s7+s3], $0x50, $0x38;
	[tilespmem:$0x1DC80] =	vst v63  }
0x54: {  	s25 =	rddreg [dreg:$0x7]  }
0x55: {  	[tilespmem:s9], [sflag:$0x2] =	stream.linear.gather [hbm4b:s25+s3], $0x50, $0x38;
	[tilespmem:$0x1DC80] =	vst v63  }
0x56: {  	s26 =	rddreg [dreg:$0x8]  }
0x57: {  	[tilespmem:s24], [sflag:$0x6] =	stream.linear.gather [hbm4b:s26+s3], $0x50, $0x38;
	[tilespmem:$0x1DC80] =	vst v63  }
0x58: {  	s29 =	rddreg [dreg:$0x9]  }
0x59: {  	[tilespmem:s13], [sflag:$0x3] =	stream.linear.gather [hbm4b:s29+s3], $0x50, $0x38;
	[tilespmem:$0x1DC80] =	vst v63  }
0x5a: {  	s2 =	rddreg [dreg:$0xa]  }
0x5b: {  	[tilespmem:s20], [sflag:$0x7] =	stream.linear.gather [hbm4b:s2+s3], $0x50, $0x38;
	[tilespmem:$0x1DC80] =	vst v63  }
0x5c: {  	s7 =	rddreg [dreg:$0xb];
	s25 =	simm.s32 $0x180  }
0x5d: {  	[tilespmem:s25], [sflag:$0x4] =	stream.linear.gather [hbm4b:s7+s3], $0x50, $0x38;
	[tilespmem:$0x1DC80] =	vst v63  }
0x5e: {  	s26 =	rddreg [dreg:$0xc];
	s29 =	simm.s32 $0x380  }
0x5f: {  	[tilespmem:s29], [sflag:$0x8] =	stream.linear.gather [hbm4b:s26+s3], $0x50, $0x38;
	[tilespmem:$0x1DC80] =	vst v63  }
0x60: {  	_ =	swait.ge [sflag:s0], $0x50  }
0x61: {  	[sflag:s0] =	ssyncset.done $0x0;
	s17 =	rddreg [dreg:$0x13]  }
0x62: {  	s28 =	simm.s32 $0x0;
	s25 =	rddreg [dreg:$0x12];
	[sflag:s0] =	ssyncadd.s32 $0xFFFFFFB0  }
0x63: {  	[tilespmem:s8], [sflag:$0x9] =	stream.indirect.gather [hbm4b:s4+s1], $0x80, s3, s1, $0xb8;
	[tilespmem:$0x1DC80] =	vst v63  }
.LBB2_2:
0x64: {  	p1 =	seq.s32 s28, $0x0  }
0x65: {  	s26 =	simm.s32 @!p1 $0x10  }
0x66: {  	_ =	swait.ge @!p1 [sflag:s26], $0x2800  }
0x67: {  	[sflag:s26] =	ssyncset.done @!p1 $0x0  }
0x68: {  	s29 =	simm.s32 @!p1 $0x180;
	[sflag:s26] =	ssyncadd.s32 @!p1 $0xFFFFD800;
	s26 =	simm.s32 @!p1 $0x0  }
0x69: {  	[tilespmem:s29], [sflag:$0x4] =	stream.linear.gather @!p1 [hbm4b:s17+s26], $0x50, $0x38;
	[tilespmem:$0x1DC80] =	vst v63  }
0x6a: {  	s7 =	simm.s32 $0x2;
	s29 =	simm.s32 @!p1 $0x380  }
0x6b: {  	[tilespmem:s29], [sflag:$0x8] =	stream.linear.gather @!p1 [hbm4b:s25+s26], $0x50, $0x38;
	[tilespmem:$0x1DC80] =	vst v63  }
0x6c: {  	_ =	swait.ge [sflag:s7], $0x50  }
0x6d: {  	[sflag:s7] =	ssyncset.done $0x0  }
0x6e: {  	s2 =	simm.s32 $0x2C00;
	[sflag:s7] =	ssyncadd.s32 $0xFFFFFFB0  }
0x6f: {  	[tilespmem:s2], [sflag:$0xA] =	stream.indirect.gather [hbm4b:s4+s1], $0x80, s9, s1, $0xb8;
	[tilespmem:$0x1DC80] =	vst v63  }
0x70: {  	_ =	swait.ge [sflag:s10], $0x2800  }
0x71: {  	[sflag:s10] =	ssyncset.done $0x0  }
0x72: {  	[sflag:s10] =	ssyncadd.s32 $0xFFFFD800  }
0x73: {  	_ =	swait.ge [sflag:s11], $0x50  }
0x74: {  	[sflag:s11] =	ssyncset.done $0x0  }
0x75: {  	[sflag:s11] =	ssyncadd.s32 $0xFFFFFFB0  }
0x76: {  	s9 =	simm.s32 $0x200;
	s0 =	rddreg [dreg:$0x1]  }
0x77: {  	[spmem:s0] =	stream.indirect.scatter.add.f32 [tilespmem:s8], [sflag:$0xD], $0x80, s9, s1, $0xb8;
	[tilespmem:$0x1DC80] =	vst v63  }
0x78: {  	_ =	swait.ge [sflag:s12], $0x50  }
0x79: {  	[sflag:s12] =	ssyncset.done $0x0  }
0x7a: {  	s29 =	simm.s32 $0x5400;
	[sflag:s12] =	ssyncadd.s32 $0xFFFFFFB0  }
0x7b: {  	[tilespmem:s29], [sflag:$0xB] =	stream.indirect.gather [hbm4b:s4+s1], $0x80, s13, s1, $0xb8;
	[tilespmem:$0x1DC80] =	vst v63  }
0x7c: {  	_ =	swait.ge [sflag:s14], $0x2800  }
0x7d: {  	[sflag:s14] =	ssyncset.done $0x0  }
0x7e: {  	[sflag:s14] =	ssyncadd.s32 $0xFFFFD800  }
0x7f: {  	_ =	swait.ge [sflag:s15], $0x50  }
0x80: {  	[sflag:s15] =	ssyncset.done $0x0  }
0x81: {  	[sflag:s15] =	ssyncadd.s32 $0xFFFFFFB0  }
0x82: {  	[spmem:s0] =	stream.indirect.scatter.add.f32 [tilespmem:s2], [sflag:$0xE], $0x80, s24, s1, $0xb8;
	[tilespmem:$0x1DC80] =	vst v63  }
0x83: {  	_ =	swait.ge [sflag:s16], $0x50  }
0x84: {  	[sflag:s16] =	ssyncset.done $0x0  }
0x85: {  	s26 =	simm.s32 $0x180;
	s2 =	simm.s32 $0x7C00;
	[sflag:s16] =	ssyncadd.s32 $0xFFFFFFB0  }
0x86: {  	[tilespmem:s2], [sflag:$0xC] =	stream.indirect.gather [hbm4b:s4+s1], $0x80, s26, s1, $0xb8;
	[tilespmem:$0x1DC80] =	vst v63  }
0x87: {  	_ =	swait.ge [sflag:s21], $0x2800  }
0x88: {  	[sflag:s21] =	ssyncset.done $0x0  }
0x89: {  	[sflag:s21] =	ssyncadd.s32 $0xFFFFD800  }
0x8a: {  	_ =	swait.ge [sflag:s22], $0x50  }
0x8b: {  	[sflag:s22] =	ssyncset.done $0x0  }
0x8c: {  	[sflag:s22] =	ssyncadd.s32 $0xFFFFFFB0  }
0x8d: {  	[spmem:s0] =	stream.indirect.scatter.add.f32 [tilespmem:s29], [sflag:$0xF], $0x80, s20, s1, $0xb8;
	[tilespmem:$0x1DC80] =	vst v63  }
0x8e: {  	s26 =	smov.u32 s28;
	_ =	swait.ge [sflag:s23], $0x2800  }
0x8f: {  	s26 =	simm.s32 @p1 $0x0;
	s29 =	rddreg [dreg:$0xd]  }
0x90: {  	s24 =	sadd.s32 s26, s29  }
0x91: {  	[sflag:s23] =	ssyncset.done $0x0;
	s29 =	sshrl.u32 s24, $0x3  }
0x92: {  	[sflag:s23] =	ssyncadd.s32 $0xFFFFD800;
	s24 =	sadd.s32 s5, s29  }
0x93: {  	[tilespmem:s3], [sflag:$0x1] =	stream.linear.gather [hbm4b:s24+s3], $0x50, $0x38;
	[tilespmem:$0x1DC80] =	vst v63  }
0x94: {  	s29 =	sadd.s32 s6, s29  }
0x95: {  	[tilespmem:s9], [sflag:$0x5] =	stream.linear.gather [hbm4b:s29+s3], $0x50, $0x38;
	[tilespmem:$0x1DC80] =	vst v63  }
0x96: {  	_ =	swait.ge [sflag:s30], $0x2800  }
0x97: {  	[sflag:s30] =	ssyncset.done $0x0  }
0x98: {  	[sflag:s30] =	ssyncadd.s32 $0xFFFFD800  }
0x99: {  	_ =	swait.ge [sflag:s31], $0x50  }
0x9a: {  	p1 =	seq.s32 s28, $0x2580;
	[sflag:s31] =	ssyncset.done $0x0  }
.Ltmp2:
0x9b: {  	s29 =	simm.s32 $0x380;
	[sflag:s31] =	ssyncadd.s32 $0xFFFFFFB0;
	(pc) =	sbr.rel @p1 .LBB2_4-.Ltmp2, $4  }
0x9c: {  	[spmem:s0] =	stream.indirect.scatter.add.f32 [tilespmem:s2], [sflag:$0x10], $0x80, s29, s1, $0xb8;
	[tilespmem:$0x1DC80] =	vst v63  }
0x9d: {  	_ =	swait.ge [sflag:s18], $0x2800  }
0x9e: {  	s7 =	simm.s32 $0x80;
	s8 =	simm.s32 $0x300;
	[sflag:s18] =	ssyncset.done $0x0  }
0x9f: {  	s13 =	simm.s32 $0x280;
	s20 =	simm.s32 $0x100;
	[sflag:s18] =	ssyncadd.s32 $0xFFFFD800  }
0xa0: {  	s24 =	rddreg [dreg:$0xe]  }
0xa1: {  	s24 =	sadd.s32 s26, s24  }
0xa2: {  	s24 =	sshrl.u32 s24, $0x3  }
0xa3: {  	s29 =	sadd.s32 s5, s24  }
0xa4: {  	[tilespmem:s7], [sflag:$0x2] =	stream.linear.gather [hbm4b:s29+s3], $0x50, $0x38;
	[tilespmem:$0x1DC80] =	vst v63  }
0xa5: {  	s24 =	sadd.s32 s6, s24  }
0xa6: {  	[tilespmem:s13], [sflag:$0x6] =	stream.linear.gather [hbm4b:s24+s3], $0x50, $0x38;
	[tilespmem:$0x1DC80] =	vst v63  }
0xa7: {  	_ =	swait.ge [sflag:s19], $0x2800  }
0xa8: {  	s13 =	rddreg [dreg:$0xf]  }
0xa9: {  	s24 =	sadd.s32 s26, s13  }
0xaa: {  	[sflag:s19] =	ssyncset.done $0x0;
	s24 =	sshrl.u32 s24, $0x3  }
0xab: {  	[sflag:s19] =	ssyncadd.s32 $0xFFFFD800;
	s29 =	sadd.s32 s5, s24  }
0xac: {  	[tilespmem:s20], [sflag:$0x3] =	stream.linear.gather [hbm4b:s29+s3], $0x50, $0x38;
	[tilespmem:$0x1DC80] =	vst v63  }
0xad: {  	s0 =	simm.s32 $0x1;
	s24 =	sadd.s32 s6, s24  }
0xae: {  	[tilespmem:s8], [sflag:$0x7] =	stream.linear.gather [hbm4b:s24+s3], $0x50, $0x38;
	[tilespmem:$0x1DC80] =	vst v63  }
.Ltmp3:
0xaf: {  	s28 =	sadd.s32 $0x140, s28;
	s25 =	sadd.s32 $0x28, s25;
	(pc) =	sbr.rel .LBB2_2-.Ltmp3, $4  }
0xb0: {  	s17 =	sadd.s32 $0x28, s17;
	s9 =	simm.s32 $0x80;
	_ =	swait.ge [sflag:s0], $0x50  }
0xb1: {  	s13 =	simm.s32 $0x100;
	s20 =	simm.s32 $0x300;
	[sflag:s0] =	ssyncset.done $0x0  }
0xb2: {  	s8 =	simm.s32 $0x400;
	s24 =	simm.s32 $0x280;
	[sflag:s0] =	ssyncadd.s32 $0xFFFFFFB0  }
0xb3: {  	[tilespmem:s8], [sflag:$0x9] =	stream.indirect.gather [hbm4b:s4+s1], $0x80, s3, s1, $0xb8;
	[tilespmem:$0x1DC80] =	vst v63  }
.LBB2_5:
0xb4: {  	_ =	sfence.sel $0x180000  }
0xb5: {  	[bflag:$0x0] =	sbarrier.arrive $0xFFFF  }
0xb6: {  	_ =	strace $0x90000050  }
0xb7: {  	s0 =	stileid.u32;
	[bflag:$0x2] =	sbarrier.arrive $0xFFFF  }
0xb8: {  	p0 =	sne.s32 s0, $0x0;
	s0 =	rddreg [dreg:$0x2]  }
0xb9: {  	s0 =	sadd.s32 @!p0 $0x100000, s0  }
0xba: {  	[sflag:s0] =	ssyncadd.tile.s32 @!p0 $0x1;
	_ =	shalt  }
.Lfunc_end2:
_tile_overlayer_lowered:
.L_overlay_start_2:
0xbb: {  	(tag) =	ssettag $0x2  }
0xbc: {  	s0 =	rddreg [dreg:$0x0];
	s2 =	stileid.u32  }
0xbd: {  	s1 =	rddreg [dreg:$0x1];
	p0 =	sne.s32 s2, $0x0  }
0xbe: {  	s3 =	rddreg [dreg:$0x2];
	[bflag:$0x3] =	sbarrier.arrive $0xFFFF;
	s2 =	simm.s32 @!p0 $0x1C11  }
0xbf: {  	[timem:s3], [sflag:s2] =	dma.local @!p0 [hbm:s0], s1  }
0xc0: {  	s0 =	simm.s32 @!p0 $0x11  }
0xc1: {  	_ =	swait.ge @!p0 [sflag:s0], s1  }
0xc2: {  	s1 =	ssub.s32 @!p0 $0x0, s1;
	[sflag:s0] =	ssyncset.done @!p0 $0x0  }
0xc3: {  	[sflag:s0] =	ssyncadd.s32 @!p0 s1  }
0xc4: {  	[bflag:$0x3] =	sbarrier.arrive $0xFFFF  }
0xc5: {  	_ =	shalt  }

</sc_bundles>
